<compile_context>
chip_gen: v7x
topology: tpu7x:2x2x1
jax: 0.10.2.dev20260603
libtpu: 0.0.44.dev20260713+nightly
codegen_flags: <defaults>
</compile_context>

<pallas_src>
import functools

import jax
import jax.numpy as jnp
from jax import lax
from jax.experimental import pallas as pl
from jax.experimental.pallas import tpu as pltpu
from jax.experimental.pallas import tpu_sc as plsc

NC = 2
NS = 16
NW = NC * NS
CHUNK = 1000
DEGW = 8


def _mesh():
    return plsc.VectorSubcoreMesh(core_axis_name="c", subcore_axis_name="s")



def _deg_partials(dst, ones_hbm, zeros_hbm, n, chunk):
    e = dst.shape[0]
    nch = e // (NW * chunk)
    dst3 = dst.reshape(NW, nch, chunk)
    rows_per_out = n // 10

    @functools.partial(
        pl.kernel,
        out_type=jax.ShapeDtypeStruct((NC, n, DEGW), jnp.float32),
        mesh=_mesh(),
        scratch_types=[
            pltpu.VMEM((nch, chunk), jnp.int32),
            pltpu.VMEM((chunk, DEGW), jnp.float32),
            pltpu.VMEM_SHARED((n, DEGW), jnp.float32),
        ],
        compiler_params=pltpu.CompilerParams(use_tc_tiling_on_sc=False),
    )
    def deg_k(dst_hbm, ones_h, zeros_h, out_hbm, idx_d, ones_v, acc):
        ci = lax.axis_index("c")
        s = lax.axis_index("s")
        wid = ci * NS + s
        pltpu.sync_copy(dst_hbm.at[wid], idx_d)
        pltpu.sync_copy(ones_h, ones_v)

        @pl.when(s < 10)
        def _zero():
            sl = pl.ds(pl.multiple_of(s * rows_per_out, 8), rows_per_out)
            pltpu.sync_copy(zeros_h, acc.at[sl])

        plsc.subcore_barrier()

        def body(j, carry):
            pltpu.sync_copy(ones_v, acc.at[idx_d.at[j]], add=True)
            return carry

        lax.fori_loop(0, nch, body, 0)
        plsc.subcore_barrier()

        @pl.when(s < 10)
        def _out():
            sl = pl.ds(pl.multiple_of(s * rows_per_out, 8), rows_per_out)
            pltpu.sync_copy(acc.at[sl], out_hbm.at[ci].at[sl])

    return deg_k(dst3, ones_hbm, zeros_hbm)


def _agg_partials(y, src, dst, zeros_hbm, n, d, chunk):
    e = src.shape[0]
    nch = e // (NW * chunk)
    src3 = src.reshape(NW, nch, chunk)
    dst3 = dst.reshape(NW, nch, chunk)
    rows_per_out = n // 10

    @functools.partial(
        pl.kernel,
        out_type=jax.ShapeDtypeStruct((NC, n, 128), jnp.float32),
        mesh=_mesh(),
        scratch_types=[
            pltpu.VMEM((nch, chunk), jnp.int32),
            pltpu.VMEM((nch, chunk), jnp.int32),
            [pltpu.VMEM((chunk, d), jnp.float32)] * 4,
            pltpu.VMEM_SHARED((n, d), jnp.float32),
            [pltpu.SemaphoreType.DMA] * 4,
            [pltpu.SemaphoreType.DMA] * 4,
        ],
        compiler_params=pltpu.CompilerParams(use_tc_tiling_on_sc=False),
    )
    def agg_k(y_hbm, src_hbm, dst_hbm, zeros_h, out_hbm,
              idx_s, idx_d, rows, acc, gs, ss):
        ci = lax.axis_index("c")
        s = lax.axis_index("s")
        wid = ci * NS + s
        pltpu.sync_copy(src_hbm.at[wid], idx_s)
        pltpu.sync_copy(dst_hbm.at[wid], idx_d)

        @pl.when(s < 10)
        def _zero():
            sl = pl.ds(pl.multiple_of(s * rows_per_out, 8), rows_per_out)
            pltpu.sync_copy(zeros_h, acc.at[sl])

        plsc.subcore_barrier()

        def gather(j, b):
            return pltpu.async_copy(y_hbm.at[idx_s.at[j]], rows[b], gs[b])

        def scat(j, b):
            return pltpu.async_copy(rows[b], acc.at[idx_d.at[j]], ss[b], add=True)

        gh = [None] * 4
        sh = [None] * 4
        gh[0] = gather(0, 0)
        if nch > 1:
            gh[1] = gather(1, 1)
        for i in range(nch):
            b = i % 4
            gh[i % 4].wait()
            sh[b] = scat(i, b)
            ni = i + 2
            if ni < nch:
                nb = ni % 4
                if sh[nb] is not None:
                    sh[nb].wait()
                    sh[nb] = None
                gh[nb] = gather(ni, nb)
        for b in range(4):
            if sh[b] is not None:
                sh[b].wait()
        plsc.subcore_barrier()

        @pl.when(s < 10)
        def _out():
            sl = pl.ds(pl.multiple_of(s * rows_per_out, 8), rows_per_out)
            pltpu.sync_copy(acc.at[sl], out_hbm.at[ci].at[sl].at[:, pl.ds(0, d)])

    return agg_k(y, src3, dst3, zeros_hbm)



def _scale_body(x_ref, w1_ref, dpw_ref, y_ref, dinv_ref):
    n = x_ref.shape[0]
    cnt = dpw_ref[0] + dpw_ref[1]
    cnt = cnt.reshape(n // 16, 16, DEGW)[:, :, 0]
    deg = cnt.reshape(n, 1) + 1.0
    dinv = lax.rsqrt(deg)
    dinv_ref[...] = dinv
    z = jnp.dot(x_ref[...], w1_ref[...], preferred_element_type=jnp.float32)
    y_ref[...] = z * dinv


def _mid_body(p_ref, y1_ref, dinv_ref, b1_ref, w2_ref, y2_ref):
    hid = y1_ref.shape[1]
    agg = p_ref[0, :, :hid] + p_ref[1, :, :hid] + y1_ref[...]
    h = jnp.maximum(agg * dinv_ref[...] + b1_ref[...], 0.0)
    z2 = jnp.dot(h, w2_ref[...], preferred_element_type=jnp.float32)
    y2_ref[...] = z2 * dinv_ref[...]


def _fin_body(q_ref, y2_ref, dinv_ref, b2_ref, o_ref):
    p2 = y2_ref.shape[1]
    q = q_ref[0, :, :p2] + q_ref[1, :, :p2]
    o_ref[...] = (q + y2_ref[...]) * dinv_ref[...] + b2_ref[...]


def _sds(shape):
    return jax.ShapeDtypeStruct(shape, jnp.float32)



def kernel(x, edge_index, W1, b1, W2, b2):
    n, in_dim = x.shape
    hid = W1.shape[1]
    out_dim = W2.shape[1]
    p2 = 16
    src = edge_index[0].astype(jnp.int32)
    dst = edge_index[1].astype(jnp.int32)
    ones1 = jnp.ones((1000, DEGW), jnp.float32)
    zeros1 = jnp.zeros((n // 10, DEGW), jnp.float32)
    zeros_h = jnp.zeros((n // 10, hid), jnp.float32)
    zeros_p = jnp.zeros((n // 10, p2), jnp.float32)
    W2p = jnp.zeros((hid, p2), jnp.float32).at[:, :out_dim].set(W2)
    b1r = b1.reshape(1, hid)
    b2p = jnp.zeros((1, p2), jnp.float32).at[0, :out_dim].set(b2)

    bs = 2000
    g = n // bs

    degp = _deg_partials(dst, ones1, zeros1, n, 1000)
    dpw = degp.reshape(NC, n // (128 // DEGW), 128)

    y1, dinv = pl.pallas_call(
        _scale_body,
        out_shape=(_sds((n, hid)), _sds((n, 1))))(x, W1, dpw)

    p1 = _agg_partials(y1, src, dst, zeros_h, n, hid, 250)
    y2 = pl.pallas_call(
        _mid_body,
        grid=(g,),
        in_specs=[pl.BlockSpec((NC, bs, 128), lambda i: (0, i, 0)),
                  pl.BlockSpec((bs, hid), lambda i: (i, 0)),
                  pl.BlockSpec((bs, 1), lambda i: (i, 0)),
                  pl.BlockSpec((1, hid), lambda i: (0, 0)),
                  pl.BlockSpec((hid, p2), lambda i: (0, 0))],
        out_specs=pl.BlockSpec((bs, p2), lambda i: (i, 0)),
        out_shape=_sds((n, p2)))(p1, y1, dinv, b1r, W2p)

    q1 = _agg_partials(y2, src, dst, zeros_p, n, p2, 1000)
    out16 = pl.pallas_call(
        _fin_body,
        grid=(g,),
        in_specs=[pl.BlockSpec((NC, bs, 128), lambda i: (0, i, 0)),
                  pl.BlockSpec((bs, p2), lambda i: (i, 0)),
                  pl.BlockSpec((bs, 1), lambda i: (i, 0)),
                  pl.BlockSpec((1, p2), lambda i: (0, 0))],
        out_specs=pl.BlockSpec((bs, p2), lambda i: (i, 0)),
        out_shape=_sds((n, p2)))(q1, y2, dinv, b2p)
    return out16[:, :out_dim]

# --- scband reference (transcript-rebuilt; emitter-appended) ---
"""Pipeline reference for scband-gcn-11596411699258 (READ-ONLY COPY).

The authoritative reference and input builder live on the scoring server;
editing this copy changes nothing except your own understanding.
"""

import jax, jax.numpy as jnp
import numpy as np

N_NODES = 10000
N_EDGES = 320000
IN_DIM = 128
HID_DIM = 64
OUT_DIM = 6


def _glorot(key, shape):
    fan_in, fan_out = shape[0], shape[1]
    limit = float(np.sqrt(6.0 / (fan_in + fan_out)))
    return jax.random.uniform(key, shape, dtype=jnp.float32, minval=-limit, maxval=limit)


def setup_inputs(seed: int = 0) -> dict:
    key = jax.random.key(seed)
    k_x, k_e, k_w1, k_w2 = jax.random.split(key, 4)
    x = jax.random.normal(k_x, (N_NODES, IN_DIM), dtype=jnp.float32)
    edge_index = jax.random.randint(k_e, (2, N_EDGES), 0, N_NODES, dtype=jnp.int64)
    W1 = _glorot(k_w1, (IN_DIM, HID_DIM))
    b1 = jnp.zeros((HID_DIM,), dtype=jnp.float32)
    W2 = _glorot(k_w2, (HID_DIM, OUT_DIM))
    b2 = jnp.zeros((OUT_DIM,), dtype=jnp.float32)
    return {"x": x, "edge_index": edge_index, "W1": W1, "b1": b1, "W2": W2, "b2": b2}


def _gcn_conv(x, src, dst, W, b, n_nodes):
    # Symmetric-normalized GCN layer with self-loops:
    #   out = D^{-1/2} (A + I) D^{-1/2} X W + b
    loop = jnp.arange(n_nodes, dtype=src.dtype)
    src_sl = jnp.concatenate([src, loop])
    dst_sl = jnp.concatenate([dst, loop])
    deg = jnp.zeros((n_nodes,), dtype=jnp.float32).at[dst_sl].add(1.0)
    deg_inv_sqrt = jnp.where(deg > 0, deg ** -0.5, 0.0)
    norm = deg_inv_sqrt[src_sl] * deg_inv_sqrt[dst_sl]
    xw = x @ W
    msg = jnp.take(xw, src_sl, axis=0) * norm[:, None]
    out = jnp.zeros((n_nodes, W.shape[1]), dtype=jnp.float32).at[dst_sl].add(msg)
    return out + b


def reference(x, edge_index, W1, b1, W2, b2):
    src = edge_index[0]
    dst = edge_index[1]
    n_nodes = x.shape[0]
    h = _gcn_conv(x, src, dst, W1, b1, n_nodes)
    h = jax.nn.relu(h)
    out = _gcn_conv(h, src, dst, W2, b2, n_nodes)
    return out

if __name__ == "__main__":
    import jax
    _d = setup_inputs()
    print(jax.jit(kernel)(*tuple(_d.values())))

</pallas_src>

<mosaic_0001>
#map = affine_map<(d0, d1) -> (0, 0)>
#map1 = affine_map<(d0, d1) -> (0, 0, 0)>
module attributes {stable_mosaic.version = 14 : i64} {
  func.func @agg_k(%arg0: i32, %arg1: i32, %arg2: memref<10000x64xf32, #tpu.memory_space<hbm>>, %arg3: memref<32x40x250xi32, #tpu.memory_space<hbm>>, %arg4: memref<32x40x250xi32, #tpu.memory_space<hbm>>, %arg5: memref<1000x64xf32, #tpu.memory_space<hbm>>, %arg6: memref<2x10000x128xf32, #tpu.memory_space<hbm>>, %arg7: memref<40x250xi32, #tpu.memory_space<vmem>>, %arg8: memref<40x250xi32, #tpu.memory_space<vmem>>, %arg9: memref<250x64xf32, #tpu.memory_space<vmem>>, %arg10: memref<250x64xf32, #tpu.memory_space<vmem>>, %arg11: memref<250x64xf32, #tpu.memory_space<vmem>>, %arg12: memref<250x64xf32, #tpu.memory_space<vmem>>, %arg13: memref<10000x64xf32, #tpu.memory_space<vmem_shared>>, %arg14: memref<!tpu.dma_semaphore, #tpu.memory_space<semaphore_mem>>, %arg15: memref<!tpu.dma_semaphore, #tpu.memory_space<semaphore_mem>>, %arg16: memref<!tpu.dma_semaphore, #tpu.memory_space<semaphore_mem>>, %arg17: memref<!tpu.dma_semaphore, #tpu.memory_space<semaphore_mem>>, %arg18: memref<!tpu.dma_semaphore, #tpu.memory_space<semaphore_mem>>, %arg19: memref<!tpu.dma_semaphore, #tpu.memory_space<semaphore_mem>>, %arg20: memref<!tpu.dma_semaphore, #tpu.memory_space<semaphore_mem>>, %arg21: memref<!tpu.dma_semaphore, #tpu.memory_space<semaphore_mem>>) attributes {dimension_semantics = [#tpu.dimension_semantics<core_parallel>, #tpu.dimension_semantics<subcore_parallel>], iteration_bounds = array<i64: 2, 16>, scalar_prefetch = 0 : i64, scratch_operands = 15 : i64, tpu.core_type = #tpu.core_type<sc_vector_subcore>, window_params = [{transform_indices = #map}, {transform_indices = #map1}, {transform_indices = #map1}, {transform_indices = #map}, {transform_indices = #map1}]} {
    %mul3A = arith.constant 16 : i32
    %mul3A_0 = arith.muli %arg0, %mul3A : i32
    %add3A = arith.addi %mul3A_0, %arg1 : i32
    "tpu.region"() ({
      %run_scoped3A = tpu.sem_alloc : memref<!tpu.dma_semaphore, #tpu.memory_space<semaphore_mem>>
      %dma_start3A_1127 = arith.constant 0 : i32
      %dma_start3A_1128 = arith.constant 0 : i32
      %dma_start3A_1129 = tpu.memref_slice %arg3[%add3A, %dma_start3A_1127, %dma_start3A_1128] : memref<32x40x250xi32, #tpu.memory_space<hbm>> -> memref<1x40x250xi32, #tpu.memory_space<hbm>>
      %dma_start3A_1130 = tpu.memref_squeeze %dma_start3A_1129 : memref<1x40x250xi32, #tpu.memory_space<hbm>> -> memref<40x250xi32, #tpu.memory_space<hbm>>
      %dma_start3A_1131 = arith.constant 0 : i32
      %dma_start3A_1132 = arith.constant 0 : i32
      %dma_start3A_1133 = tpu.memref_slice %arg3[%add3A, %dma_start3A_1131, %dma_start3A_1132] : memref<32x40x250xi32, #tpu.memory_space<hbm>> -> memref<1x40x250xi32, #tpu.memory_space<hbm>>
      %dma_start3A_1134 = tpu.memref_squeeze %dma_start3A_1133 : memref<1x40x250xi32, #tpu.memory_space<hbm>> -> memref<40x250xi32, #tpu.memory_space<hbm>>
      tpu.enqueue_dma source(%dma_start3A_1134 : memref<40x250xi32, #tpu.memory_space<hbm>>) target(%arg7 : memref<40x250xi32, #tpu.memory_space<vmem>>) target_semaphore(%run_scoped3A : memref<!tpu.dma_semaphore, #tpu.memory_space<semaphore_mem>>)
      %dma_wait3A_1135 = arith.constant 0 : i32
      %dma_wait3A_1136 = arith.constant 0 : i32
      %dma_wait3A_1137 = tpu.memref_slice %arg3[%add3A, %dma_wait3A_1135, %dma_wait3A_1136] : memref<32x40x250xi32, #tpu.memory_space<hbm>> -> memref<1x40x250xi32, #tpu.memory_space<hbm>>
      %dma_wait3A_1138 = tpu.memref_squeeze %dma_wait3A_1137 : memref<1x40x250xi32, #tpu.memory_space<hbm>> -> memref<40x250xi32, #tpu.memory_space<hbm>>
      %dma_wait3A_1139 = arith.constant 0 : i32
      %dma_wait3A_1140 = arith.constant 0 : i32
      %dma_wait3A_1141 = tpu.memref_slice %arg3[%add3A, %dma_wait3A_1139, %dma_wait3A_1140] : memref<32x40x250xi32, #tpu.memory_space<hbm>> -> memref<1x40x250xi32, #tpu.memory_space<hbm>>
      %dma_wait3A_1142 = tpu.memref_squeeze %dma_wait3A_1141 : memref<1x40x250xi32, #tpu.memory_space<hbm>> -> memref<40x250xi32, #tpu.memory_space<hbm>>
      tpu.wait_dma2 semaphore(%run_scoped3A : memref<!tpu.dma_semaphore, #tpu.memory_space<semaphore_mem>>) src(%dma_wait3A_1142 : memref<40x250xi32, #tpu.memory_space<hbm>>) dst(%arg7 : memref<40x250xi32, #tpu.memory_space<vmem>>)
      tpu.yield
    }) : () -> ()
    "tpu.region"() ({
      %run_scoped3A = tpu.sem_alloc : memref<!tpu.dma_semaphore, #tpu.memory_space<semaphore_mem>>
      %dma_start3A_1127 = arith.constant 0 : i32
      %dma_start3A_1128 = arith.constant 0 : i32
      %dma_start3A_1129 = tpu.memref_slice %arg4[%add3A, %dma_start3A_1127, %dma_start3A_1128] : memref<32x40x250xi32, #tpu.memory_space<hbm>> -> memref<1x40x250xi32, #tpu.memory_space<hbm>>
      %dma_start3A_1130 = tpu.memref_squeeze %dma_start3A_1129 : memref<1x40x250xi32, #tpu.memory_space<hbm>> -> memref<40x250xi32, #tpu.memory_space<hbm>>
      %dma_start3A_1131 = arith.constant 0 : i32
      %dma_start3A_1132 = arith.constant 0 : i32
      %dma_start3A_1133 = tpu.memref_slice %arg4[%add3A, %dma_start3A_1131, %dma_start3A_1132] : memref<32x40x250xi32, #tpu.memory_space<hbm>> -> memref<1x40x250xi32, #tpu.memory_space<hbm>>
      %dma_start3A_1134 = tpu.memref_squeeze %dma_start3A_1133 : memref<1x40x250xi32, #tpu.memory_space<hbm>> -> memref<40x250xi32, #tpu.memory_space<hbm>>
      tpu.enqueue_dma source(%dma_start3A_1134 : memref<40x250xi32, #tpu.memory_space<hbm>>) target(%arg8 : memref<40x250xi32, #tpu.memory_space<vmem>>) target_semaphore(%run_scoped3A : memref<!tpu.dma_semaphore, #tpu.memory_space<semaphore_mem>>)
      %dma_wait3A_1135 = arith.constant 0 : i32
      %dma_wait3A_1136 = arith.constant 0 : i32
      %dma_wait3A_1137 = tpu.memref_slice %arg4[%add3A, %dma_wait3A_1135, %dma_wait3A_1136] : memref<32x40x250xi32, #tpu.memory_space<hbm>> -> memref<1x40x250xi32, #tpu.memory_space<hbm>>
      %dma_wait3A_1138 = tpu.memref_squeeze %dma_wait3A_1137 : memref<1x40x250xi32, #tpu.memory_space<hbm>> -> memref<40x250xi32, #tpu.memory_space<hbm>>
      %dma_wait3A_1139 = arith.constant 0 : i32
      %dma_wait3A_1140 = arith.constant 0 : i32
      %dma_wait3A_1141 = tpu.memref_slice %arg4[%add3A, %dma_wait3A_1139, %dma_wait3A_1140] : memref<32x40x250xi32, #tpu.memory_space<hbm>> -> memref<1x40x250xi32, #tpu.memory_space<hbm>>
      %dma_wait3A_1142 = tpu.memref_squeeze %dma_wait3A_1141 : memref<1x40x250xi32, #tpu.memory_space<hbm>> -> memref<40x250xi32, #tpu.memory_space<hbm>>
      tpu.wait_dma2 semaphore(%run_scoped3A : memref<!tpu.dma_semaphore, #tpu.memory_space<semaphore_mem>>) src(%dma_wait3A_1142 : memref<40x250xi32, #tpu.memory_space<hbm>>) dst(%arg8 : memref<40x250xi32, #tpu.memory_space<vmem>>)
      tpu.yield
    }) : () -> ()
    %lt3A = arith.constant 10 : i32
    %lt3A_1 = arith.cmpi slt, %arg1, %lt3A : i32
    %convert_element_type3A = arith.extui %lt3A_1 : i1 to i32
    %cond3A = arith.constant 0 : i32
    %cond3A_2 = arith.cmpi ne, %convert_element_type3A, %cond3A : i32
    scf.if %cond3A_2 {
      %mul3A_1127 = arith.constant 1000 : i32
      %mul3A_1128 = arith.muli %arg1, %mul3A_1127 : i32
      %multiple_of3A = tpu.assume_multiple %mul3A_1128, 8 : i32
      "tpu.region"() ({
        %run_scoped3A = tpu.sem_alloc : memref<!tpu.dma_semaphore, #tpu.memory_space<semaphore_mem>>
        %dma_start3A_1129 = arith.constant 0 : i32
        %dma_start3A_1130 = tpu.memref_slice %arg13[%multiple_of3A, %dma_start3A_1129] : memref<10000x64xf32, #tpu.memory_space<vmem_shared>> -> memref<1000x64xf32, #tpu.memory_space<vmem_shared>>
        tpu.enqueue_dma source(%arg5 : memref<1000x64xf32, #tpu.memory_space<hbm>>) target(%dma_start3A_1130 : memref<1000x64xf32, #tpu.memory_space<vmem_shared>>) target_semaphore(%run_scoped3A : memref<!tpu.dma_semaphore, #tpu.memory_space<semaphore_mem>>)
        %dma_wait3A_1131 = arith.constant 0 : i32
        %dma_wait3A_1132 = tpu.memref_slice %arg13[%multiple_of3A, %dma_wait3A_1131] : memref<10000x64xf32, #tpu.memory_space<vmem_shared>> -> memref<1000x64xf32, #tpu.memory_space<vmem_shared>>
        tpu.wait_dma2 semaphore(%run_scoped3A : memref<!tpu.dma_semaphore, #tpu.memory_space<semaphore_mem>>) src(%arg5 : memref<1000x64xf32, #tpu.memory_space<hbm>>) dst(%dma_wait3A_1132 : memref<1000x64xf32, #tpu.memory_space<vmem_shared>>)
        tpu.yield
      }) : () -> ()
    } else {
    }
    %barrier3A = arith.constant 0 : index
    tpu.barrier barrier_id(%barrier3A)
    %dma_start3A = arith.constant 0 : i32
    %dma_start3A_3 = arith.constant 0 : i32
    %dma_start3A_4 = tpu.memref_slice %arg7[%dma_start3A, %dma_start3A_3] : memref<40x250xi32, #tpu.memory_space<vmem>> -> memref<1x250xi32, #tpu.memory_space<vmem>>
    %dma_start3A_5 = tpu.memref_squeeze %dma_start3A_4 : memref<1x250xi32, #tpu.memory_space<vmem>> -> memref<250xi32, #tpu.memory_space<vmem>>
    %dma_start3A_6 = arith.constant 0 : i32
    %dma_start3A_7 = arith.constant 0 : i32
    %dma_start3A_8 = tpu.memref_slice %arg2[%dma_start3A_6, %dma_start3A_7] : memref<10000x64xf32, #tpu.memory_space<hbm>> -> memref<10000x64xf32, #tpu.memory_space<hbm>>
    tpu.enqueue_indirect_dma source(%dma_start3A_8 : memref<10000x64xf32, #tpu.memory_space<hbm>>) target(%arg9 : memref<250x64xf32, #tpu.memory_space<vmem>>) offsets(%dma_start3A_5 : memref<250xi32, #tpu.memory_space<vmem>>) semaphore(%arg14 : memref<!tpu.dma_semaphore, #tpu.memory_space<semaphore_mem>>)
    %dma_start3A_9 = arith.constant 1 : i32
    %dma_start3A_10 = arith.constant 0 : i32
    %dma_start3A_11 = tpu.memref_slice %arg7[%dma_start3A_9, %dma_start3A_10] : memref<40x250xi32, #tpu.memory_space<vmem>> -> memref<1x250xi32, #tpu.memory_space<vmem>>
    %dma_start3A_12 = tpu.memref_squeeze %dma_start3A_11 : memref<1x250xi32, #tpu.memory_space<vmem>> -> memref<250xi32, #tpu.memory_space<vmem>>
    %dma_start3A_13 = arith.constant 0 : i32
    %dma_start3A_14 = arith.constant 0 : i32
    %dma_start3A_15 = tpu.memref_slice %arg2[%dma_start3A_13, %dma_start3A_14] : memref<10000x64xf32, #tpu.memory_space<hbm>> -> memref<10000x64xf32, #tpu.memory_space<hbm>>
    tpu.enqueue_indirect_dma source(%dma_start3A_15 : memref<10000x64xf32, #tpu.memory_space<hbm>>) target(%arg10 : memref<250x64xf32, #tpu.memory_space<vmem>>) offsets(%dma_start3A_12 : memref<250xi32, #tpu.memory_space<vmem>>) semaphore(%arg15 : memref<!tpu.dma_semaphore, #tpu.memory_space<semaphore_mem>>)
    %dma_wait3A = arith.constant 0 : i32
    %dma_wait3A_16 = arith.constant 0 : i32
    %dma_wait3A_17 = tpu.memref_slice %arg7[%dma_wait3A, %dma_wait3A_16] : memref<40x250xi32, #tpu.memory_space<vmem>> -> memref<1x250xi32, #tpu.memory_space<vmem>>
    %dma_wait3A_18 = tpu.memref_squeeze %dma_wait3A_17 : memref<1x250xi32, #tpu.memory_space<vmem>> -> memref<250xi32, #tpu.memory_space<vmem>>
    %dma_wait3A_19 = arith.constant 0 : i32
    %dma_wait3A_20 = arith.constant 0 : i32
    %dma_wait3A_21 = tpu.memref_slice %arg2[%dma_wait3A_19, %dma_wait3A_20] : memref<10000x64xf32, #tpu.memory_space<hbm>> -> memref<10000x64xf32, #tpu.memory_space<hbm>>
    tpu.wait_indirect_dma semaphore(%arg14 : memref<!tpu.dma_semaphore, #tpu.memory_space<semaphore_mem>>) src(%dma_wait3A_21 : memref<10000x64xf32, #tpu.memory_space<hbm>>) dst(%arg9 : memref<250x64xf32, #tpu.memory_space<vmem>>)
    %dma_start3A_22 = arith.constant 0 : i32
    %dma_start3A_23 = arith.constant 0 : i32
    %dma_start3A_24 = tpu.memref_slice %arg8[%dma_start3A_22, %dma_start3A_23] : memref<40x250xi32, #tpu.memory_space<vmem>> -> memref<1x250xi32, #tpu.memory_space<vmem>>
    %dma_start3A_25 = tpu.memref_squeeze %dma_start3A_24 : memref<1x250xi32, #tpu.memory_space<vmem>> -> memref<250xi32, #tpu.memory_space<vmem>>
    %dma_start3A_26 = arith.constant 0 : i32
    %dma_start3A_27 = arith.constant 0 : i32
    %dma_start3A_28 = tpu.memref_slice %arg13[%dma_start3A_26, %dma_start3A_27] : memref<10000x64xf32, #tpu.memory_space<vmem_shared>> -> memref<10000x64xf32, #tpu.memory_space<vmem_shared>>
    tpu.enqueue_indirect_dma source(%arg9 : memref<250x64xf32, #tpu.memory_space<vmem>>) target(%dma_start3A_28 : memref<10000x64xf32, #tpu.memory_space<vmem_shared>>) offsets(%dma_start3A_25 : memref<250xi32, #tpu.memory_space<vmem>>) semaphore(%arg18 : memref<!tpu.dma_semaphore, #tpu.memory_space<semaphore_mem>>) {add = true}
    %dma_start3A_29 = arith.constant 2 : i32
    %dma_start3A_30 = arith.constant 0 : i32
    %dma_start3A_31 = tpu.memref_slice %arg7[%dma_start3A_29, %dma_start3A_30] : memref<40x250xi32, #tpu.memory_space<vmem>> -> memref<1x250xi32, #tpu.memory_space<vmem>>
    %dma_start3A_32 = tpu.memref_squeeze %dma_start3A_31 : memref<1x250xi32, #tpu.memory_space<vmem>> -> memref<250xi32, #tpu.memory_space<vmem>>
    %dma_start3A_33 = arith.constant 0 : i32
    %dma_start3A_34 = arith.constant 0 : i32
    %dma_start3A_35 = tpu.memref_slice %arg2[%dma_start3A_33, %dma_start3A_34] : memref<10000x64xf32, #tpu.memory_space<hbm>> -> memref<10000x64xf32, #tpu.memory_space<hbm>>
    tpu.enqueue_indirect_dma source(%dma_start3A_35 : memref<10000x64xf32, #tpu.memory_space<hbm>>) target(%arg11 : memref<250x64xf32, #tpu.memory_space<vmem>>) offsets(%dma_start3A_32 : memref<250xi32, #tpu.memory_space<vmem>>) semaphore(%arg16 : memref<!tpu.dma_semaphore, #tpu.memory_space<semaphore_mem>>)
    %dma_wait3A_36 = arith.constant 1 : i32
    %dma_wait3A_37 = arith.constant 0 : i32
    %dma_wait3A_38 = tpu.memref_slice %arg7[%dma_wait3A_36, %dma_wait3A_37] : memref<40x250xi32, #tpu.memory_space<vmem>> -> memref<1x250xi32, #tpu.memory_space<vmem>>
    %dma_wait3A_39 = tpu.memref_squeeze %dma_wait3A_38 : memref<1x250xi32, #tpu.memory_space<vmem>> -> memref<250xi32, #tpu.memory_space<vmem>>
    %dma_wait3A_40 = arith.constant 0 : i32
    %dma_wait3A_41 = arith.constant 0 : i32
    %dma_wait3A_42 = tpu.memref_slice %arg2[%dma_wait3A_40, %dma_wait3A_41] : memref<10000x64xf32, #tpu.memory_space<hbm>> -> memref<10000x64xf32, #tpu.memory_space<hbm>>
    tpu.wait_indirect_dma semaphore(%arg15 : memref<!tpu.dma_semaphore, #tpu.memory_space<semaphore_mem>>) src(%dma_wait3A_42 : memref<10000x64xf32, #tpu.memory_space<hbm>>) dst(%arg10 : memref<250x64xf32, #tpu.memory_space<vmem>>)
    %dma_start3A_43 = arith.constant 1 : i32
    %dma_start3A_44 = arith.constant 0 : i32
    %dma_start3A_45 = tpu.memref_slice %arg8[%dma_start3A_43, %dma_start3A_44] : memref<40x250xi32, #tpu.memory_space<vmem>> -> memref<1x250xi32, #tpu.memory_space<vmem>>
    %dma_start3A_46 = tpu.memref_squeeze %dma_start3A_45 : memref<1x250xi32, #tpu.memory_space<vmem>> -> memref<250xi32, #tpu.memory_space<vmem>>
    %dma_start3A_47 = arith.constant 0 : i32
    %dma_start3A_48 = arith.constant 0 : i32
    %dma_start3A_49 = tpu.memref_slice %arg13[%dma_start3A_47, %dma_start3A_48] : memref<10000x64xf32, #tpu.memory_space<vmem_shared>> -> memref<10000x64xf32, #tpu.memory_space<vmem_shared>>
    tpu.enqueue_indirect_dma source(%arg10 : memref<250x64xf32, #tpu.memory_space<vmem>>) target(%dma_start3A_49 : memref<10000x64xf32, #tpu.memory_space<vmem_shared>>) offsets(%dma_start3A_46 : memref<250xi32, #tpu.memory_space<vmem>>) semaphore(%arg19 : memref<!tpu.dma_semaphore, #tpu.memory_space<semaphore_mem>>) {add = true}
    %dma_start3A_50 = arith.constant 3 : i32
    %dma_start3A_51 = arith.constant 0 : i32
    %dma_start3A_52 = tpu.memref_slice %arg7[%dma_start3A_50, %dma_start3A_51] : memref<40x250xi32, #tpu.memory_space<vmem>> -> memref<1x250xi32, #tpu.memory_space<vmem>>
    %dma_start3A_53 = tpu.memref_squeeze %dma_start3A_52 : memref<1x250xi32, #tpu.memory_space<vmem>> -> memref<250xi32, #tpu.memory_space<vmem>>
    %dma_start3A_54 = arith.constant 0 : i32
    %dma_start3A_55 = arith.constant 0 : i32
    %dma_start3A_56 = tpu.memref_slice %arg2[%dma_start3A_54, %dma_start3A_55] : memref<10000x64xf32, #tpu.memory_space<hbm>> -> memref<10000x64xf32, #tpu.memory_space<hbm>>
    tpu.enqueue_indirect_dma source(%dma_start3A_56 : memref<10000x64xf32, #tpu.memory_space<hbm>>) target(%arg12 : memref<250x64xf32, #tpu.memory_space<vmem>>) offsets(%dma_start3A_53 : memref<250xi32, #tpu.memory_space<vmem>>) semaphore(%arg17 : memref<!tpu.dma_semaphore, #tpu.memory_space<semaphore_mem>>)
    %dma_wait3A_57 = arith.constant 2 : i32
    %dma_wait3A_58 = arith.constant 0 : i32
    %dma_wait3A_59 = tpu.memref_slice %arg7[%dma_wait3A_57, %dma_wait3A_58] : memref<40x250xi32, #tpu.memory_space<vmem>> -> memref<1x250xi32, #tpu.memory_space<vmem>>
    %dma_wait3A_60 = tpu.memref_squeeze %dma_wait3A_59 : memref<1x250xi32, #tpu.memory_space<vmem>> -> memref<250xi32, #tpu.memory_space<vmem>>
    %dma_wait3A_61 = arith.constant 0 : i32
    %dma_wait3A_62 = arith.constant 0 : i32
    %dma_wait3A_63 = tpu.memref_slice %arg2[%dma_wait3A_61, %dma_wait3A_62] : memref<10000x64xf32, #tpu.memory_space<hbm>> -> memref<10000x64xf32, #tpu.memory_space<hbm>>
    tpu.wait_indirect_dma semaphore(%arg16 : memref<!tpu.dma_semaphore, #tpu.memory_space<semaphore_mem>>) src(%dma_wait3A_63 : memref<10000x64xf32, #tpu.memory_space<hbm>>) dst(%arg11 : memref<250x64xf32, #tpu.memory_space<vmem>>)
    %dma_start3A_64 = arith.constant 2 : i32
    %dma_start3A_65 = arith.constant 0 : i32
    %dma_start3A_66 = tpu.memref_slice %arg8[%dma_start3A_64, %dma_start3A_65] : memref<40x250xi32, #tpu.memory_space<vmem>> -> memref<1x250xi32, #tpu.memory_space<vmem>>
    %dma_start3A_67 = tpu.memref_squeeze %dma_start3A_66 : memref<1x250xi32, #tpu.memory_space<vmem>> -> memref<250xi32, #tpu.memory_space<vmem>>
    %dma_start3A_68 = arith.constant 0 : i32
    %dma_start3A_69 = arith.constant 0 : i32
    %dma_start3A_70 = tpu.memref_slice %arg13[%dma_start3A_68, %dma_start3A_69] : memref<10000x64xf32, #tpu.memory_space<vmem_shared>> -> memref<10000x64xf32, #tpu.memory_space<vmem_shared>>
    tpu.enqueue_indirect_dma source(%arg11 : memref<250x64xf32, #tpu.memory_space<vmem>>) target(%dma_start3A_70 : memref<10000x64xf32, #tpu.memory_space<vmem_shared>>) offsets(%dma_start3A_67 : memref<250xi32, #tpu.memory_space<vmem>>) semaphore(%arg20 : memref<!tpu.dma_semaphore, #tpu.memory_space<semaphore_mem>>) {add = true}
    %dma_wait3A_71 = arith.constant 0 : i32
    %dma_wait3A_72 = arith.constant 0 : i32
    %dma_wait3A_73 = tpu.memref_slice %arg8[%dma_wait3A_71, %dma_wait3A_72] : memref<40x250xi32, #tpu.memory_space<vmem>> -> memref<1x250xi32, #tpu.memory_space<vmem>>
    %dma_wait3A_74 = tpu.memref_squeeze %dma_wait3A_73 : memref<1x250xi32, #tpu.memory_space<vmem>> -> memref<250xi32, #tpu.memory_space<vmem>>
    %dma_wait3A_75 = arith.constant 0 : i32
    %dma_wait3A_76 = arith.constant 0 : i32
    %dma_wait3A_77 = tpu.memref_slice %arg13[%dma_wait3A_75, %dma_wait3A_76] : memref<10000x64xf32, #tpu.memory_space<vmem_shared>> -> memref<10000x64xf32, #tpu.memory_space<vmem_shared>>
    tpu.wait_indirect_dma semaphore(%arg18 : memref<!tpu.dma_semaphore, #tpu.memory_space<semaphore_mem>>) src(%arg9 : memref<250x64xf32, #tpu.memory_space<vmem>>) dst(%dma_wait3A_77 : memref<10000x64xf32, #tpu.memory_space<vmem_shared>>)
    %dma_start3A_78 = arith.constant 4 : i32
    %dma_start3A_79 = arith.constant 0 : i32
    %dma_start3A_80 = tpu.memref_slice %arg7[%dma_start3A_78, %dma_start3A_79] : memref<40x250xi32, #tpu.memory_space<vmem>> -> memref<1x250xi32, #tpu.memory_space<vmem>>
    %dma_start3A_81 = tpu.memref_squeeze %dma_start3A_80 : memref<1x250xi32, #tpu.memory_space<vmem>> -> memref<250xi32, #tpu.memory_space<vmem>>
    %dma_start3A_82 = arith.constant 0 : i32
    %dma_start3A_83 = arith.constant 0 : i32
    %dma_start3A_84 = tpu.memref_slice %arg2[%dma_start3A_82, %dma_start3A_83] : memref<10000x64xf32, #tpu.memory_space<hbm>> -> memref<10000x64xf32, #tpu.memory_space<hbm>>
    tpu.enqueue_indirect_dma source(%dma_start3A_84 : memref<10000x64xf32, #tpu.memory_space<hbm>>) target(%arg9 : memref<250x64xf32, #tpu.memory_space<vmem>>) offsets(%dma_start3A_81 : memref<250xi32, #tpu.memory_space<vmem>>) semaphore(%arg14 : memref<!tpu.dma_semaphore, #tpu.memory_space<semaphore_mem>>)
    %dma_wait3A_85 = arith.constant 3 : i32
    %dma_wait3A_86 = arith.constant 0 : i32
    %dma_wait3A_87 = tpu.memref_slice %arg7[%dma_wait3A_85, %dma_wait3A_86] : memref<40x250xi32, #tpu.memory_space<vmem>> -> memref<1x250xi32, #tpu.memory_space<vmem>>
    %dma_wait3A_88 = tpu.memref_squeeze %dma_wait3A_87 : memref<1x250xi32, #tpu.memory_space<vmem>> -> memref<250xi32, #tpu.memory_space<vmem>>
    %dma_wait3A_89 = arith.constant 0 : i32
    %dma_wait3A_90 = arith.constant 0 : i32
    %dma_wait3A_91 = tpu.memref_slice %arg2[%dma_wait3A_89, %dma_wait3A_90] : memref<10000x64xf32, #tpu.memory_space<hbm>> -> memref<10000x64xf32, #tpu.memory_space<hbm>>
    tpu.wait_indirect_dma semaphore(%arg17 : memref<!tpu.dma_semaphore, #tpu.memory_space<semaphore_mem>>) src(%dma_wait3A_91 : memref<10000x64xf32, #tpu.memory_space<hbm>>) dst(%arg12 : memref<250x64xf32, #tpu.memory_space<vmem>>)
    %dma_start3A_92 = arith.constant 3 : i32
    %dma_start3A_93 = arith.constant 0 : i32
    %dma_start3A_94 = tpu.memref_slice %arg8[%dma_start3A_92, %dma_start3A_93] : memref<40x250xi32, #tpu.memory_space<vmem>> -> memref<1x250xi32, #tpu.memory_space<vmem>>
    %dma_start3A_95 = tpu.memref_squeeze %dma_start3A_94 : memref<1x250xi32, #tpu.memory_space<vmem>> -> memref<250xi32, #tpu.memory_space<vmem>>
    %dma_start3A_96 = arith.constant 0 : i32
    %dma_start3A_97 = arith.constant 0 : i32
    %dma_start3A_98 = tpu.memref_slice %arg13[%dma_start3A_96, %dma_start3A_97] : memref<10000x64xf32, #tpu.memory_space<vmem_shared>> -> memref<10000x64xf32, #tpu.memory_space<vmem_shared>>
    tpu.enqueue_indirect_dma source(%arg12 : memref<250x64xf32, #tpu.memory_space<vmem>>) target(%dma_start3A_98 : memref<10000x64xf32, #tpu.memory_space<vmem_shared>>) offsets(%dma_start3A_95 : memref<250xi32, #tpu.memory_space<vmem>>) semaphore(%arg21 : memref<!tpu.dma_semaphore, #tpu.memory_space<semaphore_mem>>) {add = true}
    %dma_wait3A_99 = arith.constant 1 : i32
    %dma_wait3A_100 = arith.constant 0 : i32
    %dma_wait3A_101 = tpu.memref_slice %arg8[%dma_wait3A_99, %dma_wait3A_100] : memref<40x250xi32, #tpu.memory_space<vmem>> -> memref<1x250xi32, #tpu.memory_space<vmem>>
    %dma_wait3A_102 = tpu.memref_squeeze %dma_wait3A_101 : memref<1x250xi32, #tpu.memory_space<vmem>> -> memref<250xi32, #tpu.memory_space<vmem>>
    %dma_wait3A_103 = arith.constant 0 : i32
    %dma_wait3A_104 = arith.constant 0 : i32
    %dma_wait3A_105 = tpu.memref_slice %arg13[%dma_wait3A_103, %dma_wait3A_104] : memref<10000x64xf32, #tpu.memory_space<vmem_shared>> -> memref<10000x64xf32, #tpu.memory_space<vmem_shared>>
    tpu.wait_indirect_dma semaphore(%arg19 : memref<!tpu.dma_semaphore, #tpu.memory_space<semaphore_mem>>) src(%arg10 : memref<250x64xf32, #tpu.memory_space<vmem>>) dst(%dma_wait3A_105 : memref<10000x64xf32, #tpu.memory_space<vmem_shared>>)
    %dma_start3A_106 = arith.constant 5 : i32
    %dma_start3A_107 = arith.constant 0 : i32
    %dma_start3A_108 = tpu.memref_slice %arg7[%dma_start3A_106, %dma_start3A_107] : memref<40x250xi32, #tpu.memory_space<vmem>> -> memref<1x250xi32, #tpu.memory_space<vmem>>
    %dma_start3A_109 = tpu.memref_squeeze %dma_start3A_108 : memref<1x250xi32, #tpu.memory_space<vmem>> -> memref<250xi32, #tpu.memory_space<vmem>>
    %dma_start3A_110 = arith.constant 0 : i32
    %dma_start3A_111 = arith.constant 0 : i32
    %dma_start3A_112 = tpu.memref_slice %arg2[%dma_start3A_110, %dma_start3A_111] : memref<10000x64xf32, #tpu.memory_space<hbm>> -> memref<10000x64xf32, #tpu.memory_space<hbm>>
    tpu.enqueue_indirect_dma source(%dma_start3A_112 : memref<10000x64xf32, #tpu.memory_space<hbm>>) target(%arg10 : memref<250x64xf32, #tpu.memory_space<vmem>>) offsets(%dma_start3A_109 : memref<250xi32, #tpu.memory_space<vmem>>) semaphore(%arg15 : memref<!tpu.dma_semaphore, #tpu.memory_space<semaphore_mem>>)
    %dma_wait3A_113 = arith.constant 4 : i32
    %dma_wait3A_114 = arith.constant 0 : i32
    %dma_wait3A_115 = tpu.memref_slice %arg7[%dma_wait3A_113, %dma_wait3A_114] : memref<40x250xi32, #tpu.memory_space<vmem>> -> memref<1x250xi32, #tpu.memory_space<vmem>>
    %dma_wait3A_116 = tpu.memref_squeeze %dma_wait3A_115 : memref<1x250xi32, #tpu.memory_space<vmem>> -> memref<250xi32, #tpu.memory_space<vmem>>
    %dma_wait3A_117 = arith.constant 0 : i32
    %dma_wait3A_118 = arith.constant 0 : i32
    %dma_wait3A_119 = tpu.memref_slice %arg2[%dma_wait3A_117, %dma_wait3A_118] : memref<10000x64xf32, #tpu.memory_space<hbm>> -> memref<10000x64xf32, #tpu.memory_space<hbm>>
    tpu.wait_indirect_dma semaphore(%arg14 : memref<!tpu.dma_semaphore, #tpu.memory_space<semaphore_mem>>) src(%dma_wait3A_119 : memref<10000x64xf32, #tpu.memory_space<hbm>>) dst(%arg9 : memref<250x64xf32, #tpu.memory_space<vmem>>)
    %dma_start3A_120 = arith.constant 4 : i32
    %dma_start3A_121 = arith.constant 0 : i32
    %dma_start3A_122 = tpu.memref_slice %arg8[%dma_start3A_120, %dma_start3A_121] : memref<40x250xi32, #tpu.memory_space<vmem>> -> memref<1x250xi32, #tpu.memory_space<vmem>>
    %dma_start3A_123 = tpu.memref_squeeze %dma_start3A_122 : memref<1x250xi32, #tpu.memory_space<vmem>> -> memref<250xi32, #tpu.memory_space<vmem>>
    %dma_start3A_124 = arith.constant 0 : i32
    %dma_start3A_125 = arith.constant 0 : i32
    %dma_start3A_126 = tpu.memref_slice %arg13[%dma_start3A_124, %dma_start3A_125] : memref<10000x64xf32, #tpu.memory_space<vmem_shared>> -> memref<10000x64xf32, #tpu.memory_space<vmem_shared>>
    tpu.enqueue_indirect_dma source(%arg9 : memref<250x64xf32, #tpu.memory_space<vmem>>) target(%dma_start3A_126 : memref<10000x64xf32, #tpu.memory_space<vmem_shared>>) offsets(%dma_start3A_123 : memref<250xi32, #tpu.memory_space<vmem>>) semaphore(%arg18 : memref<!tpu.dma_semaphore, #tpu.memory_space<semaphore_mem>>) {add = true}
    %dma_wait3A_127 = arith.constant 2 : i32
    %dma_wait3A_128 = arith.constant 0 : i32
    %dma_wait3A_129 = tpu.memref_slice %arg8[%dma_wait3A_127, %dma_wait3A_128] : memref<40x250xi32, #tpu.memory_space<vmem>> -> memref<1x250xi32, #tpu.memory_space<vmem>>
    %dma_wait3A_130 = tpu.memref_squeeze %dma_wait3A_129 : memref<1x250xi32, #tpu.memory_space<vmem>> -> memref<250xi32, #tpu.memory_space<vmem>>
    %dma_wait3A_131 = arith.constant 0 : i32
    %dma_wait3A_132 = arith.constant 0 : i32
    %dma_wait3A_133 = tpu.memref_slice %arg13[%dma_wait3A_131, %dma_wait3A_132] : memref<10000x64xf32, #tpu.memory_space<vmem_shared>> -> memref<10000x64xf32, #tpu.memory_space<vmem_shared>>
    tpu.wait_indirect_dma semaphore(%arg20 : memref<!tpu.dma_semaphore, #tpu.memory_space<semaphore_mem>>) src(%arg11 : memref<250x64xf32, #tpu.memory_space<vmem>>) dst(%dma_wait3A_133 : memref<10000x64xf32, #tpu.memory_space<vmem_shared>>)
    %dma_start3A_134 = arith.constant 6 : i32
    %dma_start3A_135 = arith.constant 0 : i32
    %dma_start3A_136 = tpu.memref_slice %arg7[%dma_start3A_134, %dma_start3A_135] : memref<40x250xi32, #tpu.memory_space<vmem>> -> memref<1x250xi32, #tpu.memory_space<vmem>>
    %dma_start3A_137 = tpu.memref_squeeze %dma_start3A_136 : memref<1x250xi32, #tpu.memory_space<vmem>> -> memref<250xi32, #tpu.memory_space<vmem>>
    %dma_start3A_138 = arith.constant 0 : i32
    %dma_start3A_139 = arith.constant 0 : i32
    %dma_start3A_140 = tpu.memref_slice %arg2[%dma_start3A_138, %dma_start3A_139] : memref<10000x64xf32, #tpu.memory_space<hbm>> -> memref<10000x64xf32, #tpu.memory_space<hbm>>
    tpu.enqueue_indirect_dma source(%dma_start3A_140 : memref<10000x64xf32, #tpu.memory_space<hbm>>) target(%arg11 : memref<250x64xf32, #tpu.memory_space<vmem>>) offsets(%dma_start3A_137 : memref<250xi32, #tpu.memory_space<vmem>>) semaphore(%arg16 : memref<!tpu.dma_semaphore, #tpu.memory_space<semaphore_mem>>)
    %dma_wait3A_141 = arith.constant 5 : i32
    %dma_wait3A_142 = arith.constant 0 : i32
    %dma_wait3A_143 = tpu.memref_slice %arg7[%dma_wait3A_141, %dma_wait3A_142] : memref<40x250xi32, #tpu.memory_space<vmem>> -> memref<1x250xi32, #tpu.memory_space<vmem>>
    %dma_wait3A_144 = tpu.memref_squeeze %dma_wait3A_143 : memref<1x250xi32, #tpu.memory_space<vmem>> -> memref<250xi32, #tpu.memory_space<vmem>>
    %dma_wait3A_145 = arith.constant 0 : i32
    %dma_wait3A_146 = arith.constant 0 : i32
    %dma_wait3A_147 = tpu.memref_slice %arg2[%dma_wait3A_145, %dma_wait3A_146] : memref<10000x64xf32, #tpu.memory_space<hbm>> -> memref<10000x64xf32, #tpu.memory_space<hbm>>
    tpu.wait_indirect_dma semaphore(%arg15 : memref<!tpu.dma_semaphore, #tpu.memory_space<semaphore_mem>>) src(%dma_wait3A_147 : memref<10000x64xf32, #tpu.memory_space<hbm>>) dst(%arg10 : memref<250x64xf32, #tpu.memory_space<vmem>>)
    %dma_start3A_148 = arith.constant 5 : i32
    %dma_start3A_149 = arith.constant 0 : i32
    %dma_start3A_150 = tpu.memref_slice %arg8[%dma_start3A_148, %dma_start3A_149] : memref<40x250xi32, #tpu.memory_space<vmem>> -> memref<1x250xi32, #tpu.memory_space<vmem>>
    %dma_start3A_151 = tpu.memref_squeeze %dma_start3A_150 : memref<1x250xi32, #tpu.memory_space<vmem>> -> memref<250xi32, #tpu.memory_space<vmem>>
    %dma_start3A_152 = arith.constant 0 : i32
    %dma_start3A_153 = arith.constant 0 : i32
    %dma_start3A_154 = tpu.memref_slice %arg13[%dma_start3A_152, %dma_start3A_153] : memref<10000x64xf32, #tpu.memory_space<vmem_shared>> -> memref<10000x64xf32, #tpu.memory_space<vmem_shared>>
    tpu.enqueue_indirect_dma source(%arg10 : memref<250x64xf32, #tpu.memory_space<vmem>>) target(%dma_start3A_154 : memref<10000x64xf32, #tpu.memory_space<vmem_shared>>) offsets(%dma_start3A_151 : memref<250xi32, #tpu.memory_space<vmem>>) semaphore(%arg19 : memref<!tpu.dma_semaphore, #tpu.memory_space<semaphore_mem>>) {add = true}
    %dma_wait3A_155 = arith.constant 3 : i32
    %dma_wait3A_156 = arith.constant 0 : i32
    %dma_wait3A_157 = tpu.memref_slice %arg8[%dma_wait3A_155, %dma_wait3A_156] : memref<40x250xi32, #tpu.memory_space<vmem>> -> memref<1x250xi32, #tpu.memory_space<vmem>>
    %dma_wait3A_158 = tpu.memref_squeeze %dma_wait3A_157 : memref<1x250xi32, #tpu.memory_space<vmem>> -> memref<250xi32, #tpu.memory_space<vmem>>
    %dma_wait3A_159 = arith.constant 0 : i32
    %dma_wait3A_160 = arith.constant 0 : i32
    %dma_wait3A_161 = tpu.memref_slice %arg13[%dma_wait3A_159, %dma_wait3A_160] : memref<10000x64xf32, #tpu.memory_space<vmem_shared>> -> memref<10000x64xf32, #tpu.memory_space<vmem_shared>>
    tpu.wait_indirect_dma semaphore(%arg21 : memref<!tpu.dma_semaphore, #tpu.memory_space<semaphore_mem>>) src(%arg12 : memref<250x64xf32, #tpu.memory_space<vmem>>) dst(%dma_wait3A_161 : memref<10000x64xf32, #tpu.memory_space<vmem_shared>>)
    %dma_start3A_162 = arith.constant 7 : i32
    %dma_start3A_163 = arith.constant 0 : i32
    %dma_start3A_164 = tpu.memref_slice %arg7[%dma_start3A_162, %dma_start3A_163] : memref<40x250xi32, #tpu.memory_space<vmem>> -> memref<1x250xi32, #tpu.memory_space<vmem>>
    %dma_start3A_165 = tpu.memref_squeeze %dma_start3A_164 : memref<1x250xi32, #tpu.memory_space<vmem>> -> memref<250xi32, #tpu.memory_space<vmem>>
    %dma_start3A_166 = arith.constant 0 : i32
    %dma_start3A_167 = arith.constant 0 : i32
    %dma_start3A_168 = tpu.memref_slice %arg2[%dma_start3A_166, %dma_start3A_167] : memref<10000x64xf32, #tpu.memory_space<hbm>> -> memref<10000x64xf32, #tpu.memory_space<hbm>>
    tpu.enqueue_indirect_dma source(%dma_start3A_168 : memref<10000x64xf32, #tpu.memory_space<hbm>>) target(%arg12 : memref<250x64xf32, #tpu.memory_space<vmem>>) offsets(%dma_start3A_165 : memref<250xi32, #tpu.memory_space<vmem>>) semaphore(%arg17 : memref<!tpu.dma_semaphore, #tpu.memory_space<semaphore_mem>>)
    %dma_wait3A_169 = arith.constant 6 : i32
    %dma_wait3A_170 = arith.constant 0 : i32
    %dma_wait3A_171 = tpu.memref_slice %arg7[%dma_wait3A_169, %dma_wait3A_170] : memref<40x250xi32, #tpu.memory_space<vmem>> -> memref<1x250xi32, #tpu.memory_space<vmem>>
    %dma_wait3A_172 = tpu.memref_squeeze %dma_wait3A_171 : memref<1x250xi32, #tpu.memory_space<vmem>> -> memref<250xi32, #tpu.memory_space<vmem>>
    %dma_wait3A_173 = arith.constant 0 : i32
    %dma_wait3A_174 = arith.constant 0 : i32
    %dma_wait3A_175 = tpu.memref_slice %arg2[%dma_wait3A_173, %dma_wait3A_174] : memref<10000x64xf32, #tpu.memory_space<hbm>> -> memref<10000x64xf32, #tpu.memory_space<hbm>>
    tpu.wait_indirect_dma semaphore(%arg16 : memref<!tpu.dma_semaphore, #tpu.memory_space<semaphore_mem>>) src(%dma_wait3A_175 : memref<10000x64xf32, #tpu.memory_space<hbm>>) dst(%arg11 : memref<250x64xf32, #tpu.memory_space<vmem>>)
    %dma_start3A_176 = arith.constant 6 : i32
    %dma_start3A_177 = arith.constant 0 : i32
    %dma_start3A_178 = tpu.memref_slice %arg8[%dma_start3A_176, %dma_start3A_177] : memref<40x250xi32, #tpu.memory_space<vmem>> -> memref<1x250xi32, #tpu.memory_space<vmem>>
    %dma_start3A_179 = tpu.memref_squeeze %dma_start3A_178 : memref<1x250xi32, #tpu.memory_space<vmem>> -> memref<250xi32, #tpu.memory_space<vmem>>
    %dma_start3A_180 = arith.constant 0 : i32
    %dma_start3A_181 = arith.constant 0 : i32
    %dma_start3A_182 = tpu.memref_slice %arg13[%dma_start3A_180, %dma_start3A_181] : memref<10000x64xf32, #tpu.memory_space<vmem_shared>> -> memref<10000x64xf32, #tpu.memory_space<vmem_shared>>
    tpu.enqueue_indirect_dma source(%arg11 : memref<250x64xf32, #tpu.memory_space<vmem>>) target(%dma_start3A_182 : memref<10000x64xf32, #tpu.memory_space<vmem_shared>>) offsets(%dma_start3A_179 : memref<250xi32, #tpu.memory_space<vmem>>) semaphore(%arg20 : memref<!tpu.dma_semaphore, #tpu.memory_space<semaphore_mem>>) {add = true}
    %dma_wait3A_183 = arith.constant 4 : i32
    %dma_wait3A_184 = arith.constant 0 : i32
    %dma_wait3A_185 = tpu.memref_slice %arg8[%dma_wait3A_183, %dma_wait3A_184] : memref<40x250xi32, #tpu.memory_space<vmem>> -> memref<1x250xi32, #tpu.memory_space<vmem>>
    %dma_wait3A_186 = tpu.memref_squeeze %dma_wait3A_185 : memref<1x250xi32, #tpu.memory_space<vmem>> -> memref<250xi32, #tpu.memory_space<vmem>>
    %dma_wait3A_187 = arith.constant 0 : i32
    %dma_wait3A_188 = arith.constant 0 : i32
    %dma_wait3A_189 = tpu.memref_slice %arg13[%dma_wait3A_187, %dma_wait3A_188] : memref<10000x64xf32, #tpu.memory_space<vmem_shared>> -> memref<10000x64xf32, #tpu.memory_space<vmem_shared>>
    tpu.wait_indirect_dma semaphore(%arg18 : memref<!tpu.dma_semaphore, #tpu.memory_space<semaphore_mem>>) src(%arg9 : memref<250x64xf32, #tpu.memory_space<vmem>>) dst(%dma_wait3A_189 : memref<10000x64xf32, #tpu.memory_space<vmem_shared>>)
    %dma_start3A_190 = arith.constant 8 : i32
    %dma_start3A_191 = arith.constant 0 : i32
    %dma_start3A_192 = tpu.memref_slice %arg7[%dma_start3A_190, %dma_start3A_191] : memref<40x250xi32, #tpu.memory_space<vmem>> -> memref<1x250xi32, #tpu.memory_space<vmem>>
    %dma_start3A_193 = tpu.memref_squeeze %dma_start3A_192 : memref<1x250xi32, #tpu.memory_space<vmem>> -> memref<250xi32, #tpu.memory_space<vmem>>
    %dma_start3A_194 = arith.constant 0 : i32
    %dma_start3A_195 = arith.constant 0 : i32
    %dma_start3A_196 = tpu.memref_slice %arg2[%dma_start3A_194, %dma_start3A_195] : memref<10000x64xf32, #tpu.memory_space<hbm>> -> memref<10000x64xf32, #tpu.memory_space<hbm>>
    tpu.enqueue_indirect_dma source(%dma_start3A_196 : memref<10000x64xf32, #tpu.memory_space<hbm>>) target(%arg9 : memref<250x64xf32, #tpu.memory_space<vmem>>) offsets(%dma_start3A_193 : memref<250xi32, #tpu.memory_space<vmem>>) semaphore(%arg14 : memref<!tpu.dma_semaphore, #tpu.memory_space<semaphore_mem>>)
    %dma_wait3A_197 = arith.constant 7 : i32
    %dma_wait3A_198 = arith.constant 0 : i32
    %dma_wait3A_199 = tpu.memref_slice %arg7[%dma_wait3A_197, %dma_wait3A_198] : memref<40x250xi32, #tpu.memory_space<vmem>> -> memref<1x250xi32, #tpu.memory_space<vmem>>
    %dma_wait3A_200 = tpu.memref_squeeze %dma_wait3A_199 : memref<1x250xi32, #tpu.memory_space<vmem>> -> memref<250xi32, #tpu.memory_space<vmem>>
    %dma_wait3A_201 = arith.constant 0 : i32
    %dma_wait3A_202 = arith.constant 0 : i32
    %dma_wait3A_203 = tpu.memref_slice %arg2[%dma_wait3A_201, %dma_wait3A_202] : memref<10000x64xf32, #tpu.memory_space<hbm>> -> memref<10000x64xf32, #tpu.memory_space<hbm>>
    tpu.wait_indirect_dma semaphore(%arg17 : memref<!tpu.dma_semaphore, #tpu.memory_space<semaphore_mem>>) src(%dma_wait3A_203 : memref<10000x64xf32, #tpu.memory_space<hbm>>) dst(%arg12 : memref<250x64xf32, #tpu.memory_space<vmem>>)
    %dma_start3A_204 = arith.constant 7 : i32
    %dma_start3A_205 = arith.constant 0 : i32
    %dma_start3A_206 = tpu.memref_slice %arg8[%dma_start3A_204, %dma_start3A_205] : memref<40x250xi32, #tpu.memory_space<vmem>> -> memref<1x250xi32, #tpu.memory_space<vmem>>
    %dma_start3A_207 = tpu.memref_squeeze %dma_start3A_206 : memref<1x250xi32, #tpu.memory_space<vmem>> -> memref<250xi32, #tpu.memory_space<vmem>>
    %dma_start3A_208 = arith.constant 0 : i32
    %dma_start3A_209 = arith.constant 0 : i32
    %dma_start3A_210 = tpu.memref_slice %arg13[%dma_start3A_208, %dma_start3A_209] : memref<10000x64xf32, #tpu.memory_space<vmem_shared>> -> memref<10000x64xf32, #tpu.memory_space<vmem_shared>>
    tpu.enqueue_indirect_dma source(%arg12 : memref<250x64xf32, #tpu.memory_space<vmem>>) target(%dma_start3A_210 : memref<10000x64xf32, #tpu.memory_space<vmem_shared>>) offsets(%dma_start3A_207 : memref<250xi32, #tpu.memory_space<vmem>>) semaphore(%arg21 : memref<!tpu.dma_semaphore, #tpu.memory_space<semaphore_mem>>) {add = true}
    %dma_wait3A_211 = arith.constant 5 : i32
    %dma_wait3A_212 = arith.constant 0 : i32
    %dma_wait3A_213 = tpu.memref_slice %arg8[%dma_wait3A_211, %dma_wait3A_212] : memref<40x250xi32, #tpu.memory_space<vmem>> -> memref<1x250xi32, #tpu.memory_space<vmem>>
    %dma_wait3A_214 = tpu.memref_squeeze %dma_wait3A_213 : memref<1x250xi32, #tpu.memory_space<vmem>> -> memref<250xi32, #tpu.memory_space<vmem>>
    %dma_wait3A_215 = arith.constant 0 : i32
    %dma_wait3A_216 = arith.constant 0 : i32
    %dma_wait3A_217 = tpu.memref_slice %arg13[%dma_wait3A_215, %dma_wait3A_216] : memref<10000x64xf32, #tpu.memory_space<vmem_shared>> -> memref<10000x64xf32, #tpu.memory_space<vmem_shared>>
    tpu.wait_indirect_dma semaphore(%arg19 : memref<!tpu.dma_semaphore, #tpu.memory_space<semaphore_mem>>) src(%arg10 : memref<250x64xf32, #tpu.memory_space<vmem>>) dst(%dma_wait3A_217 : memref<10000x64xf32, #tpu.memory_space<vmem_shared>>)
    %dma_start3A_218 = arith.constant 9 : i32
    %dma_start3A_219 = arith.constant 0 : i32
    %dma_start3A_220 = tpu.memref_slice %arg7[%dma_start3A_218, %dma_start3A_219] : memref<40x250xi32, #tpu.memory_space<vmem>> -> memref<1x250xi32, #tpu.memory_space<vmem>>
    %dma_start3A_221 = tpu.memref_squeeze %dma_start3A_220 : memref<1x250xi32, #tpu.memory_space<vmem>> -> memref<250xi32, #tpu.memory_space<vmem>>
    %dma_start3A_222 = arith.constant 0 : i32
    %dma_start3A_223 = arith.constant 0 : i32
    %dma_start3A_224 = tpu.memref_slice %arg2[%dma_start3A_222, %dma_start3A_223] : memref<10000x64xf32, #tpu.memory_space<hbm>> -> memref<10000x64xf32, #tpu.memory_space<hbm>>
    tpu.enqueue_indirect_dma source(%dma_start3A_224 : memref<10000x64xf32, #tpu.memory_space<hbm>>) target(%arg10 : memref<250x64xf32, #tpu.memory_space<vmem>>) offsets(%dma_start3A_221 : memref<250xi32, #tpu.memory_space<vmem>>) semaphore(%arg15 : memref<!tpu.dma_semaphore, #tpu.memory_space<semaphore_mem>>)
    %dma_wait3A_225 = arith.constant 8 : i32
    %dma_wait3A_226 = arith.constant 0 : i32
    %dma_wait3A_227 = tpu.memref_slice %arg7[%dma_wait3A_225, %dma_wait3A_226] : memref<40x250xi32, #tpu.memory_space<vmem>> -> memref<1x250xi32, #tpu.memory_space<vmem>>
    %dma_wait3A_228 = tpu.memref_squeeze %dma_wait3A_227 : memref<1x250xi32, #tpu.memory_space<vmem>> -> memref<250xi32, #tpu.memory_space<vmem>>
    %dma_wait3A_229 = arith.constant 0 : i32
    %dma_wait3A_230 = arith.constant 0 : i32
    %dma_wait3A_231 = tpu.memref_slice %arg2[%dma_wait3A_229, %dma_wait3A_230] : memref<10000x64xf32, #tpu.memory_space<hbm>> -> memref<10000x64xf32, #tpu.memory_space<hbm>>
    tpu.wait_indirect_dma semaphore(%arg14 : memref<!tpu.dma_semaphore, #tpu.memory_space<semaphore_mem>>) src(%dma_wait3A_231 : memref<10000x64xf32, #tpu.memory_space<hbm>>) dst(%arg9 : memref<250x64xf32, #tpu.memory_space<vmem>>)
    %dma_start3A_232 = arith.constant 8 : i32
    %dma_start3A_233 = arith.constant 0 : i32
    %dma_start3A_234 = tpu.memref_slice %arg8[%dma_start3A_232, %dma_start3A_233] : memref<40x250xi32, #tpu.memory_space<vmem>> -> memref<1x250xi32, #tpu.memory_space<vmem>>
    %dma_start3A_235 = tpu.memref_squeeze %dma_start3A_234 : memref<1x250xi32, #tpu.memory_space<vmem>> -> memref<250xi32, #tpu.memory_space<vmem>>
    %dma_start3A_236 = arith.constant 0 : i32
    %dma_start3A_237 = arith.constant 0 : i32
    %dma_start3A_238 = tpu.memref_slice %arg13[%dma_start3A_236, %dma_start3A_237] : memref<10000x64xf32, #tpu.memory_space<vmem_shared>> -> memref<10000x64xf32, #tpu.memory_space<vmem_shared>>
    tpu.enqueue_indirect_dma source(%arg9 : memref<250x64xf32, #tpu.memory_space<vmem>>) target(%dma_start3A_238 : memref<10000x64xf32, #tpu.memory_space<vmem_shared>>) offsets(%dma_start3A_235 : memref<250xi32, #tpu.memory_space<vmem>>) semaphore(%arg18 : memref<!tpu.dma_semaphore, #tpu.memory_space<semaphore_mem>>) {add = true}
    %dma_wait3A_239 = arith.constant 6 : i32
    %dma_wait3A_240 = arith.constant 0 : i32
    %dma_wait3A_241 = tpu.memref_slice %arg8[%dma_wait3A_239, %dma_wait3A_240] : memref<40x250xi32, #tpu.memory_space<vmem>> -> memref<1x250xi32, #tpu.memory_space<vmem>>
    %dma_wait3A_242 = tpu.memref_squeeze %dma_wait3A_241 : memref<1x250xi32, #tpu.memory_space<vmem>> -> memref<250xi32, #tpu.memory_space<vmem>>
    %dma_wait3A_243 = arith.constant 0 : i32
    %dma_wait3A_244 = arith.constant 0 : i32
    %dma_wait3A_245 = tpu.memref_slice %arg13[%dma_wait3A_243, %dma_wait3A_244] : memref<10000x64xf32, #tpu.memory_space<vmem_shared>> -> memref<10000x64xf32, #tpu.memory_space<vmem_shared>>
    tpu.wait_indirect_dma semaphore(%arg20 : memref<!tpu.dma_semaphore, #tpu.memory_space<semaphore_mem>>) src(%arg11 : memref<250x64xf32, #tpu.memory_space<vmem>>) dst(%dma_wait3A_245 : memref<10000x64xf32, #tpu.memory_space<vmem_shared>>)
    %dma_start3A_246 = arith.constant 10 : i32
    %dma_start3A_247 = arith.constant 0 : i32
    %dma_start3A_248 = tpu.memref_slice %arg7[%dma_start3A_246, %dma_start3A_247] : memref<40x250xi32, #tpu.memory_space<vmem>> -> memref<1x250xi32, #tpu.memory_space<vmem>>
    %dma_start3A_249 = tpu.memref_squeeze %dma_start3A_248 : memref<1x250xi32, #tpu.memory_space<vmem>> -> memref<250xi32, #tpu.memory_space<vmem>>
    %dma_start3A_250 = arith.constant 0 : i32
    %dma_start3A_251 = arith.constant 0 : i32
    %dma_start3A_252 = tpu.memref_slice %arg2[%dma_start3A_250, %dma_start3A_251] : memref<10000x64xf32, #tpu.memory_space<hbm>> -> memref<10000x64xf32, #tpu.memory_space<hbm>>
    tpu.enqueue_indirect_dma source(%dma_start3A_252 : memref<10000x64xf32, #tpu.memory_space<hbm>>) target(%arg11 : memref<250x64xf32, #tpu.memory_space<vmem>>) offsets(%dma_start3A_249 : memref<250xi32, #tpu.memory_space<vmem>>) semaphore(%arg16 : memref<!tpu.dma_semaphore, #tpu.memory_space<semaphore_mem>>)
    %dma_wait3A_253 = arith.constant 9 : i32
    %dma_wait3A_254 = arith.constant 0 : i32
    %dma_wait3A_255 = tpu.memref_slice %arg7[%dma_wait3A_253, %dma_wait3A_254] : memref<40x250xi32, #tpu.memory_space<vmem>> -> memref<1x250xi32, #tpu.memory_space<vmem>>
    %dma_wait3A_256 = tpu.memref_squeeze %dma_wait3A_255 : memref<1x250xi32, #tpu.memory_space<vmem>> -> memref<250xi32, #tpu.memory_space<vmem>>
    %dma_wait3A_257 = arith.constant 0 : i32
    %dma_wait3A_258 = arith.constant 0 : i32
    %dma_wait3A_259 = tpu.memref_slice %arg2[%dma_wait3A_257, %dma_wait3A_258] : memref<10000x64xf32, #tpu.memory_space<hbm>> -> memref<10000x64xf32, #tpu.memory_space<hbm>>
    tpu.wait_indirect_dma semaphore(%arg15 : memref<!tpu.dma_semaphore, #tpu.memory_space<semaphore_mem>>) src(%dma_wait3A_259 : memref<10000x64xf32, #tpu.memory_space<hbm>>) dst(%arg10 : memref<250x64xf32, #tpu.memory_space<vmem>>)
    %dma_start3A_260 = arith.constant 9 : i32
    %dma_start3A_261 = arith.constant 0 : i32
    %dma_start3A_262 = tpu.memref_slice %arg8[%dma_start3A_260, %dma_start3A_261] : memref<40x250xi32, #tpu.memory_space<vmem>> -> memref<1x250xi32, #tpu.memory_space<vmem>>
    %dma_start3A_263 = tpu.memref_squeeze %dma_start3A_262 : memref<1x250xi32, #tpu.memory_space<vmem>> -> memref<250xi32, #tpu.memory_space<vmem>>
    %dma_start3A_264 = arith.constant 0 : i32
    %dma_start3A_265 = arith.constant 0 : i32
    %dma_start3A_266 = tpu.memref_slice %arg13[%dma_start3A_264, %dma_start3A_265] : memref<10000x64xf32, #tpu.memory_space<vmem_shared>> -> memref<10000x64xf32, #tpu.memory_space<vmem_shared>>
    tpu.enqueue_indirect_dma source(%arg10 : memref<250x64xf32, #tpu.memory_space<vmem>>) target(%dma_start3A_266 : memref<10000x64xf32, #tpu.memory_space<vmem_shared>>) offsets(%dma_start3A_263 : memref<250xi32, #tpu.memory_space<vmem>>) semaphore(%arg19 : memref<!tpu.dma_semaphore, #tpu.memory_space<semaphore_mem>>) {add = true}
    %dma_wait3A_267 = arith.constant 7 : i32
    %dma_wait3A_268 = arith.constant 0 : i32
    %dma_wait3A_269 = tpu.memref_slice %arg8[%dma_wait3A_267, %dma_wait3A_268] : memref<40x250xi32, #tpu.memory_space<vmem>> -> memref<1x250xi32, #tpu.memory_space<vmem>>
    %dma_wait3A_270 = tpu.memref_squeeze %dma_wait3A_269 : memref<1x250xi32, #tpu.memory_space<vmem>> -> memref<250xi32, #tpu.memory_space<vmem>>
    %dma_wait3A_271 = arith.constant 0 : i32
    %dma_wait3A_272 = arith.constant 0 : i32
    %dma_wait3A_273 = tpu.memref_slice %arg13[%dma_wait3A_271, %dma_wait3A_272] : memref<10000x64xf32, #tpu.memory_space<vmem_shared>> -> memref<10000x64xf32, #tpu.memory_space<vmem_shared>>
    tpu.wait_indirect_dma semaphore(%arg21 : memref<!tpu.dma_semaphore, #tpu.memory_space<semaphore_mem>>) src(%arg12 : memref<250x64xf32, #tpu.memory_space<vmem>>) dst(%dma_wait3A_273 : memref<10000x64xf32, #tpu.memory_space<vmem_shared>>)
    %dma_start3A_274 = arith.constant 11 : i32
    %dma_start3A_275 = arith.constant 0 : i32
    %dma_start3A_276 = tpu.memref_slice %arg7[%dma_start3A_274, %dma_start3A_275] : memref<40x250xi32, #tpu.memory_space<vmem>> -> memref<1x250xi32, #tpu.memory_space<vmem>>
    %dma_start3A_277 = tpu.memref_squeeze %dma_start3A_276 : memref<1x250xi32, #tpu.memory_space<vmem>> -> memref<250xi32, #tpu.memory_space<vmem>>
    %dma_start3A_278 = arith.constant 0 : i32
    %dma_start3A_279 = arith.constant 0 : i32
    %dma_start3A_280 = tpu.memref_slice %arg2[%dma_start3A_278, %dma_start3A_279] : memref<10000x64xf32, #tpu.memory_space<hbm>> -> memref<10000x64xf32, #tpu.memory_space<hbm>>
    tpu.enqueue_indirect_dma source(%dma_start3A_280 : memref<10000x64xf32, #tpu.memory_space<hbm>>) target(%arg12 : memref<250x64xf32, #tpu.memory_space<vmem>>) offsets(%dma_start3A_277 : memref<250xi32, #tpu.memory_space<vmem>>) semaphore(%arg17 : memref<!tpu.dma_semaphore, #tpu.memory_space<semaphore_mem>>)
    %dma_wait3A_281 = arith.constant 10 : i32
    %dma_wait3A_282 = arith.constant 0 : i32
    %dma_wait3A_283 = tpu.memref_slice %arg7[%dma_wait3A_281, %dma_wait3A_282] : memref<40x250xi32, #tpu.memory_space<vmem>> -> memref<1x250xi32, #tpu.memory_space<vmem>>
    %dma_wait3A_284 = tpu.memref_squeeze %dma_wait3A_283 : memref<1x250xi32, #tpu.memory_space<vmem>> -> memref<250xi32, #tpu.memory_space<vmem>>
    %dma_wait3A_285 = arith.constant 0 : i32
    %dma_wait3A_286 = arith.constant 0 : i32
    %dma_wait3A_287 = tpu.memref_slice %arg2[%dma_wait3A_285, %dma_wait3A_286] : memref<10000x64xf32, #tpu.memory_space<hbm>> -> memref<10000x64xf32, #tpu.memory_space<hbm>>
    tpu.wait_indirect_dma semaphore(%arg16 : memref<!tpu.dma_semaphore, #tpu.memory_space<semaphore_mem>>) src(%dma_wait3A_287 : memref<10000x64xf32, #tpu.memory_space<hbm>>) dst(%arg11 : memref<250x64xf32, #tpu.memory_space<vmem>>)
    %dma_start3A_288 = arith.constant 10 : i32
    %dma_start3A_289 = arith.constant 0 : i32
    %dma_start3A_290 = tpu.memref_slice %arg8[%dma_start3A_288, %dma_start3A_289] : memref<40x250xi32, #tpu.memory_space<vmem>> -> memref<1x250xi32, #tpu.memory_space<vmem>>
    %dma_start3A_291 = tpu.memref_squeeze %dma_start3A_290 : memref<1x250xi32, #tpu.memory_space<vmem>> -> memref<250xi32, #tpu.memory_space<vmem>>
    %dma_start3A_292 = arith.constant 0 : i32
    %dma_start3A_293 = arith.constant 0 : i32
    %dma_start3A_294 = tpu.memref_slice %arg13[%dma_start3A_292, %dma_start3A_293] : memref<10000x64xf32, #tpu.memory_space<vmem_shared>> -> memref<10000x64xf32, #tpu.memory_space<vmem_shared>>
    tpu.enqueue_indirect_dma source(%arg11 : memref<250x64xf32, #tpu.memory_space<vmem>>) target(%dma_start3A_294 : memref<10000x64xf32, #tpu.memory_space<vmem_shared>>) offsets(%dma_start3A_291 : memref<250xi32, #tpu.memory_space<vmem>>) semaphore(%arg20 : memref<!tpu.dma_semaphore, #tpu.memory_space<semaphore_mem>>) {add = true}
    %dma_wait3A_295 = arith.constant 8 : i32
    %dma_wait3A_296 = arith.constant 0 : i32
    %dma_wait3A_297 = tpu.memref_slice %arg8[%dma_wait3A_295, %dma_wait3A_296] : memref<40x250xi32, #tpu.memory_space<vmem>> -> memref<1x250xi32, #tpu.memory_space<vmem>>
    %dma_wait3A_298 = tpu.memref_squeeze %dma_wait3A_297 : memref<1x250xi32, #tpu.memory_space<vmem>> -> memref<250xi32, #tpu.memory_space<vmem>>
    %dma_wait3A_299 = arith.constant 0 : i32
    %dma_wait3A_300 = arith.constant 0 : i32
    %dma_wait3A_301 = tpu.memref_slice %arg13[%dma_wait3A_299, %dma_wait3A_300] : memref<10000x64xf32, #tpu.memory_space<vmem_shared>> -> memref<10000x64xf32, #tpu.memory_space<vmem_shared>>
    tpu.wait_indirect_dma semaphore(%arg18 : memref<!tpu.dma_semaphore, #tpu.memory_space<semaphore_mem>>) src(%arg9 : memref<250x64xf32, #tpu.memory_space<vmem>>) dst(%dma_wait3A_301 : memref<10000x64xf32, #tpu.memory_space<vmem_shared>>)
    %dma_start3A_302 = arith.constant 12 : i32
    %dma_start3A_303 = arith.constant 0 : i32
    %dma_start3A_304 = tpu.memref_slice %arg7[%dma_start3A_302, %dma_start3A_303] : memref<40x250xi32, #tpu.memory_space<vmem>> -> memref<1x250xi32, #tpu.memory_space<vmem>>
    %dma_start3A_305 = tpu.memref_squeeze %dma_start3A_304 : memref<1x250xi32, #tpu.memory_space<vmem>> -> memref<250xi32, #tpu.memory_space<vmem>>
    %dma_start3A_306 = arith.constant 0 : i32
    %dma_start3A_307 = arith.constant 0 : i32
    %dma_start3A_308 = tpu.memref_slice %arg2[%dma_start3A_306, %dma_start3A_307] : memref<10000x64xf32, #tpu.memory_space<hbm>> -> memref<10000x64xf32, #tpu.memory_space<hbm>>
    tpu.enqueue_indirect_dma source(%dma_start3A_308 : memref<10000x64xf32, #tpu.memory_space<hbm>>) target(%arg9 : memref<250x64xf32, #tpu.memory_space<vmem>>) offsets(%dma_start3A_305 : memref<250xi32, #tpu.memory_space<vmem>>) semaphore(%arg14 : memref<!tpu.dma_semaphore, #tpu.memory_space<semaphore_mem>>)
    %dma_wait3A_309 = arith.constant 11 : i32
    %dma_wait3A_310 = arith.constant 0 : i32
    %dma_wait3A_311 = tpu.memref_slice %arg7[%dma_wait3A_309, %dma_wait3A_310] : memref<40x250xi32, #tpu.memory_space<vmem>> -> memref<1x250xi32, #tpu.memory_space<vmem>>
    %dma_wait3A_312 = tpu.memref_squeeze %dma_wait3A_311 : memref<1x250xi32, #tpu.memory_space<vmem>> -> memref<250xi32, #tpu.memory_space<vmem>>
    %dma_wait3A_313 = arith.constant 0 : i32
    %dma_wait3A_314 = arith.constant 0 : i32
    %dma_wait3A_315 = tpu.memref_slice %arg2[%dma_wait3A_313, %dma_wait3A_314] : memref<10000x64xf32, #tpu.memory_space<hbm>> -> memref<10000x64xf32, #tpu.memory_space<hbm>>
    tpu.wait_indirect_dma semaphore(%arg17 : memref<!tpu.dma_semaphore, #tpu.memory_space<semaphore_mem>>) src(%dma_wait3A_315 : memref<10000x64xf32, #tpu.memory_space<hbm>>) dst(%arg12 : memref<250x64xf32, #tpu.memory_space<vmem>>)
    %dma_start3A_316 = arith.constant 11 : i32
    %dma_start3A_317 = arith.constant 0 : i32
    %dma_start3A_318 = tpu.memref_slice %arg8[%dma_start3A_316, %dma_start3A_317] : memref<40x250xi32, #tpu.memory_space<vmem>> -> memref<1x250xi32, #tpu.memory_space<vmem>>
    %dma_start3A_319 = tpu.memref_squeeze %dma_start3A_318 : memref<1x250xi32, #tpu.memory_space<vmem>> -> memref<250xi32, #tpu.memory_space<vmem>>
    %dma_start3A_320 = arith.constant 0 : i32
    %dma_start3A_321 = arith.constant 0 : i32
    %dma_start3A_322 = tpu.memref_slice %arg13[%dma_start3A_320, %dma_start3A_321] : memref<10000x64xf32, #tpu.memory_space<vmem_shared>> -> memref<10000x64xf32, #tpu.memory_space<vmem_shared>>
    tpu.enqueue_indirect_dma source(%arg12 : memref<250x64xf32, #tpu.memory_space<vmem>>) target(%dma_start3A_322 : memref<10000x64xf32, #tpu.memory_space<vmem_shared>>) offsets(%dma_start3A_319 : memref<250xi32, #tpu.memory_space<vmem>>) semaphore(%arg21 : memref<!tpu.dma_semaphore, #tpu.memory_space<semaphore_mem>>) {add = true}
    %dma_wait3A_323 = arith.constant 9 : i32
    %dma_wait3A_324 = arith.constant 0 : i32
    %dma_wait3A_325 = tpu.memref_slice %arg8[%dma_wait3A_323, %dma_wait3A_324] : memref<40x250xi32, #tpu.memory_space<vmem>> -> memref<1x250xi32, #tpu.memory_space<vmem>>
    %dma_wait3A_326 = tpu.memref_squeeze %dma_wait3A_325 : memref<1x250xi32, #tpu.memory_space<vmem>> -> memref<250xi32, #tpu.memory_space<vmem>>
    %dma_wait3A_327 = arith.constant 0 : i32
    %dma_wait3A_328 = arith.constant 0 : i32
    %dma_wait3A_329 = tpu.memref_slice %arg13[%dma_wait3A_327, %dma_wait3A_328] : memref<10000x64xf32, #tpu.memory_space<vmem_shared>> -> memref<10000x64xf32, #tpu.memory_space<vmem_shared>>
    tpu.wait_indirect_dma semaphore(%arg19 : memref<!tpu.dma_semaphore, #tpu.memory_space<semaphore_mem>>) src(%arg10 : memref<250x64xf32, #tpu.memory_space<vmem>>) dst(%dma_wait3A_329 : memref<10000x64xf32, #tpu.memory_space<vmem_shared>>)
    %dma_start3A_330 = arith.constant 13 : i32
    %dma_start3A_331 = arith.constant 0 : i32
    %dma_start3A_332 = tpu.memref_slice %arg7[%dma_start3A_330, %dma_start3A_331] : memref<40x250xi32, #tpu.memory_space<vmem>> -> memref<1x250xi32, #tpu.memory_space<vmem>>
    %dma_start3A_333 = tpu.memref_squeeze %dma_start3A_332 : memref<1x250xi32, #tpu.memory_space<vmem>> -> memref<250xi32, #tpu.memory_space<vmem>>
    %dma_start3A_334 = arith.constant 0 : i32
    %dma_start3A_335 = arith.constant 0 : i32
    %dma_start3A_336 = tpu.memref_slice %arg2[%dma_start3A_334, %dma_start3A_335] : memref<10000x64xf32, #tpu.memory_space<hbm>> -> memref<10000x64xf32, #tpu.memory_space<hbm>>
    tpu.enqueue_indirect_dma source(%dma_start3A_336 : memref<10000x64xf32, #tpu.memory_space<hbm>>) target(%arg10 : memref<250x64xf32, #tpu.memory_space<vmem>>) offsets(%dma_start3A_333 : memref<250xi32, #tpu.memory_space<vmem>>) semaphore(%arg15 : memref<!tpu.dma_semaphore, #tpu.memory_space<semaphore_mem>>)
    %dma_wait3A_337 = arith.constant 12 : i32
    %dma_wait3A_338 = arith.constant 0 : i32
    %dma_wait3A_339 = tpu.memref_slice %arg7[%dma_wait3A_337, %dma_wait3A_338] : memref<40x250xi32, #tpu.memory_space<vmem>> -> memref<1x250xi32, #tpu.memory_space<vmem>>
    %dma_wait3A_340 = tpu.memref_squeeze %dma_wait3A_339 : memref<1x250xi32, #tpu.memory_space<vmem>> -> memref<250xi32, #tpu.memory_space<vmem>>
    %dma_wait3A_341 = arith.constant 0 : i32
    %dma_wait3A_342 = arith.constant 0 : i32
    %dma_wait3A_343 = tpu.memref_slice %arg2[%dma_wait3A_341, %dma_wait3A_342] : memref<10000x64xf32, #tpu.memory_space<hbm>> -> memref<10000x64xf32, #tpu.memory_space<hbm>>
    tpu.wait_indirect_dma semaphore(%arg14 : memref<!tpu.dma_semaphore, #tpu.memory_space<semaphore_mem>>) src(%dma_wait3A_343 : memref<10000x64xf32, #tpu.memory_space<hbm>>) dst(%arg9 : memref<250x64xf32, #tpu.memory_space<vmem>>)
    %dma_start3A_344 = arith.constant 12 : i32
    %dma_start3A_345 = arith.constant 0 : i32
    %dma_start3A_346 = tpu.memref_slice %arg8[%dma_start3A_344, %dma_start3A_345] : memref<40x250xi32, #tpu.memory_space<vmem>> -> memref<1x250xi32, #tpu.memory_space<vmem>>
    %dma_start3A_347 = tpu.memref_squeeze %dma_start3A_346 : memref<1x250xi32, #tpu.memory_space<vmem>> -> memref<250xi32, #tpu.memory_space<vmem>>
    %dma_start3A_348 = arith.constant 0 : i32
    %dma_start3A_349 = arith.constant 0 : i32
    %dma_start3A_350 = tpu.memref_slice %arg13[%dma_start3A_348, %dma_start3A_349] : memref<10000x64xf32, #tpu.memory_space<vmem_shared>> -> memref<10000x64xf32, #tpu.memory_space<vmem_shared>>
    tpu.enqueue_indirect_dma source(%arg9 : memref<250x64xf32, #tpu.memory_space<vmem>>) target(%dma_start3A_350 : memref<10000x64xf32, #tpu.memory_space<vmem_shared>>) offsets(%dma_start3A_347 : memref<250xi32, #tpu.memory_space<vmem>>) semaphore(%arg18 : memref<!tpu.dma_semaphore, #tpu.memory_space<semaphore_mem>>) {add = true}
    %dma_wait3A_351 = arith.constant 10 : i32
    %dma_wait3A_352 = arith.constant 0 : i32
    %dma_wait3A_353 = tpu.memref_slice %arg8[%dma_wait3A_351, %dma_wait3A_352] : memref<40x250xi32, #tpu.memory_space<vmem>> -> memref<1x250xi32, #tpu.memory_space<vmem>>
    %dma_wait3A_354 = tpu.memref_squeeze %dma_wait3A_353 : memref<1x250xi32, #tpu.memory_space<vmem>> -> memref<250xi32, #tpu.memory_space<vmem>>
    %dma_wait3A_355 = arith.constant 0 : i32
    %dma_wait3A_356 = arith.constant 0 : i32
    %dma_wait3A_357 = tpu.memref_slice %arg13[%dma_wait3A_355, %dma_wait3A_356] : memref<10000x64xf32, #tpu.memory_space<vmem_shared>> -> memref<10000x64xf32, #tpu.memory_space<vmem_shared>>
    tpu.wait_indirect_dma semaphore(%arg20 : memref<!tpu.dma_semaphore, #tpu.memory_space<semaphore_mem>>) src(%arg11 : memref<250x64xf32, #tpu.memory_space<vmem>>) dst(%dma_wait3A_357 : memref<10000x64xf32, #tpu.memory_space<vmem_shared>>)
    %dma_start3A_358 = arith.constant 14 : i32
    %dma_start3A_359 = arith.constant 0 : i32
    %dma_start3A_360 = tpu.memref_slice %arg7[%dma_start3A_358, %dma_start3A_359] : memref<40x250xi32, #tpu.memory_space<vmem>> -> memref<1x250xi32, #tpu.memory_space<vmem>>
    %dma_start3A_361 = tpu.memref_squeeze %dma_start3A_360 : memref<1x250xi32, #tpu.memory_space<vmem>> -> memref<250xi32, #tpu.memory_space<vmem>>
    %dma_start3A_362 = arith.constant 0 : i32
    %dma_start3A_363 = arith.constant 0 : i32
    %dma_start3A_364 = tpu.memref_slice %arg2[%dma_start3A_362, %dma_start3A_363] : memref<10000x64xf32, #tpu.memory_space<hbm>> -> memref<10000x64xf32, #tpu.memory_space<hbm>>
    tpu.enqueue_indirect_dma source(%dma_start3A_364 : memref<10000x64xf32, #tpu.memory_space<hbm>>) target(%arg11 : memref<250x64xf32, #tpu.memory_space<vmem>>) offsets(%dma_start3A_361 : memref<250xi32, #tpu.memory_space<vmem>>) semaphore(%arg16 : memref<!tpu.dma_semaphore, #tpu.memory_space<semaphore_mem>>)
    %dma_wait3A_365 = arith.constant 13 : i32
    %dma_wait3A_366 = arith.constant 0 : i32
    %dma_wait3A_367 = tpu.memref_slice %arg7[%dma_wait3A_365, %dma_wait3A_366] : memref<40x250xi32, #tpu.memory_space<vmem>> -> memref<1x250xi32, #tpu.memory_space<vmem>>
    %dma_wait3A_368 = tpu.memref_squeeze %dma_wait3A_367 : memref<1x250xi32, #tpu.memory_space<vmem>> -> memref<250xi32, #tpu.memory_space<vmem>>
    %dma_wait3A_369 = arith.constant 0 : i32
    %dma_wait3A_370 = arith.constant 0 : i32
    %dma_wait3A_371 = tpu.memref_slice %arg2[%dma_wait3A_369, %dma_wait3A_370] : memref<10000x64xf32, #tpu.memory_space<hbm>> -> memref<10000x64xf32, #tpu.memory_space<hbm>>
    tpu.wait_indirect_dma semaphore(%arg15 : memref<!tpu.dma_semaphore, #tpu.memory_space<semaphore_mem>>) src(%dma_wait3A_371 : memref<10000x64xf32, #tpu.memory_space<hbm>>) dst(%arg10 : memref<250x64xf32, #tpu.memory_space<vmem>>)
    %dma_start3A_372 = arith.constant 13 : i32
    %dma_start3A_373 = arith.constant 0 : i32
    %dma_start3A_374 = tpu.memref_slice %arg8[%dma_start3A_372, %dma_start3A_373] : memref<40x250xi32, #tpu.memory_space<vmem>> -> memref<1x250xi32, #tpu.memory_space<vmem>>
    %dma_start3A_375 = tpu.memref_squeeze %dma_start3A_374 : memref<1x250xi32, #tpu.memory_space<vmem>> -> memref<250xi32, #tpu.memory_space<vmem>>
    %dma_start3A_376 = arith.constant 0 : i32
    %dma_start3A_377 = arith.constant 0 : i32
    %dma_start3A_378 = tpu.memref_slice %arg13[%dma_start3A_376, %dma_start3A_377] : memref<10000x64xf32, #tpu.memory_space<vmem_shared>> -> memref<10000x64xf32, #tpu.memory_space<vmem_shared>>
    tpu.enqueue_indirect_dma source(%arg10 : memref<250x64xf32, #tpu.memory_space<vmem>>) target(%dma_start3A_378 : memref<10000x64xf32, #tpu.memory_space<vmem_shared>>) offsets(%dma_start3A_375 : memref<250xi32, #tpu.memory_space<vmem>>) semaphore(%arg19 : memref<!tpu.dma_semaphore, #tpu.memory_space<semaphore_mem>>) {add = true}
    %dma_wait3A_379 = arith.constant 11 : i32
    %dma_wait3A_380 = arith.constant 0 : i32
    %dma_wait3A_381 = tpu.memref_slice %arg8[%dma_wait3A_379, %dma_wait3A_380] : memref<40x250xi32, #tpu.memory_space<vmem>> -> memref<1x250xi32, #tpu.memory_space<vmem>>
    %dma_wait3A_382 = tpu.memref_squeeze %dma_wait3A_381 : memref<1x250xi32, #tpu.memory_space<vmem>> -> memref<250xi32, #tpu.memory_space<vmem>>
    %dma_wait3A_383 = arith.constant 0 : i32
    %dma_wait3A_384 = arith.constant 0 : i32
    %dma_wait3A_385 = tpu.memref_slice %arg13[%dma_wait3A_383, %dma_wait3A_384] : memref<10000x64xf32, #tpu.memory_space<vmem_shared>> -> memref<10000x64xf32, #tpu.memory_space<vmem_shared>>
    tpu.wait_indirect_dma semaphore(%arg21 : memref<!tpu.dma_semaphore, #tpu.memory_space<semaphore_mem>>) src(%arg12 : memref<250x64xf32, #tpu.memory_space<vmem>>) dst(%dma_wait3A_385 : memref<10000x64xf32, #tpu.memory_space<vmem_shared>>)
    %dma_start3A_386 = arith.constant 15 : i32
    %dma_start3A_387 = arith.constant 0 : i32
    %dma_start3A_388 = tpu.memref_slice %arg7[%dma_start3A_386, %dma_start3A_387] : memref<40x250xi32, #tpu.memory_space<vmem>> -> memref<1x250xi32, #tpu.memory_space<vmem>>
    %dma_start3A_389 = tpu.memref_squeeze %dma_start3A_388 : memref<1x250xi32, #tpu.memory_space<vmem>> -> memref<250xi32, #tpu.memory_space<vmem>>
    %dma_start3A_390 = arith.constant 0 : i32
    %dma_start3A_391 = arith.constant 0 : i32
    %dma_start3A_392 = tpu.memref_slice %arg2[%dma_start3A_390, %dma_start3A_391] : memref<10000x64xf32, #tpu.memory_space<hbm>> -> memref<10000x64xf32, #tpu.memory_space<hbm>>
    tpu.enqueue_indirect_dma source(%dma_start3A_392 : memref<10000x64xf32, #tpu.memory_space<hbm>>) target(%arg12 : memref<250x64xf32, #tpu.memory_space<vmem>>) offsets(%dma_start3A_389 : memref<250xi32, #tpu.memory_space<vmem>>) semaphore(%arg17 : memref<!tpu.dma_semaphore, #tpu.memory_space<semaphore_mem>>)
    %dma_wait3A_393 = arith.constant 14 : i32
    %dma_wait3A_394 = arith.constant 0 : i32
    %dma_wait3A_395 = tpu.memref_slice %arg7[%dma_wait3A_393, %dma_wait3A_394] : memref<40x250xi32, #tpu.memory_space<vmem>> -> memref<1x250xi32, #tpu.memory_space<vmem>>
    %dma_wait3A_396 = tpu.memref_squeeze %dma_wait3A_395 : memref<1x250xi32, #tpu.memory_space<vmem>> -> memref<250xi32, #tpu.memory_space<vmem>>
    %dma_wait3A_397 = arith.constant 0 : i32
    %dma_wait3A_398 = arith.constant 0 : i32
    %dma_wait3A_399 = tpu.memref_slice %arg2[%dma_wait3A_397, %dma_wait3A_398] : memref<10000x64xf32, #tpu.memory_space<hbm>> -> memref<10000x64xf32, #tpu.memory_space<hbm>>
    tpu.wait_indirect_dma semaphore(%arg16 : memref<!tpu.dma_semaphore, #tpu.memory_space<semaphore_mem>>) src(%dma_wait3A_399 : memref<10000x64xf32, #tpu.memory_space<hbm>>) dst(%arg11 : memref<250x64xf32, #tpu.memory_space<vmem>>)
    %dma_start3A_400 = arith.constant 14 : i32
    %dma_start3A_401 = arith.constant 0 : i32
    %dma_start3A_402 = tpu.memref_slice %arg8[%dma_start3A_400, %dma_start3A_401] : memref<40x250xi32, #tpu.memory_space<vmem>> -> memref<1x250xi32, #tpu.memory_space<vmem>>
    %dma_start3A_403 = tpu.memref_squeeze %dma_start3A_402 : memref<1x250xi32, #tpu.memory_space<vmem>> -> memref<250xi32, #tpu.memory_space<vmem>>
    %dma_start3A_404 = arith.constant 0 : i32
    %dma_start3A_405 = arith.constant 0 : i32
    %dma_start3A_406 = tpu.memref_slice %arg13[%dma_start3A_404, %dma_start3A_405] : memref<10000x64xf32, #tpu.memory_space<vmem_shared>> -> memref<10000x64xf32, #tpu.memory_space<vmem_shared>>
    tpu.enqueue_indirect_dma source(%arg11 : memref<250x64xf32, #tpu.memory_space<vmem>>) target(%dma_start3A_406 : memref<10000x64xf32, #tpu.memory_space<vmem_shared>>) offsets(%dma_start3A_403 : memref<250xi32, #tpu.memory_space<vmem>>) semaphore(%arg20 : memref<!tpu.dma_semaphore, #tpu.memory_space<semaphore_mem>>) {add = true}
    %dma_wait3A_407 = arith.constant 12 : i32
    %dma_wait3A_408 = arith.constant 0 : i32
    %dma_wait3A_409 = tpu.memref_slice %arg8[%dma_wait3A_407, %dma_wait3A_408] : memref<40x250xi32, #tpu.memory_space<vmem>> -> memref<1x250xi32, #tpu.memory_space<vmem>>
    %dma_wait3A_410 = tpu.memref_squeeze %dma_wait3A_409 : memref<1x250xi32, #tpu.memory_space<vmem>> -> memref<250xi32, #tpu.memory_space<vmem>>
    %dma_wait3A_411 = arith.constant 0 : i32
    %dma_wait3A_412 = arith.constant 0 : i32
    %dma_wait3A_413 = tpu.memref_slice %arg13[%dma_wait3A_411, %dma_wait3A_412] : memref<10000x64xf32, #tpu.memory_space<vmem_shared>> -> memref<10000x64xf32, #tpu.memory_space<vmem_shared>>
    tpu.wait_indirect_dma semaphore(%arg18 : memref<!tpu.dma_semaphore, #tpu.memory_space<semaphore_mem>>) src(%arg9 : memref<250x64xf32, #tpu.memory_space<vmem>>) dst(%dma_wait3A_413 : memref<10000x64xf32, #tpu.memory_space<vmem_shared>>)
    %dma_start3A_414 = arith.constant 16 : i32
    %dma_start3A_415 = arith.constant 0 : i32
    %dma_start3A_416 = tpu.memref_slice %arg7[%dma_start3A_414, %dma_start3A_415] : memref<40x250xi32, #tpu.memory_space<vmem>> -> memref<1x250xi32, #tpu.memory_space<vmem>>
    %dma_start3A_417 = tpu.memref_squeeze %dma_start3A_416 : memref<1x250xi32, #tpu.memory_space<vmem>> -> memref<250xi32, #tpu.memory_space<vmem>>
    %dma_start3A_418 = arith.constant 0 : i32
    %dma_start3A_419 = arith.constant 0 : i32
    %dma_start3A_420 = tpu.memref_slice %arg2[%dma_start3A_418, %dma_start3A_419] : memref<10000x64xf32, #tpu.memory_space<hbm>> -> memref<10000x64xf32, #tpu.memory_space<hbm>>
    tpu.enqueue_indirect_dma source(%dma_start3A_420 : memref<10000x64xf32, #tpu.memory_space<hbm>>) target(%arg9 : memref<250x64xf32, #tpu.memory_space<vmem>>) offsets(%dma_start3A_417 : memref<250xi32, #tpu.memory_space<vmem>>) semaphore(%arg14 : memref<!tpu.dma_semaphore, #tpu.memory_space<semaphore_mem>>)
    %dma_wait3A_421 = arith.constant 15 : i32
    %dma_wait3A_422 = arith.constant 0 : i32
    %dma_wait3A_423 = tpu.memref_slice %arg7[%dma_wait3A_421, %dma_wait3A_422] : memref<40x250xi32, #tpu.memory_space<vmem>> -> memref<1x250xi32, #tpu.memory_space<vmem>>
    %dma_wait3A_424 = tpu.memref_squeeze %dma_wait3A_423 : memref<1x250xi32, #tpu.memory_space<vmem>> -> memref<250xi32, #tpu.memory_space<vmem>>
    %dma_wait3A_425 = arith.constant 0 : i32
    %dma_wait3A_426 = arith.constant 0 : i32
    %dma_wait3A_427 = tpu.memref_slice %arg2[%dma_wait3A_425, %dma_wait3A_426] : memref<10000x64xf32, #tpu.memory_space<hbm>> -> memref<10000x64xf32, #tpu.memory_space<hbm>>
    tpu.wait_indirect_dma semaphore(%arg17 : memref<!tpu.dma_semaphore, #tpu.memory_space<semaphore_mem>>) src(%dma_wait3A_427 : memref<10000x64xf32, #tpu.memory_space<hbm>>) dst(%arg12 : memref<250x64xf32, #tpu.memory_space<vmem>>)
    %dma_start3A_428 = arith.constant 15 : i32
    %dma_start3A_429 = arith.constant 0 : i32
    %dma_start3A_430 = tpu.memref_slice %arg8[%dma_start3A_428, %dma_start3A_429] : memref<40x250xi32, #tpu.memory_space<vmem>> -> memref<1x250xi32, #tpu.memory_space<vmem>>
    %dma_start3A_431 = tpu.memref_squeeze %dma_start3A_430 : memref<1x250xi32, #tpu.memory_space<vmem>> -> memref<250xi32, #tpu.memory_space<vmem>>
    %dma_start3A_432 = arith.constant 0 : i32
    %dma_start3A_433 = arith.constant 0 : i32
    %dma_start3A_434 = tpu.memref_slice %arg13[%dma_start3A_432, %dma_start3A_433] : memref<10000x64xf32, #tpu.memory_space<vmem_shared>> -> memref<10000x64xf32, #tpu.memory_space<vmem_shared>>
    tpu.enqueue_indirect_dma source(%arg12 : memref<250x64xf32, #tpu.memory_space<vmem>>) target(%dma_start3A_434 : memref<10000x64xf32, #tpu.memory_space<vmem_shared>>) offsets(%dma_start3A_431 : memref<250xi32, #tpu.memory_space<vmem>>) semaphore(%arg21 : memref<!tpu.dma_semaphore, #tpu.memory_space<semaphore_mem>>) {add = true}
    %dma_wait3A_435 = arith.constant 13 : i32
    %dma_wait3A_436 = arith.constant 0 : i32
    %dma_wait3A_437 = tpu.memref_slice %arg8[%dma_wait3A_435, %dma_wait3A_436] : memref<40x250xi32, #tpu.memory_space<vmem>> -> memref<1x250xi32, #tpu.memory_space<vmem>>
    %dma_wait3A_438 = tpu.memref_squeeze %dma_wait3A_437 : memref<1x250xi32, #tpu.memory_space<vmem>> -> memref<250xi32, #tpu.memory_space<vmem>>
    %dma_wait3A_439 = arith.constant 0 : i32
    %dma_wait3A_440 = arith.constant 0 : i32
    %dma_wait3A_441 = tpu.memref_slice %arg13[%dma_wait3A_439, %dma_wait3A_440] : memref<10000x64xf32, #tpu.memory_space<vmem_shared>> -> memref<10000x64xf32, #tpu.memory_space<vmem_shared>>
    tpu.wait_indirect_dma semaphore(%arg19 : memref<!tpu.dma_semaphore, #tpu.memory_space<semaphore_mem>>) src(%arg10 : memref<250x64xf32, #tpu.memory_space<vmem>>) dst(%dma_wait3A_441 : memref<10000x64xf32, #tpu.memory_space<vmem_shared>>)
    %dma_start3A_442 = arith.constant 17 : i32
    %dma_start3A_443 = arith.constant 0 : i32
    %dma_start3A_444 = tpu.memref_slice %arg7[%dma_start3A_442, %dma_start3A_443] : memref<40x250xi32, #tpu.memory_space<vmem>> -> memref<1x250xi32, #tpu.memory_space<vmem>>
    %dma_start3A_445 = tpu.memref_squeeze %dma_start3A_444 : memref<1x250xi32, #tpu.memory_space<vmem>> -> memref<250xi32, #tpu.memory_space<vmem>>
    %dma_start3A_446 = arith.constant 0 : i32
    %dma_start3A_447 = arith.constant 0 : i32
    %dma_start3A_448 = tpu.memref_slice %arg2[%dma_start3A_446, %dma_start3A_447] : memref<10000x64xf32, #tpu.memory_space<hbm>> -> memref<10000x64xf32, #tpu.memory_space<hbm>>
    tpu.enqueue_indirect_dma source(%dma_start3A_448 : memref<10000x64xf32, #tpu.memory_space<hbm>>) target(%arg10 : memref<250x64xf32, #tpu.memory_space<vmem>>) offsets(%dma_start3A_445 : memref<250xi32, #tpu.memory_space<vmem>>) semaphore(%arg15 : memref<!tpu.dma_semaphore, #tpu.memory_space<semaphore_mem>>)
    %dma_wait3A_449 = arith.constant 16 : i32
    %dma_wait3A_450 = arith.constant 0 : i32
    %dma_wait3A_451 = tpu.memref_slice %arg7[%dma_wait3A_449, %dma_wait3A_450] : memref<40x250xi32, #tpu.memory_space<vmem>> -> memref<1x250xi32, #tpu.memory_space<vmem>>
    %dma_wait3A_452 = tpu.memref_squeeze %dma_wait3A_451 : memref<1x250xi32, #tpu.memory_space<vmem>> -> memref<250xi32, #tpu.memory_space<vmem>>
    %dma_wait3A_453 = arith.constant 0 : i32
    %dma_wait3A_454 = arith.constant 0 : i32
    %dma_wait3A_455 = tpu.memref_slice %arg2[%dma_wait3A_453, %dma_wait3A_454] : memref<10000x64xf32, #tpu.memory_space<hbm>> -> memref<10000x64xf32, #tpu.memory_space<hbm>>
    tpu.wait_indirect_dma semaphore(%arg14 : memref<!tpu.dma_semaphore, #tpu.memory_space<semaphore_mem>>) src(%dma_wait3A_455 : memref<10000x64xf32, #tpu.memory_space<hbm>>) dst(%arg9 : memref<250x64xf32, #tpu.memory_space<vmem>>)
    %dma_start3A_456 = arith.constant 16 : i32
    %dma_start3A_457 = arith.constant 0 : i32
    %dma_start3A_458 = tpu.memref_slice %arg8[%dma_start3A_456, %dma_start3A_457] : memref<40x250xi32, #tpu.memory_space<vmem>> -> memref<1x250xi32, #tpu.memory_space<vmem>>
    %dma_start3A_459 = tpu.memref_squeeze %dma_start3A_458 : memref<1x250xi32, #tpu.memory_space<vmem>> -> memref<250xi32, #tpu.memory_space<vmem>>
    %dma_start3A_460 = arith.constant 0 : i32
    %dma_start3A_461 = arith.constant 0 : i32
    %dma_start3A_462 = tpu.memref_slice %arg13[%dma_start3A_460, %dma_start3A_461] : memref<10000x64xf32, #tpu.memory_space<vmem_shared>> -> memref<10000x64xf32, #tpu.memory_space<vmem_shared>>
    tpu.enqueue_indirect_dma source(%arg9 : memref<250x64xf32, #tpu.memory_space<vmem>>) target(%dma_start3A_462 : memref<10000x64xf32, #tpu.memory_space<vmem_shared>>) offsets(%dma_start3A_459 : memref<250xi32, #tpu.memory_space<vmem>>) semaphore(%arg18 : memref<!tpu.dma_semaphore, #tpu.memory_space<semaphore_mem>>) {add = true}
    %dma_wait3A_463 = arith.constant 14 : i32
    %dma_wait3A_464 = arith.constant 0 : i32
    %dma_wait3A_465 = tpu.memref_slice %arg8[%dma_wait3A_463, %dma_wait3A_464] : memref<40x250xi32, #tpu.memory_space<vmem>> -> memref<1x250xi32, #tpu.memory_space<vmem>>
    %dma_wait3A_466 = tpu.memref_squeeze %dma_wait3A_465 : memref<1x250xi32, #tpu.memory_space<vmem>> -> memref<250xi32, #tpu.memory_space<vmem>>
    %dma_wait3A_467 = arith.constant 0 : i32
    %dma_wait3A_468 = arith.constant 0 : i32
    %dma_wait3A_469 = tpu.memref_slice %arg13[%dma_wait3A_467, %dma_wait3A_468] : memref<10000x64xf32, #tpu.memory_space<vmem_shared>> -> memref<10000x64xf32, #tpu.memory_space<vmem_shared>>
    tpu.wait_indirect_dma semaphore(%arg20 : memref<!tpu.dma_semaphore, #tpu.memory_space<semaphore_mem>>) src(%arg11 : memref<250x64xf32, #tpu.memory_space<vmem>>) dst(%dma_wait3A_469 : memref<10000x64xf32, #tpu.memory_space<vmem_shared>>)
    %dma_start3A_470 = arith.constant 18 : i32
    %dma_start3A_471 = arith.constant 0 : i32
    %dma_start3A_472 = tpu.memref_slice %arg7[%dma_start3A_470, %dma_start3A_471] : memref<40x250xi32, #tpu.memory_space<vmem>> -> memref<1x250xi32, #tpu.memory_space<vmem>>
    %dma_start3A_473 = tpu.memref_squeeze %dma_start3A_472 : memref<1x250xi32, #tpu.memory_space<vmem>> -> memref<250xi32, #tpu.memory_space<vmem>>
    %dma_start3A_474 = arith.constant 0 : i32
    %dma_start3A_475 = arith.constant 0 : i32
    %dma_start3A_476 = tpu.memref_slice %arg2[%dma_start3A_474, %dma_start3A_475] : memref<10000x64xf32, #tpu.memory_space<hbm>> -> memref<10000x64xf32, #tpu.memory_space<hbm>>
    tpu.enqueue_indirect_dma source(%dma_start3A_476 : memref<10000x64xf32, #tpu.memory_space<hbm>>) target(%arg11 : memref<250x64xf32, #tpu.memory_space<vmem>>) offsets(%dma_start3A_473 : memref<250xi32, #tpu.memory_space<vmem>>) semaphore(%arg16 : memref<!tpu.dma_semaphore, #tpu.memory_space<semaphore_mem>>)
    %dma_wait3A_477 = arith.constant 17 : i32
    %dma_wait3A_478 = arith.constant 0 : i32
    %dma_wait3A_479 = tpu.memref_slice %arg7[%dma_wait3A_477, %dma_wait3A_478] : memref<40x250xi32, #tpu.memory_space<vmem>> -> memref<1x250xi32, #tpu.memory_space<vmem>>
    %dma_wait3A_480 = tpu.memref_squeeze %dma_wait3A_479 : memref<1x250xi32, #tpu.memory_space<vmem>> -> memref<250xi32, #tpu.memory_space<vmem>>
    %dma_wait3A_481 = arith.constant 0 : i32
    %dma_wait3A_482 = arith.constant 0 : i32
    %dma_wait3A_483 = tpu.memref_slice %arg2[%dma_wait3A_481, %dma_wait3A_482] : memref<10000x64xf32, #tpu.memory_space<hbm>> -> memref<10000x64xf32, #tpu.memory_space<hbm>>
    tpu.wait_indirect_dma semaphore(%arg15 : memref<!tpu.dma_semaphore, #tpu.memory_space<semaphore_mem>>) src(%dma_wait3A_483 : memref<10000x64xf32, #tpu.memory_space<hbm>>) dst(%arg10 : memref<250x64xf32, #tpu.memory_space<vmem>>)
    %dma_start3A_484 = arith.constant 17 : i32
    %dma_start3A_485 = arith.constant 0 : i32
    %dma_start3A_486 = tpu.memref_slice %arg8[%dma_start3A_484, %dma_start3A_485] : memref<40x250xi32, #tpu.memory_space<vmem>> -> memref<1x250xi32, #tpu.memory_space<vmem>>
    %dma_start3A_487 = tpu.memref_squeeze %dma_start3A_486 : memref<1x250xi32, #tpu.memory_space<vmem>> -> memref<250xi32, #tpu.memory_space<vmem>>
    %dma_start3A_488 = arith.constant 0 : i32
    %dma_start3A_489 = arith.constant 0 : i32
    %dma_start3A_490 = tpu.memref_slice %arg13[%dma_start3A_488, %dma_start3A_489] : memref<10000x64xf32, #tpu.memory_space<vmem_shared>> -> memref<10000x64xf32, #tpu.memory_space<vmem_shared>>
    tpu.enqueue_indirect_dma source(%arg10 : memref<250x64xf32, #tpu.memory_space<vmem>>) target(%dma_start3A_490 : memref<10000x64xf32, #tpu.memory_space<vmem_shared>>) offsets(%dma_start3A_487 : memref<250xi32, #tpu.memory_space<vmem>>) semaphore(%arg19 : memref<!tpu.dma_semaphore, #tpu.memory_space<semaphore_mem>>) {add = true}
    %dma_wait3A_491 = arith.constant 15 : i32
    %dma_wait3A_492 = arith.constant 0 : i32
    %dma_wait3A_493 = tpu.memref_slice %arg8[%dma_wait3A_491, %dma_wait3A_492] : memref<40x250xi32, #tpu.memory_space<vmem>> -> memref<1x250xi32, #tpu.memory_space<vmem>>
    %dma_wait3A_494 = tpu.memref_squeeze %dma_wait3A_493 : memref<1x250xi32, #tpu.memory_space<vmem>> -> memref<250xi32, #tpu.memory_space<vmem>>
    %dma_wait3A_495 = arith.constant 0 : i32
    %dma_wait3A_496 = arith.constant 0 : i32
    %dma_wait3A_497 = tpu.memref_slice %arg13[%dma_wait3A_495, %dma_wait3A_496] : memref<10000x64xf32, #tpu.memory_space<vmem_shared>> -> memref<10000x64xf32, #tpu.memory_space<vmem_shared>>
    tpu.wait_indirect_dma semaphore(%arg21 : memref<!tpu.dma_semaphore, #tpu.memory_space<semaphore_mem>>) src(%arg12 : memref<250x64xf32, #tpu.memory_space<vmem>>) dst(%dma_wait3A_497 : memref<10000x64xf32, #tpu.memory_space<vmem_shared>>)
    %dma_start3A_498 = arith.constant 19 : i32
    %dma_start3A_499 = arith.constant 0 : i32
    %dma_start3A_500 = tpu.memref_slice %arg7[%dma_start3A_498, %dma_start3A_499] : memref<40x250xi32, #tpu.memory_space<vmem>> -> memref<1x250xi32, #tpu.memory_space<vmem>>
    %dma_start3A_501 = tpu.memref_squeeze %dma_start3A_500 : memref<1x250xi32, #tpu.memory_space<vmem>> -> memref<250xi32, #tpu.memory_space<vmem>>
    %dma_start3A_502 = arith.constant 0 : i32
    %dma_start3A_503 = arith.constant 0 : i32
    %dma_start3A_504 = tpu.memref_slice %arg2[%dma_start3A_502, %dma_start3A_503] : memref<10000x64xf32, #tpu.memory_space<hbm>> -> memref<10000x64xf32, #tpu.memory_space<hbm>>
    tpu.enqueue_indirect_dma source(%dma_start3A_504 : memref<10000x64xf32, #tpu.memory_space<hbm>>) target(%arg12 : memref<250x64xf32, #tpu.memory_space<vmem>>) offsets(%dma_start3A_501 : memref<250xi32, #tpu.memory_space<vmem>>) semaphore(%arg17 : memref<!tpu.dma_semaphore, #tpu.memory_space<semaphore_mem>>)
    %dma_wait3A_505 = arith.constant 18 : i32
    %dma_wait3A_506 = arith.constant 0 : i32
    %dma_wait3A_507 = tpu.memref_slice %arg7[%dma_wait3A_505, %dma_wait3A_506] : memref<40x250xi32, #tpu.memory_space<vmem>> -> memref<1x250xi32, #tpu.memory_space<vmem>>
    %dma_wait3A_508 = tpu.memref_squeeze %dma_wait3A_507 : memref<1x250xi32, #tpu.memory_space<vmem>> -> memref<250xi32, #tpu.memory_space<vmem>>
    %dma_wait3A_509 = arith.constant 0 : i32
    %dma_wait3A_510 = arith.constant 0 : i32
    %dma_wait3A_511 = tpu.memref_slice %arg2[%dma_wait3A_509, %dma_wait3A_510] : memref<10000x64xf32, #tpu.memory_space<hbm>> -> memref<10000x64xf32, #tpu.memory_space<hbm>>
    tpu.wait_indirect_dma semaphore(%arg16 : memref<!tpu.dma_semaphore, #tpu.memory_space<semaphore_mem>>) src(%dma_wait3A_511 : memref<10000x64xf32, #tpu.memory_space<hbm>>) dst(%arg11 : memref<250x64xf32, #tpu.memory_space<vmem>>)
    %dma_start3A_512 = arith.constant 18 : i32
    %dma_start3A_513 = arith.constant 0 : i32
    %dma_start3A_514 = tpu.memref_slice %arg8[%dma_start3A_512, %dma_start3A_513] : memref<40x250xi32, #tpu.memory_space<vmem>> -> memref<1x250xi32, #tpu.memory_space<vmem>>
    %dma_start3A_515 = tpu.memref_squeeze %dma_start3A_514 : memref<1x250xi32, #tpu.memory_space<vmem>> -> memref<250xi32, #tpu.memory_space<vmem>>
    %dma_start3A_516 = arith.constant 0 : i32
    %dma_start3A_517 = arith.constant 0 : i32
    %dma_start3A_518 = tpu.memref_slice %arg13[%dma_start3A_516, %dma_start3A_517] : memref<10000x64xf32, #tpu.memory_space<vmem_shared>> -> memref<10000x64xf32, #tpu.memory_space<vmem_shared>>
    tpu.enqueue_indirect_dma source(%arg11 : memref<250x64xf32, #tpu.memory_space<vmem>>) target(%dma_start3A_518 : memref<10000x64xf32, #tpu.memory_space<vmem_shared>>) offsets(%dma_start3A_515 : memref<250xi32, #tpu.memory_space<vmem>>) semaphore(%arg20 : memref<!tpu.dma_semaphore, #tpu.memory_space<semaphore_mem>>) {add = true}
    %dma_wait3A_519 = arith.constant 16 : i32
    %dma_wait3A_520 = arith.constant 0 : i32
    %dma_wait3A_521 = tpu.memref_slice %arg8[%dma_wait3A_519, %dma_wait3A_520] : memref<40x250xi32, #tpu.memory_space<vmem>> -> memref<1x250xi32, #tpu.memory_space<vmem>>
    %dma_wait3A_522 = tpu.memref_squeeze %dma_wait3A_521 : memref<1x250xi32, #tpu.memory_space<vmem>> -> memref<250xi32, #tpu.memory_space<vmem>>
    %dma_wait3A_523 = arith.constant 0 : i32
    %dma_wait3A_524 = arith.constant 0 : i32
    %dma_wait3A_525 = tpu.memref_slice %arg13[%dma_wait3A_523, %dma_wait3A_524] : memref<10000x64xf32, #tpu.memory_space<vmem_shared>> -> memref<10000x64xf32, #tpu.memory_space<vmem_shared>>
    tpu.wait_indirect_dma semaphore(%arg18 : memref<!tpu.dma_semaphore, #tpu.memory_space<semaphore_mem>>) src(%arg9 : memref<250x64xf32, #tpu.memory_space<vmem>>) dst(%dma_wait3A_525 : memref<10000x64xf32, #tpu.memory_space<vmem_shared>>)
    %dma_start3A_526 = arith.constant 20 : i32
    %dma_start3A_527 = arith.constant 0 : i32
    %dma_start3A_528 = tpu.memref_slice %arg7[%dma_start3A_526, %dma_start3A_527] : memref<40x250xi32, #tpu.memory_space<vmem>> -> memref<1x250xi32, #tpu.memory_space<vmem>>
    %dma_start3A_529 = tpu.memref_squeeze %dma_start3A_528 : memref<1x250xi32, #tpu.memory_space<vmem>> -> memref<250xi32, #tpu.memory_space<vmem>>
    %dma_start3A_530 = arith.constant 0 : i32
    %dma_start3A_531 = arith.constant 0 : i32
    %dma_start3A_532 = tpu.memref_slice %arg2[%dma_start3A_530, %dma_start3A_531] : memref<10000x64xf32, #tpu.memory_space<hbm>> -> memref<10000x64xf32, #tpu.memory_space<hbm>>
    tpu.enqueue_indirect_dma source(%dma_start3A_532 : memref<10000x64xf32, #tpu.memory_space<hbm>>) target(%arg9 : memref<250x64xf32, #tpu.memory_space<vmem>>) offsets(%dma_start3A_529 : memref<250xi32, #tpu.memory_space<vmem>>) semaphore(%arg14 : memref<!tpu.dma_semaphore, #tpu.memory_space<semaphore_mem>>)
    %dma_wait3A_533 = arith.constant 19 : i32
    %dma_wait3A_534 = arith.constant 0 : i32
    %dma_wait3A_535 = tpu.memref_slice %arg7[%dma_wait3A_533, %dma_wait3A_534] : memref<40x250xi32, #tpu.memory_space<vmem>> -> memref<1x250xi32, #tpu.memory_space<vmem>>
    %dma_wait3A_536 = tpu.memref_squeeze %dma_wait3A_535 : memref<1x250xi32, #tpu.memory_space<vmem>> -> memref<250xi32, #tpu.memory_space<vmem>>
    %dma_wait3A_537 = arith.constant 0 : i32
    %dma_wait3A_538 = arith.constant 0 : i32
    %dma_wait3A_539 = tpu.memref_slice %arg2[%dma_wait3A_537, %dma_wait3A_538] : memref<10000x64xf32, #tpu.memory_space<hbm>> -> memref<10000x64xf32, #tpu.memory_space<hbm>>
    tpu.wait_indirect_dma semaphore(%arg17 : memref<!tpu.dma_semaphore, #tpu.memory_space<semaphore_mem>>) src(%dma_wait3A_539 : memref<10000x64xf32, #tpu.memory_space<hbm>>) dst(%arg12 : memref<250x64xf32, #tpu.memory_space<vmem>>)
    %dma_start3A_540 = arith.constant 19 : i32
    %dma_start3A_541 = arith.constant 0 : i32
    %dma_start3A_542 = tpu.memref_slice %arg8[%dma_start3A_540, %dma_start3A_541] : memref<40x250xi32, #tpu.memory_space<vmem>> -> memref<1x250xi32, #tpu.memory_space<vmem>>
    %dma_start3A_543 = tpu.memref_squeeze %dma_start3A_542 : memref<1x250xi32, #tpu.memory_space<vmem>> -> memref<250xi32, #tpu.memory_space<vmem>>
    %dma_start3A_544 = arith.constant 0 : i32
    %dma_start3A_545 = arith.constant 0 : i32
    %dma_start3A_546 = tpu.memref_slice %arg13[%dma_start3A_544, %dma_start3A_545] : memref<10000x64xf32, #tpu.memory_space<vmem_shared>> -> memref<10000x64xf32, #tpu.memory_space<vmem_shared>>
    tpu.enqueue_indirect_dma source(%arg12 : memref<250x64xf32, #tpu.memory_space<vmem>>) target(%dma_start3A_546 : memref<10000x64xf32, #tpu.memory_space<vmem_shared>>) offsets(%dma_start3A_543 : memref<250xi32, #tpu.memory_space<vmem>>) semaphore(%arg21 : memref<!tpu.dma_semaphore, #tpu.memory_space<semaphore_mem>>) {add = true}
    %dma_wait3A_547 = arith.constant 17 : i32
    %dma_wait3A_548 = arith.constant 0 : i32
    %dma_wait3A_549 = tpu.memref_slice %arg8[%dma_wait3A_547, %dma_wait3A_548] : memref<40x250xi32, #tpu.memory_space<vmem>> -> memref<1x250xi32, #tpu.memory_space<vmem>>
    %dma_wait3A_550 = tpu.memref_squeeze %dma_wait3A_549 : memref<1x250xi32, #tpu.memory_space<vmem>> -> memref<250xi32, #tpu.memory_space<vmem>>
    %dma_wait3A_551 = arith.constant 0 : i32
    %dma_wait3A_552 = arith.constant 0 : i32
    %dma_wait3A_553 = tpu.memref_slice %arg13[%dma_wait3A_551, %dma_wait3A_552] : memref<10000x64xf32, #tpu.memory_space<vmem_shared>> -> memref<10000x64xf32, #tpu.memory_space<vmem_shared>>
    tpu.wait_indirect_dma semaphore(%arg19 : memref<!tpu.dma_semaphore, #tpu.memory_space<semaphore_mem>>) src(%arg10 : memref<250x64xf32, #tpu.memory_space<vmem>>) dst(%dma_wait3A_553 : memref<10000x64xf32, #tpu.memory_space<vmem_shared>>)
    %dma_start3A_554 = arith.constant 21 : i32
    %dma_start3A_555 = arith.constant 0 : i32
    %dma_start3A_556 = tpu.memref_slice %arg7[%dma_start3A_554, %dma_start3A_555] : memref<40x250xi32, #tpu.memory_space<vmem>> -> memref<1x250xi32, #tpu.memory_space<vmem>>
    %dma_start3A_557 = tpu.memref_squeeze %dma_start3A_556 : memref<1x250xi32, #tpu.memory_space<vmem>> -> memref<250xi32, #tpu.memory_space<vmem>>
    %dma_start3A_558 = arith.constant 0 : i32
    %dma_start3A_559 = arith.constant 0 : i32
    %dma_start3A_560 = tpu.memref_slice %arg2[%dma_start3A_558, %dma_start3A_559] : memref<10000x64xf32, #tpu.memory_space<hbm>> -> memref<10000x64xf32, #tpu.memory_space<hbm>>
    tpu.enqueue_indirect_dma source(%dma_start3A_560 : memref<10000x64xf32, #tpu.memory_space<hbm>>) target(%arg10 : memref<250x64xf32, #tpu.memory_space<vmem>>) offsets(%dma_start3A_557 : memref<250xi32, #tpu.memory_space<vmem>>) semaphore(%arg15 : memref<!tpu.dma_semaphore, #tpu.memory_space<semaphore_mem>>)
    %dma_wait3A_561 = arith.constant 20 : i32
    %dma_wait3A_562 = arith.constant 0 : i32
    %dma_wait3A_563 = tpu.memref_slice %arg7[%dma_wait3A_561, %dma_wait3A_562] : memref<40x250xi32, #tpu.memory_space<vmem>> -> memref<1x250xi32, #tpu.memory_space<vmem>>
    %dma_wait3A_564 = tpu.memref_squeeze %dma_wait3A_563 : memref<1x250xi32, #tpu.memory_space<vmem>> -> memref<250xi32, #tpu.memory_space<vmem>>
    %dma_wait3A_565 = arith.constant 0 : i32
    %dma_wait3A_566 = arith.constant 0 : i32
    %dma_wait3A_567 = tpu.memref_slice %arg2[%dma_wait3A_565, %dma_wait3A_566] : memref<10000x64xf32, #tpu.memory_space<hbm>> -> memref<10000x64xf32, #tpu.memory_space<hbm>>
    tpu.wait_indirect_dma semaphore(%arg14 : memref<!tpu.dma_semaphore, #tpu.memory_space<semaphore_mem>>) src(%dma_wait3A_567 : memref<10000x64xf32, #tpu.memory_space<hbm>>) dst(%arg9 : memref<250x64xf32, #tpu.memory_space<vmem>>)
    %dma_start3A_568 = arith.constant 20 : i32
    %dma_start3A_569 = arith.constant 0 : i32
    %dma_start3A_570 = tpu.memref_slice %arg8[%dma_start3A_568, %dma_start3A_569] : memref<40x250xi32, #tpu.memory_space<vmem>> -> memref<1x250xi32, #tpu.memory_space<vmem>>
    %dma_start3A_571 = tpu.memref_squeeze %dma_start3A_570 : memref<1x250xi32, #tpu.memory_space<vmem>> -> memref<250xi32, #tpu.memory_space<vmem>>
    %dma_start3A_572 = arith.constant 0 : i32
    %dma_start3A_573 = arith.constant 0 : i32
    %dma_start3A_574 = tpu.memref_slice %arg13[%dma_start3A_572, %dma_start3A_573] : memref<10000x64xf32, #tpu.memory_space<vmem_shared>> -> memref<10000x64xf32, #tpu.memory_space<vmem_shared>>
    tpu.enqueue_indirect_dma source(%arg9 : memref<250x64xf32, #tpu.memory_space<vmem>>) target(%dma_start3A_574 : memref<10000x64xf32, #tpu.memory_space<vmem_shared>>) offsets(%dma_start3A_571 : memref<250xi32, #tpu.memory_space<vmem>>) semaphore(%arg18 : memref<!tpu.dma_semaphore, #tpu.memory_space<semaphore_mem>>) {add = true}
    %dma_wait3A_575 = arith.constant 18 : i32
    %dma_wait3A_576 = arith.constant 0 : i32
    %dma_wait3A_577 = tpu.memref_slice %arg8[%dma_wait3A_575, %dma_wait3A_576] : memref<40x250xi32, #tpu.memory_space<vmem>> -> memref<1x250xi32, #tpu.memory_space<vmem>>
    %dma_wait3A_578 = tpu.memref_squeeze %dma_wait3A_577 : memref<1x250xi32, #tpu.memory_space<vmem>> -> memref<250xi32, #tpu.memory_space<vmem>>
    %dma_wait3A_579 = arith.constant 0 : i32
    %dma_wait3A_580 = arith.constant 0 : i32
    %dma_wait3A_581 = tpu.memref_slice %arg13[%dma_wait3A_579, %dma_wait3A_580] : memref<10000x64xf32, #tpu.memory_space<vmem_shared>> -> memref<10000x64xf32, #tpu.memory_space<vmem_shared>>
    tpu.wait_indirect_dma semaphore(%arg20 : memref<!tpu.dma_semaphore, #tpu.memory_space<semaphore_mem>>) src(%arg11 : memref<250x64xf32, #tpu.memory_space<vmem>>) dst(%dma_wait3A_581 : memref<10000x64xf32, #tpu.memory_space<vmem_shared>>)
    %dma_start3A_582 = arith.constant 22 : i32
    %dma_start3A_583 = arith.constant 0 : i32
    %dma_start3A_584 = tpu.memref_slice %arg7[%dma_start3A_582, %dma_start3A_583] : memref<40x250xi32, #tpu.memory_space<vmem>> -> memref<1x250xi32, #tpu.memory_space<vmem>>
    %dma_start3A_585 = tpu.memref_squeeze %dma_start3A_584 : memref<1x250xi32, #tpu.memory_space<vmem>> -> memref<250xi32, #tpu.memory_space<vmem>>
    %dma_start3A_586 = arith.constant 0 : i32
    %dma_start3A_587 = arith.constant 0 : i32
    %dma_start3A_588 = tpu.memref_slice %arg2[%dma_start3A_586, %dma_start3A_587] : memref<10000x64xf32, #tpu.memory_space<hbm>> -> memref<10000x64xf32, #tpu.memory_space<hbm>>
    tpu.enqueue_indirect_dma source(%dma_start3A_588 : memref<10000x64xf32, #tpu.memory_space<hbm>>) target(%arg11 : memref<250x64xf32, #tpu.memory_space<vmem>>) offsets(%dma_start3A_585 : memref<250xi32, #tpu.memory_space<vmem>>) semaphore(%arg16 : memref<!tpu.dma_semaphore, #tpu.memory_space<semaphore_mem>>)
    %dma_wait3A_589 = arith.constant 21 : i32
    %dma_wait3A_590 = arith.constant 0 : i32
    %dma_wait3A_591 = tpu.memref_slice %arg7[%dma_wait3A_589, %dma_wait3A_590] : memref<40x250xi32, #tpu.memory_space<vmem>> -> memref<1x250xi32, #tpu.memory_space<vmem>>
    %dma_wait3A_592 = tpu.memref_squeeze %dma_wait3A_591 : memref<1x250xi32, #tpu.memory_space<vmem>> -> memref<250xi32, #tpu.memory_space<vmem>>
    %dma_wait3A_593 = arith.constant 0 : i32
    %dma_wait3A_594 = arith.constant 0 : i32
    %dma_wait3A_595 = tpu.memref_slice %arg2[%dma_wait3A_593, %dma_wait3A_594] : memref<10000x64xf32, #tpu.memory_space<hbm>> -> memref<10000x64xf32, #tpu.memory_space<hbm>>
    tpu.wait_indirect_dma semaphore(%arg15 : memref<!tpu.dma_semaphore, #tpu.memory_space<semaphore_mem>>) src(%dma_wait3A_595 : memref<10000x64xf32, #tpu.memory_space<hbm>>) dst(%arg10 : memref<250x64xf32, #tpu.memory_space<vmem>>)
    %dma_start3A_596 = arith.constant 21 : i32
    %dma_start3A_597 = arith.constant 0 : i32
    %dma_start3A_598 = tpu.memref_slice %arg8[%dma_start3A_596, %dma_start3A_597] : memref<40x250xi32, #tpu.memory_space<vmem>> -> memref<1x250xi32, #tpu.memory_space<vmem>>
    %dma_start3A_599 = tpu.memref_squeeze %dma_start3A_598 : memref<1x250xi32, #tpu.memory_space<vmem>> -> memref<250xi32, #tpu.memory_space<vmem>>
    %dma_start3A_600 = arith.constant 0 : i32
    %dma_start3A_601 = arith.constant 0 : i32
    %dma_start3A_602 = tpu.memref_slice %arg13[%dma_start3A_600, %dma_start3A_601] : memref<10000x64xf32, #tpu.memory_space<vmem_shared>> -> memref<10000x64xf32, #tpu.memory_space<vmem_shared>>
    tpu.enqueue_indirect_dma source(%arg10 : memref<250x64xf32, #tpu.memory_space<vmem>>) target(%dma_start3A_602 : memref<10000x64xf32, #tpu.memory_space<vmem_shared>>) offsets(%dma_start3A_599 : memref<250xi32, #tpu.memory_space<vmem>>) semaphore(%arg19 : memref<!tpu.dma_semaphore, #tpu.memory_space<semaphore_mem>>) {add = true}
    %dma_wait3A_603 = arith.constant 19 : i32
    %dma_wait3A_604 = arith.constant 0 : i32
    %dma_wait3A_605 = tpu.memref_slice %arg8[%dma_wait3A_603, %dma_wait3A_604] : memref<40x250xi32, #tpu.memory_space<vmem>> -> memref<1x250xi32, #tpu.memory_space<vmem>>
    %dma_wait3A_606 = tpu.memref_squeeze %dma_wait3A_605 : memref<1x250xi32, #tpu.memory_space<vmem>> -> memref<250xi32, #tpu.memory_space<vmem>>
    %dma_wait3A_607 = arith.constant 0 : i32
    %dma_wait3A_608 = arith.constant 0 : i32
    %dma_wait3A_609 = tpu.memref_slice %arg13[%dma_wait3A_607, %dma_wait3A_608] : memref<10000x64xf32, #tpu.memory_space<vmem_shared>> -> memref<10000x64xf32, #tpu.memory_space<vmem_shared>>
    tpu.wait_indirect_dma semaphore(%arg21 : memref<!tpu.dma_semaphore, #tpu.memory_space<semaphore_mem>>) src(%arg12 : memref<250x64xf32, #tpu.memory_space<vmem>>) dst(%dma_wait3A_609 : memref<10000x64xf32, #tpu.memory_space<vmem_shared>>)
    %dma_start3A_610 = arith.constant 23 : i32
    %dma_start3A_611 = arith.constant 0 : i32
    %dma_start3A_612 = tpu.memref_slice %arg7[%dma_start3A_610, %dma_start3A_611] : memref<40x250xi32, #tpu.memory_space<vmem>> -> memref<1x250xi32, #tpu.memory_space<vmem>>
    %dma_start3A_613 = tpu.memref_squeeze %dma_start3A_612 : memref<1x250xi32, #tpu.memory_space<vmem>> -> memref<250xi32, #tpu.memory_space<vmem>>
    %dma_start3A_614 = arith.constant 0 : i32
    %dma_start3A_615 = arith.constant 0 : i32
    %dma_start3A_616 = tpu.memref_slice %arg2[%dma_start3A_614, %dma_start3A_615] : memref<10000x64xf32, #tpu.memory_space<hbm>> -> memref<10000x64xf32, #tpu.memory_space<hbm>>
    tpu.enqueue_indirect_dma source(%dma_start3A_616 : memref<10000x64xf32, #tpu.memory_space<hbm>>) target(%arg12 : memref<250x64xf32, #tpu.memory_space<vmem>>) offsets(%dma_start3A_613 : memref<250xi32, #tpu.memory_space<vmem>>) semaphore(%arg17 : memref<!tpu.dma_semaphore, #tpu.memory_space<semaphore_mem>>)
    %dma_wait3A_617 = arith.constant 22 : i32
    %dma_wait3A_618 = arith.constant 0 : i32
    %dma_wait3A_619 = tpu.memref_slice %arg7[%dma_wait3A_617, %dma_wait3A_618] : memref<40x250xi32, #tpu.memory_space<vmem>> -> memref<1x250xi32, #tpu.memory_space<vmem>>
    %dma_wait3A_620 = tpu.memref_squeeze %dma_wait3A_619 : memref<1x250xi32, #tpu.memory_space<vmem>> -> memref<250xi32, #tpu.memory_space<vmem>>
    %dma_wait3A_621 = arith.constant 0 : i32
    %dma_wait3A_622 = arith.constant 0 : i32
    %dma_wait3A_623 = tpu.memref_slice %arg2[%dma_wait3A_621, %dma_wait3A_622] : memref<10000x64xf32, #tpu.memory_space<hbm>> -> memref<10000x64xf32, #tpu.memory_space<hbm>>
    tpu.wait_indirect_dma semaphore(%arg16 : memref<!tpu.dma_semaphore, #tpu.memory_space<semaphore_mem>>) src(%dma_wait3A_623 : memref<10000x64xf32, #tpu.memory_space<hbm>>) dst(%arg11 : memref<250x64xf32, #tpu.memory_space<vmem>>)
    %dma_start3A_624 = arith.constant 22 : i32
    %dma_start3A_625 = arith.constant 0 : i32
    %dma_start3A_626 = tpu.memref_slice %arg8[%dma_start3A_624, %dma_start3A_625] : memref<40x250xi32, #tpu.memory_space<vmem>> -> memref<1x250xi32, #tpu.memory_space<vmem>>
    %dma_start3A_627 = tpu.memref_squeeze %dma_start3A_626 : memref<1x250xi32, #tpu.memory_space<vmem>> -> memref<250xi32, #tpu.memory_space<vmem>>
    %dma_start3A_628 = arith.constant 0 : i32
    %dma_start3A_629 = arith.constant 0 : i32
    %dma_start3A_630 = tpu.memref_slice %arg13[%dma_start3A_628, %dma_start3A_629] : memref<10000x64xf32, #tpu.memory_space<vmem_shared>> -> memref<10000x64xf32, #tpu.memory_space<vmem_shared>>
    tpu.enqueue_indirect_dma source(%arg11 : memref<250x64xf32, #tpu.memory_space<vmem>>) target(%dma_start3A_630 : memref<10000x64xf32, #tpu.memory_space<vmem_shared>>) offsets(%dma_start3A_627 : memref<250xi32, #tpu.memory_space<vmem>>) semaphore(%arg20 : memref<!tpu.dma_semaphore, #tpu.memory_space<semaphore_mem>>) {add = true}
    %dma_wait3A_631 = arith.constant 20 : i32
    %dma_wait3A_632 = arith.constant 0 : i32
    %dma_wait3A_633 = tpu.memref_slice %arg8[%dma_wait3A_631, %dma_wait3A_632] : memref<40x250xi32, #tpu.memory_space<vmem>> -> memref<1x250xi32, #tpu.memory_space<vmem>>
    %dma_wait3A_634 = tpu.memref_squeeze %dma_wait3A_633 : memref<1x250xi32, #tpu.memory_space<vmem>> -> memref<250xi32, #tpu.memory_space<vmem>>
    %dma_wait3A_635 = arith.constant 0 : i32
    %dma_wait3A_636 = arith.constant 0 : i32
    %dma_wait3A_637 = tpu.memref_slice %arg13[%dma_wait3A_635, %dma_wait3A_636] : memref<10000x64xf32, #tpu.memory_space<vmem_shared>> -> memref<10000x64xf32, #tpu.memory_space<vmem_shared>>
    tpu.wait_indirect_dma semaphore(%arg18 : memref<!tpu.dma_semaphore, #tpu.memory_space<semaphore_mem>>) src(%arg9 : memref<250x64xf32, #tpu.memory_space<vmem>>) dst(%dma_wait3A_637 : memref<10000x64xf32, #tpu.memory_space<vmem_shared>>)
    %dma_start3A_638 = arith.constant 24 : i32
    %dma_start3A_639 = arith.constant 0 : i32
    %dma_start3A_640 = tpu.memref_slice %arg7[%dma_start3A_638, %dma_start3A_639] : memref<40x250xi32, #tpu.memory_space<vmem>> -> memref<1x250xi32, #tpu.memory_space<vmem>>
    %dma_start3A_641 = tpu.memref_squeeze %dma_start3A_640 : memref<1x250xi32, #tpu.memory_space<vmem>> -> memref<250xi32, #tpu.memory_space<vmem>>
    %dma_start3A_642 = arith.constant 0 : i32
    %dma_start3A_643 = arith.constant 0 : i32
    %dma_start3A_644 = tpu.memref_slice %arg2[%dma_start3A_642, %dma_start3A_643] : memref<10000x64xf32, #tpu.memory_space<hbm>> -> memref<10000x64xf32, #tpu.memory_space<hbm>>
    tpu.enqueue_indirect_dma source(%dma_start3A_644 : memref<10000x64xf32, #tpu.memory_space<hbm>>) target(%arg9 : memref<250x64xf32, #tpu.memory_space<vmem>>) offsets(%dma_start3A_641 : memref<250xi32, #tpu.memory_space<vmem>>) semaphore(%arg14 : memref<!tpu.dma_semaphore, #tpu.memory_space<semaphore_mem>>)
    %dma_wait3A_645 = arith.constant 23 : i32
    %dma_wait3A_646 = arith.constant 0 : i32
    %dma_wait3A_647 = tpu.memref_slice %arg7[%dma_wait3A_645, %dma_wait3A_646] : memref<40x250xi32, #tpu.memory_space<vmem>> -> memref<1x250xi32, #tpu.memory_space<vmem>>
    %dma_wait3A_648 = tpu.memref_squeeze %dma_wait3A_647 : memref<1x250xi32, #tpu.memory_space<vmem>> -> memref<250xi32, #tpu.memory_space<vmem>>
    %dma_wait3A_649 = arith.constant 0 : i32
    %dma_wait3A_650 = arith.constant 0 : i32
    %dma_wait3A_651 = tpu.memref_slice %arg2[%dma_wait3A_649, %dma_wait3A_650] : memref<10000x64xf32, #tpu.memory_space<hbm>> -> memref<10000x64xf32, #tpu.memory_space<hbm>>
    tpu.wait_indirect_dma semaphore(%arg17 : memref<!tpu.dma_semaphore, #tpu.memory_space<semaphore_mem>>) src(%dma_wait3A_651 : memref<10000x64xf32, #tpu.memory_space<hbm>>) dst(%arg12 : memref<250x64xf32, #tpu.memory_space<vmem>>)
    %dma_start3A_652 = arith.constant 23 : i32
    %dma_start3A_653 = arith.constant 0 : i32
    %dma_start3A_654 = tpu.memref_slice %arg8[%dma_start3A_652, %dma_start3A_653] : memref<40x250xi32, #tpu.memory_space<vmem>> -> memref<1x250xi32, #tpu.memory_space<vmem>>
    %dma_start3A_655 = tpu.memref_squeeze %dma_start3A_654 : memref<1x250xi32, #tpu.memory_space<vmem>> -> memref<250xi32, #tpu.memory_space<vmem>>
    %dma_start3A_656 = arith.constant 0 : i32
    %dma_start3A_657 = arith.constant 0 : i32
    %dma_start3A_658 = tpu.memref_slice %arg13[%dma_start3A_656, %dma_start3A_657] : memref<10000x64xf32, #tpu.memory_space<vmem_shared>> -> memref<10000x64xf32, #tpu.memory_space<vmem_shared>>
    tpu.enqueue_indirect_dma source(%arg12 : memref<250x64xf32, #tpu.memory_space<vmem>>) target(%dma_start3A_658 : memref<10000x64xf32, #tpu.memory_space<vmem_shared>>) offsets(%dma_start3A_655 : memref<250xi32, #tpu.memory_space<vmem>>) semaphore(%arg21 : memref<!tpu.dma_semaphore, #tpu.memory_space<semaphore_mem>>) {add = true}
    %dma_wait3A_659 = arith.constant 21 : i32
    %dma_wait3A_660 = arith.constant 0 : i32
    %dma_wait3A_661 = tpu.memref_slice %arg8[%dma_wait3A_659, %dma_wait3A_660] : memref<40x250xi32, #tpu.memory_space<vmem>> -> memref<1x250xi32, #tpu.memory_space<vmem>>
    %dma_wait3A_662 = tpu.memref_squeeze %dma_wait3A_661 : memref<1x250xi32, #tpu.memory_space<vmem>> -> memref<250xi32, #tpu.memory_space<vmem>>
    %dma_wait3A_663 = arith.constant 0 : i32
    %dma_wait3A_664 = arith.constant 0 : i32
    %dma_wait3A_665 = tpu.memref_slice %arg13[%dma_wait3A_663, %dma_wait3A_664] : memref<10000x64xf32, #tpu.memory_space<vmem_shared>> -> memref<10000x64xf32, #tpu.memory_space<vmem_shared>>
    tpu.wait_indirect_dma semaphore(%arg19 : memref<!tpu.dma_semaphore, #tpu.memory_space<semaphore_mem>>) src(%arg10 : memref<250x64xf32, #tpu.memory_space<vmem>>) dst(%dma_wait3A_665 : memref<10000x64xf32, #tpu.memory_space<vmem_shared>>)
    %dma_start3A_666 = arith.constant 25 : i32
    %dma_start3A_667 = arith.constant 0 : i32
    %dma_start3A_668 = tpu.memref_slice %arg7[%dma_start3A_666, %dma_start3A_667] : memref<40x250xi32, #tpu.memory_space<vmem>> -> memref<1x250xi32, #tpu.memory_space<vmem>>
    %dma_start3A_669 = tpu.memref_squeeze %dma_start3A_668 : memref<1x250xi32, #tpu.memory_space<vmem>> -> memref<250xi32, #tpu.memory_space<vmem>>
    %dma_start3A_670 = arith.constant 0 : i32
    %dma_start3A_671 = arith.constant 0 : i32
    %dma_start3A_672 = tpu.memref_slice %arg2[%dma_start3A_670, %dma_start3A_671] : memref<10000x64xf32, #tpu.memory_space<hbm>> -> memref<10000x64xf32, #tpu.memory_space<hbm>>
    tpu.enqueue_indirect_dma source(%dma_start3A_672 : memref<10000x64xf32, #tpu.memory_space<hbm>>) target(%arg10 : memref<250x64xf32, #tpu.memory_space<vmem>>) offsets(%dma_start3A_669 : memref<250xi32, #tpu.memory_space<vmem>>) semaphore(%arg15 : memref<!tpu.dma_semaphore, #tpu.memory_space<semaphore_mem>>)
    %dma_wait3A_673 = arith.constant 24 : i32
    %dma_wait3A_674 = arith.constant 0 : i32
    %dma_wait3A_675 = tpu.memref_slice %arg7[%dma_wait3A_673, %dma_wait3A_674] : memref<40x250xi32, #tpu.memory_space<vmem>> -> memref<1x250xi32, #tpu.memory_space<vmem>>
    %dma_wait3A_676 = tpu.memref_squeeze %dma_wait3A_675 : memref<1x250xi32, #tpu.memory_space<vmem>> -> memref<250xi32, #tpu.memory_space<vmem>>
    %dma_wait3A_677 = arith.constant 0 : i32
    %dma_wait3A_678 = arith.constant 0 : i32
    %dma_wait3A_679 = tpu.memref_slice %arg2[%dma_wait3A_677, %dma_wait3A_678] : memref<10000x64xf32, #tpu.memory_space<hbm>> -> memref<10000x64xf32, #tpu.memory_space<hbm>>
    tpu.wait_indirect_dma semaphore(%arg14 : memref<!tpu.dma_semaphore, #tpu.memory_space<semaphore_mem>>) src(%dma_wait3A_679 : memref<10000x64xf32, #tpu.memory_space<hbm>>) dst(%arg9 : memref<250x64xf32, #tpu.memory_space<vmem>>)
    %dma_start3A_680 = arith.constant 24 : i32
    %dma_start3A_681 = arith.constant 0 : i32
    %dma_start3A_682 = tpu.memref_slice %arg8[%dma_start3A_680, %dma_start3A_681] : memref<40x250xi32, #tpu.memory_space<vmem>> -> memref<1x250xi32, #tpu.memory_space<vmem>>
    %dma_start3A_683 = tpu.memref_squeeze %dma_start3A_682 : memref<1x250xi32, #tpu.memory_space<vmem>> -> memref<250xi32, #tpu.memory_space<vmem>>
    %dma_start3A_684 = arith.constant 0 : i32
    %dma_start3A_685 = arith.constant 0 : i32
    %dma_start3A_686 = tpu.memref_slice %arg13[%dma_start3A_684, %dma_start3A_685] : memref<10000x64xf32, #tpu.memory_space<vmem_shared>> -> memref<10000x64xf32, #tpu.memory_space<vmem_shared>>
    tpu.enqueue_indirect_dma source(%arg9 : memref<250x64xf32, #tpu.memory_space<vmem>>) target(%dma_start3A_686 : memref<10000x64xf32, #tpu.memory_space<vmem_shared>>) offsets(%dma_start3A_683 : memref<250xi32, #tpu.memory_space<vmem>>) semaphore(%arg18 : memref<!tpu.dma_semaphore, #tpu.memory_space<semaphore_mem>>) {add = true}
    %dma_wait3A_687 = arith.constant 22 : i32
    %dma_wait3A_688 = arith.constant 0 : i32
    %dma_wait3A_689 = tpu.memref_slice %arg8[%dma_wait3A_687, %dma_wait3A_688] : memref<40x250xi32, #tpu.memory_space<vmem>> -> memref<1x250xi32, #tpu.memory_space<vmem>>
    %dma_wait3A_690 = tpu.memref_squeeze %dma_wait3A_689 : memref<1x250xi32, #tpu.memory_space<vmem>> -> memref<250xi32, #tpu.memory_space<vmem>>
    %dma_wait3A_691 = arith.constant 0 : i32
    %dma_wait3A_692 = arith.constant 0 : i32
    %dma_wait3A_693 = tpu.memref_slice %arg13[%dma_wait3A_691, %dma_wait3A_692] : memref<10000x64xf32, #tpu.memory_space<vmem_shared>> -> memref<10000x64xf32, #tpu.memory_space<vmem_shared>>
    tpu.wait_indirect_dma semaphore(%arg20 : memref<!tpu.dma_semaphore, #tpu.memory_space<semaphore_mem>>) src(%arg11 : memref<250x64xf32, #tpu.memory_space<vmem>>) dst(%dma_wait3A_693 : memref<10000x64xf32, #tpu.memory_space<vmem_shared>>)
    %dma_start3A_694 = arith.constant 26 : i32
    %dma_start3A_695 = arith.constant 0 : i32
    %dma_start3A_696 = tpu.memref_slice %arg7[%dma_start3A_694, %dma_start3A_695] : memref<40x250xi32, #tpu.memory_space<vmem>> -> memref<1x250xi32, #tpu.memory_space<vmem>>
    %dma_start3A_697 = tpu.memref_squeeze %dma_start3A_696 : memref<1x250xi32, #tpu.memory_space<vmem>> -> memref<250xi32, #tpu.memory_space<vmem>>
    %dma_start3A_698 = arith.constant 0 : i32
    %dma_start3A_699 = arith.constant 0 : i32
    %dma_start3A_700 = tpu.memref_slice %arg2[%dma_start3A_698, %dma_start3A_699] : memref<10000x64xf32, #tpu.memory_space<hbm>> -> memref<10000x64xf32, #tpu.memory_space<hbm>>
    tpu.enqueue_indirect_dma source(%dma_start3A_700 : memref<10000x64xf32, #tpu.memory_space<hbm>>) target(%arg11 : memref<250x64xf32, #tpu.memory_space<vmem>>) offsets(%dma_start3A_697 : memref<250xi32, #tpu.memory_space<vmem>>) semaphore(%arg16 : memref<!tpu.dma_semaphore, #tpu.memory_space<semaphore_mem>>)
    %dma_wait3A_701 = arith.constant 25 : i32
    %dma_wait3A_702 = arith.constant 0 : i32
    %dma_wait3A_703 = tpu.memref_slice %arg7[%dma_wait3A_701, %dma_wait3A_702] : memref<40x250xi32, #tpu.memory_space<vmem>> -> memref<1x250xi32, #tpu.memory_space<vmem>>
    %dma_wait3A_704 = tpu.memref_squeeze %dma_wait3A_703 : memref<1x250xi32, #tpu.memory_space<vmem>> -> memref<250xi32, #tpu.memory_space<vmem>>
    %dma_wait3A_705 = arith.constant 0 : i32
    %dma_wait3A_706 = arith.constant 0 : i32
    %dma_wait3A_707 = tpu.memref_slice %arg2[%dma_wait3A_705, %dma_wait3A_706] : memref<10000x64xf32, #tpu.memory_space<hbm>> -> memref<10000x64xf32, #tpu.memory_space<hbm>>
    tpu.wait_indirect_dma semaphore(%arg15 : memref<!tpu.dma_semaphore, #tpu.memory_space<semaphore_mem>>) src(%dma_wait3A_707 : memref<10000x64xf32, #tpu.memory_space<hbm>>) dst(%arg10 : memref<250x64xf32, #tpu.memory_space<vmem>>)
    %dma_start3A_708 = arith.constant 25 : i32
    %dma_start3A_709 = arith.constant 0 : i32
    %dma_start3A_710 = tpu.memref_slice %arg8[%dma_start3A_708, %dma_start3A_709] : memref<40x250xi32, #tpu.memory_space<vmem>> -> memref<1x250xi32, #tpu.memory_space<vmem>>
    %dma_start3A_711 = tpu.memref_squeeze %dma_start3A_710 : memref<1x250xi32, #tpu.memory_space<vmem>> -> memref<250xi32, #tpu.memory_space<vmem>>
    %dma_start3A_712 = arith.constant 0 : i32
    %dma_start3A_713 = arith.constant 0 : i32
    %dma_start3A_714 = tpu.memref_slice %arg13[%dma_start3A_712, %dma_start3A_713] : memref<10000x64xf32, #tpu.memory_space<vmem_shared>> -> memref<10000x64xf32, #tpu.memory_space<vmem_shared>>
    tpu.enqueue_indirect_dma source(%arg10 : memref<250x64xf32, #tpu.memory_space<vmem>>) target(%dma_start3A_714 : memref<10000x64xf32, #tpu.memory_space<vmem_shared>>) offsets(%dma_start3A_711 : memref<250xi32, #tpu.memory_space<vmem>>) semaphore(%arg19 : memref<!tpu.dma_semaphore, #tpu.memory_space<semaphore_mem>>) {add = true}
    %dma_wait3A_715 = arith.constant 23 : i32
    %dma_wait3A_716 = arith.constant 0 : i32
    %dma_wait3A_717 = tpu.memref_slice %arg8[%dma_wait3A_715, %dma_wait3A_716] : memref<40x250xi32, #tpu.memory_space<vmem>> -> memref<1x250xi32, #tpu.memory_space<vmem>>
    %dma_wait3A_718 = tpu.memref_squeeze %dma_wait3A_717 : memref<1x250xi32, #tpu.memory_space<vmem>> -> memref<250xi32, #tpu.memory_space<vmem>>
    %dma_wait3A_719 = arith.constant 0 : i32
    %dma_wait3A_720 = arith.constant 0 : i32
    %dma_wait3A_721 = tpu.memref_slice %arg13[%dma_wait3A_719, %dma_wait3A_720] : memref<10000x64xf32, #tpu.memory_space<vmem_shared>> -> memref<10000x64xf32, #tpu.memory_space<vmem_shared>>
    tpu.wait_indirect_dma semaphore(%arg21 : memref<!tpu.dma_semaphore, #tpu.memory_space<semaphore_mem>>) src(%arg12 : memref<250x64xf32, #tpu.memory_space<vmem>>) dst(%dma_wait3A_721 : memref<10000x64xf32, #tpu.memory_space<vmem_shared>>)
    %dma_start3A_722 = arith.constant 27 : i32
    %dma_start3A_723 = arith.constant 0 : i32
    %dma_start3A_724 = tpu.memref_slice %arg7[%dma_start3A_722, %dma_start3A_723] : memref<40x250xi32, #tpu.memory_space<vmem>> -> memref<1x250xi32, #tpu.memory_space<vmem>>
    %dma_start3A_725 = tpu.memref_squeeze %dma_start3A_724 : memref<1x250xi32, #tpu.memory_space<vmem>> -> memref<250xi32, #tpu.memory_space<vmem>>
    %dma_start3A_726 = arith.constant 0 : i32
    %dma_start3A_727 = arith.constant 0 : i32
    %dma_start3A_728 = tpu.memref_slice %arg2[%dma_start3A_726, %dma_start3A_727] : memref<10000x64xf32, #tpu.memory_space<hbm>> -> memref<10000x64xf32, #tpu.memory_space<hbm>>
    tpu.enqueue_indirect_dma source(%dma_start3A_728 : memref<10000x64xf32, #tpu.memory_space<hbm>>) target(%arg12 : memref<250x64xf32, #tpu.memory_space<vmem>>) offsets(%dma_start3A_725 : memref<250xi32, #tpu.memory_space<vmem>>) semaphore(%arg17 : memref<!tpu.dma_semaphore, #tpu.memory_space<semaphore_mem>>)
    %dma_wait3A_729 = arith.constant 26 : i32
    %dma_wait3A_730 = arith.constant 0 : i32
    %dma_wait3A_731 = tpu.memref_slice %arg7[%dma_wait3A_729, %dma_wait3A_730] : memref<40x250xi32, #tpu.memory_space<vmem>> -> memref<1x250xi32, #tpu.memory_space<vmem>>
    %dma_wait3A_732 = tpu.memref_squeeze %dma_wait3A_731 : memref<1x250xi32, #tpu.memory_space<vmem>> -> memref<250xi32, #tpu.memory_space<vmem>>
    %dma_wait3A_733 = arith.constant 0 : i32
    %dma_wait3A_734 = arith.constant 0 : i32
    %dma_wait3A_735 = tpu.memref_slice %arg2[%dma_wait3A_733, %dma_wait3A_734] : memref<10000x64xf32, #tpu.memory_space<hbm>> -> memref<10000x64xf32, #tpu.memory_space<hbm>>
    tpu.wait_indirect_dma semaphore(%arg16 : memref<!tpu.dma_semaphore, #tpu.memory_space<semaphore_mem>>) src(%dma_wait3A_735 : memref<10000x64xf32, #tpu.memory_space<hbm>>) dst(%arg11 : memref<250x64xf32, #tpu.memory_space<vmem>>)
    %dma_start3A_736 = arith.constant 26 : i32
    %dma_start3A_737 = arith.constant 0 : i32
    %dma_start3A_738 = tpu.memref_slice %arg8[%dma_start3A_736, %dma_start3A_737] : memref<40x250xi32, #tpu.memory_space<vmem>> -> memref<1x250xi32, #tpu.memory_space<vmem>>
    %dma_start3A_739 = tpu.memref_squeeze %dma_start3A_738 : memref<1x250xi32, #tpu.memory_space<vmem>> -> memref<250xi32, #tpu.memory_space<vmem>>
    %dma_start3A_740 = arith.constant 0 : i32
    %dma_start3A_741 = arith.constant 0 : i32
    %dma_start3A_742 = tpu.memref_slice %arg13[%dma_start3A_740, %dma_start3A_741] : memref<10000x64xf32, #tpu.memory_space<vmem_shared>> -> memref<10000x64xf32, #tpu.memory_space<vmem_shared>>
    tpu.enqueue_indirect_dma source(%arg11 : memref<250x64xf32, #tpu.memory_space<vmem>>) target(%dma_start3A_742 : memref<10000x64xf32, #tpu.memory_space<vmem_shared>>) offsets(%dma_start3A_739 : memref<250xi32, #tpu.memory_space<vmem>>) semaphore(%arg20 : memref<!tpu.dma_semaphore, #tpu.memory_space<semaphore_mem>>) {add = true}
    %dma_wait3A_743 = arith.constant 24 : i32
    %dma_wait3A_744 = arith.constant 0 : i32
    %dma_wait3A_745 = tpu.memref_slice %arg8[%dma_wait3A_743, %dma_wait3A_744] : memref<40x250xi32, #tpu.memory_space<vmem>> -> memref<1x250xi32, #tpu.memory_space<vmem>>
    %dma_wait3A_746 = tpu.memref_squeeze %dma_wait3A_745 : memref<1x250xi32, #tpu.memory_space<vmem>> -> memref<250xi32, #tpu.memory_space<vmem>>
    %dma_wait3A_747 = arith.constant 0 : i32
    %dma_wait3A_748 = arith.constant 0 : i32
    %dma_wait3A_749 = tpu.memref_slice %arg13[%dma_wait3A_747, %dma_wait3A_748] : memref<10000x64xf32, #tpu.memory_space<vmem_shared>> -> memref<10000x64xf32, #tpu.memory_space<vmem_shared>>
    tpu.wait_indirect_dma semaphore(%arg18 : memref<!tpu.dma_semaphore, #tpu.memory_space<semaphore_mem>>) src(%arg9 : memref<250x64xf32, #tpu.memory_space<vmem>>) dst(%dma_wait3A_749 : memref<10000x64xf32, #tpu.memory_space<vmem_shared>>)
    %dma_start3A_750 = arith.constant 28 : i32
    %dma_start3A_751 = arith.constant 0 : i32
    %dma_start3A_752 = tpu.memref_slice %arg7[%dma_start3A_750, %dma_start3A_751] : memref<40x250xi32, #tpu.memory_space<vmem>> -> memref<1x250xi32, #tpu.memory_space<vmem>>
    %dma_start3A_753 = tpu.memref_squeeze %dma_start3A_752 : memref<1x250xi32, #tpu.memory_space<vmem>> -> memref<250xi32, #tpu.memory_space<vmem>>
    %dma_start3A_754 = arith.constant 0 : i32
    %dma_start3A_755 = arith.constant 0 : i32
    %dma_start3A_756 = tpu.memref_slice %arg2[%dma_start3A_754, %dma_start3A_755] : memref<10000x64xf32, #tpu.memory_space<hbm>> -> memref<10000x64xf32, #tpu.memory_space<hbm>>
    tpu.enqueue_indirect_dma source(%dma_start3A_756 : memref<10000x64xf32, #tpu.memory_space<hbm>>) target(%arg9 : memref<250x64xf32, #tpu.memory_space<vmem>>) offsets(%dma_start3A_753 : memref<250xi32, #tpu.memory_space<vmem>>) semaphore(%arg14 : memref<!tpu.dma_semaphore, #tpu.memory_space<semaphore_mem>>)
    %dma_wait3A_757 = arith.constant 27 : i32
    %dma_wait3A_758 = arith.constant 0 : i32
    %dma_wait3A_759 = tpu.memref_slice %arg7[%dma_wait3A_757, %dma_wait3A_758] : memref<40x250xi32, #tpu.memory_space<vmem>> -> memref<1x250xi32, #tpu.memory_space<vmem>>
    %dma_wait3A_760 = tpu.memref_squeeze %dma_wait3A_759 : memref<1x250xi32, #tpu.memory_space<vmem>> -> memref<250xi32, #tpu.memory_space<vmem>>
    %dma_wait3A_761 = arith.constant 0 : i32
    %dma_wait3A_762 = arith.constant 0 : i32
    %dma_wait3A_763 = tpu.memref_slice %arg2[%dma_wait3A_761, %dma_wait3A_762] : memref<10000x64xf32, #tpu.memory_space<hbm>> -> memref<10000x64xf32, #tpu.memory_space<hbm>>
    tpu.wait_indirect_dma semaphore(%arg17 : memref<!tpu.dma_semaphore, #tpu.memory_space<semaphore_mem>>) src(%dma_wait3A_763 : memref<10000x64xf32, #tpu.memory_space<hbm>>) dst(%arg12 : memref<250x64xf32, #tpu.memory_space<vmem>>)
    %dma_start3A_764 = arith.constant 27 : i32
    %dma_start3A_765 = arith.constant 0 : i32
    %dma_start3A_766 = tpu.memref_slice %arg8[%dma_start3A_764, %dma_start3A_765] : memref<40x250xi32, #tpu.memory_space<vmem>> -> memref<1x250xi32, #tpu.memory_space<vmem>>
    %dma_start3A_767 = tpu.memref_squeeze %dma_start3A_766 : memref<1x250xi32, #tpu.memory_space<vmem>> -> memref<250xi32, #tpu.memory_space<vmem>>
    %dma_start3A_768 = arith.constant 0 : i32
    %dma_start3A_769 = arith.constant 0 : i32
    %dma_start3A_770 = tpu.memref_slice %arg13[%dma_start3A_768, %dma_start3A_769] : memref<10000x64xf32, #tpu.memory_space<vmem_shared>> -> memref<10000x64xf32, #tpu.memory_space<vmem_shared>>
    tpu.enqueue_indirect_dma source(%arg12 : memref<250x64xf32, #tpu.memory_space<vmem>>) target(%dma_start3A_770 : memref<10000x64xf32, #tpu.memory_space<vmem_shared>>) offsets(%dma_start3A_767 : memref<250xi32, #tpu.memory_space<vmem>>) semaphore(%arg21 : memref<!tpu.dma_semaphore, #tpu.memory_space<semaphore_mem>>) {add = true}
    %dma_wait3A_771 = arith.constant 25 : i32
    %dma_wait3A_772 = arith.constant 0 : i32
    %dma_wait3A_773 = tpu.memref_slice %arg8[%dma_wait3A_771, %dma_wait3A_772] : memref<40x250xi32, #tpu.memory_space<vmem>> -> memref<1x250xi32, #tpu.memory_space<vmem>>
    %dma_wait3A_774 = tpu.memref_squeeze %dma_wait3A_773 : memref<1x250xi32, #tpu.memory_space<vmem>> -> memref<250xi32, #tpu.memory_space<vmem>>
    %dma_wait3A_775 = arith.constant 0 : i32
    %dma_wait3A_776 = arith.constant 0 : i32
    %dma_wait3A_777 = tpu.memref_slice %arg13[%dma_wait3A_775, %dma_wait3A_776] : memref<10000x64xf32, #tpu.memory_space<vmem_shared>> -> memref<10000x64xf32, #tpu.memory_space<vmem_shared>>
    tpu.wait_indirect_dma semaphore(%arg19 : memref<!tpu.dma_semaphore, #tpu.memory_space<semaphore_mem>>) src(%arg10 : memref<250x64xf32, #tpu.memory_space<vmem>>) dst(%dma_wait3A_777 : memref<10000x64xf32, #tpu.memory_space<vmem_shared>>)
    %dma_start3A_778 = arith.constant 29 : i32
    %dma_start3A_779 = arith.constant 0 : i32
    %dma_start3A_780 = tpu.memref_slice %arg7[%dma_start3A_778, %dma_start3A_779] : memref<40x250xi32, #tpu.memory_space<vmem>> -> memref<1x250xi32, #tpu.memory_space<vmem>>
    %dma_start3A_781 = tpu.memref_squeeze %dma_start3A_780 : memref<1x250xi32, #tpu.memory_space<vmem>> -> memref<250xi32, #tpu.memory_space<vmem>>
    %dma_start3A_782 = arith.constant 0 : i32
    %dma_start3A_783 = arith.constant 0 : i32
    %dma_start3A_784 = tpu.memref_slice %arg2[%dma_start3A_782, %dma_start3A_783] : memref<10000x64xf32, #tpu.memory_space<hbm>> -> memref<10000x64xf32, #tpu.memory_space<hbm>>
    tpu.enqueue_indirect_dma source(%dma_start3A_784 : memref<10000x64xf32, #tpu.memory_space<hbm>>) target(%arg10 : memref<250x64xf32, #tpu.memory_space<vmem>>) offsets(%dma_start3A_781 : memref<250xi32, #tpu.memory_space<vmem>>) semaphore(%arg15 : memref<!tpu.dma_semaphore, #tpu.memory_space<semaphore_mem>>)
    %dma_wait3A_785 = arith.constant 28 : i32
    %dma_wait3A_786 = arith.constant 0 : i32
    %dma_wait3A_787 = tpu.memref_slice %arg7[%dma_wait3A_785, %dma_wait3A_786] : memref<40x250xi32, #tpu.memory_space<vmem>> -> memref<1x250xi32, #tpu.memory_space<vmem>>
    %dma_wait3A_788 = tpu.memref_squeeze %dma_wait3A_787 : memref<1x250xi32, #tpu.memory_space<vmem>> -> memref<250xi32, #tpu.memory_space<vmem>>
    %dma_wait3A_789 = arith.constant 0 : i32
    %dma_wait3A_790 = arith.constant 0 : i32
    %dma_wait3A_791 = tpu.memref_slice %arg2[%dma_wait3A_789, %dma_wait3A_790] : memref<10000x64xf32, #tpu.memory_space<hbm>> -> memref<10000x64xf32, #tpu.memory_space<hbm>>
    tpu.wait_indirect_dma semaphore(%arg14 : memref<!tpu.dma_semaphore, #tpu.memory_space<semaphore_mem>>) src(%dma_wait3A_791 : memref<10000x64xf32, #tpu.memory_space<hbm>>) dst(%arg9 : memref<250x64xf32, #tpu.memory_space<vmem>>)
    %dma_start3A_792 = arith.constant 28 : i32
    %dma_start3A_793 = arith.constant 0 : i32
    %dma_start3A_794 = tpu.memref_slice %arg8[%dma_start3A_792, %dma_start3A_793] : memref<40x250xi32, #tpu.memory_space<vmem>> -> memref<1x250xi32, #tpu.memory_space<vmem>>
    %dma_start3A_795 = tpu.memref_squeeze %dma_start3A_794 : memref<1x250xi32, #tpu.memory_space<vmem>> -> memref<250xi32, #tpu.memory_space<vmem>>
    %dma_start3A_796 = arith.constant 0 : i32
    %dma_start3A_797 = arith.constant 0 : i32
    %dma_start3A_798 = tpu.memref_slice %arg13[%dma_start3A_796, %dma_start3A_797] : memref<10000x64xf32, #tpu.memory_space<vmem_shared>> -> memref<10000x64xf32, #tpu.memory_space<vmem_shared>>
    tpu.enqueue_indirect_dma source(%arg9 : memref<250x64xf32, #tpu.memory_space<vmem>>) target(%dma_start3A_798 : memref<10000x64xf32, #tpu.memory_space<vmem_shared>>) offsets(%dma_start3A_795 : memref<250xi32, #tpu.memory_space<vmem>>) semaphore(%arg18 : memref<!tpu.dma_semaphore, #tpu.memory_space<semaphore_mem>>) {add = true}
    %dma_wait3A_799 = arith.constant 26 : i32
    %dma_wait3A_800 = arith.constant 0 : i32
    %dma_wait3A_801 = tpu.memref_slice %arg8[%dma_wait3A_799, %dma_wait3A_800] : memref<40x250xi32, #tpu.memory_space<vmem>> -> memref<1x250xi32, #tpu.memory_space<vmem>>
    %dma_wait3A_802 = tpu.memref_squeeze %dma_wait3A_801 : memref<1x250xi32, #tpu.memory_space<vmem>> -> memref<250xi32, #tpu.memory_space<vmem>>
    %dma_wait3A_803 = arith.constant 0 : i32
    %dma_wait3A_804 = arith.constant 0 : i32
    %dma_wait3A_805 = tpu.memref_slice %arg13[%dma_wait3A_803, %dma_wait3A_804] : memref<10000x64xf32, #tpu.memory_space<vmem_shared>> -> memref<10000x64xf32, #tpu.memory_space<vmem_shared>>
    tpu.wait_indirect_dma semaphore(%arg20 : memref<!tpu.dma_semaphore, #tpu.memory_space<semaphore_mem>>) src(%arg11 : memref<250x64xf32, #tpu.memory_space<vmem>>) dst(%dma_wait3A_805 : memref<10000x64xf32, #tpu.memory_space<vmem_shared>>)
    %dma_start3A_806 = arith.constant 30 : i32
    %dma_start3A_807 = arith.constant 0 : i32
    %dma_start3A_808 = tpu.memref_slice %arg7[%dma_start3A_806, %dma_start3A_807] : memref<40x250xi32, #tpu.memory_space<vmem>> -> memref<1x250xi32, #tpu.memory_space<vmem>>
    %dma_start3A_809 = tpu.memref_squeeze %dma_start3A_808 : memref<1x250xi32, #tpu.memory_space<vmem>> -> memref<250xi32, #tpu.memory_space<vmem>>
    %dma_start3A_810 = arith.constant 0 : i32
    %dma_start3A_811 = arith.constant 0 : i32
    %dma_start3A_812 = tpu.memref_slice %arg2[%dma_start3A_810, %dma_start3A_811] : memref<10000x64xf32, #tpu.memory_space<hbm>> -> memref<10000x64xf32, #tpu.memory_space<hbm>>
    tpu.enqueue_indirect_dma source(%dma_start3A_812 : memref<10000x64xf32, #tpu.memory_space<hbm>>) target(%arg11 : memref<250x64xf32, #tpu.memory_space<vmem>>) offsets(%dma_start3A_809 : memref<250xi32, #tpu.memory_space<vmem>>) semaphore(%arg16 : memref<!tpu.dma_semaphore, #tpu.memory_space<semaphore_mem>>)
    %dma_wait3A_813 = arith.constant 29 : i32
    %dma_wait3A_814 = arith.constant 0 : i32
    %dma_wait3A_815 = tpu.memref_slice %arg7[%dma_wait3A_813, %dma_wait3A_814] : memref<40x250xi32, #tpu.memory_space<vmem>> -> memref<1x250xi32, #tpu.memory_space<vmem>>
    %dma_wait3A_816 = tpu.memref_squeeze %dma_wait3A_815 : memref<1x250xi32, #tpu.memory_space<vmem>> -> memref<250xi32, #tpu.memory_space<vmem>>
    %dma_wait3A_817 = arith.constant 0 : i32
    %dma_wait3A_818 = arith.constant 0 : i32
    %dma_wait3A_819 = tpu.memref_slice %arg2[%dma_wait3A_817, %dma_wait3A_818] : memref<10000x64xf32, #tpu.memory_space<hbm>> -> memref<10000x64xf32, #tpu.memory_space<hbm>>
    tpu.wait_indirect_dma semaphore(%arg15 : memref<!tpu.dma_semaphore, #tpu.memory_space<semaphore_mem>>) src(%dma_wait3A_819 : memref<10000x64xf32, #tpu.memory_space<hbm>>) dst(%arg10 : memref<250x64xf32, #tpu.memory_space<vmem>>)
    %dma_start3A_820 = arith.constant 29 : i32
    %dma_start3A_821 = arith.constant 0 : i32
    %dma_start3A_822 = tpu.memref_slice %arg8[%dma_start3A_820, %dma_start3A_821] : memref<40x250xi32, #tpu.memory_space<vmem>> -> memref<1x250xi32, #tpu.memory_space<vmem>>
    %dma_start3A_823 = tpu.memref_squeeze %dma_start3A_822 : memref<1x250xi32, #tpu.memory_space<vmem>> -> memref<250xi32, #tpu.memory_space<vmem>>
    %dma_start3A_824 = arith.constant 0 : i32
    %dma_start3A_825 = arith.constant 0 : i32
    %dma_start3A_826 = tpu.memref_slice %arg13[%dma_start3A_824, %dma_start3A_825] : memref<10000x64xf32, #tpu.memory_space<vmem_shared>> -> memref<10000x64xf32, #tpu.memory_space<vmem_shared>>
    tpu.enqueue_indirect_dma source(%arg10 : memref<250x64xf32, #tpu.memory_space<vmem>>) target(%dma_start3A_826 : memref<10000x64xf32, #tpu.memory_space<vmem_shared>>) offsets(%dma_start3A_823 : memref<250xi32, #tpu.memory_space<vmem>>) semaphore(%arg19 : memref<!tpu.dma_semaphore, #tpu.memory_space<semaphore_mem>>) {add = true}
    %dma_wait3A_827 = arith.constant 27 : i32
    %dma_wait3A_828 = arith.constant 0 : i32
    %dma_wait3A_829 = tpu.memref_slice %arg8[%dma_wait3A_827, %dma_wait3A_828] : memref<40x250xi32, #tpu.memory_space<vmem>> -> memref<1x250xi32, #tpu.memory_space<vmem>>
    %dma_wait3A_830 = tpu.memref_squeeze %dma_wait3A_829 : memref<1x250xi32, #tpu.memory_space<vmem>> -> memref<250xi32, #tpu.memory_space<vmem>>
    %dma_wait3A_831 = arith.constant 0 : i32
    %dma_wait3A_832 = arith.constant 0 : i32
    %dma_wait3A_833 = tpu.memref_slice %arg13[%dma_wait3A_831, %dma_wait3A_832] : memref<10000x64xf32, #tpu.memory_space<vmem_shared>> -> memref<10000x64xf32, #tpu.memory_space<vmem_shared>>
    tpu.wait_indirect_dma semaphore(%arg21 : memref<!tpu.dma_semaphore, #tpu.memory_space<semaphore_mem>>) src(%arg12 : memref<250x64xf32, #tpu.memory_space<vmem>>) dst(%dma_wait3A_833 : memref<10000x64xf32, #tpu.memory_space<vmem_shared>>)
    %dma_start3A_834 = arith.constant 31 : i32
    %dma_start3A_835 = arith.constant 0 : i32
    %dma_start3A_836 = tpu.memref_slice %arg7[%dma_start3A_834, %dma_start3A_835] : memref<40x250xi32, #tpu.memory_space<vmem>> -> memref<1x250xi32, #tpu.memory_space<vmem>>
    %dma_start3A_837 = tpu.memref_squeeze %dma_start3A_836 : memref<1x250xi32, #tpu.memory_space<vmem>> -> memref<250xi32, #tpu.memory_space<vmem>>
    %dma_start3A_838 = arith.constant 0 : i32
    %dma_start3A_839 = arith.constant 0 : i32
    %dma_start3A_840 = tpu.memref_slice %arg2[%dma_start3A_838, %dma_start3A_839] : memref<10000x64xf32, #tpu.memory_space<hbm>> -> memref<10000x64xf32, #tpu.memory_space<hbm>>
    tpu.enqueue_indirect_dma source(%dma_start3A_840 : memref<10000x64xf32, #tpu.memory_space<hbm>>) target(%arg12 : memref<250x64xf32, #tpu.memory_space<vmem>>) offsets(%dma_start3A_837 : memref<250xi32, #tpu.memory_space<vmem>>) semaphore(%arg17 : memref<!tpu.dma_semaphore, #tpu.memory_space<semaphore_mem>>)
    %dma_wait3A_841 = arith.constant 30 : i32
    %dma_wait3A_842 = arith.constant 0 : i32
    %dma_wait3A_843 = tpu.memref_slice %arg7[%dma_wait3A_841, %dma_wait3A_842] : memref<40x250xi32, #tpu.memory_space<vmem>> -> memref<1x250xi32, #tpu.memory_space<vmem>>
    %dma_wait3A_844 = tpu.memref_squeeze %dma_wait3A_843 : memref<1x250xi32, #tpu.memory_space<vmem>> -> memref<250xi32, #tpu.memory_space<vmem>>
    %dma_wait3A_845 = arith.constant 0 : i32
    %dma_wait3A_846 = arith.constant 0 : i32
    %dma_wait3A_847 = tpu.memref_slice %arg2[%dma_wait3A_845, %dma_wait3A_846] : memref<10000x64xf32, #tpu.memory_space<hbm>> -> memref<10000x64xf32, #tpu.memory_space<hbm>>
    tpu.wait_indirect_dma semaphore(%arg16 : memref<!tpu.dma_semaphore, #tpu.memory_space<semaphore_mem>>) src(%dma_wait3A_847 : memref<10000x64xf32, #tpu.memory_space<hbm>>) dst(%arg11 : memref<250x64xf32, #tpu.memory_space<vmem>>)
    %dma_start3A_848 = arith.constant 30 : i32
    %dma_start3A_849 = arith.constant 0 : i32
    %dma_start3A_850 = tpu.memref_slice %arg8[%dma_start3A_848, %dma_start3A_849] : memref<40x250xi32, #tpu.memory_space<vmem>> -> memref<1x250xi32, #tpu.memory_space<vmem>>
    %dma_start3A_851 = tpu.memref_squeeze %dma_start3A_850 : memref<1x250xi32, #tpu.memory_space<vmem>> -> memref<250xi32, #tpu.memory_space<vmem>>
    %dma_start3A_852 = arith.constant 0 : i32
    %dma_start3A_853 = arith.constant 0 : i32
    %dma_start3A_854 = tpu.memref_slice %arg13[%dma_start3A_852, %dma_start3A_853] : memref<10000x64xf32, #tpu.memory_space<vmem_shared>> -> memref<10000x64xf32, #tpu.memory_space<vmem_shared>>
    tpu.enqueue_indirect_dma source(%arg11 : memref<250x64xf32, #tpu.memory_space<vmem>>) target(%dma_start3A_854 : memref<10000x64xf32, #tpu.memory_space<vmem_shared>>) offsets(%dma_start3A_851 : memref<250xi32, #tpu.memory_space<vmem>>) semaphore(%arg20 : memref<!tpu.dma_semaphore, #tpu.memory_space<semaphore_mem>>) {add = true}
    %dma_wait3A_855 = arith.constant 28 : i32
    %dma_wait3A_856 = arith.constant 0 : i32
    %dma_wait3A_857 = tpu.memref_slice %arg8[%dma_wait3A_855, %dma_wait3A_856] : memref<40x250xi32, #tpu.memory_space<vmem>> -> memref<1x250xi32, #tpu.memory_space<vmem>>
    %dma_wait3A_858 = tpu.memref_squeeze %dma_wait3A_857 : memref<1x250xi32, #tpu.memory_space<vmem>> -> memref<250xi32, #tpu.memory_space<vmem>>
    %dma_wait3A_859 = arith.constant 0 : i32
    %dma_wait3A_860 = arith.constant 0 : i32
    %dma_wait3A_861 = tpu.memref_slice %arg13[%dma_wait3A_859, %dma_wait3A_860] : memref<10000x64xf32, #tpu.memory_space<vmem_shared>> -> memref<10000x64xf32, #tpu.memory_space<vmem_shared>>
    tpu.wait_indirect_dma semaphore(%arg18 : memref<!tpu.dma_semaphore, #tpu.memory_space<semaphore_mem>>) src(%arg9 : memref<250x64xf32, #tpu.memory_space<vmem>>) dst(%dma_wait3A_861 : memref<10000x64xf32, #tpu.memory_space<vmem_shared>>)
    %dma_start3A_862 = arith.constant 32 : i32
    %dma_start3A_863 = arith.constant 0 : i32
    %dma_start3A_864 = tpu.memref_slice %arg7[%dma_start3A_862, %dma_start3A_863] : memref<40x250xi32, #tpu.memory_space<vmem>> -> memref<1x250xi32, #tpu.memory_space<vmem>>
    %dma_start3A_865 = tpu.memref_squeeze %dma_start3A_864 : memref<1x250xi32, #tpu.memory_space<vmem>> -> memref<250xi32, #tpu.memory_space<vmem>>
    %dma_start3A_866 = arith.constant 0 : i32
    %dma_start3A_867 = arith.constant 0 : i32
    %dma_start3A_868 = tpu.memref_slice %arg2[%dma_start3A_866, %dma_start3A_867] : memref<10000x64xf32, #tpu.memory_space<hbm>> -> memref<10000x64xf32, #tpu.memory_space<hbm>>
    tpu.enqueue_indirect_dma source(%dma_start3A_868 : memref<10000x64xf32, #tpu.memory_space<hbm>>) target(%arg9 : memref<250x64xf32, #tpu.memory_space<vmem>>) offsets(%dma_start3A_865 : memref<250xi32, #tpu.memory_space<vmem>>) semaphore(%arg14 : memref<!tpu.dma_semaphore, #tpu.memory_space<semaphore_mem>>)
    %dma_wait3A_869 = arith.constant 31 : i32
    %dma_wait3A_870 = arith.constant 0 : i32
    %dma_wait3A_871 = tpu.memref_slice %arg7[%dma_wait3A_869, %dma_wait3A_870] : memref<40x250xi32, #tpu.memory_space<vmem>> -> memref<1x250xi32, #tpu.memory_space<vmem>>
    %dma_wait3A_872 = tpu.memref_squeeze %dma_wait3A_871 : memref<1x250xi32, #tpu.memory_space<vmem>> -> memref<250xi32, #tpu.memory_space<vmem>>
    %dma_wait3A_873 = arith.constant 0 : i32
    %dma_wait3A_874 = arith.constant 0 : i32
    %dma_wait3A_875 = tpu.memref_slice %arg2[%dma_wait3A_873, %dma_wait3A_874] : memref<10000x64xf32, #tpu.memory_space<hbm>> -> memref<10000x64xf32, #tpu.memory_space<hbm>>
    tpu.wait_indirect_dma semaphore(%arg17 : memref<!tpu.dma_semaphore, #tpu.memory_space<semaphore_mem>>) src(%dma_wait3A_875 : memref<10000x64xf32, #tpu.memory_space<hbm>>) dst(%arg12 : memref<250x64xf32, #tpu.memory_space<vmem>>)
    %dma_start3A_876 = arith.constant 31 : i32
    %dma_start3A_877 = arith.constant 0 : i32
    %dma_start3A_878 = tpu.memref_slice %arg8[%dma_start3A_876, %dma_start3A_877] : memref<40x250xi32, #tpu.memory_space<vmem>> -> memref<1x250xi32, #tpu.memory_space<vmem>>
    %dma_start3A_879 = tpu.memref_squeeze %dma_start3A_878 : memref<1x250xi32, #tpu.memory_space<vmem>> -> memref<250xi32, #tpu.memory_space<vmem>>
    %dma_start3A_880 = arith.constant 0 : i32
    %dma_start3A_881 = arith.constant 0 : i32
    %dma_start3A_882 = tpu.memref_slice %arg13[%dma_start3A_880, %dma_start3A_881] : memref<10000x64xf32, #tpu.memory_space<vmem_shared>> -> memref<10000x64xf32, #tpu.memory_space<vmem_shared>>
    tpu.enqueue_indirect_dma source(%arg12 : memref<250x64xf32, #tpu.memory_space<vmem>>) target(%dma_start3A_882 : memref<10000x64xf32, #tpu.memory_space<vmem_shared>>) offsets(%dma_start3A_879 : memref<250xi32, #tpu.memory_space<vmem>>) semaphore(%arg21 : memref<!tpu.dma_semaphore, #tpu.memory_space<semaphore_mem>>) {add = true}
    %dma_wait3A_883 = arith.constant 29 : i32
    %dma_wait3A_884 = arith.constant 0 : i32
    %dma_wait3A_885 = tpu.memref_slice %arg8[%dma_wait3A_883, %dma_wait3A_884] : memref<40x250xi32, #tpu.memory_space<vmem>> -> memref<1x250xi32, #tpu.memory_space<vmem>>
    %dma_wait3A_886 = tpu.memref_squeeze %dma_wait3A_885 : memref<1x250xi32, #tpu.memory_space<vmem>> -> memref<250xi32, #tpu.memory_space<vmem>>
    %dma_wait3A_887 = arith.constant 0 : i32
    %dma_wait3A_888 = arith.constant 0 : i32
    %dma_wait3A_889 = tpu.memref_slice %arg13[%dma_wait3A_887, %dma_wait3A_888] : memref<10000x64xf32, #tpu.memory_space<vmem_shared>> -> memref<10000x64xf32, #tpu.memory_space<vmem_shared>>
    tpu.wait_indirect_dma semaphore(%arg19 : memref<!tpu.dma_semaphore, #tpu.memory_space<semaphore_mem>>) src(%arg10 : memref<250x64xf32, #tpu.memory_space<vmem>>) dst(%dma_wait3A_889 : memref<10000x64xf32, #tpu.memory_space<vmem_shared>>)
    %dma_start3A_890 = arith.constant 33 : i32
    %dma_start3A_891 = arith.constant 0 : i32
    %dma_start3A_892 = tpu.memref_slice %arg7[%dma_start3A_890, %dma_start3A_891] : memref<40x250xi32, #tpu.memory_space<vmem>> -> memref<1x250xi32, #tpu.memory_space<vmem>>
    %dma_start3A_893 = tpu.memref_squeeze %dma_start3A_892 : memref<1x250xi32, #tpu.memory_space<vmem>> -> memref<250xi32, #tpu.memory_space<vmem>>
    %dma_start3A_894 = arith.constant 0 : i32
    %dma_start3A_895 = arith.constant 0 : i32
    %dma_start3A_896 = tpu.memref_slice %arg2[%dma_start3A_894, %dma_start3A_895] : memref<10000x64xf32, #tpu.memory_space<hbm>> -> memref<10000x64xf32, #tpu.memory_space<hbm>>
    tpu.enqueue_indirect_dma source(%dma_start3A_896 : memref<10000x64xf32, #tpu.memory_space<hbm>>) target(%arg10 : memref<250x64xf32, #tpu.memory_space<vmem>>) offsets(%dma_start3A_893 : memref<250xi32, #tpu.memory_space<vmem>>) semaphore(%arg15 : memref<!tpu.dma_semaphore, #tpu.memory_space<semaphore_mem>>)
    %dma_wait3A_897 = arith.constant 32 : i32
    %dma_wait3A_898 = arith.constant 0 : i32
    %dma_wait3A_899 = tpu.memref_slice %arg7[%dma_wait3A_897, %dma_wait3A_898] : memref<40x250xi32, #tpu.memory_space<vmem>> -> memref<1x250xi32, #tpu.memory_space<vmem>>
    %dma_wait3A_900 = tpu.memref_squeeze %dma_wait3A_899 : memref<1x250xi32, #tpu.memory_space<vmem>> -> memref<250xi32, #tpu.memory_space<vmem>>
    %dma_wait3A_901 = arith.constant 0 : i32
    %dma_wait3A_902 = arith.constant 0 : i32
    %dma_wait3A_903 = tpu.memref_slice %arg2[%dma_wait3A_901, %dma_wait3A_902] : memref<10000x64xf32, #tpu.memory_space<hbm>> -> memref<10000x64xf32, #tpu.memory_space<hbm>>
    tpu.wait_indirect_dma semaphore(%arg14 : memref<!tpu.dma_semaphore, #tpu.memory_space<semaphore_mem>>) src(%dma_wait3A_903 : memref<10000x64xf32, #tpu.memory_space<hbm>>) dst(%arg9 : memref<250x64xf32, #tpu.memory_space<vmem>>)
    %dma_start3A_904 = arith.constant 32 : i32
    %dma_start3A_905 = arith.constant 0 : i32
    %dma_start3A_906 = tpu.memref_slice %arg8[%dma_start3A_904, %dma_start3A_905] : memref<40x250xi32, #tpu.memory_space<vmem>> -> memref<1x250xi32, #tpu.memory_space<vmem>>
    %dma_start3A_907 = tpu.memref_squeeze %dma_start3A_906 : memref<1x250xi32, #tpu.memory_space<vmem>> -> memref<250xi32, #tpu.memory_space<vmem>>
    %dma_start3A_908 = arith.constant 0 : i32
    %dma_start3A_909 = arith.constant 0 : i32
    %dma_start3A_910 = tpu.memref_slice %arg13[%dma_start3A_908, %dma_start3A_909] : memref<10000x64xf32, #tpu.memory_space<vmem_shared>> -> memref<10000x64xf32, #tpu.memory_space<vmem_shared>>
    tpu.enqueue_indirect_dma source(%arg9 : memref<250x64xf32, #tpu.memory_space<vmem>>) target(%dma_start3A_910 : memref<10000x64xf32, #tpu.memory_space<vmem_shared>>) offsets(%dma_start3A_907 : memref<250xi32, #tpu.memory_space<vmem>>) semaphore(%arg18 : memref<!tpu.dma_semaphore, #tpu.memory_space<semaphore_mem>>) {add = true}
    %dma_wait3A_911 = arith.constant 30 : i32
    %dma_wait3A_912 = arith.constant 0 : i32
    %dma_wait3A_913 = tpu.memref_slice %arg8[%dma_wait3A_911, %dma_wait3A_912] : memref<40x250xi32, #tpu.memory_space<vmem>> -> memref<1x250xi32, #tpu.memory_space<vmem>>
    %dma_wait3A_914 = tpu.memref_squeeze %dma_wait3A_913 : memref<1x250xi32, #tpu.memory_space<vmem>> -> memref<250xi32, #tpu.memory_space<vmem>>
    %dma_wait3A_915 = arith.constant 0 : i32
    %dma_wait3A_916 = arith.constant 0 : i32
    %dma_wait3A_917 = tpu.memref_slice %arg13[%dma_wait3A_915, %dma_wait3A_916] : memref<10000x64xf32, #tpu.memory_space<vmem_shared>> -> memref<10000x64xf32, #tpu.memory_space<vmem_shared>>
    tpu.wait_indirect_dma semaphore(%arg20 : memref<!tpu.dma_semaphore, #tpu.memory_space<semaphore_mem>>) src(%arg11 : memref<250x64xf32, #tpu.memory_space<vmem>>) dst(%dma_wait3A_917 : memref<10000x64xf32, #tpu.memory_space<vmem_shared>>)
    %dma_start3A_918 = arith.constant 34 : i32
    %dma_start3A_919 = arith.constant 0 : i32
    %dma_start3A_920 = tpu.memref_slice %arg7[%dma_start3A_918, %dma_start3A_919] : memref<40x250xi32, #tpu.memory_space<vmem>> -> memref<1x250xi32, #tpu.memory_space<vmem>>
    %dma_start3A_921 = tpu.memref_squeeze %dma_start3A_920 : memref<1x250xi32, #tpu.memory_space<vmem>> -> memref<250xi32, #tpu.memory_space<vmem>>
    %dma_start3A_922 = arith.constant 0 : i32
    %dma_start3A_923 = arith.constant 0 : i32
    %dma_start3A_924 = tpu.memref_slice %arg2[%dma_start3A_922, %dma_start3A_923] : memref<10000x64xf32, #tpu.memory_space<hbm>> -> memref<10000x64xf32, #tpu.memory_space<hbm>>
    tpu.enqueue_indirect_dma source(%dma_start3A_924 : memref<10000x64xf32, #tpu.memory_space<hbm>>) target(%arg11 : memref<250x64xf32, #tpu.memory_space<vmem>>) offsets(%dma_start3A_921 : memref<250xi32, #tpu.memory_space<vmem>>) semaphore(%arg16 : memref<!tpu.dma_semaphore, #tpu.memory_space<semaphore_mem>>)
    %dma_wait3A_925 = arith.constant 33 : i32
    %dma_wait3A_926 = arith.constant 0 : i32
    %dma_wait3A_927 = tpu.memref_slice %arg7[%dma_wait3A_925, %dma_wait3A_926] : memref<40x250xi32, #tpu.memory_space<vmem>> -> memref<1x250xi32, #tpu.memory_space<vmem>>
    %dma_wait3A_928 = tpu.memref_squeeze %dma_wait3A_927 : memref<1x250xi32, #tpu.memory_space<vmem>> -> memref<250xi32, #tpu.memory_space<vmem>>
    %dma_wait3A_929 = arith.constant 0 : i32
    %dma_wait3A_930 = arith.constant 0 : i32
    %dma_wait3A_931 = tpu.memref_slice %arg2[%dma_wait3A_929, %dma_wait3A_930] : memref<10000x64xf32, #tpu.memory_space<hbm>> -> memref<10000x64xf32, #tpu.memory_space<hbm>>
    tpu.wait_indirect_dma semaphore(%arg15 : memref<!tpu.dma_semaphore, #tpu.memory_space<semaphore_mem>>) src(%dma_wait3A_931 : memref<10000x64xf32, #tpu.memory_space<hbm>>) dst(%arg10 : memref<250x64xf32, #tpu.memory_space<vmem>>)
    %dma_start3A_932 = arith.constant 33 : i32
    %dma_start3A_933 = arith.constant 0 : i32
    %dma_start3A_934 = tpu.memref_slice %arg8[%dma_start3A_932, %dma_start3A_933] : memref<40x250xi32, #tpu.memory_space<vmem>> -> memref<1x250xi32, #tpu.memory_space<vmem>>
    %dma_start3A_935 = tpu.memref_squeeze %dma_start3A_934 : memref<1x250xi32, #tpu.memory_space<vmem>> -> memref<250xi32, #tpu.memory_space<vmem>>
    %dma_start3A_936 = arith.constant 0 : i32
    %dma_start3A_937 = arith.constant 0 : i32
    %dma_start3A_938 = tpu.memref_slice %arg13[%dma_start3A_936, %dma_start3A_937] : memref<10000x64xf32, #tpu.memory_space<vmem_shared>> -> memref<10000x64xf32, #tpu.memory_space<vmem_shared>>
    tpu.enqueue_indirect_dma source(%arg10 : memref<250x64xf32, #tpu.memory_space<vmem>>) target(%dma_start3A_938 : memref<10000x64xf32, #tpu.memory_space<vmem_shared>>) offsets(%dma_start3A_935 : memref<250xi32, #tpu.memory_space<vmem>>) semaphore(%arg19 : memref<!tpu.dma_semaphore, #tpu.memory_space<semaphore_mem>>) {add = true}
    %dma_wait3A_939 = arith.constant 31 : i32
    %dma_wait3A_940 = arith.constant 0 : i32
    %dma_wait3A_941 = tpu.memref_slice %arg8[%dma_wait3A_939, %dma_wait3A_940] : memref<40x250xi32, #tpu.memory_space<vmem>> -> memref<1x250xi32, #tpu.memory_space<vmem>>
    %dma_wait3A_942 = tpu.memref_squeeze %dma_wait3A_941 : memref<1x250xi32, #tpu.memory_space<vmem>> -> memref<250xi32, #tpu.memory_space<vmem>>
    %dma_wait3A_943 = arith.constant 0 : i32
    %dma_wait3A_944 = arith.constant 0 : i32
    %dma_wait3A_945 = tpu.memref_slice %arg13[%dma_wait3A_943, %dma_wait3A_944] : memref<10000x64xf32, #tpu.memory_space<vmem_shared>> -> memref<10000x64xf32, #tpu.memory_space<vmem_shared>>
    tpu.wait_indirect_dma semaphore(%arg21 : memref<!tpu.dma_semaphore, #tpu.memory_space<semaphore_mem>>) src(%arg12 : memref<250x64xf32, #tpu.memory_space<vmem>>) dst(%dma_wait3A_945 : memref<10000x64xf32, #tpu.memory_space<vmem_shared>>)
    %dma_start3A_946 = arith.constant 35 : i32
    %dma_start3A_947 = arith.constant 0 : i32
    %dma_start3A_948 = tpu.memref_slice %arg7[%dma_start3A_946, %dma_start3A_947] : memref<40x250xi32, #tpu.memory_space<vmem>> -> memref<1x250xi32, #tpu.memory_space<vmem>>
    %dma_start3A_949 = tpu.memref_squeeze %dma_start3A_948 : memref<1x250xi32, #tpu.memory_space<vmem>> -> memref<250xi32, #tpu.memory_space<vmem>>
    %dma_start3A_950 = arith.constant 0 : i32
    %dma_start3A_951 = arith.constant 0 : i32
    %dma_start3A_952 = tpu.memref_slice %arg2[%dma_start3A_950, %dma_start3A_951] : memref<10000x64xf32, #tpu.memory_space<hbm>> -> memref<10000x64xf32, #tpu.memory_space<hbm>>
    tpu.enqueue_indirect_dma source(%dma_start3A_952 : memref<10000x64xf32, #tpu.memory_space<hbm>>) target(%arg12 : memref<250x64xf32, #tpu.memory_space<vmem>>) offsets(%dma_start3A_949 : memref<250xi32, #tpu.memory_space<vmem>>) semaphore(%arg17 : memref<!tpu.dma_semaphore, #tpu.memory_space<semaphore_mem>>)
    %dma_wait3A_953 = arith.constant 34 : i32
    %dma_wait3A_954 = arith.constant 0 : i32
    %dma_wait3A_955 = tpu.memref_slice %arg7[%dma_wait3A_953, %dma_wait3A_954] : memref<40x250xi32, #tpu.memory_space<vmem>> -> memref<1x250xi32, #tpu.memory_space<vmem>>
    %dma_wait3A_956 = tpu.memref_squeeze %dma_wait3A_955 : memref<1x250xi32, #tpu.memory_space<vmem>> -> memref<250xi32, #tpu.memory_space<vmem>>
    %dma_wait3A_957 = arith.constant 0 : i32
    %dma_wait3A_958 = arith.constant 0 : i32
    %dma_wait3A_959 = tpu.memref_slice %arg2[%dma_wait3A_957, %dma_wait3A_958] : memref<10000x64xf32, #tpu.memory_space<hbm>> -> memref<10000x64xf32, #tpu.memory_space<hbm>>
    tpu.wait_indirect_dma semaphore(%arg16 : memref<!tpu.dma_semaphore, #tpu.memory_space<semaphore_mem>>) src(%dma_wait3A_959 : memref<10000x64xf32, #tpu.memory_space<hbm>>) dst(%arg11 : memref<250x64xf32, #tpu.memory_space<vmem>>)
    %dma_start3A_960 = arith.constant 34 : i32
    %dma_start3A_961 = arith.constant 0 : i32
    %dma_start3A_962 = tpu.memref_slice %arg8[%dma_start3A_960, %dma_start3A_961] : memref<40x250xi32, #tpu.memory_space<vmem>> -> memref<1x250xi32, #tpu.memory_space<vmem>>
    %dma_start3A_963 = tpu.memref_squeeze %dma_start3A_962 : memref<1x250xi32, #tpu.memory_space<vmem>> -> memref<250xi32, #tpu.memory_space<vmem>>
    %dma_start3A_964 = arith.constant 0 : i32
    %dma_start3A_965 = arith.constant 0 : i32
    %dma_start3A_966 = tpu.memref_slice %arg13[%dma_start3A_964, %dma_start3A_965] : memref<10000x64xf32, #tpu.memory_space<vmem_shared>> -> memref<10000x64xf32, #tpu.memory_space<vmem_shared>>
    tpu.enqueue_indirect_dma source(%arg11 : memref<250x64xf32, #tpu.memory_space<vmem>>) target(%dma_start3A_966 : memref<10000x64xf32, #tpu.memory_space<vmem_shared>>) offsets(%dma_start3A_963 : memref<250xi32, #tpu.memory_space<vmem>>) semaphore(%arg20 : memref<!tpu.dma_semaphore, #tpu.memory_space<semaphore_mem>>) {add = true}
    %dma_wait3A_967 = arith.constant 32 : i32
    %dma_wait3A_968 = arith.constant 0 : i32
    %dma_wait3A_969 = tpu.memref_slice %arg8[%dma_wait3A_967, %dma_wait3A_968] : memref<40x250xi32, #tpu.memory_space<vmem>> -> memref<1x250xi32, #tpu.memory_space<vmem>>
    %dma_wait3A_970 = tpu.memref_squeeze %dma_wait3A_969 : memref<1x250xi32, #tpu.memory_space<vmem>> -> memref<250xi32, #tpu.memory_space<vmem>>
    %dma_wait3A_971 = arith.constant 0 : i32
    %dma_wait3A_972 = arith.constant 0 : i32
    %dma_wait3A_973 = tpu.memref_slice %arg13[%dma_wait3A_971, %dma_wait3A_972] : memref<10000x64xf32, #tpu.memory_space<vmem_shared>> -> memref<10000x64xf32, #tpu.memory_space<vmem_shared>>
    tpu.wait_indirect_dma semaphore(%arg18 : memref<!tpu.dma_semaphore, #tpu.memory_space<semaphore_mem>>) src(%arg9 : memref<250x64xf32, #tpu.memory_space<vmem>>) dst(%dma_wait3A_973 : memref<10000x64xf32, #tpu.memory_space<vmem_shared>>)
    %dma_start3A_974 = arith.constant 36 : i32
    %dma_start3A_975 = arith.constant 0 : i32
    %dma_start3A_976 = tpu.memref_slice %arg7[%dma_start3A_974, %dma_start3A_975] : memref<40x250xi32, #tpu.memory_space<vmem>> -> memref<1x250xi32, #tpu.memory_space<vmem>>
    %dma_start3A_977 = tpu.memref_squeeze %dma_start3A_976 : memref<1x250xi32, #tpu.memory_space<vmem>> -> memref<250xi32, #tpu.memory_space<vmem>>
    %dma_start3A_978 = arith.constant 0 : i32
    %dma_start3A_979 = arith.constant 0 : i32
    %dma_start3A_980 = tpu.memref_slice %arg2[%dma_start3A_978, %dma_start3A_979] : memref<10000x64xf32, #tpu.memory_space<hbm>> -> memref<10000x64xf32, #tpu.memory_space<hbm>>
    tpu.enqueue_indirect_dma source(%dma_start3A_980 : memref<10000x64xf32, #tpu.memory_space<hbm>>) target(%arg9 : memref<250x64xf32, #tpu.memory_space<vmem>>) offsets(%dma_start3A_977 : memref<250xi32, #tpu.memory_space<vmem>>) semaphore(%arg14 : memref<!tpu.dma_semaphore, #tpu.memory_space<semaphore_mem>>)
    %dma_wait3A_981 = arith.constant 35 : i32
    %dma_wait3A_982 = arith.constant 0 : i32
    %dma_wait3A_983 = tpu.memref_slice %arg7[%dma_wait3A_981, %dma_wait3A_982] : memref<40x250xi32, #tpu.memory_space<vmem>> -> memref<1x250xi32, #tpu.memory_space<vmem>>
    %dma_wait3A_984 = tpu.memref_squeeze %dma_wait3A_983 : memref<1x250xi32, #tpu.memory_space<vmem>> -> memref<250xi32, #tpu.memory_space<vmem>>
    %dma_wait3A_985 = arith.constant 0 : i32
    %dma_wait3A_986 = arith.constant 0 : i32
    %dma_wait3A_987 = tpu.memref_slice %arg2[%dma_wait3A_985, %dma_wait3A_986] : memref<10000x64xf32, #tpu.memory_space<hbm>> -> memref<10000x64xf32, #tpu.memory_space<hbm>>
    tpu.wait_indirect_dma semaphore(%arg17 : memref<!tpu.dma_semaphore, #tpu.memory_space<semaphore_mem>>) src(%dma_wait3A_987 : memref<10000x64xf32, #tpu.memory_space<hbm>>) dst(%arg12 : memref<250x64xf32, #tpu.memory_space<vmem>>)
    %dma_start3A_988 = arith.constant 35 : i32
    %dma_start3A_989 = arith.constant 0 : i32
    %dma_start3A_990 = tpu.memref_slice %arg8[%dma_start3A_988, %dma_start3A_989] : memref<40x250xi32, #tpu.memory_space<vmem>> -> memref<1x250xi32, #tpu.memory_space<vmem>>
    %dma_start3A_991 = tpu.memref_squeeze %dma_start3A_990 : memref<1x250xi32, #tpu.memory_space<vmem>> -> memref<250xi32, #tpu.memory_space<vmem>>
    %dma_start3A_992 = arith.constant 0 : i32
    %dma_start3A_993 = arith.constant 0 : i32
    %dma_start3A_994 = tpu.memref_slice %arg13[%dma_start3A_992, %dma_start3A_993] : memref<10000x64xf32, #tpu.memory_space<vmem_shared>> -> memref<10000x64xf32, #tpu.memory_space<vmem_shared>>
    tpu.enqueue_indirect_dma source(%arg12 : memref<250x64xf32, #tpu.memory_space<vmem>>) target(%dma_start3A_994 : memref<10000x64xf32, #tpu.memory_space<vmem_shared>>) offsets(%dma_start3A_991 : memref<250xi32, #tpu.memory_space<vmem>>) semaphore(%arg21 : memref<!tpu.dma_semaphore, #tpu.memory_space<semaphore_mem>>) {add = true}
    %dma_wait3A_995 = arith.constant 33 : i32
    %dma_wait3A_996 = arith.constant 0 : i32
    %dma_wait3A_997 = tpu.memref_slice %arg8[%dma_wait3A_995, %dma_wait3A_996] : memref<40x250xi32, #tpu.memory_space<vmem>> -> memref<1x250xi32, #tpu.memory_space<vmem>>
    %dma_wait3A_998 = tpu.memref_squeeze %dma_wait3A_997 : memref<1x250xi32, #tpu.memory_space<vmem>> -> memref<250xi32, #tpu.memory_space<vmem>>
    %dma_wait3A_999 = arith.constant 0 : i32
    %dma_wait3A_1000 = arith.constant 0 : i32
    %dma_wait3A_1001 = tpu.memref_slice %arg13[%dma_wait3A_999, %dma_wait3A_1000] : memref<10000x64xf32, #tpu.memory_space<vmem_shared>> -> memref<10000x64xf32, #tpu.memory_space<vmem_shared>>
    tpu.wait_indirect_dma semaphore(%arg19 : memref<!tpu.dma_semaphore, #tpu.memory_space<semaphore_mem>>) src(%arg10 : memref<250x64xf32, #tpu.memory_space<vmem>>) dst(%dma_wait3A_1001 : memref<10000x64xf32, #tpu.memory_space<vmem_shared>>)
    %dma_start3A_1002 = arith.constant 37 : i32
    %dma_start3A_1003 = arith.constant 0 : i32
    %dma_start3A_1004 = tpu.memref_slice %arg7[%dma_start3A_1002, %dma_start3A_1003] : memref<40x250xi32, #tpu.memory_space<vmem>> -> memref<1x250xi32, #tpu.memory_space<vmem>>
    %dma_start3A_1005 = tpu.memref_squeeze %dma_start3A_1004 : memref<1x250xi32, #tpu.memory_space<vmem>> -> memref<250xi32, #tpu.memory_space<vmem>>
    %dma_start3A_1006 = arith.constant 0 : i32
    %dma_start3A_1007 = arith.constant 0 : i32
    %dma_start3A_1008 = tpu.memref_slice %arg2[%dma_start3A_1006, %dma_start3A_1007] : memref<10000x64xf32, #tpu.memory_space<hbm>> -> memref<10000x64xf32, #tpu.memory_space<hbm>>
    tpu.enqueue_indirect_dma source(%dma_start3A_1008 : memref<10000x64xf32, #tpu.memory_space<hbm>>) target(%arg10 : memref<250x64xf32, #tpu.memory_space<vmem>>) offsets(%dma_start3A_1005 : memref<250xi32, #tpu.memory_space<vmem>>) semaphore(%arg15 : memref<!tpu.dma_semaphore, #tpu.memory_space<semaphore_mem>>)
    %dma_wait3A_1009 = arith.constant 36 : i32
    %dma_wait3A_1010 = arith.constant 0 : i32
    %dma_wait3A_1011 = tpu.memref_slice %arg7[%dma_wait3A_1009, %dma_wait3A_1010] : memref<40x250xi32, #tpu.memory_space<vmem>> -> memref<1x250xi32, #tpu.memory_space<vmem>>
    %dma_wait3A_1012 = tpu.memref_squeeze %dma_wait3A_1011 : memref<1x250xi32, #tpu.memory_space<vmem>> -> memref<250xi32, #tpu.memory_space<vmem>>
    %dma_wait3A_1013 = arith.constant 0 : i32
    %dma_wait3A_1014 = arith.constant 0 : i32
    %dma_wait3A_1015 = tpu.memref_slice %arg2[%dma_wait3A_1013, %dma_wait3A_1014] : memref<10000x64xf32, #tpu.memory_space<hbm>> -> memref<10000x64xf32, #tpu.memory_space<hbm>>
    tpu.wait_indirect_dma semaphore(%arg14 : memref<!tpu.dma_semaphore, #tpu.memory_space<semaphore_mem>>) src(%dma_wait3A_1015 : memref<10000x64xf32, #tpu.memory_space<hbm>>) dst(%arg9 : memref<250x64xf32, #tpu.memory_space<vmem>>)
    %dma_start3A_1016 = arith.constant 36 : i32
    %dma_start3A_1017 = arith.constant 0 : i32
    %dma_start3A_1018 = tpu.memref_slice %arg8[%dma_start3A_1016, %dma_start3A_1017] : memref<40x250xi32, #tpu.memory_space<vmem>> -> memref<1x250xi32, #tpu.memory_space<vmem>>
    %dma_start3A_1019 = tpu.memref_squeeze %dma_start3A_1018 : memref<1x250xi32, #tpu.memory_space<vmem>> -> memref<250xi32, #tpu.memory_space<vmem>>
    %dma_start3A_1020 = arith.constant 0 : i32
    %dma_start3A_1021 = arith.constant 0 : i32
    %dma_start3A_1022 = tpu.memref_slice %arg13[%dma_start3A_1020, %dma_start3A_1021] : memref<10000x64xf32, #tpu.memory_space<vmem_shared>> -> memref<10000x64xf32, #tpu.memory_space<vmem_shared>>
    tpu.enqueue_indirect_dma source(%arg9 : memref<250x64xf32, #tpu.memory_space<vmem>>) target(%dma_start3A_1022 : memref<10000x64xf32, #tpu.memory_space<vmem_shared>>) offsets(%dma_start3A_1019 : memref<250xi32, #tpu.memory_space<vmem>>) semaphore(%arg18 : memref<!tpu.dma_semaphore, #tpu.memory_space<semaphore_mem>>) {add = true}
    %dma_wait3A_1023 = arith.constant 34 : i32
    %dma_wait3A_1024 = arith.constant 0 : i32
    %dma_wait3A_1025 = tpu.memref_slice %arg8[%dma_wait3A_1023, %dma_wait3A_1024] : memref<40x250xi32, #tpu.memory_space<vmem>> -> memref<1x250xi32, #tpu.memory_space<vmem>>
    %dma_wait3A_1026 = tpu.memref_squeeze %dma_wait3A_1025 : memref<1x250xi32, #tpu.memory_space<vmem>> -> memref<250xi32, #tpu.memory_space<vmem>>
    %dma_wait3A_1027 = arith.constant 0 : i32
    %dma_wait3A_1028 = arith.constant 0 : i32
    %dma_wait3A_1029 = tpu.memref_slice %arg13[%dma_wait3A_1027, %dma_wait3A_1028] : memref<10000x64xf32, #tpu.memory_space<vmem_shared>> -> memref<10000x64xf32, #tpu.memory_space<vmem_shared>>
    tpu.wait_indirect_dma semaphore(%arg20 : memref<!tpu.dma_semaphore, #tpu.memory_space<semaphore_mem>>) src(%arg11 : memref<250x64xf32, #tpu.memory_space<vmem>>) dst(%dma_wait3A_1029 : memref<10000x64xf32, #tpu.memory_space<vmem_shared>>)
    %dma_start3A_1030 = arith.constant 38 : i32
    %dma_start3A_1031 = arith.constant 0 : i32
    %dma_start3A_1032 = tpu.memref_slice %arg7[%dma_start3A_1030, %dma_start3A_1031] : memref<40x250xi32, #tpu.memory_space<vmem>> -> memref<1x250xi32, #tpu.memory_space<vmem>>
    %dma_start3A_1033 = tpu.memref_squeeze %dma_start3A_1032 : memref<1x250xi32, #tpu.memory_space<vmem>> -> memref<250xi32, #tpu.memory_space<vmem>>
    %dma_start3A_1034 = arith.constant 0 : i32
    %dma_start3A_1035 = arith.constant 0 : i32
    %dma_start3A_1036 = tpu.memref_slice %arg2[%dma_start3A_1034, %dma_start3A_1035] : memref<10000x64xf32, #tpu.memory_space<hbm>> -> memref<10000x64xf32, #tpu.memory_space<hbm>>
    tpu.enqueue_indirect_dma source(%dma_start3A_1036 : memref<10000x64xf32, #tpu.memory_space<hbm>>) target(%arg11 : memref<250x64xf32, #tpu.memory_space<vmem>>) offsets(%dma_start3A_1033 : memref<250xi32, #tpu.memory_space<vmem>>) semaphore(%arg16 : memref<!tpu.dma_semaphore, #tpu.memory_space<semaphore_mem>>)
    %dma_wait3A_1037 = arith.constant 37 : i32
    %dma_wait3A_1038 = arith.constant 0 : i32
    %dma_wait3A_1039 = tpu.memref_slice %arg7[%dma_wait3A_1037, %dma_wait3A_1038] : memref<40x250xi32, #tpu.memory_space<vmem>> -> memref<1x250xi32, #tpu.memory_space<vmem>>
    %dma_wait3A_1040 = tpu.memref_squeeze %dma_wait3A_1039 : memref<1x250xi32, #tpu.memory_space<vmem>> -> memref<250xi32, #tpu.memory_space<vmem>>
    %dma_wait3A_1041 = arith.constant 0 : i32
    %dma_wait3A_1042 = arith.constant 0 : i32
    %dma_wait3A_1043 = tpu.memref_slice %arg2[%dma_wait3A_1041, %dma_wait3A_1042] : memref<10000x64xf32, #tpu.memory_space<hbm>> -> memref<10000x64xf32, #tpu.memory_space<hbm>>
    tpu.wait_indirect_dma semaphore(%arg15 : memref<!tpu.dma_semaphore, #tpu.memory_space<semaphore_mem>>) src(%dma_wait3A_1043 : memref<10000x64xf32, #tpu.memory_space<hbm>>) dst(%arg10 : memref<250x64xf32, #tpu.memory_space<vmem>>)
    %dma_start3A_1044 = arith.constant 37 : i32
    %dma_start3A_1045 = arith.constant 0 : i32
    %dma_start3A_1046 = tpu.memref_slice %arg8[%dma_start3A_1044, %dma_start3A_1045] : memref<40x250xi32, #tpu.memory_space<vmem>> -> memref<1x250xi32, #tpu.memory_space<vmem>>
    %dma_start3A_1047 = tpu.memref_squeeze %dma_start3A_1046 : memref<1x250xi32, #tpu.memory_space<vmem>> -> memref<250xi32, #tpu.memory_space<vmem>>
    %dma_start3A_1048 = arith.constant 0 : i32
    %dma_start3A_1049 = arith.constant 0 : i32
    %dma_start3A_1050 = tpu.memref_slice %arg13[%dma_start3A_1048, %dma_start3A_1049] : memref<10000x64xf32, #tpu.memory_space<vmem_shared>> -> memref<10000x64xf32, #tpu.memory_space<vmem_shared>>
    tpu.enqueue_indirect_dma source(%arg10 : memref<250x64xf32, #tpu.memory_space<vmem>>) target(%dma_start3A_1050 : memref<10000x64xf32, #tpu.memory_space<vmem_shared>>) offsets(%dma_start3A_1047 : memref<250xi32, #tpu.memory_space<vmem>>) semaphore(%arg19 : memref<!tpu.dma_semaphore, #tpu.memory_space<semaphore_mem>>) {add = true}
    %dma_wait3A_1051 = arith.constant 35 : i32
    %dma_wait3A_1052 = arith.constant 0 : i32
    %dma_wait3A_1053 = tpu.memref_slice %arg8[%dma_wait3A_1051, %dma_wait3A_1052] : memref<40x250xi32, #tpu.memory_space<vmem>> -> memref<1x250xi32, #tpu.memory_space<vmem>>
    %dma_wait3A_1054 = tpu.memref_squeeze %dma_wait3A_1053 : memref<1x250xi32, #tpu.memory_space<vmem>> -> memref<250xi32, #tpu.memory_space<vmem>>
    %dma_wait3A_1055 = arith.constant 0 : i32
    %dma_wait3A_1056 = arith.constant 0 : i32
    %dma_wait3A_1057 = tpu.memref_slice %arg13[%dma_wait3A_1055, %dma_wait3A_1056] : memref<10000x64xf32, #tpu.memory_space<vmem_shared>> -> memref<10000x64xf32, #tpu.memory_space<vmem_shared>>
    tpu.wait_indirect_dma semaphore(%arg21 : memref<!tpu.dma_semaphore, #tpu.memory_space<semaphore_mem>>) src(%arg12 : memref<250x64xf32, #tpu.memory_space<vmem>>) dst(%dma_wait3A_1057 : memref<10000x64xf32, #tpu.memory_space<vmem_shared>>)
    %dma_start3A_1058 = arith.constant 39 : i32
    %dma_start3A_1059 = arith.constant 0 : i32
    %dma_start3A_1060 = tpu.memref_slice %arg7[%dma_start3A_1058, %dma_start3A_1059] : memref<40x250xi32, #tpu.memory_space<vmem>> -> memref<1x250xi32, #tpu.memory_space<vmem>>
    %dma_start3A_1061 = tpu.memref_squeeze %dma_start3A_1060 : memref<1x250xi32, #tpu.memory_space<vmem>> -> memref<250xi32, #tpu.memory_space<vmem>>
    %dma_start3A_1062 = arith.constant 0 : i32
    %dma_start3A_1063 = arith.constant 0 : i32
    %dma_start3A_1064 = tpu.memref_slice %arg2[%dma_start3A_1062, %dma_start3A_1063] : memref<10000x64xf32, #tpu.memory_space<hbm>> -> memref<10000x64xf32, #tpu.memory_space<hbm>>
    tpu.enqueue_indirect_dma source(%dma_start3A_1064 : memref<10000x64xf32, #tpu.memory_space<hbm>>) target(%arg12 : memref<250x64xf32, #tpu.memory_space<vmem>>) offsets(%dma_start3A_1061 : memref<250xi32, #tpu.memory_space<vmem>>) semaphore(%arg17 : memref<!tpu.dma_semaphore, #tpu.memory_space<semaphore_mem>>)
    %dma_wait3A_1065 = arith.constant 38 : i32
    %dma_wait3A_1066 = arith.constant 0 : i32
    %dma_wait3A_1067 = tpu.memref_slice %arg7[%dma_wait3A_1065, %dma_wait3A_1066] : memref<40x250xi32, #tpu.memory_space<vmem>> -> memref<1x250xi32, #tpu.memory_space<vmem>>
    %dma_wait3A_1068 = tpu.memref_squeeze %dma_wait3A_1067 : memref<1x250xi32, #tpu.memory_space<vmem>> -> memref<250xi32, #tpu.memory_space<vmem>>
    %dma_wait3A_1069 = arith.constant 0 : i32
    %dma_wait3A_1070 = arith.constant 0 : i32
    %dma_wait3A_1071 = tpu.memref_slice %arg2[%dma_wait3A_1069, %dma_wait3A_1070] : memref<10000x64xf32, #tpu.memory_space<hbm>> -> memref<10000x64xf32, #tpu.memory_space<hbm>>
    tpu.wait_indirect_dma semaphore(%arg16 : memref<!tpu.dma_semaphore, #tpu.memory_space<semaphore_mem>>) src(%dma_wait3A_1071 : memref<10000x64xf32, #tpu.memory_space<hbm>>) dst(%arg11 : memref<250x64xf32, #tpu.memory_space<vmem>>)
    %dma_start3A_1072 = arith.constant 38 : i32
    %dma_start3A_1073 = arith.constant 0 : i32
    %dma_start3A_1074 = tpu.memref_slice %arg8[%dma_start3A_1072, %dma_start3A_1073] : memref<40x250xi32, #tpu.memory_space<vmem>> -> memref<1x250xi32, #tpu.memory_space<vmem>>
    %dma_start3A_1075 = tpu.memref_squeeze %dma_start3A_1074 : memref<1x250xi32, #tpu.memory_space<vmem>> -> memref<250xi32, #tpu.memory_space<vmem>>
    %dma_start3A_1076 = arith.constant 0 : i32
    %dma_start3A_1077 = arith.constant 0 : i32
    %dma_start3A_1078 = tpu.memref_slice %arg13[%dma_start3A_1076, %dma_start3A_1077] : memref<10000x64xf32, #tpu.memory_space<vmem_shared>> -> memref<10000x64xf32, #tpu.memory_space<vmem_shared>>
    tpu.enqueue_indirect_dma source(%arg11 : memref<250x64xf32, #tpu.memory_space<vmem>>) target(%dma_start3A_1078 : memref<10000x64xf32, #tpu.memory_space<vmem_shared>>) offsets(%dma_start3A_1075 : memref<250xi32, #tpu.memory_space<vmem>>) semaphore(%arg20 : memref<!tpu.dma_semaphore, #tpu.memory_space<semaphore_mem>>) {add = true}
    %dma_wait3A_1079 = arith.constant 39 : i32
    %dma_wait3A_1080 = arith.constant 0 : i32
    %dma_wait3A_1081 = tpu.memref_slice %arg7[%dma_wait3A_1079, %dma_wait3A_1080] : memref<40x250xi32, #tpu.memory_space<vmem>> -> memref<1x250xi32, #tpu.memory_space<vmem>>
    %dma_wait3A_1082 = tpu.memref_squeeze %dma_wait3A_1081 : memref<1x250xi32, #tpu.memory_space<vmem>> -> memref<250xi32, #tpu.memory_space<vmem>>
    %dma_wait3A_1083 = arith.constant 0 : i32
    %dma_wait3A_1084 = arith.constant 0 : i32
    %dma_wait3A_1085 = tpu.memref_slice %arg2[%dma_wait3A_1083, %dma_wait3A_1084] : memref<10000x64xf32, #tpu.memory_space<hbm>> -> memref<10000x64xf32, #tpu.memory_space<hbm>>
    tpu.wait_indirect_dma semaphore(%arg17 : memref<!tpu.dma_semaphore, #tpu.memory_space<semaphore_mem>>) src(%dma_wait3A_1085 : memref<10000x64xf32, #tpu.memory_space<hbm>>) dst(%arg12 : memref<250x64xf32, #tpu.memory_space<vmem>>)
    %dma_start3A_1086 = arith.constant 39 : i32
    %dma_start3A_1087 = arith.constant 0 : i32
    %dma_start3A_1088 = tpu.memref_slice %arg8[%dma_start3A_1086, %dma_start3A_1087] : memref<40x250xi32, #tpu.memory_space<vmem>> -> memref<1x250xi32, #tpu.memory_space<vmem>>
    %dma_start3A_1089 = tpu.memref_squeeze %dma_start3A_1088 : memref<1x250xi32, #tpu.memory_space<vmem>> -> memref<250xi32, #tpu.memory_space<vmem>>
    %dma_start3A_1090 = arith.constant 0 : i32
    %dma_start3A_1091 = arith.constant 0 : i32
    %dma_start3A_1092 = tpu.memref_slice %arg13[%dma_start3A_1090, %dma_start3A_1091] : memref<10000x64xf32, #tpu.memory_space<vmem_shared>> -> memref<10000x64xf32, #tpu.memory_space<vmem_shared>>
    tpu.enqueue_indirect_dma source(%arg12 : memref<250x64xf32, #tpu.memory_space<vmem>>) target(%dma_start3A_1092 : memref<10000x64xf32, #tpu.memory_space<vmem_shared>>) offsets(%dma_start3A_1089 : memref<250xi32, #tpu.memory_space<vmem>>) semaphore(%arg21 : memref<!tpu.dma_semaphore, #tpu.memory_space<semaphore_mem>>) {add = true}
    %dma_wait3A_1093 = arith.constant 36 : i32
    %dma_wait3A_1094 = arith.constant 0 : i32
    %dma_wait3A_1095 = tpu.memref_slice %arg8[%dma_wait3A_1093, %dma_wait3A_1094] : memref<40x250xi32, #tpu.memory_space<vmem>> -> memref<1x250xi32, #tpu.memory_space<vmem>>
    %dma_wait3A_1096 = tpu.memref_squeeze %dma_wait3A_1095 : memref<1x250xi32, #tpu.memory_space<vmem>> -> memref<250xi32, #tpu.memory_space<vmem>>
    %dma_wait3A_1097 = arith.constant 0 : i32
    %dma_wait3A_1098 = arith.constant 0 : i32
    %dma_wait3A_1099 = tpu.memref_slice %arg13[%dma_wait3A_1097, %dma_wait3A_1098] : memref<10000x64xf32, #tpu.memory_space<vmem_shared>> -> memref<10000x64xf32, #tpu.memory_space<vmem_shared>>
    tpu.wait_indirect_dma semaphore(%arg18 : memref<!tpu.dma_semaphore, #tpu.memory_space<semaphore_mem>>) src(%arg9 : memref<250x64xf32, #tpu.memory_space<vmem>>) dst(%dma_wait3A_1099 : memref<10000x64xf32, #tpu.memory_space<vmem_shared>>)
    %dma_wait3A_1100 = arith.constant 37 : i32
    %dma_wait3A_1101 = arith.constant 0 : i32
    %dma_wait3A_1102 = tpu.memref_slice %arg8[%dma_wait3A_1100, %dma_wait3A_1101] : memref<40x250xi32, #tpu.memory_space<vmem>> -> memref<1x250xi32, #tpu.memory_space<vmem>>
    %dma_wait3A_1103 = tpu.memref_squeeze %dma_wait3A_1102 : memref<1x250xi32, #tpu.memory_space<vmem>> -> memref<250xi32, #tpu.memory_space<vmem>>
    %dma_wait3A_1104 = arith.constant 0 : i32
    %dma_wait3A_1105 = arith.constant 0 : i32
    %dma_wait3A_1106 = tpu.memref_slice %arg13[%dma_wait3A_1104, %dma_wait3A_1105] : memref<10000x64xf32, #tpu.memory_space<vmem_shared>> -> memref<10000x64xf32, #tpu.memory_space<vmem_shared>>
    tpu.wait_indirect_dma semaphore(%arg19 : memref<!tpu.dma_semaphore, #tpu.memory_space<semaphore_mem>>) src(%arg10 : memref<250x64xf32, #tpu.memory_space<vmem>>) dst(%dma_wait3A_1106 : memref<10000x64xf32, #tpu.memory_space<vmem_shared>>)
    %dma_wait3A_1107 = arith.constant 38 : i32
    %dma_wait3A_1108 = arith.constant 0 : i32
    %dma_wait3A_1109 = tpu.memref_slice %arg8[%dma_wait3A_1107, %dma_wait3A_1108] : memref<40x250xi32, #tpu.memory_space<vmem>> -> memref<1x250xi32, #tpu.memory_space<vmem>>
    %dma_wait3A_1110 = tpu.memref_squeeze %dma_wait3A_1109 : memref<1x250xi32, #tpu.memory_space<vmem>> -> memref<250xi32, #tpu.memory_space<vmem>>
    %dma_wait3A_1111 = arith.constant 0 : i32
    %dma_wait3A_1112 = arith.constant 0 : i32
    %dma_wait3A_1113 = tpu.memref_slice %arg13[%dma_wait3A_1111, %dma_wait3A_1112] : memref<10000x64xf32, #tpu.memory_space<vmem_shared>> -> memref<10000x64xf32, #tpu.memory_space<vmem_shared>>
    tpu.wait_indirect_dma semaphore(%arg20 : memref<!tpu.dma_semaphore, #tpu.memory_space<semaphore_mem>>) src(%arg11 : memref<250x64xf32, #tpu.memory_space<vmem>>) dst(%dma_wait3A_1113 : memref<10000x64xf32, #tpu.memory_space<vmem_shared>>)
    %dma_wait3A_1114 = arith.constant 39 : i32
    %dma_wait3A_1115 = arith.constant 0 : i32
    %dma_wait3A_1116 = tpu.memref_slice %arg8[%dma_wait3A_1114, %dma_wait3A_1115] : memref<40x250xi32, #tpu.memory_space<vmem>> -> memref<1x250xi32, #tpu.memory_space<vmem>>
    %dma_wait3A_1117 = tpu.memref_squeeze %dma_wait3A_1116 : memref<1x250xi32, #tpu.memory_space<vmem>> -> memref<250xi32, #tpu.memory_space<vmem>>
    %dma_wait3A_1118 = arith.constant 0 : i32
    %dma_wait3A_1119 = arith.constant 0 : i32
    %dma_wait3A_1120 = tpu.memref_slice %arg13[%dma_wait3A_1118, %dma_wait3A_1119] : memref<10000x64xf32, #tpu.memory_space<vmem_shared>> -> memref<10000x64xf32, #tpu.memory_space<vmem_shared>>
    tpu.wait_indirect_dma semaphore(%arg21 : memref<!tpu.dma_semaphore, #tpu.memory_space<semaphore_mem>>) src(%arg12 : memref<250x64xf32, #tpu.memory_space<vmem>>) dst(%dma_wait3A_1120 : memref<10000x64xf32, #tpu.memory_space<vmem_shared>>)
    %barrier3A_1121 = arith.constant 0 : index
    tpu.barrier barrier_id(%barrier3A_1121)
    %lt3A_1122 = arith.constant 10 : i32
    %lt3A_1123 = arith.cmpi slt, %arg1, %lt3A_1122 : i32
    %convert_element_type3A_1124 = arith.extui %lt3A_1123 : i1 to i32
    %cond3A_1125 = arith.constant 0 : i32
    %cond3A_1126 = arith.cmpi ne, %convert_element_type3A_1124, %cond3A_1125 : i32
    scf.if %cond3A_1126 {
      %mul3A_1127 = arith.constant 1000 : i32
      %mul3A_1128 = arith.muli %arg1, %mul3A_1127 : i32
      %multiple_of3A = tpu.assume_multiple %mul3A_1128, 8 : i32
      "tpu.region"() ({
        %run_scoped3A = tpu.sem_alloc : memref<!tpu.dma_semaphore, #tpu.memory_space<semaphore_mem>>
        %dma_start3A_1129 = arith.constant 0 : i32
        %dma_start3A_1130 = arith.constant 0 : i32
        %dma_start3A_1131 = tpu.memref_slice %arg6[%arg0, %dma_start3A_1129, %dma_start3A_1130] : memref<2x10000x128xf32, #tpu.memory_space<hbm>> -> memref<1x10000x128xf32, #tpu.memory_space<hbm>>
        %dma_start3A_1132 = tpu.memref_squeeze %dma_start3A_1131 : memref<1x10000x128xf32, #tpu.memory_space<hbm>> -> memref<10000x128xf32, #tpu.memory_space<hbm>>
        %dma_start3A_1133 = arith.constant 0 : i32
        %dma_start3A_1134 = tpu.memref_slice %dma_start3A_1132[%multiple_of3A, %dma_start3A_1133] : memref<10000x128xf32, #tpu.memory_space<hbm>> -> memref<1000x128xf32, #tpu.memory_space<hbm>>
        %dma_start3A_1135 = arith.constant 0 : i32
        %dma_start3A_1136 = arith.constant 0 : i32
        %dma_start3A_1137 = tpu.memref_slice %dma_start3A_1134[%dma_start3A_1135, %dma_start3A_1136] : memref<1000x128xf32, #tpu.memory_space<hbm>> -> memref<1000x64xf32, #tpu.memory_space<hbm>>
        %dma_start3A_1138 = arith.constant 0 : i32
        %dma_start3A_1139 = tpu.memref_slice %arg13[%multiple_of3A, %dma_start3A_1138] : memref<10000x64xf32, #tpu.memory_space<vmem_shared>> -> memref<1000x64xf32, #tpu.memory_space<vmem_shared>>
        tpu.enqueue_dma source(%dma_start3A_1139 : memref<1000x64xf32, #tpu.memory_space<vmem_shared>>) target(%dma_start3A_1137 : memref<1000x64xf32, #tpu.memory_space<hbm>>) target_semaphore(%run_scoped3A : memref<!tpu.dma_semaphore, #tpu.memory_space<semaphore_mem>>)
        %dma_wait3A_1140 = arith.constant 0 : i32
        %dma_wait3A_1141 = arith.constant 0 : i32
        %dma_wait3A_1142 = tpu.memref_slice %arg6[%arg0, %dma_wait3A_1140, %dma_wait3A_1141] : memref<2x10000x128xf32, #tpu.memory_space<hbm>> -> memref<1x10000x128xf32, #tpu.memory_space<hbm>>
        %dma_wait3A_1143 = tpu.memref_squeeze %dma_wait3A_1142 : memref<1x10000x128xf32, #tpu.memory_space<hbm>> -> memref<10000x128xf32, #tpu.memory_space<hbm>>
        %dma_wait3A_1144 = arith.constant 0 : i32
        %dma_wait3A_1145 = tpu.memref_slice %dma_wait3A_1143[%multiple_of3A, %dma_wait3A_1144] : memref<10000x128xf32, #tpu.memory_space<hbm>> -> memref<1000x128xf32, #tpu.memory_space<hbm>>
        %dma_wait3A_1146 = arith.constant 0 : i32
        %dma_wait3A_1147 = arith.constant 0 : i32
        %dma_wait3A_1148 = tpu.memref_slice %dma_wait3A_1145[%dma_wait3A_1146, %dma_wait3A_1147] : memref<1000x128xf32, #tpu.memory_space<hbm>> -> memref<1000x64xf32, #tpu.memory_space<hbm>>
        %dma_wait3A_1149 = arith.constant 0 : i32
        %dma_wait3A_1150 = tpu.memref_slice %arg13[%multiple_of3A, %dma_wait3A_1149] : memref<10000x64xf32, #tpu.memory_space<vmem_shared>> -> memref<1000x64xf32, #tpu.memory_space<vmem_shared>>
        tpu.wait_dma2 semaphore(%run_scoped3A : memref<!tpu.dma_semaphore, #tpu.memory_space<semaphore_mem>>) src(%dma_wait3A_1150 : memref<1000x64xf32, #tpu.memory_space<vmem_shared>>) dst(%dma_wait3A_1148 : memref<1000x64xf32, #tpu.memory_space<hbm>>)
        tpu.yield
      }) : () -> ()
    } else {
    }
    return
  }
}

#map = affine_map<(d0, d1) -> (0, 0, 0)>
#map1 = affine_map<(d0, d1) -> (0, 0)>
module attributes {stable_mosaic.version = 14 : i64} {
  func.func @deg_k(%arg0: i32, %arg1: i32, %arg2: memref<32x10x1000xi32, #tpu.memory_space<hbm>>, %arg3: memref<1000x8xf32, #tpu.memory_space<hbm>>, %arg4: memref<1000x8xf32, #tpu.memory_space<hbm>>, %arg5: memref<2x10000x8xf32, #tpu.memory_space<hbm>>, %arg6: memref<10x1000xi32, #tpu.memory_space<vmem>>, %arg7: memref<1000x8xf32, #tpu.memory_space<vmem>>, %arg8: memref<10000x8xf32, #tpu.memory_space<vmem_shared>>) attributes {dimension_semantics = [#tpu.dimension_semantics<core_parallel>, #tpu.dimension_semantics<subcore_parallel>], iteration_bounds = array<i64: 2, 16>, scalar_prefetch = 0 : i64, scratch_operands = 3 : i64, tpu.core_type = #tpu.core_type<sc_vector_subcore>, window_params = [{transform_indices = #map}, {transform_indices = #map1}, {transform_indices = #map1}, {transform_indices = #map}]} {
    %mul3A = arith.constant 16 : i32
    %mul3A_0 = arith.muli %arg0, %mul3A : i32
    %add3A = arith.addi %mul3A_0, %arg1 : i32
    "tpu.region"() ({
      %run_scoped3A = tpu.sem_alloc : memref<!tpu.dma_semaphore, #tpu.memory_space<semaphore_mem>>
      %dma_start3A = arith.constant 0 : i32
      %dma_start3A_14 = arith.constant 0 : i32
      %dma_start3A_15 = tpu.memref_slice %arg2[%add3A, %dma_start3A, %dma_start3A_14] : memref<32x10x1000xi32, #tpu.memory_space<hbm>> -> memref<1x10x1000xi32, #tpu.memory_space<hbm>>
      %dma_start3A_16 = tpu.memref_squeeze %dma_start3A_15 : memref<1x10x1000xi32, #tpu.memory_space<hbm>> -> memref<10x1000xi32, #tpu.memory_space<hbm>>
      %dma_start3A_17 = arith.constant 0 : i32
      %dma_start3A_18 = arith.constant 0 : i32
      %dma_start3A_19 = tpu.memref_slice %arg2[%add3A, %dma_start3A_17, %dma_start3A_18] : memref<32x10x1000xi32, #tpu.memory_space<hbm>> -> memref<1x10x1000xi32, #tpu.memory_space<hbm>>
      %dma_start3A_20 = tpu.memref_squeeze %dma_start3A_19 : memref<1x10x1000xi32, #tpu.memory_space<hbm>> -> memref<10x1000xi32, #tpu.memory_space<hbm>>
      tpu.enqueue_dma source(%dma_start3A_20 : memref<10x1000xi32, #tpu.memory_space<hbm>>) target(%arg6 : memref<10x1000xi32, #tpu.memory_space<vmem>>) target_semaphore(%run_scoped3A : memref<!tpu.dma_semaphore, #tpu.memory_space<semaphore_mem>>)
      %dma_wait3A = arith.constant 0 : i32
      %dma_wait3A_21 = arith.constant 0 : i32
      %dma_wait3A_22 = tpu.memref_slice %arg2[%add3A, %dma_wait3A, %dma_wait3A_21] : memref<32x10x1000xi32, #tpu.memory_space<hbm>> -> memref<1x10x1000xi32, #tpu.memory_space<hbm>>
      %dma_wait3A_23 = tpu.memref_squeeze %dma_wait3A_22 : memref<1x10x1000xi32, #tpu.memory_space<hbm>> -> memref<10x1000xi32, #tpu.memory_space<hbm>>
      %dma_wait3A_24 = arith.constant 0 : i32
      %dma_wait3A_25 = arith.constant 0 : i32
      %dma_wait3A_26 = tpu.memref_slice %arg2[%add3A, %dma_wait3A_24, %dma_wait3A_25] : memref<32x10x1000xi32, #tpu.memory_space<hbm>> -> memref<1x10x1000xi32, #tpu.memory_space<hbm>>
      %dma_wait3A_27 = tpu.memref_squeeze %dma_wait3A_26 : memref<1x10x1000xi32, #tpu.memory_space<hbm>> -> memref<10x1000xi32, #tpu.memory_space<hbm>>
      tpu.wait_dma2 semaphore(%run_scoped3A : memref<!tpu.dma_semaphore, #tpu.memory_space<semaphore_mem>>) src(%dma_wait3A_27 : memref<10x1000xi32, #tpu.memory_space<hbm>>) dst(%arg6 : memref<10x1000xi32, #tpu.memory_space<vmem>>)
      tpu.yield
    }) : () -> ()
    "tpu.region"() ({
      %run_scoped3A = tpu.sem_alloc : memref<!tpu.dma_semaphore, #tpu.memory_space<semaphore_mem>>
      tpu.enqueue_dma source(%arg3 : memref<1000x8xf32, #tpu.memory_space<hbm>>) target(%arg7 : memref<1000x8xf32, #tpu.memory_space<vmem>>) target_semaphore(%run_scoped3A : memref<!tpu.dma_semaphore, #tpu.memory_space<semaphore_mem>>)
      tpu.wait_dma2 semaphore(%run_scoped3A : memref<!tpu.dma_semaphore, #tpu.memory_space<semaphore_mem>>) src(%arg3 : memref<1000x8xf32, #tpu.memory_space<hbm>>) dst(%arg7 : memref<1000x8xf32, #tpu.memory_space<vmem>>)
      tpu.yield
    }) : () -> ()
    %lt3A = arith.constant 10 : i32
    %lt3A_1 = arith.cmpi slt, %arg1, %lt3A : i32
    %convert_element_type3A = arith.extui %lt3A_1 : i1 to i32
    %cond3A = arith.constant 0 : i32
    %cond3A_2 = arith.cmpi ne, %convert_element_type3A, %cond3A : i32
    scf.if %cond3A_2 {
      %mul3A_14 = arith.constant 1000 : i32
      %mul3A_15 = arith.muli %arg1, %mul3A_14 : i32
      %multiple_of3A = tpu.assume_multiple %mul3A_15, 8 : i32
      "tpu.region"() ({
        %run_scoped3A = tpu.sem_alloc : memref<!tpu.dma_semaphore, #tpu.memory_space<semaphore_mem>>
        %dma_start3A = arith.constant 0 : i32
        %dma_start3A_16 = tpu.memref_slice %arg8[%multiple_of3A, %dma_start3A] : memref<10000x8xf32, #tpu.memory_space<vmem_shared>> -> memref<1000x8xf32, #tpu.memory_space<vmem_shared>>
        tpu.enqueue_dma source(%arg4 : memref<1000x8xf32, #tpu.memory_space<hbm>>) target(%dma_start3A_16 : memref<1000x8xf32, #tpu.memory_space<vmem_shared>>) target_semaphore(%run_scoped3A : memref<!tpu.dma_semaphore, #tpu.memory_space<semaphore_mem>>)
        %dma_wait3A = arith.constant 0 : i32
        %dma_wait3A_17 = tpu.memref_slice %arg8[%multiple_of3A, %dma_wait3A] : memref<10000x8xf32, #tpu.memory_space<vmem_shared>> -> memref<1000x8xf32, #tpu.memory_space<vmem_shared>>
        tpu.wait_dma2 semaphore(%run_scoped3A : memref<!tpu.dma_semaphore, #tpu.memory_space<semaphore_mem>>) src(%arg4 : memref<1000x8xf32, #tpu.memory_space<hbm>>) dst(%dma_wait3A_17 : memref<1000x8xf32, #tpu.memory_space<vmem_shared>>)
        tpu.yield
      }) : () -> ()
    } else {
    }
    %barrier3A = arith.constant 0 : index
    tpu.barrier barrier_id(%barrier3A)
    %scan3A = arith.constant 0 : i32
    %scan3A_3 = arith.constant 0 : i32
    %scan3A_4 = arith.constant 10 : i32
    %scan3A_5 = arith.addi %scan3A_3, %scan3A_4 : i32
    %scan3A_6 = arith.constant 1 : i32
    scf.for %scan3A_14 = %scan3A_3 to %scan3A_5 step %scan3A_6  : i32 {
      "tpu.region"() ({
        %run_scoped3A = tpu.sem_alloc : memref<!tpu.dma_semaphore, #tpu.memory_space<semaphore_mem>>
        %dma_start3A = arith.constant 0 : i32
        %dma_start3A_15 = tpu.memref_slice %arg6[%scan3A_14, %dma_start3A] : memref<10x1000xi32, #tpu.memory_space<vmem>> -> memref<1x1000xi32, #tpu.memory_space<vmem>>
        %dma_start3A_16 = tpu.memref_squeeze %dma_start3A_15 : memref<1x1000xi32, #tpu.memory_space<vmem>> -> memref<1000xi32, #tpu.memory_space<vmem>>
        %dma_start3A_17 = arith.constant 0 : i32
        %dma_start3A_18 = arith.constant 0 : i32
        %dma_start3A_19 = tpu.memref_slice %arg8[%dma_start3A_17, %dma_start3A_18] : memref<10000x8xf32, #tpu.memory_space<vmem_shared>> -> memref<10000x8xf32, #tpu.memory_space<vmem_shared>>
        tpu.enqueue_indirect_dma source(%arg7 : memref<1000x8xf32, #tpu.memory_space<vmem>>) target(%dma_start3A_19 : memref<10000x8xf32, #tpu.memory_space<vmem_shared>>) offsets(%dma_start3A_16 : memref<1000xi32, #tpu.memory_space<vmem>>) semaphore(%run_scoped3A : memref<!tpu.dma_semaphore, #tpu.memory_space<semaphore_mem>>) {add = true}
        %dma_wait3A = arith.constant 0 : i32
        %dma_wait3A_20 = tpu.memref_slice %arg6[%scan3A_14, %dma_wait3A] : memref<10x1000xi32, #tpu.memory_space<vmem>> -> memref<1x1000xi32, #tpu.memory_space<vmem>>
        %dma_wait3A_21 = tpu.memref_squeeze %dma_wait3A_20 : memref<1x1000xi32, #tpu.memory_space<vmem>> -> memref<1000xi32, #tpu.memory_space<vmem>>
        %dma_wait3A_22 = arith.constant 0 : i32
        %dma_wait3A_23 = arith.constant 0 : i32
        %dma_wait3A_24 = tpu.memref_slice %arg8[%dma_wait3A_22, %dma_wait3A_23] : memref<10000x8xf32, #tpu.memory_space<vmem_shared>> -> memref<10000x8xf32, #tpu.memory_space<vmem_shared>>
        tpu.wait_indirect_dma semaphore(%run_scoped3A : memref<!tpu.dma_semaphore, #tpu.memory_space<semaphore_mem>>) src(%arg7 : memref<1000x8xf32, #tpu.memory_space<vmem>>) dst(%dma_wait3A_24 : memref<10000x8xf32, #tpu.memory_space<vmem_shared>>)
        tpu.yield
      }) : () -> ()
    }
    %scan3A_7 = arith.constant 10 : i32
    %barrier3A_8 = arith.constant 0 : index
    tpu.barrier barrier_id(%barrier3A_8)
    %lt3A_9 = arith.constant 10 : i32
    %lt3A_10 = arith.cmpi slt, %arg1, %lt3A_9 : i32
    %convert_element_type3A_11 = arith.extui %lt3A_10 : i1 to i32
    %cond3A_12 = arith.constant 0 : i32
    %cond3A_13 = arith.cmpi ne, %convert_element_type3A_11, %cond3A_12 : i32
    scf.if %cond3A_13 {
      %mul3A_14 = arith.constant 1000 : i32
      %mul3A_15 = arith.muli %arg1, %mul3A_14 : i32
      %multiple_of3A = tpu.assume_multiple %mul3A_15, 8 : i32
      "tpu.region"() ({
        %run_scoped3A = tpu.sem_alloc : memref<!tpu.dma_semaphore, #tpu.memory_space<semaphore_mem>>
        %dma_start3A = arith.constant 0 : i32
        %dma_start3A_16 = arith.constant 0 : i32
        %dma_start3A_17 = tpu.memref_slice %arg5[%arg0, %dma_start3A, %dma_start3A_16] : memref<2x10000x8xf32, #tpu.memory_space<hbm>> -> memref<1x10000x8xf32, #tpu.memory_space<hbm>>
        %dma_start3A_18 = tpu.memref_squeeze %dma_start3A_17 : memref<1x10000x8xf32, #tpu.memory_space<hbm>> -> memref<10000x8xf32, #tpu.memory_space<hbm>>
        %dma_start3A_19 = arith.constant 0 : i32
        %dma_start3A_20 = tpu.memref_slice %dma_start3A_18[%multiple_of3A, %dma_start3A_19] : memref<10000x8xf32, #tpu.memory_space<hbm>> -> memref<1000x8xf32, #tpu.memory_space<hbm>>
        %dma_start3A_21 = arith.constant 0 : i32
        %dma_start3A_22 = tpu.memref_slice %arg8[%multiple_of3A, %dma_start3A_21] : memref<10000x8xf32, #tpu.memory_space<vmem_shared>> -> memref<1000x8xf32, #tpu.memory_space<vmem_shared>>
        tpu.enqueue_dma source(%dma_start3A_22 : memref<1000x8xf32, #tpu.memory_space<vmem_shared>>) target(%dma_start3A_20 : memref<1000x8xf32, #tpu.memory_space<hbm>>) target_semaphore(%run_scoped3A : memref<!tpu.dma_semaphore, #tpu.memory_space<semaphore_mem>>)
        %dma_wait3A = arith.constant 0 : i32
        %dma_wait3A_23 = arith.constant 0 : i32
        %dma_wait3A_24 = tpu.memref_slice %arg5[%arg0, %dma_wait3A, %dma_wait3A_23] : memref<2x10000x8xf32, #tpu.memory_space<hbm>> -> memref<1x10000x8xf32, #tpu.memory_space<hbm>>
        %dma_wait3A_25 = tpu.memref_squeeze %dma_wait3A_24 : memref<1x10000x8xf32, #tpu.memory_space<hbm>> -> memref<10000x8xf32, #tpu.memory_space<hbm>>
        %dma_wait3A_26 = arith.constant 0 : i32
        %dma_wait3A_27 = tpu.memref_slice %dma_wait3A_25[%multiple_of3A, %dma_wait3A_26] : memref<10000x8xf32, #tpu.memory_space<hbm>> -> memref<1000x8xf32, #tpu.memory_space<hbm>>
        %dma_wait3A_28 = arith.constant 0 : i32
        %dma_wait3A_29 = tpu.memref_slice %arg8[%multiple_of3A, %dma_wait3A_28] : memref<10000x8xf32, #tpu.memory_space<vmem_shared>> -> memref<1000x8xf32, #tpu.memory_space<vmem_shared>>
        tpu.wait_dma2 semaphore(%run_scoped3A : memref<!tpu.dma_semaphore, #tpu.memory_space<semaphore_mem>>) src(%dma_wait3A_29 : memref<1000x8xf32, #tpu.memory_space<vmem_shared>>) dst(%dma_wait3A_27 : memref<1000x8xf32, #tpu.memory_space<hbm>>)
        tpu.yield
      }) : () -> ()
    } else {
    }
    return
  }
}

#map = affine_map<(d0, d1) -> (0, 0)>
#map1 = affine_map<(d0, d1) -> (0, 0, 0)>
module attributes {stable_mosaic.version = 14 : i64} {
  func.func @agg_k(%arg0: i32, %arg1: i32, %arg2: memref<10000x16xf32, #tpu.memory_space<hbm>>, %arg3: memref<32x10x1000xi32, #tpu.memory_space<hbm>>, %arg4: memref<32x10x1000xi32, #tpu.memory_space<hbm>>, %arg5: memref<1000x16xf32, #tpu.memory_space<hbm>>, %arg6: memref<2x10000x128xf32, #tpu.memory_space<hbm>>, %arg7: memref<10x1000xi32, #tpu.memory_space<vmem>>, %arg8: memref<10x1000xi32, #tpu.memory_space<vmem>>, %arg9: memref<1000x16xf32, #tpu.memory_space<vmem>>, %arg10: memref<1000x16xf32, #tpu.memory_space<vmem>>, %arg11: memref<1000x16xf32, #tpu.memory_space<vmem>>, %arg12: memref<1000x16xf32, #tpu.memory_space<vmem>>, %arg13: memref<10000x16xf32, #tpu.memory_space<vmem_shared>>, %arg14: memref<!tpu.dma_semaphore, #tpu.memory_space<semaphore_mem>>, %arg15: memref<!tpu.dma_semaphore, #tpu.memory_space<semaphore_mem>>, %arg16: memref<!tpu.dma_semaphore, #tpu.memory_space<semaphore_mem>>, %arg17: memref<!tpu.dma_semaphore, #tpu.memory_space<semaphore_mem>>, %arg18: memref<!tpu.dma_semaphore, #tpu.memory_space<semaphore_mem>>, %arg19: memref<!tpu.dma_semaphore, #tpu.memory_space<semaphore_mem>>, %arg20: memref<!tpu.dma_semaphore, #tpu.memory_space<semaphore_mem>>, %arg21: memref<!tpu.dma_semaphore, #tpu.memory_space<semaphore_mem>>) attributes {dimension_semantics = [#tpu.dimension_semantics<core_parallel>, #tpu.dimension_semantics<subcore_parallel>], iteration_bounds = array<i64: 2, 16>, scalar_prefetch = 0 : i64, scratch_operands = 15 : i64, tpu.core_type = #tpu.core_type<sc_vector_subcore>, window_params = [{transform_indices = #map}, {transform_indices = #map1}, {transform_indices = #map1}, {transform_indices = #map}, {transform_indices = #map1}]} {
    %mul3A = arith.constant 16 : i32
    %mul3A_0 = arith.muli %arg0, %mul3A : i32
    %add3A = arith.addi %mul3A_0, %arg1 : i32
    "tpu.region"() ({
      %run_scoped3A = tpu.sem_alloc : memref<!tpu.dma_semaphore, #tpu.memory_space<semaphore_mem>>
      %dma_start3A_287 = arith.constant 0 : i32
      %dma_start3A_288 = arith.constant 0 : i32
      %dma_start3A_289 = tpu.memref_slice %arg3[%add3A, %dma_start3A_287, %dma_start3A_288] : memref<32x10x1000xi32, #tpu.memory_space<hbm>> -> memref<1x10x1000xi32, #tpu.memory_space<hbm>>
      %dma_start3A_290 = tpu.memref_squeeze %dma_start3A_289 : memref<1x10x1000xi32, #tpu.memory_space<hbm>> -> memref<10x1000xi32, #tpu.memory_space<hbm>>
      %dma_start3A_291 = arith.constant 0 : i32
      %dma_start3A_292 = arith.constant 0 : i32
      %dma_start3A_293 = tpu.memref_slice %arg3[%add3A, %dma_start3A_291, %dma_start3A_292] : memref<32x10x1000xi32, #tpu.memory_space<hbm>> -> memref<1x10x1000xi32, #tpu.memory_space<hbm>>
      %dma_start3A_294 = tpu.memref_squeeze %dma_start3A_293 : memref<1x10x1000xi32, #tpu.memory_space<hbm>> -> memref<10x1000xi32, #tpu.memory_space<hbm>>
      tpu.enqueue_dma source(%dma_start3A_294 : memref<10x1000xi32, #tpu.memory_space<hbm>>) target(%arg7 : memref<10x1000xi32, #tpu.memory_space<vmem>>) target_semaphore(%run_scoped3A : memref<!tpu.dma_semaphore, #tpu.memory_space<semaphore_mem>>)
      %dma_wait3A_295 = arith.constant 0 : i32
      %dma_wait3A_296 = arith.constant 0 : i32
      %dma_wait3A_297 = tpu.memref_slice %arg3[%add3A, %dma_wait3A_295, %dma_wait3A_296] : memref<32x10x1000xi32, #tpu.memory_space<hbm>> -> memref<1x10x1000xi32, #tpu.memory_space<hbm>>
      %dma_wait3A_298 = tpu.memref_squeeze %dma_wait3A_297 : memref<1x10x1000xi32, #tpu.memory_space<hbm>> -> memref<10x1000xi32, #tpu.memory_space<hbm>>
      %dma_wait3A_299 = arith.constant 0 : i32
      %dma_wait3A_300 = arith.constant 0 : i32
      %dma_wait3A_301 = tpu.memref_slice %arg3[%add3A, %dma_wait3A_299, %dma_wait3A_300] : memref<32x10x1000xi32, #tpu.memory_space<hbm>> -> memref<1x10x1000xi32, #tpu.memory_space<hbm>>
      %dma_wait3A_302 = tpu.memref_squeeze %dma_wait3A_301 : memref<1x10x1000xi32, #tpu.memory_space<hbm>> -> memref<10x1000xi32, #tpu.memory_space<hbm>>
      tpu.wait_dma2 semaphore(%run_scoped3A : memref<!tpu.dma_semaphore, #tpu.memory_space<semaphore_mem>>) src(%dma_wait3A_302 : memref<10x1000xi32, #tpu.memory_space<hbm>>) dst(%arg7 : memref<10x1000xi32, #tpu.memory_space<vmem>>)
      tpu.yield
    }) : () -> ()
    "tpu.region"() ({
      %run_scoped3A = tpu.sem_alloc : memref<!tpu.dma_semaphore, #tpu.memory_space<semaphore_mem>>
      %dma_start3A_287 = arith.constant 0 : i32
      %dma_start3A_288 = arith.constant 0 : i32
      %dma_start3A_289 = tpu.memref_slice %arg4[%add3A, %dma_start3A_287, %dma_start3A_288] : memref<32x10x1000xi32, #tpu.memory_space<hbm>> -> memref<1x10x1000xi32, #tpu.memory_space<hbm>>
      %dma_start3A_290 = tpu.memref_squeeze %dma_start3A_289 : memref<1x10x1000xi32, #tpu.memory_space<hbm>> -> memref<10x1000xi32, #tpu.memory_space<hbm>>
      %dma_start3A_291 = arith.constant 0 : i32
      %dma_start3A_292 = arith.constant 0 : i32
      %dma_start3A_293 = tpu.memref_slice %arg4[%add3A, %dma_start3A_291, %dma_start3A_292] : memref<32x10x1000xi32, #tpu.memory_space<hbm>> -> memref<1x10x1000xi32, #tpu.memory_space<hbm>>
      %dma_start3A_294 = tpu.memref_squeeze %dma_start3A_293 : memref<1x10x1000xi32, #tpu.memory_space<hbm>> -> memref<10x1000xi32, #tpu.memory_space<hbm>>
      tpu.enqueue_dma source(%dma_start3A_294 : memref<10x1000xi32, #tpu.memory_space<hbm>>) target(%arg8 : memref<10x1000xi32, #tpu.memory_space<vmem>>) target_semaphore(%run_scoped3A : memref<!tpu.dma_semaphore, #tpu.memory_space<semaphore_mem>>)
      %dma_wait3A_295 = arith.constant 0 : i32
      %dma_wait3A_296 = arith.constant 0 : i32
      %dma_wait3A_297 = tpu.memref_slice %arg4[%add3A, %dma_wait3A_295, %dma_wait3A_296] : memref<32x10x1000xi32, #tpu.memory_space<hbm>> -> memref<1x10x1000xi32, #tpu.memory_space<hbm>>
      %dma_wait3A_298 = tpu.memref_squeeze %dma_wait3A_297 : memref<1x10x1000xi32, #tpu.memory_space<hbm>> -> memref<10x1000xi32, #tpu.memory_space<hbm>>
      %dma_wait3A_299 = arith.constant 0 : i32
      %dma_wait3A_300 = arith.constant 0 : i32
      %dma_wait3A_301 = tpu.memref_slice %arg4[%add3A, %dma_wait3A_299, %dma_wait3A_300] : memref<32x10x1000xi32, #tpu.memory_space<hbm>> -> memref<1x10x1000xi32, #tpu.memory_space<hbm>>
      %dma_wait3A_302 = tpu.memref_squeeze %dma_wait3A_301 : memref<1x10x1000xi32, #tpu.memory_space<hbm>> -> memref<10x1000xi32, #tpu.memory_space<hbm>>
      tpu.wait_dma2 semaphore(%run_scoped3A : memref<!tpu.dma_semaphore, #tpu.memory_space<semaphore_mem>>) src(%dma_wait3A_302 : memref<10x1000xi32, #tpu.memory_space<hbm>>) dst(%arg8 : memref<10x1000xi32, #tpu.memory_space<vmem>>)
      tpu.yield
    }) : () -> ()
    %lt3A = arith.constant 10 : i32
    %lt3A_1 = arith.cmpi slt, %arg1, %lt3A : i32
    %convert_element_type3A = arith.extui %lt3A_1 : i1 to i32
    %cond3A = arith.constant 0 : i32
    %cond3A_2 = arith.cmpi ne, %convert_element_type3A, %cond3A : i32
    scf.if %cond3A_2 {
      %mul3A_287 = arith.constant 1000 : i32
      %mul3A_288 = arith.muli %arg1, %mul3A_287 : i32
      %multiple_of3A = tpu.assume_multiple %mul3A_288, 8 : i32
      "tpu.region"() ({
        %run_scoped3A = tpu.sem_alloc : memref<!tpu.dma_semaphore, #tpu.memory_space<semaphore_mem>>
        %dma_start3A_289 = arith.constant 0 : i32
        %dma_start3A_290 = tpu.memref_slice %arg13[%multiple_of3A, %dma_start3A_289] : memref<10000x16xf32, #tpu.memory_space<vmem_shared>> -> memref<1000x16xf32, #tpu.memory_space<vmem_shared>>
        tpu.enqueue_dma source(%arg5 : memref<1000x16xf32, #tpu.memory_space<hbm>>) target(%dma_start3A_290 : memref<1000x16xf32, #tpu.memory_space<vmem_shared>>) target_semaphore(%run_scoped3A : memref<!tpu.dma_semaphore, #tpu.memory_space<semaphore_mem>>)
        %dma_wait3A_291 = arith.constant 0 : i32
        %dma_wait3A_292 = tpu.memref_slice %arg13[%multiple_of3A, %dma_wait3A_291] : memref<10000x16xf32, #tpu.memory_space<vmem_shared>> -> memref<1000x16xf32, #tpu.memory_space<vmem_shared>>
        tpu.wait_dma2 semaphore(%run_scoped3A : memref<!tpu.dma_semaphore, #tpu.memory_space<semaphore_mem>>) src(%arg5 : memref<1000x16xf32, #tpu.memory_space<hbm>>) dst(%dma_wait3A_292 : memref<1000x16xf32, #tpu.memory_space<vmem_shared>>)
        tpu.yield
      }) : () -> ()
    } else {
    }
    %barrier3A = arith.constant 0 : index
    tpu.barrier barrier_id(%barrier3A)
    %dma_start3A = arith.constant 0 : i32
    %dma_start3A_3 = arith.constant 0 : i32
    %dma_start3A_4 = tpu.memref_slice %arg7[%dma_start3A, %dma_start3A_3] : memref<10x1000xi32, #tpu.memory_space<vmem>> -> memref<1x1000xi32, #tpu.memory_space<vmem>>
    %dma_start3A_5 = tpu.memref_squeeze %dma_start3A_4 : memref<1x1000xi32, #tpu.memory_space<vmem>> -> memref<1000xi32, #tpu.memory_space<vmem>>
    %dma_start3A_6 = arith.constant 0 : i32
    %dma_start3A_7 = arith.constant 0 : i32
    %dma_start3A_8 = tpu.memref_slice %arg2[%dma_start3A_6, %dma_start3A_7] : memref<10000x16xf32, #tpu.memory_space<hbm>> -> memref<10000x16xf32, #tpu.memory_space<hbm>>
    tpu.enqueue_indirect_dma source(%dma_start3A_8 : memref<10000x16xf32, #tpu.memory_space<hbm>>) target(%arg9 : memref<1000x16xf32, #tpu.memory_space<vmem>>) offsets(%dma_start3A_5 : memref<1000xi32, #tpu.memory_space<vmem>>) semaphore(%arg14 : memref<!tpu.dma_semaphore, #tpu.memory_space<semaphore_mem>>)
    %dma_start3A_9 = arith.constant 1 : i32
    %dma_start3A_10 = arith.constant 0 : i32
    %dma_start3A_11 = tpu.memref_slice %arg7[%dma_start3A_9, %dma_start3A_10] : memref<10x1000xi32, #tpu.memory_space<vmem>> -> memref<1x1000xi32, #tpu.memory_space<vmem>>
    %dma_start3A_12 = tpu.memref_squeeze %dma_start3A_11 : memref<1x1000xi32, #tpu.memory_space<vmem>> -> memref<1000xi32, #tpu.memory_space<vmem>>
    %dma_start3A_13 = arith.constant 0 : i32
    %dma_start3A_14 = arith.constant 0 : i32
    %dma_start3A_15 = tpu.memref_slice %arg2[%dma_start3A_13, %dma_start3A_14] : memref<10000x16xf32, #tpu.memory_space<hbm>> -> memref<10000x16xf32, #tpu.memory_space<hbm>>
    tpu.enqueue_indirect_dma source(%dma_start3A_15 : memref<10000x16xf32, #tpu.memory_space<hbm>>) target(%arg10 : memref<1000x16xf32, #tpu.memory_space<vmem>>) offsets(%dma_start3A_12 : memref<1000xi32, #tpu.memory_space<vmem>>) semaphore(%arg15 : memref<!tpu.dma_semaphore, #tpu.memory_space<semaphore_mem>>)
    %dma_wait3A = arith.constant 0 : i32
    %dma_wait3A_16 = arith.constant 0 : i32
    %dma_wait3A_17 = tpu.memref_slice %arg7[%dma_wait3A, %dma_wait3A_16] : memref<10x1000xi32, #tpu.memory_space<vmem>> -> memref<1x1000xi32, #tpu.memory_space<vmem>>
    %dma_wait3A_18 = tpu.memref_squeeze %dma_wait3A_17 : memref<1x1000xi32, #tpu.memory_space<vmem>> -> memref<1000xi32, #tpu.memory_space<vmem>>
    %dma_wait3A_19 = arith.constant 0 : i32
    %dma_wait3A_20 = arith.constant 0 : i32
    %dma_wait3A_21 = tpu.memref_slice %arg2[%dma_wait3A_19, %dma_wait3A_20] : memref<10000x16xf32, #tpu.memory_space<hbm>> -> memref<10000x16xf32, #tpu.memory_space<hbm>>
    tpu.wait_indirect_dma semaphore(%arg14 : memref<!tpu.dma_semaphore, #tpu.memory_space<semaphore_mem>>) src(%dma_wait3A_21 : memref<10000x16xf32, #tpu.memory_space<hbm>>) dst(%arg9 : memref<1000x16xf32, #tpu.memory_space<vmem>>)
    %dma_start3A_22 = arith.constant 0 : i32
    %dma_start3A_23 = arith.constant 0 : i32
    %dma_start3A_24 = tpu.memref_slice %arg8[%dma_start3A_22, %dma_start3A_23] : memref<10x1000xi32, #tpu.memory_space<vmem>> -> memref<1x1000xi32, #tpu.memory_space<vmem>>
    %dma_start3A_25 = tpu.memref_squeeze %dma_start3A_24 : memref<1x1000xi32, #tpu.memory_space<vmem>> -> memref<1000xi32, #tpu.memory_space<vmem>>
    %dma_start3A_26 = arith.constant 0 : i32
    %dma_start3A_27 = arith.constant 0 : i32
    %dma_start3A_28 = tpu.memref_slice %arg13[%dma_start3A_26, %dma_start3A_27] : memref<10000x16xf32, #tpu.memory_space<vmem_shared>> -> memref<10000x16xf32, #tpu.memory_space<vmem_shared>>
    tpu.enqueue_indirect_dma source(%arg9 : memref<1000x16xf32, #tpu.memory_space<vmem>>) target(%dma_start3A_28 : memref<10000x16xf32, #tpu.memory_space<vmem_shared>>) offsets(%dma_start3A_25 : memref<1000xi32, #tpu.memory_space<vmem>>) semaphore(%arg18 : memref<!tpu.dma_semaphore, #tpu.memory_space<semaphore_mem>>) {add = true}
    %dma_start3A_29 = arith.constant 2 : i32
    %dma_start3A_30 = arith.constant 0 : i32
    %dma_start3A_31 = tpu.memref_slice %arg7[%dma_start3A_29, %dma_start3A_30] : memref<10x1000xi32, #tpu.memory_space<vmem>> -> memref<1x1000xi32, #tpu.memory_space<vmem>>
    %dma_start3A_32 = tpu.memref_squeeze %dma_start3A_31 : memref<1x1000xi32, #tpu.memory_space<vmem>> -> memref<1000xi32, #tpu.memory_space<vmem>>
    %dma_start3A_33 = arith.constant 0 : i32
    %dma_start3A_34 = arith.constant 0 : i32
    %dma_start3A_35 = tpu.memref_slice %arg2[%dma_start3A_33, %dma_start3A_34] : memref<10000x16xf32, #tpu.memory_space<hbm>> -> memref<10000x16xf32, #tpu.memory_space<hbm>>
    tpu.enqueue_indirect_dma source(%dma_start3A_35 : memref<10000x16xf32, #tpu.memory_space<hbm>>) target(%arg11 : memref<1000x16xf32, #tpu.memory_space<vmem>>) offsets(%dma_start3A_32 : memref<1000xi32, #tpu.memory_space<vmem>>) semaphore(%arg16 : memref<!tpu.dma_semaphore, #tpu.memory_space<semaphore_mem>>)
    %dma_wait3A_36 = arith.constant 1 : i32
    %dma_wait3A_37 = arith.constant 0 : i32
    %dma_wait3A_38 = tpu.memref_slice %arg7[%dma_wait3A_36, %dma_wait3A_37] : memref<10x1000xi32, #tpu.memory_space<vmem>> -> memref<1x1000xi32, #tpu.memory_space<vmem>>
    %dma_wait3A_39 = tpu.memref_squeeze %dma_wait3A_38 : memref<1x1000xi32, #tpu.memory_space<vmem>> -> memref<1000xi32, #tpu.memory_space<vmem>>
    %dma_wait3A_40 = arith.constant 0 : i32
    %dma_wait3A_41 = arith.constant 0 : i32
    %dma_wait3A_42 = tpu.memref_slice %arg2[%dma_wait3A_40, %dma_wait3A_41] : memref<10000x16xf32, #tpu.memory_space<hbm>> -> memref<10000x16xf32, #tpu.memory_space<hbm>>
    tpu.wait_indirect_dma semaphore(%arg15 : memref<!tpu.dma_semaphore, #tpu.memory_space<semaphore_mem>>) src(%dma_wait3A_42 : memref<10000x16xf32, #tpu.memory_space<hbm>>) dst(%arg10 : memref<1000x16xf32, #tpu.memory_space<vmem>>)
    %dma_start3A_43 = arith.constant 1 : i32
    %dma_start3A_44 = arith.constant 0 : i32
    %dma_start3A_45 = tpu.memref_slice %arg8[%dma_start3A_43, %dma_start3A_44] : memref<10x1000xi32, #tpu.memory_space<vmem>> -> memref<1x1000xi32, #tpu.memory_space<vmem>>
    %dma_start3A_46 = tpu.memref_squeeze %dma_start3A_45 : memref<1x1000xi32, #tpu.memory_space<vmem>> -> memref<1000xi32, #tpu.memory_space<vmem>>
    %dma_start3A_47 = arith.constant 0 : i32
    %dma_start3A_48 = arith.constant 0 : i32
    %dma_start3A_49 = tpu.memref_slice %arg13[%dma_start3A_47, %dma_start3A_48] : memref<10000x16xf32, #tpu.memory_space<vmem_shared>> -> memref<10000x16xf32, #tpu.memory_space<vmem_shared>>
    tpu.enqueue_indirect_dma source(%arg10 : memref<1000x16xf32, #tpu.memory_space<vmem>>) target(%dma_start3A_49 : memref<10000x16xf32, #tpu.memory_space<vmem_shared>>) offsets(%dma_start3A_46 : memref<1000xi32, #tpu.memory_space<vmem>>) semaphore(%arg19 : memref<!tpu.dma_semaphore, #tpu.memory_space<semaphore_mem>>) {add = true}
    %dma_start3A_50 = arith.constant 3 : i32
    %dma_start3A_51 = arith.constant 0 : i32
    %dma_start3A_52 = tpu.memref_slice %arg7[%dma_start3A_50, %dma_start3A_51] : memref<10x1000xi32, #tpu.memory_space<vmem>> -> memref<1x1000xi32, #tpu.memory_space<vmem>>
    %dma_start3A_53 = tpu.memref_squeeze %dma_start3A_52 : memref<1x1000xi32, #tpu.memory_space<vmem>> -> memref<1000xi32, #tpu.memory_space<vmem>>
    %dma_start3A_54 = arith.constant 0 : i32
    %dma_start3A_55 = arith.constant 0 : i32
    %dma_start3A_56 = tpu.memref_slice %arg2[%dma_start3A_54, %dma_start3A_55] : memref<10000x16xf32, #tpu.memory_space<hbm>> -> memref<10000x16xf32, #tpu.memory_space<hbm>>
    tpu.enqueue_indirect_dma source(%dma_start3A_56 : memref<10000x16xf32, #tpu.memory_space<hbm>>) target(%arg12 : memref<1000x16xf32, #tpu.memory_space<vmem>>) offsets(%dma_start3A_53 : memref<1000xi32, #tpu.memory_space<vmem>>) semaphore(%arg17 : memref<!tpu.dma_semaphore, #tpu.memory_space<semaphore_mem>>)
    %dma_wait3A_57 = arith.constant 2 : i32
    %dma_wait3A_58 = arith.constant 0 : i32
    %dma_wait3A_59 = tpu.memref_slice %arg7[%dma_wait3A_57, %dma_wait3A_58] : memref<10x1000xi32, #tpu.memory_space<vmem>> -> memref<1x1000xi32, #tpu.memory_space<vmem>>
    %dma_wait3A_60 = tpu.memref_squeeze %dma_wait3A_59 : memref<1x1000xi32, #tpu.memory_space<vmem>> -> memref<1000xi32, #tpu.memory_space<vmem>>
    %dma_wait3A_61 = arith.constant 0 : i32
    %dma_wait3A_62 = arith.constant 0 : i32
    %dma_wait3A_63 = tpu.memref_slice %arg2[%dma_wait3A_61, %dma_wait3A_62] : memref<10000x16xf32, #tpu.memory_space<hbm>> -> memref<10000x16xf32, #tpu.memory_space<hbm>>
    tpu.wait_indirect_dma semaphore(%arg16 : memref<!tpu.dma_semaphore, #tpu.memory_space<semaphore_mem>>) src(%dma_wait3A_63 : memref<10000x16xf32, #tpu.memory_space<hbm>>) dst(%arg11 : memref<1000x16xf32, #tpu.memory_space<vmem>>)
    %dma_start3A_64 = arith.constant 2 : i32
    %dma_start3A_65 = arith.constant 0 : i32
    %dma_start3A_66 = tpu.memref_slice %arg8[%dma_start3A_64, %dma_start3A_65] : memref<10x1000xi32, #tpu.memory_space<vmem>> -> memref<1x1000xi32, #tpu.memory_space<vmem>>
    %dma_start3A_67 = tpu.memref_squeeze %dma_start3A_66 : memref<1x1000xi32, #tpu.memory_space<vmem>> -> memref<1000xi32, #tpu.memory_space<vmem>>
    %dma_start3A_68 = arith.constant 0 : i32
    %dma_start3A_69 = arith.constant 0 : i32
    %dma_start3A_70 = tpu.memref_slice %arg13[%dma_start3A_68, %dma_start3A_69] : memref<10000x16xf32, #tpu.memory_space<vmem_shared>> -> memref<10000x16xf32, #tpu.memory_space<vmem_shared>>
    tpu.enqueue_indirect_dma source(%arg11 : memref<1000x16xf32, #tpu.memory_space<vmem>>) target(%dma_start3A_70 : memref<10000x16xf32, #tpu.memory_space<vmem_shared>>) offsets(%dma_start3A_67 : memref<1000xi32, #tpu.memory_space<vmem>>) semaphore(%arg20 : memref<!tpu.dma_semaphore, #tpu.memory_space<semaphore_mem>>) {add = true}
    %dma_wait3A_71 = arith.constant 0 : i32
    %dma_wait3A_72 = arith.constant 0 : i32
    %dma_wait3A_73 = tpu.memref_slice %arg8[%dma_wait3A_71, %dma_wait3A_72] : memref<10x1000xi32, #tpu.memory_space<vmem>> -> memref<1x1000xi32, #tpu.memory_space<vmem>>
    %dma_wait3A_74 = tpu.memref_squeeze %dma_wait3A_73 : memref<1x1000xi32, #tpu.memory_space<vmem>> -> memref<1000xi32, #tpu.memory_space<vmem>>
    %dma_wait3A_75 = arith.constant 0 : i32
    %dma_wait3A_76 = arith.constant 0 : i32
    %dma_wait3A_77 = tpu.memref_slice %arg13[%dma_wait3A_75, %dma_wait3A_76] : memref<10000x16xf32, #tpu.memory_space<vmem_shared>> -> memref<10000x16xf32, #tpu.memory_space<vmem_shared>>
    tpu.wait_indirect_dma semaphore(%arg18 : memref<!tpu.dma_semaphore, #tpu.memory_space<semaphore_mem>>) src(%arg9 : memref<1000x16xf32, #tpu.memory_space<vmem>>) dst(%dma_wait3A_77 : memref<10000x16xf32, #tpu.memory_space<vmem_shared>>)
    %dma_start3A_78 = arith.constant 4 : i32
    %dma_start3A_79 = arith.constant 0 : i32
    %dma_start3A_80 = tpu.memref_slice %arg7[%dma_start3A_78, %dma_start3A_79] : memref<10x1000xi32, #tpu.memory_space<vmem>> -> memref<1x1000xi32, #tpu.memory_space<vmem>>
    %dma_start3A_81 = tpu.memref_squeeze %dma_start3A_80 : memref<1x1000xi32, #tpu.memory_space<vmem>> -> memref<1000xi32, #tpu.memory_space<vmem>>
    %dma_start3A_82 = arith.constant 0 : i32
    %dma_start3A_83 = arith.constant 0 : i32
    %dma_start3A_84 = tpu.memref_slice %arg2[%dma_start3A_82, %dma_start3A_83] : memref<10000x16xf32, #tpu.memory_space<hbm>> -> memref<10000x16xf32, #tpu.memory_space<hbm>>
    tpu.enqueue_indirect_dma source(%dma_start3A_84 : memref<10000x16xf32, #tpu.memory_space<hbm>>) target(%arg9 : memref<1000x16xf32, #tpu.memory_space<vmem>>) offsets(%dma_start3A_81 : memref<1000xi32, #tpu.memory_space<vmem>>) semaphore(%arg14 : memref<!tpu.dma_semaphore, #tpu.memory_space<semaphore_mem>>)
    %dma_wait3A_85 = arith.constant 3 : i32
    %dma_wait3A_86 = arith.constant 0 : i32
    %dma_wait3A_87 = tpu.memref_slice %arg7[%dma_wait3A_85, %dma_wait3A_86] : memref<10x1000xi32, #tpu.memory_space<vmem>> -> memref<1x1000xi32, #tpu.memory_space<vmem>>
    %dma_wait3A_88 = tpu.memref_squeeze %dma_wait3A_87 : memref<1x1000xi32, #tpu.memory_space<vmem>> -> memref<1000xi32, #tpu.memory_space<vmem>>
    %dma_wait3A_89 = arith.constant 0 : i32
    %dma_wait3A_90 = arith.constant 0 : i32
    %dma_wait3A_91 = tpu.memref_slice %arg2[%dma_wait3A_89, %dma_wait3A_90] : memref<10000x16xf32, #tpu.memory_space<hbm>> -> memref<10000x16xf32, #tpu.memory_space<hbm>>
    tpu.wait_indirect_dma semaphore(%arg17 : memref<!tpu.dma_semaphore, #tpu.memory_space<semaphore_mem>>) src(%dma_wait3A_91 : memref<10000x16xf32, #tpu.memory_space<hbm>>) dst(%arg12 : memref<1000x16xf32, #tpu.memory_space<vmem>>)
    %dma_start3A_92 = arith.constant 3 : i32
    %dma_start3A_93 = arith.constant 0 : i32
    %dma_start3A_94 = tpu.memref_slice %arg8[%dma_start3A_92, %dma_start3A_93] : memref<10x1000xi32, #tpu.memory_space<vmem>> -> memref<1x1000xi32, #tpu.memory_space<vmem>>
    %dma_start3A_95 = tpu.memref_squeeze %dma_start3A_94 : memref<1x1000xi32, #tpu.memory_space<vmem>> -> memref<1000xi32, #tpu.memory_space<vmem>>
    %dma_start3A_96 = arith.constant 0 : i32
    %dma_start3A_97 = arith.constant 0 : i32
    %dma_start3A_98 = tpu.memref_slice %arg13[%dma_start3A_96, %dma_start3A_97] : memref<10000x16xf32, #tpu.memory_space<vmem_shared>> -> memref<10000x16xf32, #tpu.memory_space<vmem_shared>>
    tpu.enqueue_indirect_dma source(%arg12 : memref<1000x16xf32, #tpu.memory_space<vmem>>) target(%dma_start3A_98 : memref<10000x16xf32, #tpu.memory_space<vmem_shared>>) offsets(%dma_start3A_95 : memref<1000xi32, #tpu.memory_space<vmem>>) semaphore(%arg21 : memref<!tpu.dma_semaphore, #tpu.memory_space<semaphore_mem>>) {add = true}
    %dma_wait3A_99 = arith.constant 1 : i32
    %dma_wait3A_100 = arith.constant 0 : i32
    %dma_wait3A_101 = tpu.memref_slice %arg8[%dma_wait3A_99, %dma_wait3A_100] : memref<10x1000xi32, #tpu.memory_space<vmem>> -> memref<1x1000xi32, #tpu.memory_space<vmem>>
    %dma_wait3A_102 = tpu.memref_squeeze %dma_wait3A_101 : memref<1x1000xi32, #tpu.memory_space<vmem>> -> memref<1000xi32, #tpu.memory_space<vmem>>
    %dma_wait3A_103 = arith.constant 0 : i32
    %dma_wait3A_104 = arith.constant 0 : i32
    %dma_wait3A_105 = tpu.memref_slice %arg13[%dma_wait3A_103, %dma_wait3A_104] : memref<10000x16xf32, #tpu.memory_space<vmem_shared>> -> memref<10000x16xf32, #tpu.memory_space<vmem_shared>>
    tpu.wait_indirect_dma semaphore(%arg19 : memref<!tpu.dma_semaphore, #tpu.memory_space<semaphore_mem>>) src(%arg10 : memref<1000x16xf32, #tpu.memory_space<vmem>>) dst(%dma_wait3A_105 : memref<10000x16xf32, #tpu.memory_space<vmem_shared>>)
    %dma_start3A_106 = arith.constant 5 : i32
    %dma_start3A_107 = arith.constant 0 : i32
    %dma_start3A_108 = tpu.memref_slice %arg7[%dma_start3A_106, %dma_start3A_107] : memref<10x1000xi32, #tpu.memory_space<vmem>> -> memref<1x1000xi32, #tpu.memory_space<vmem>>
    %dma_start3A_109 = tpu.memref_squeeze %dma_start3A_108 : memref<1x1000xi32, #tpu.memory_space<vmem>> -> memref<1000xi32, #tpu.memory_space<vmem>>
    %dma_start3A_110 = arith.constant 0 : i32
    %dma_start3A_111 = arith.constant 0 : i32
    %dma_start3A_112 = tpu.memref_slice %arg2[%dma_start3A_110, %dma_start3A_111] : memref<10000x16xf32, #tpu.memory_space<hbm>> -> memref<10000x16xf32, #tpu.memory_space<hbm>>
    tpu.enqueue_indirect_dma source(%dma_start3A_112 : memref<10000x16xf32, #tpu.memory_space<hbm>>) target(%arg10 : memref<1000x16xf32, #tpu.memory_space<vmem>>) offsets(%dma_start3A_109 : memref<1000xi32, #tpu.memory_space<vmem>>) semaphore(%arg15 : memref<!tpu.dma_semaphore, #tpu.memory_space<semaphore_mem>>)
    %dma_wait3A_113 = arith.constant 4 : i32
    %dma_wait3A_114 = arith.constant 0 : i32
    %dma_wait3A_115 = tpu.memref_slice %arg7[%dma_wait3A_113, %dma_wait3A_114] : memref<10x1000xi32, #tpu.memory_space<vmem>> -> memref<1x1000xi32, #tpu.memory_space<vmem>>
    %dma_wait3A_116 = tpu.memref_squeeze %dma_wait3A_115 : memref<1x1000xi32, #tpu.memory_space<vmem>> -> memref<1000xi32, #tpu.memory_space<vmem>>
    %dma_wait3A_117 = arith.constant 0 : i32
    %dma_wait3A_118 = arith.constant 0 : i32
    %dma_wait3A_119 = tpu.memref_slice %arg2[%dma_wait3A_117, %dma_wait3A_118] : memref<10000x16xf32, #tpu.memory_space<hbm>> -> memref<10000x16xf32, #tpu.memory_space<hbm>>
    tpu.wait_indirect_dma semaphore(%arg14 : memref<!tpu.dma_semaphore, #tpu.memory_space<semaphore_mem>>) src(%dma_wait3A_119 : memref<10000x16xf32, #tpu.memory_space<hbm>>) dst(%arg9 : memref<1000x16xf32, #tpu.memory_space<vmem>>)
    %dma_start3A_120 = arith.constant 4 : i32
    %dma_start3A_121 = arith.constant 0 : i32
    %dma_start3A_122 = tpu.memref_slice %arg8[%dma_start3A_120, %dma_start3A_121] : memref<10x1000xi32, #tpu.memory_space<vmem>> -> memref<1x1000xi32, #tpu.memory_space<vmem>>
    %dma_start3A_123 = tpu.memref_squeeze %dma_start3A_122 : memref<1x1000xi32, #tpu.memory_space<vmem>> -> memref<1000xi32, #tpu.memory_space<vmem>>
    %dma_start3A_124 = arith.constant 0 : i32
    %dma_start3A_125 = arith.constant 0 : i32
    %dma_start3A_126 = tpu.memref_slice %arg13[%dma_start3A_124, %dma_start3A_125] : memref<10000x16xf32, #tpu.memory_space<vmem_shared>> -> memref<10000x16xf32, #tpu.memory_space<vmem_shared>>
    tpu.enqueue_indirect_dma source(%arg9 : memref<1000x16xf32, #tpu.memory_space<vmem>>) target(%dma_start3A_126 : memref<10000x16xf32, #tpu.memory_space<vmem_shared>>) offsets(%dma_start3A_123 : memref<1000xi32, #tpu.memory_space<vmem>>) semaphore(%arg18 : memref<!tpu.dma_semaphore, #tpu.memory_space<semaphore_mem>>) {add = true}
    %dma_wait3A_127 = arith.constant 2 : i32
    %dma_wait3A_128 = arith.constant 0 : i32
    %dma_wait3A_129 = tpu.memref_slice %arg8[%dma_wait3A_127, %dma_wait3A_128] : memref<10x1000xi32, #tpu.memory_space<vmem>> -> memref<1x1000xi32, #tpu.memory_space<vmem>>
    %dma_wait3A_130 = tpu.memref_squeeze %dma_wait3A_129 : memref<1x1000xi32, #tpu.memory_space<vmem>> -> memref<1000xi32, #tpu.memory_space<vmem>>
    %dma_wait3A_131 = arith.constant 0 : i32
    %dma_wait3A_132 = arith.constant 0 : i32
    %dma_wait3A_133 = tpu.memref_slice %arg13[%dma_wait3A_131, %dma_wait3A_132] : memref<10000x16xf32, #tpu.memory_space<vmem_shared>> -> memref<10000x16xf32, #tpu.memory_space<vmem_shared>>
    tpu.wait_indirect_dma semaphore(%arg20 : memref<!tpu.dma_semaphore, #tpu.memory_space<semaphore_mem>>) src(%arg11 : memref<1000x16xf32, #tpu.memory_space<vmem>>) dst(%dma_wait3A_133 : memref<10000x16xf32, #tpu.memory_space<vmem_shared>>)
    %dma_start3A_134 = arith.constant 6 : i32
    %dma_start3A_135 = arith.constant 0 : i32
    %dma_start3A_136 = tpu.memref_slice %arg7[%dma_start3A_134, %dma_start3A_135] : memref<10x1000xi32, #tpu.memory_space<vmem>> -> memref<1x1000xi32, #tpu.memory_space<vmem>>
    %dma_start3A_137 = tpu.memref_squeeze %dma_start3A_136 : memref<1x1000xi32, #tpu.memory_space<vmem>> -> memref<1000xi32, #tpu.memory_space<vmem>>
    %dma_start3A_138 = arith.constant 0 : i32
    %dma_start3A_139 = arith.constant 0 : i32
    %dma_start3A_140 = tpu.memref_slice %arg2[%dma_start3A_138, %dma_start3A_139] : memref<10000x16xf32, #tpu.memory_space<hbm>> -> memref<10000x16xf32, #tpu.memory_space<hbm>>
    tpu.enqueue_indirect_dma source(%dma_start3A_140 : memref<10000x16xf32, #tpu.memory_space<hbm>>) target(%arg11 : memref<1000x16xf32, #tpu.memory_space<vmem>>) offsets(%dma_start3A_137 : memref<1000xi32, #tpu.memory_space<vmem>>) semaphore(%arg16 : memref<!tpu.dma_semaphore, #tpu.memory_space<semaphore_mem>>)
    %dma_wait3A_141 = arith.constant 5 : i32
    %dma_wait3A_142 = arith.constant 0 : i32
    %dma_wait3A_143 = tpu.memref_slice %arg7[%dma_wait3A_141, %dma_wait3A_142] : memref<10x1000xi32, #tpu.memory_space<vmem>> -> memref<1x1000xi32, #tpu.memory_space<vmem>>
    %dma_wait3A_144 = tpu.memref_squeeze %dma_wait3A_143 : memref<1x1000xi32, #tpu.memory_space<vmem>> -> memref<1000xi32, #tpu.memory_space<vmem>>
    %dma_wait3A_145 = arith.constant 0 : i32
    %dma_wait3A_146 = arith.constant 0 : i32
    %dma_wait3A_147 = tpu.memref_slice %arg2[%dma_wait3A_145, %dma_wait3A_146] : memref<10000x16xf32, #tpu.memory_space<hbm>> -> memref<10000x16xf32, #tpu.memory_space<hbm>>
    tpu.wait_indirect_dma semaphore(%arg15 : memref<!tpu.dma_semaphore, #tpu.memory_space<semaphore_mem>>) src(%dma_wait3A_147 : memref<10000x16xf32, #tpu.memory_space<hbm>>) dst(%arg10 : memref<1000x16xf32, #tpu.memory_space<vmem>>)
    %dma_start3A_148 = arith.constant 5 : i32
    %dma_start3A_149 = arith.constant 0 : i32
    %dma_start3A_150 = tpu.memref_slice %arg8[%dma_start3A_148, %dma_start3A_149] : memref<10x1000xi32, #tpu.memory_space<vmem>> -> memref<1x1000xi32, #tpu.memory_space<vmem>>
    %dma_start3A_151 = tpu.memref_squeeze %dma_start3A_150 : memref<1x1000xi32, #tpu.memory_space<vmem>> -> memref<1000xi32, #tpu.memory_space<vmem>>
    %dma_start3A_152 = arith.constant 0 : i32
    %dma_start3A_153 = arith.constant 0 : i32
    %dma_start3A_154 = tpu.memref_slice %arg13[%dma_start3A_152, %dma_start3A_153] : memref<10000x16xf32, #tpu.memory_space<vmem_shared>> -> memref<10000x16xf32, #tpu.memory_space<vmem_shared>>
    tpu.enqueue_indirect_dma source(%arg10 : memref<1000x16xf32, #tpu.memory_space<vmem>>) target(%dma_start3A_154 : memref<10000x16xf32, #tpu.memory_space<vmem_shared>>) offsets(%dma_start3A_151 : memref<1000xi32, #tpu.memory_space<vmem>>) semaphore(%arg19 : memref<!tpu.dma_semaphore, #tpu.memory_space<semaphore_mem>>) {add = true}
    %dma_wait3A_155 = arith.constant 3 : i32
    %dma_wait3A_156 = arith.constant 0 : i32
    %dma_wait3A_157 = tpu.memref_slice %arg8[%dma_wait3A_155, %dma_wait3A_156] : memref<10x1000xi32, #tpu.memory_space<vmem>> -> memref<1x1000xi32, #tpu.memory_space<vmem>>
    %dma_wait3A_158 = tpu.memref_squeeze %dma_wait3A_157 : memref<1x1000xi32, #tpu.memory_space<vmem>> -> memref<1000xi32, #tpu.memory_space<vmem>>
    %dma_wait3A_159 = arith.constant 0 : i32
    %dma_wait3A_160 = arith.constant 0 : i32
    %dma_wait3A_161 = tpu.memref_slice %arg13[%dma_wait3A_159, %dma_wait3A_160] : memref<10000x16xf32, #tpu.memory_space<vmem_shared>> -> memref<10000x16xf32, #tpu.memory_space<vmem_shared>>
    tpu.wait_indirect_dma semaphore(%arg21 : memref<!tpu.dma_semaphore, #tpu.memory_space<semaphore_mem>>) src(%arg12 : memref<1000x16xf32, #tpu.memory_space<vmem>>) dst(%dma_wait3A_161 : memref<10000x16xf32, #tpu.memory_space<vmem_shared>>)
    %dma_start3A_162 = arith.constant 7 : i32
    %dma_start3A_163 = arith.constant 0 : i32
    %dma_start3A_164 = tpu.memref_slice %arg7[%dma_start3A_162, %dma_start3A_163] : memref<10x1000xi32, #tpu.memory_space<vmem>> -> memref<1x1000xi32, #tpu.memory_space<vmem>>
    %dma_start3A_165 = tpu.memref_squeeze %dma_start3A_164 : memref<1x1000xi32, #tpu.memory_space<vmem>> -> memref<1000xi32, #tpu.memory_space<vmem>>
    %dma_start3A_166 = arith.constant 0 : i32
    %dma_start3A_167 = arith.constant 0 : i32
    %dma_start3A_168 = tpu.memref_slice %arg2[%dma_start3A_166, %dma_start3A_167] : memref<10000x16xf32, #tpu.memory_space<hbm>> -> memref<10000x16xf32, #tpu.memory_space<hbm>>
    tpu.enqueue_indirect_dma source(%dma_start3A_168 : memref<10000x16xf32, #tpu.memory_space<hbm>>) target(%arg12 : memref<1000x16xf32, #tpu.memory_space<vmem>>) offsets(%dma_start3A_165 : memref<1000xi32, #tpu.memory_space<vmem>>) semaphore(%arg17 : memref<!tpu.dma_semaphore, #tpu.memory_space<semaphore_mem>>)
    %dma_wait3A_169 = arith.constant 6 : i32
    %dma_wait3A_170 = arith.constant 0 : i32
    %dma_wait3A_171 = tpu.memref_slice %arg7[%dma_wait3A_169, %dma_wait3A_170] : memref<10x1000xi32, #tpu.memory_space<vmem>> -> memref<1x1000xi32, #tpu.memory_space<vmem>>
    %dma_wait3A_172 = tpu.memref_squeeze %dma_wait3A_171 : memref<1x1000xi32, #tpu.memory_space<vmem>> -> memref<1000xi32, #tpu.memory_space<vmem>>
    %dma_wait3A_173 = arith.constant 0 : i32
    %dma_wait3A_174 = arith.constant 0 : i32
    %dma_wait3A_175 = tpu.memref_slice %arg2[%dma_wait3A_173, %dma_wait3A_174] : memref<10000x16xf32, #tpu.memory_space<hbm>> -> memref<10000x16xf32, #tpu.memory_space<hbm>>
    tpu.wait_indirect_dma semaphore(%arg16 : memref<!tpu.dma_semaphore, #tpu.memory_space<semaphore_mem>>) src(%dma_wait3A_175 : memref<10000x16xf32, #tpu.memory_space<hbm>>) dst(%arg11 : memref<1000x16xf32, #tpu.memory_space<vmem>>)
    %dma_start3A_176 = arith.constant 6 : i32
    %dma_start3A_177 = arith.constant 0 : i32
    %dma_start3A_178 = tpu.memref_slice %arg8[%dma_start3A_176, %dma_start3A_177] : memref<10x1000xi32, #tpu.memory_space<vmem>> -> memref<1x1000xi32, #tpu.memory_space<vmem>>
    %dma_start3A_179 = tpu.memref_squeeze %dma_start3A_178 : memref<1x1000xi32, #tpu.memory_space<vmem>> -> memref<1000xi32, #tpu.memory_space<vmem>>
    %dma_start3A_180 = arith.constant 0 : i32
    %dma_start3A_181 = arith.constant 0 : i32
    %dma_start3A_182 = tpu.memref_slice %arg13[%dma_start3A_180, %dma_start3A_181] : memref<10000x16xf32, #tpu.memory_space<vmem_shared>> -> memref<10000x16xf32, #tpu.memory_space<vmem_shared>>
    tpu.enqueue_indirect_dma source(%arg11 : memref<1000x16xf32, #tpu.memory_space<vmem>>) target(%dma_start3A_182 : memref<10000x16xf32, #tpu.memory_space<vmem_shared>>) offsets(%dma_start3A_179 : memref<1000xi32, #tpu.memory_space<vmem>>) semaphore(%arg20 : memref<!tpu.dma_semaphore, #tpu.memory_space<semaphore_mem>>) {add = true}
    %dma_wait3A_183 = arith.constant 4 : i32
    %dma_wait3A_184 = arith.constant 0 : i32
    %dma_wait3A_185 = tpu.memref_slice %arg8[%dma_wait3A_183, %dma_wait3A_184] : memref<10x1000xi32, #tpu.memory_space<vmem>> -> memref<1x1000xi32, #tpu.memory_space<vmem>>
    %dma_wait3A_186 = tpu.memref_squeeze %dma_wait3A_185 : memref<1x1000xi32, #tpu.memory_space<vmem>> -> memref<1000xi32, #tpu.memory_space<vmem>>
    %dma_wait3A_187 = arith.constant 0 : i32
    %dma_wait3A_188 = arith.constant 0 : i32
    %dma_wait3A_189 = tpu.memref_slice %arg13[%dma_wait3A_187, %dma_wait3A_188] : memref<10000x16xf32, #tpu.memory_space<vmem_shared>> -> memref<10000x16xf32, #tpu.memory_space<vmem_shared>>
    tpu.wait_indirect_dma semaphore(%arg18 : memref<!tpu.dma_semaphore, #tpu.memory_space<semaphore_mem>>) src(%arg9 : memref<1000x16xf32, #tpu.memory_space<vmem>>) dst(%dma_wait3A_189 : memref<10000x16xf32, #tpu.memory_space<vmem_shared>>)
    %dma_start3A_190 = arith.constant 8 : i32
    %dma_start3A_191 = arith.constant 0 : i32
    %dma_start3A_192 = tpu.memref_slice %arg7[%dma_start3A_190, %dma_start3A_191] : memref<10x1000xi32, #tpu.memory_space<vmem>> -> memref<1x1000xi32, #tpu.memory_space<vmem>>
    %dma_start3A_193 = tpu.memref_squeeze %dma_start3A_192 : memref<1x1000xi32, #tpu.memory_space<vmem>> -> memref<1000xi32, #tpu.memory_space<vmem>>
    %dma_start3A_194 = arith.constant 0 : i32
    %dma_start3A_195 = arith.constant 0 : i32
    %dma_start3A_196 = tpu.memref_slice %arg2[%dma_start3A_194, %dma_start3A_195] : memref<10000x16xf32, #tpu.memory_space<hbm>> -> memref<10000x16xf32, #tpu.memory_space<hbm>>
    tpu.enqueue_indirect_dma source(%dma_start3A_196 : memref<10000x16xf32, #tpu.memory_space<hbm>>) target(%arg9 : memref<1000x16xf32, #tpu.memory_space<vmem>>) offsets(%dma_start3A_193 : memref<1000xi32, #tpu.memory_space<vmem>>) semaphore(%arg14 : memref<!tpu.dma_semaphore, #tpu.memory_space<semaphore_mem>>)
    %dma_wait3A_197 = arith.constant 7 : i32
    %dma_wait3A_198 = arith.constant 0 : i32
    %dma_wait3A_199 = tpu.memref_slice %arg7[%dma_wait3A_197, %dma_wait3A_198] : memref<10x1000xi32, #tpu.memory_space<vmem>> -> memref<1x1000xi32, #tpu.memory_space<vmem>>
    %dma_wait3A_200 = tpu.memref_squeeze %dma_wait3A_199 : memref<1x1000xi32, #tpu.memory_space<vmem>> -> memref<1000xi32, #tpu.memory_space<vmem>>
    %dma_wait3A_201 = arith.constant 0 : i32
    %dma_wait3A_202 = arith.constant 0 : i32
    %dma_wait3A_203 = tpu.memref_slice %arg2[%dma_wait3A_201, %dma_wait3A_202] : memref<10000x16xf32, #tpu.memory_space<hbm>> -> memref<10000x16xf32, #tpu.memory_space<hbm>>
    tpu.wait_indirect_dma semaphore(%arg17 : memref<!tpu.dma_semaphore, #tpu.memory_space<semaphore_mem>>) src(%dma_wait3A_203 : memref<10000x16xf32, #tpu.memory_space<hbm>>) dst(%arg12 : memref<1000x16xf32, #tpu.memory_space<vmem>>)
    %dma_start3A_204 = arith.constant 7 : i32
    %dma_start3A_205 = arith.constant 0 : i32
    %dma_start3A_206 = tpu.memref_slice %arg8[%dma_start3A_204, %dma_start3A_205] : memref<10x1000xi32, #tpu.memory_space<vmem>> -> memref<1x1000xi32, #tpu.memory_space<vmem>>
    %dma_start3A_207 = tpu.memref_squeeze %dma_start3A_206 : memref<1x1000xi32, #tpu.memory_space<vmem>> -> memref<1000xi32, #tpu.memory_space<vmem>>
    %dma_start3A_208 = arith.constant 0 : i32
    %dma_start3A_209 = arith.constant 0 : i32
    %dma_start3A_210 = tpu.memref_slice %arg13[%dma_start3A_208, %dma_start3A_209] : memref<10000x16xf32, #tpu.memory_space<vmem_shared>> -> memref<10000x16xf32, #tpu.memory_space<vmem_shared>>
    tpu.enqueue_indirect_dma source(%arg12 : memref<1000x16xf32, #tpu.memory_space<vmem>>) target(%dma_start3A_210 : memref<10000x16xf32, #tpu.memory_space<vmem_shared>>) offsets(%dma_start3A_207 : memref<1000xi32, #tpu.memory_space<vmem>>) semaphore(%arg21 : memref<!tpu.dma_semaphore, #tpu.memory_space<semaphore_mem>>) {add = true}
    %dma_wait3A_211 = arith.constant 5 : i32
    %dma_wait3A_212 = arith.constant 0 : i32
    %dma_wait3A_213 = tpu.memref_slice %arg8[%dma_wait3A_211, %dma_wait3A_212] : memref<10x1000xi32, #tpu.memory_space<vmem>> -> memref<1x1000xi32, #tpu.memory_space<vmem>>
    %dma_wait3A_214 = tpu.memref_squeeze %dma_wait3A_213 : memref<1x1000xi32, #tpu.memory_space<vmem>> -> memref<1000xi32, #tpu.memory_space<vmem>>
    %dma_wait3A_215 = arith.constant 0 : i32
    %dma_wait3A_216 = arith.constant 0 : i32
    %dma_wait3A_217 = tpu.memref_slice %arg13[%dma_wait3A_215, %dma_wait3A_216] : memref<10000x16xf32, #tpu.memory_space<vmem_shared>> -> memref<10000x16xf32, #tpu.memory_space<vmem_shared>>
    tpu.wait_indirect_dma semaphore(%arg19 : memref<!tpu.dma_semaphore, #tpu.memory_space<semaphore_mem>>) src(%arg10 : memref<1000x16xf32, #tpu.memory_space<vmem>>) dst(%dma_wait3A_217 : memref<10000x16xf32, #tpu.memory_space<vmem_shared>>)
    %dma_start3A_218 = arith.constant 9 : i32
    %dma_start3A_219 = arith.constant 0 : i32
    %dma_start3A_220 = tpu.memref_slice %arg7[%dma_start3A_218, %dma_start3A_219] : memref<10x1000xi32, #tpu.memory_space<vmem>> -> memref<1x1000xi32, #tpu.memory_space<vmem>>
    %dma_start3A_221 = tpu.memref_squeeze %dma_start3A_220 : memref<1x1000xi32, #tpu.memory_space<vmem>> -> memref<1000xi32, #tpu.memory_space<vmem>>
    %dma_start3A_222 = arith.constant 0 : i32
    %dma_start3A_223 = arith.constant 0 : i32
    %dma_start3A_224 = tpu.memref_slice %arg2[%dma_start3A_222, %dma_start3A_223] : memref<10000x16xf32, #tpu.memory_space<hbm>> -> memref<10000x16xf32, #tpu.memory_space<hbm>>
    tpu.enqueue_indirect_dma source(%dma_start3A_224 : memref<10000x16xf32, #tpu.memory_space<hbm>>) target(%arg10 : memref<1000x16xf32, #tpu.memory_space<vmem>>) offsets(%dma_start3A_221 : memref<1000xi32, #tpu.memory_space<vmem>>) semaphore(%arg15 : memref<!tpu.dma_semaphore, #tpu.memory_space<semaphore_mem>>)
    %dma_wait3A_225 = arith.constant 8 : i32
    %dma_wait3A_226 = arith.constant 0 : i32
    %dma_wait3A_227 = tpu.memref_slice %arg7[%dma_wait3A_225, %dma_wait3A_226] : memref<10x1000xi32, #tpu.memory_space<vmem>> -> memref<1x1000xi32, #tpu.memory_space<vmem>>
    %dma_wait3A_228 = tpu.memref_squeeze %dma_wait3A_227 : memref<1x1000xi32, #tpu.memory_space<vmem>> -> memref<1000xi32, #tpu.memory_space<vmem>>
    %dma_wait3A_229 = arith.constant 0 : i32
    %dma_wait3A_230 = arith.constant 0 : i32
    %dma_wait3A_231 = tpu.memref_slice %arg2[%dma_wait3A_229, %dma_wait3A_230] : memref<10000x16xf32, #tpu.memory_space<hbm>> -> memref<10000x16xf32, #tpu.memory_space<hbm>>
    tpu.wait_indirect_dma semaphore(%arg14 : memref<!tpu.dma_semaphore, #tpu.memory_space<semaphore_mem>>) src(%dma_wait3A_231 : memref<10000x16xf32, #tpu.memory_space<hbm>>) dst(%arg9 : memref<1000x16xf32, #tpu.memory_space<vmem>>)
    %dma_start3A_232 = arith.constant 8 : i32
    %dma_start3A_233 = arith.constant 0 : i32
    %dma_start3A_234 = tpu.memref_slice %arg8[%dma_start3A_232, %dma_start3A_233] : memref<10x1000xi32, #tpu.memory_space<vmem>> -> memref<1x1000xi32, #tpu.memory_space<vmem>>
    %dma_start3A_235 = tpu.memref_squeeze %dma_start3A_234 : memref<1x1000xi32, #tpu.memory_space<vmem>> -> memref<1000xi32, #tpu.memory_space<vmem>>
    %dma_start3A_236 = arith.constant 0 : i32
    %dma_start3A_237 = arith.constant 0 : i32
    %dma_start3A_238 = tpu.memref_slice %arg13[%dma_start3A_236, %dma_start3A_237] : memref<10000x16xf32, #tpu.memory_space<vmem_shared>> -> memref<10000x16xf32, #tpu.memory_space<vmem_shared>>
    tpu.enqueue_indirect_dma source(%arg9 : memref<1000x16xf32, #tpu.memory_space<vmem>>) target(%dma_start3A_238 : memref<10000x16xf32, #tpu.memory_space<vmem_shared>>) offsets(%dma_start3A_235 : memref<1000xi32, #tpu.memory_space<vmem>>) semaphore(%arg18 : memref<!tpu.dma_semaphore, #tpu.memory_space<semaphore_mem>>) {add = true}
    %dma_wait3A_239 = arith.constant 9 : i32
    %dma_wait3A_240 = arith.constant 0 : i32
    %dma_wait3A_241 = tpu.memref_slice %arg7[%dma_wait3A_239, %dma_wait3A_240] : memref<10x1000xi32, #tpu.memory_space<vmem>> -> memref<1x1000xi32, #tpu.memory_space<vmem>>
    %dma_wait3A_242 = tpu.memref_squeeze %dma_wait3A_241 : memref<1x1000xi32, #tpu.memory_space<vmem>> -> memref<1000xi32, #tpu.memory_space<vmem>>
    %dma_wait3A_243 = arith.constant 0 : i32
    %dma_wait3A_244 = arith.constant 0 : i32
    %dma_wait3A_245 = tpu.memref_slice %arg2[%dma_wait3A_243, %dma_wait3A_244] : memref<10000x16xf32, #tpu.memory_space<hbm>> -> memref<10000x16xf32, #tpu.memory_space<hbm>>
    tpu.wait_indirect_dma semaphore(%arg15 : memref<!tpu.dma_semaphore, #tpu.memory_space<semaphore_mem>>) src(%dma_wait3A_245 : memref<10000x16xf32, #tpu.memory_space<hbm>>) dst(%arg10 : memref<1000x16xf32, #tpu.memory_space<vmem>>)
    %dma_start3A_246 = arith.constant 9 : i32
    %dma_start3A_247 = arith.constant 0 : i32
    %dma_start3A_248 = tpu.memref_slice %arg8[%dma_start3A_246, %dma_start3A_247] : memref<10x1000xi32, #tpu.memory_space<vmem>> -> memref<1x1000xi32, #tpu.memory_space<vmem>>
    %dma_start3A_249 = tpu.memref_squeeze %dma_start3A_248 : memref<1x1000xi32, #tpu.memory_space<vmem>> -> memref<1000xi32, #tpu.memory_space<vmem>>
    %dma_start3A_250 = arith.constant 0 : i32
    %dma_start3A_251 = arith.constant 0 : i32
    %dma_start3A_252 = tpu.memref_slice %arg13[%dma_start3A_250, %dma_start3A_251] : memref<10000x16xf32, #tpu.memory_space<vmem_shared>> -> memref<10000x16xf32, #tpu.memory_space<vmem_shared>>
    tpu.enqueue_indirect_dma source(%arg10 : memref<1000x16xf32, #tpu.memory_space<vmem>>) target(%dma_start3A_252 : memref<10000x16xf32, #tpu.memory_space<vmem_shared>>) offsets(%dma_start3A_249 : memref<1000xi32, #tpu.memory_space<vmem>>) semaphore(%arg19 : memref<!tpu.dma_semaphore, #tpu.memory_space<semaphore_mem>>) {add = true}
    %dma_wait3A_253 = arith.constant 8 : i32
    %dma_wait3A_254 = arith.constant 0 : i32
    %dma_wait3A_255 = tpu.memref_slice %arg8[%dma_wait3A_253, %dma_wait3A_254] : memref<10x1000xi32, #tpu.memory_space<vmem>> -> memref<1x1000xi32, #tpu.memory_space<vmem>>
    %dma_wait3A_256 = tpu.memref_squeeze %dma_wait3A_255 : memref<1x1000xi32, #tpu.memory_space<vmem>> -> memref<1000xi32, #tpu.memory_space<vmem>>
    %dma_wait3A_257 = arith.constant 0 : i32
    %dma_wait3A_258 = arith.constant 0 : i32
    %dma_wait3A_259 = tpu.memref_slice %arg13[%dma_wait3A_257, %dma_wait3A_258] : memref<10000x16xf32, #tpu.memory_space<vmem_shared>> -> memref<10000x16xf32, #tpu.memory_space<vmem_shared>>
    tpu.wait_indirect_dma semaphore(%arg18 : memref<!tpu.dma_semaphore, #tpu.memory_space<semaphore_mem>>) src(%arg9 : memref<1000x16xf32, #tpu.memory_space<vmem>>) dst(%dma_wait3A_259 : memref<10000x16xf32, #tpu.memory_space<vmem_shared>>)
    %dma_wait3A_260 = arith.constant 9 : i32
    %dma_wait3A_261 = arith.constant 0 : i32
    %dma_wait3A_262 = tpu.memref_slice %arg8[%dma_wait3A_260, %dma_wait3A_261] : memref<10x1000xi32, #tpu.memory_space<vmem>> -> memref<1x1000xi32, #tpu.memory_space<vmem>>
    %dma_wait3A_263 = tpu.memref_squeeze %dma_wait3A_262 : memref<1x1000xi32, #tpu.memory_space<vmem>> -> memref<1000xi32, #tpu.memory_space<vmem>>
    %dma_wait3A_264 = arith.constant 0 : i32
    %dma_wait3A_265 = arith.constant 0 : i32
    %dma_wait3A_266 = tpu.memref_slice %arg13[%dma_wait3A_264, %dma_wait3A_265] : memref<10000x16xf32, #tpu.memory_space<vmem_shared>> -> memref<10000x16xf32, #tpu.memory_space<vmem_shared>>
    tpu.wait_indirect_dma semaphore(%arg19 : memref<!tpu.dma_semaphore, #tpu.memory_space<semaphore_mem>>) src(%arg10 : memref<1000x16xf32, #tpu.memory_space<vmem>>) dst(%dma_wait3A_266 : memref<10000x16xf32, #tpu.memory_space<vmem_shared>>)
    %dma_wait3A_267 = arith.constant 6 : i32
    %dma_wait3A_268 = arith.constant 0 : i32
    %dma_wait3A_269 = tpu.memref_slice %arg8[%dma_wait3A_267, %dma_wait3A_268] : memref<10x1000xi32, #tpu.memory_space<vmem>> -> memref<1x1000xi32, #tpu.memory_space<vmem>>
    %dma_wait3A_270 = tpu.memref_squeeze %dma_wait3A_269 : memref<1x1000xi32, #tpu.memory_space<vmem>> -> memref<1000xi32, #tpu.memory_space<vmem>>
    %dma_wait3A_271 = arith.constant 0 : i32
    %dma_wait3A_272 = arith.constant 0 : i32
    %dma_wait3A_273 = tpu.memref_slice %arg13[%dma_wait3A_271, %dma_wait3A_272] : memref<10000x16xf32, #tpu.memory_space<vmem_shared>> -> memref<10000x16xf32, #tpu.memory_space<vmem_shared>>
    tpu.wait_indirect_dma semaphore(%arg20 : memref<!tpu.dma_semaphore, #tpu.memory_space<semaphore_mem>>) src(%arg11 : memref<1000x16xf32, #tpu.memory_space<vmem>>) dst(%dma_wait3A_273 : memref<10000x16xf32, #tpu.memory_space<vmem_shared>>)
    %dma_wait3A_274 = arith.constant 7 : i32
    %dma_wait3A_275 = arith.constant 0 : i32
    %dma_wait3A_276 = tpu.memref_slice %arg8[%dma_wait3A_274, %dma_wait3A_275] : memref<10x1000xi32, #tpu.memory_space<vmem>> -> memref<1x1000xi32, #tpu.memory_space<vmem>>
    %dma_wait3A_277 = tpu.memref_squeeze %dma_wait3A_276 : memref<1x1000xi32, #tpu.memory_space<vmem>> -> memref<1000xi32, #tpu.memory_space<vmem>>
    %dma_wait3A_278 = arith.constant 0 : i32
    %dma_wait3A_279 = arith.constant 0 : i32
    %dma_wait3A_280 = tpu.memref_slice %arg13[%dma_wait3A_278, %dma_wait3A_279] : memref<10000x16xf32, #tpu.memory_space<vmem_shared>> -> memref<10000x16xf32, #tpu.memory_space<vmem_shared>>
    tpu.wait_indirect_dma semaphore(%arg21 : memref<!tpu.dma_semaphore, #tpu.memory_space<semaphore_mem>>) src(%arg12 : memref<1000x16xf32, #tpu.memory_space<vmem>>) dst(%dma_wait3A_280 : memref<10000x16xf32, #tpu.memory_space<vmem_shared>>)
    %barrier3A_281 = arith.constant 0 : index
    tpu.barrier barrier_id(%barrier3A_281)
    %lt3A_282 = arith.constant 10 : i32
    %lt3A_283 = arith.cmpi slt, %arg1, %lt3A_282 : i32
    %convert_element_type3A_284 = arith.extui %lt3A_283 : i1 to i32
    %cond3A_285 = arith.constant 0 : i32
    %cond3A_286 = arith.cmpi ne, %convert_element_type3A_284, %cond3A_285 : i32
    scf.if %cond3A_286 {
      %mul3A_287 = arith.constant 1000 : i32
      %mul3A_288 = arith.muli %arg1, %mul3A_287 : i32
      %multiple_of3A = tpu.assume_multiple %mul3A_288, 8 : i32
      "tpu.region"() ({
        %run_scoped3A = tpu.sem_alloc : memref<!tpu.dma_semaphore, #tpu.memory_space<semaphore_mem>>
        %dma_start3A_289 = arith.constant 0 : i32
        %dma_start3A_290 = arith.constant 0 : i32
        %dma_start3A_291 = tpu.memref_slice %arg6[%arg0, %dma_start3A_289, %dma_start3A_290] : memref<2x10000x128xf32, #tpu.memory_space<hbm>> -> memref<1x10000x128xf32, #tpu.memory_space<hbm>>
        %dma_start3A_292 = tpu.memref_squeeze %dma_start3A_291 : memref<1x10000x128xf32, #tpu.memory_space<hbm>> -> memref<10000x128xf32, #tpu.memory_space<hbm>>
        %dma_start3A_293 = arith.constant 0 : i32
        %dma_start3A_294 = tpu.memref_slice %dma_start3A_292[%multiple_of3A, %dma_start3A_293] : memref<10000x128xf32, #tpu.memory_space<hbm>> -> memref<1000x128xf32, #tpu.memory_space<hbm>>
        %dma_start3A_295 = arith.constant 0 : i32
        %dma_start3A_296 = arith.constant 0 : i32
        %dma_start3A_297 = tpu.memref_slice %dma_start3A_294[%dma_start3A_295, %dma_start3A_296] : memref<1000x128xf32, #tpu.memory_space<hbm>> -> memref<1000x16xf32, #tpu.memory_space<hbm>>
        %dma_start3A_298 = arith.constant 0 : i32
        %dma_start3A_299 = tpu.memref_slice %arg13[%multiple_of3A, %dma_start3A_298] : memref<10000x16xf32, #tpu.memory_space<vmem_shared>> -> memref<1000x16xf32, #tpu.memory_space<vmem_shared>>
        tpu.enqueue_dma source(%dma_start3A_299 : memref<1000x16xf32, #tpu.memory_space<vmem_shared>>) target(%dma_start3A_297 : memref<1000x16xf32, #tpu.memory_space<hbm>>) target_semaphore(%run_scoped3A : memref<!tpu.dma_semaphore, #tpu.memory_space<semaphore_mem>>)
        %dma_wait3A_300 = arith.constant 0 : i32
        %dma_wait3A_301 = arith.constant 0 : i32
        %dma_wait3A_302 = tpu.memref_slice %arg6[%arg0, %dma_wait3A_300, %dma_wait3A_301] : memref<2x10000x128xf32, #tpu.memory_space<hbm>> -> memref<1x10000x128xf32, #tpu.memory_space<hbm>>
        %dma_wait3A_303 = tpu.memref_squeeze %dma_wait3A_302 : memref<1x10000x128xf32, #tpu.memory_space<hbm>> -> memref<10000x128xf32, #tpu.memory_space<hbm>>
        %dma_wait3A_304 = arith.constant 0 : i32
        %dma_wait3A_305 = tpu.memref_slice %dma_wait3A_303[%multiple_of3A, %dma_wait3A_304] : memref<10000x128xf32, #tpu.memory_space<hbm>> -> memref<1000x128xf32, #tpu.memory_space<hbm>>
        %dma_wait3A_306 = arith.constant 0 : i32
        %dma_wait3A_307 = arith.constant 0 : i32
        %dma_wait3A_308 = tpu.memref_slice %dma_wait3A_305[%dma_wait3A_306, %dma_wait3A_307] : memref<1000x128xf32, #tpu.memory_space<hbm>> -> memref<1000x16xf32, #tpu.memory_space<hbm>>
        %dma_wait3A_309 = arith.constant 0 : i32
        %dma_wait3A_310 = tpu.memref_slice %arg13[%multiple_of3A, %dma_wait3A_309] : memref<10000x16xf32, #tpu.memory_space<vmem_shared>> -> memref<1000x16xf32, #tpu.memory_space<vmem_shared>>
        tpu.wait_dma2 semaphore(%run_scoped3A : memref<!tpu.dma_semaphore, #tpu.memory_space<semaphore_mem>>) src(%dma_wait3A_310 : memref<1000x16xf32, #tpu.memory_space<vmem_shared>>) dst(%dma_wait3A_308 : memref<1000x16xf32, #tpu.memory_space<hbm>>)
        tpu.yield
      }) : () -> ()
    } else {
    }
    return
  }
}

module attributes {stable_mosaic.version = 14 : i64} {
  func.func @_scale_body(%arg0: memref<10000x128xf32, #tpu.memory_space<vmem>>, %arg1: memref<128x64xf32, #tpu.memory_space<vmem>>, %arg2: memref<2x625x128xf32, #tpu.memory_space<vmem>>, %arg3: memref<10000x64xf32, #tpu.memory_space<vmem>>, %arg4: memref<10000x1xf32, #tpu.memory_space<vmem>>) attributes {dimension_semantics = [], scalar_prefetch = 0 : i64, scratch_operands = 0 : i64, tpu.core_type = #tpu.core_type<tc>} {
    %get3A = arith.constant 0 : index
    %get3A_0 = arith.constant 0 : index
    %get3A_1 = arith.constant 0 : index
    %get3A_2 = vector.load %arg2[%get3A, %get3A_0, %get3A_1] : memref<2x625x128xf32, #tpu.memory_space<vmem>>, vector<1x625x128xf32>
    %get3A_3 = vector.shape_cast %get3A_2 : vector<1x625x128xf32> to vector<625x128xf32>
    %get3A_4 = arith.constant 1 : index
    %get3A_5 = arith.constant 0 : index
    %get3A_6 = arith.constant 0 : index
    %get3A_7 = vector.load %arg2[%get3A_4, %get3A_5, %get3A_6] : memref<2x625x128xf32, #tpu.memory_space<vmem>>, vector<1x625x128xf32>
    %get3A_8 = vector.shape_cast %get3A_7 : vector<1x625x128xf32> to vector<625x128xf32>
    %add3A = arith.addf %get3A_3, %get3A_8 : vector<625x128xf32>
    %reshape3A = vector.shape_cast %add3A : vector<625x128xf32> to vector<625x16x8xf32>
    %slice3A = vector.extract_strided_slice %reshape3A {offsets = [0, 0, 0], sizes = [625, 16, 1], strides = [1, 1, 1]} : vector<625x16x8xf32> to vector<625x16x1xf32>
    %squeeze3A = vector.shape_cast %slice3A : vector<625x16x1xf32> to vector<625x16xf32>
    %reshape3A_9 = vector.shape_cast %squeeze3A : vector<625x16xf32> to vector<10000x1xf32>
    %add3A_10 = arith.constant 1.000000e+00 : f32
    %add3A_11 = vector.broadcast %add3A_10 : f32 to vector<10000x1xf32>
    %add3A_12 = arith.addf %reshape3A_9, %add3A_11 : vector<10000x1xf32>
    %rsqrt3A = math.rsqrt %add3A_12 : vector<10000x1xf32>
    %swap3A = arith.constant 0 : index
    %swap3A_13 = arith.constant 0 : index
    %swap3A_14 = vector.load %arg4[%swap3A, %swap3A_13] : memref<10000x1xf32, #tpu.memory_space<vmem>>, vector<10000x1xf32>
    tpu.vector_store %arg4[%swap3A, %swap3A_13], %rsqrt3A {strides = array<i32>} : memref<10000x1xf32, #tpu.memory_space<vmem>>, vector<10000x1xf32>,
    %get3A_15 = arith.constant 0 : index
    %get3A_16 = arith.constant 0 : index
    %get3A_17 = vector.load %arg0[%get3A_15, %get3A_16] : memref<10000x128xf32, #tpu.memory_space<vmem>>, vector<10000x128xf32>
    %get3A_18 = arith.constant 0 : index
    %get3A_19 = arith.constant 0 : index
    %get3A_20 = vector.load %arg1[%get3A_18, %get3A_19] : memref<128x64xf32, #tpu.memory_space<vmem>>, vector<128x64xf32>
    %dot_general3A = arith.constant dense<0.000000e+00> : vector<10000x64xf32>
    %dot_general3A_21 = tpu.matmul %get3A_17, %get3A_20, %dot_general3A {dimension_numbers = #tpu.dot_dimension_numbers<[1], [0], [0], [1], [0, 0, 1, 1], [], []>, transpose_lhs_hint = false} : vector<10000x128xf32>, vector<128x64xf32>, vector<10000x64xf32> -> vector<10000x64xf32>
    %mul3A = vector.broadcast %rsqrt3A : vector<10000x1xf32> to vector<10000x64xf32>
    %mul3A_22 = arith.mulf %dot_general3A_21, %mul3A : vector<10000x64xf32>
    %swap3A_23 = arith.constant 0 : index
    %swap3A_24 = arith.constant 0 : index
    %swap3A_25 = vector.load %arg3[%swap3A_23, %swap3A_24] : memref<10000x64xf32, #tpu.memory_space<vmem>>, vector<10000x64xf32>
    tpu.vector_store %arg3[%swap3A_23, %swap3A_24], %mul3A_22 {strides = array<i32>} : memref<10000x64xf32, #tpu.memory_space<vmem>>, vector<10000x64xf32>,
    return
  }
}

module attributes {stable_mosaic.version = 14 : i64} {
  func.func @_mid_body(%arg0: i32, %arg1: memref<2x2000x128xf32, #tpu.memory_space<vmem>>, %arg2: memref<2000x64xf32, #tpu.memory_space<vmem>>, %arg3: memref<2000x1xf32, #tpu.memory_space<vmem>>, %arg4: memref<1x64xf32, #tpu.memory_space<vmem>>, %arg5: memref<64x16xf32, #tpu.memory_space<vmem>>, %arg6: memref<2000x16xf32, #tpu.memory_space<vmem>>) attributes {dimension_semantics = [#tpu.dimension_semantics<arbitrary>], iteration_bounds = array<i64: 5>, scalar_prefetch = 0 : i64, scratch_operands = 0 : i64, tpu.core_type = #tpu.core_type<tc>, window_params = [{transform_indices = @transform_0, window_bounds = array<i64: 2, 2000, 128>}, {transform_indices = @transform_1, window_bounds = array<i64: 2000, 64>}, {transform_indices = @transform_2, window_bounds = array<i64: 2000, 1>}, {pipeline_mode = #tpu.pipeline_mode<synchronous>, transform_indices = @transform_3, window_bounds = array<i64: 1, 64>}, {pipeline_mode = #tpu.pipeline_mode<synchronous>, transform_indices = @transform_4, window_bounds = array<i64: 64, 16>}, {transform_indices = @transform_5, window_bounds = array<i64: 2000, 16>}]} {
    %get3A = arith.constant 0 : index
    %get3A_0 = arith.constant 0 : index
    %get3A_1 = arith.constant 0 : index
    %get3A_2 = vector.load %arg1[%get3A, %get3A_0, %get3A_1] : memref<2x2000x128xf32, #tpu.memory_space<vmem>>, vector<1x2000x64xf32>
    %get3A_3 = vector.shape_cast %get3A_2 : vector<1x2000x64xf32> to vector<2000x64xf32>
    %get3A_4 = arith.constant 1 : index
    %get3A_5 = arith.constant 0 : index
    %get3A_6 = arith.constant 0 : index
    %get3A_7 = vector.load %arg1[%get3A_4, %get3A_5, %get3A_6] : memref<2x2000x128xf32, #tpu.memory_space<vmem>>, vector<1x2000x64xf32>
    %get3A_8 = vector.shape_cast %get3A_7 : vector<1x2000x64xf32> to vector<2000x64xf32>
    %add3A = arith.addf %get3A_3, %get3A_8 : vector<2000x64xf32>
    %get3A_9 = arith.constant 0 : index
    %get3A_10 = arith.constant 0 : index
    %get3A_11 = vector.load %arg2[%get3A_9, %get3A_10] : memref<2000x64xf32, #tpu.memory_space<vmem>>, vector<2000x64xf32>
    %add3A_12 = arith.addf %add3A, %get3A_11 : vector<2000x64xf32>
    %get3A_13 = arith.constant 0 : index
    %get3A_14 = arith.constant 0 : index
    %get3A_15 = vector.load %arg3[%get3A_13, %get3A_14] : memref<2000x1xf32, #tpu.memory_space<vmem>>, vector<2000x1xf32>
    %mul3A = vector.broadcast %get3A_15 : vector<2000x1xf32> to vector<2000x64xf32>
    %mul3A_16 = arith.mulf %add3A_12, %mul3A : vector<2000x64xf32>
    %get3A_17 = arith.constant 0 : index
    %get3A_18 = arith.constant 0 : index
    %get3A_19 = vector.load %arg4[%get3A_17, %get3A_18] : memref<1x64xf32, #tpu.memory_space<vmem>>, vector<1x64xf32>
    %add3A_20 = vector.broadcast %get3A_19 : vector<1x64xf32> to vector<2000x64xf32>
    %add3A_21 = arith.addf %mul3A_16, %add3A_20 : vector<2000x64xf32>
    %max3A = arith.constant 0.000000e+00 : f32
    %max3A_22 = vector.broadcast %max3A : f32 to vector<2000x64xf32>
    %max3A_23 = arith.maximumf %add3A_21, %max3A_22 : vector<2000x64xf32>
    %get3A_24 = arith.constant 0 : index
    %get3A_25 = arith.constant 0 : index
    %get3A_26 = vector.load %arg5[%get3A_24, %get3A_25] : memref<64x16xf32, #tpu.memory_space<vmem>>, vector<64x16xf32>
    %dot_general3A = arith.constant dense<0.000000e+00> : vector<2000x16xf32>
    %dot_general3A_27 = tpu.matmul %max3A_23, %get3A_26, %dot_general3A {dimension_numbers = #tpu.dot_dimension_numbers<[1], [0], [0], [1], [0, 0, 1, 1], [], []>, transpose_lhs_hint = false} : vector<2000x64xf32>, vector<64x16xf32>, vector<2000x16xf32> -> vector<2000x16xf32>
    %get3A_28 = arith.constant 0 : index
    %get3A_29 = arith.constant 0 : index
    %get3A_30 = vector.load %arg3[%get3A_28, %get3A_29] : memref<2000x1xf32, #tpu.memory_space<vmem>>, vector<2000x1xf32>
    %mul3A_31 = vector.broadcast %get3A_30 : vector<2000x1xf32> to vector<2000x16xf32>
    %mul3A_32 = arith.mulf %dot_general3A_27, %mul3A_31 : vector<2000x16xf32>
    %swap3A = arith.constant 0 : index
    %swap3A_33 = arith.constant 0 : index
    %swap3A_34 = vector.load %arg6[%swap3A, %swap3A_33] : memref<2000x16xf32, #tpu.memory_space<vmem>>, vector<2000x16xf32>
    tpu.vector_store %arg6[%swap3A, %swap3A_33], %mul3A_32 {strides = array<i32>} : memref<2000x16xf32, #tpu.memory_space<vmem>>, vector<2000x16xf32>,
    return
  }
  func.func @transform_0(%arg0: i32) -> (i32, i32, i32) {
    %c0_i32 = arith.constant 0 : i32
    %c0_i32_0 = arith.constant 0 : i32
    %c0_i32_1 = arith.constant 0 : i32
    return %c0_i32, %arg0, %c0_i32_0 : i32, i32, i32
  }
  func.func @transform_1(%arg0: i32) -> (i32, i32) {
    %c0_i32 = arith.constant 0 : i32
    %c0_i32_0 = arith.constant 0 : i32
    return %arg0, %c0_i32 : i32, i32
  }
  func.func @transform_2(%arg0: i32) -> (i32, i32) {
    %c0_i32 = arith.constant 0 : i32
    %c0_i32_0 = arith.constant 0 : i32
    return %arg0, %c0_i32 : i32, i32
  }
  func.func @transform_3(%arg0: i32) -> (i32, i32) {
    %c0_i32 = arith.constant 0 : i32
    %c0_i32_0 = arith.constant 0 : i32
    %c0_i32_1 = arith.constant 0 : i32
    return %c0_i32, %c0_i32_0 : i32, i32
  }
  func.func @transform_4(%arg0: i32) -> (i32, i32) {
    %c0_i32 = arith.constant 0 : i32
    %c0_i32_0 = arith.constant 0 : i32
    %c0_i32_1 = arith.constant 0 : i32
    return %c0_i32, %c0_i32_0 : i32, i32
  }
  func.func @transform_5(%arg0: i32) -> (i32, i32) {
    %c0_i32 = arith.constant 0 : i32
    %c0_i32_0 = arith.constant 0 : i32
    return %arg0, %c0_i32 : i32, i32
  }
}

module attributes {stable_mosaic.version = 14 : i64} {
  func.func @_fin_body(%arg0: i32, %arg1: memref<2x2000x128xf32, #tpu.memory_space<vmem>>, %arg2: memref<2000x16xf32, #tpu.memory_space<vmem>>, %arg3: memref<2000x1xf32, #tpu.memory_space<vmem>>, %arg4: memref<1x16xf32, #tpu.memory_space<vmem>>, %arg5: memref<2000x16xf32, #tpu.memory_space<vmem>>) attributes {dimension_semantics = [#tpu.dimension_semantics<arbitrary>], iteration_bounds = array<i64: 5>, scalar_prefetch = 0 : i64, scratch_operands = 0 : i64, tpu.core_type = #tpu.core_type<tc>, window_params = [{transform_indices = @transform_0, window_bounds = array<i64: 2, 2000, 128>}, {transform_indices = @transform_1, window_bounds = array<i64: 2000, 16>}, {transform_indices = @transform_2, window_bounds = array<i64: 2000, 1>}, {pipeline_mode = #tpu.pipeline_mode<synchronous>, transform_indices = @transform_3, window_bounds = array<i64: 1, 16>}, {transform_indices = @transform_4, window_bounds = array<i64: 2000, 16>}]} {
    %get3A = arith.constant 0 : index
    %get3A_0 = arith.constant 0 : index
    %get3A_1 = arith.constant 0 : index
    %get3A_2 = vector.load %arg1[%get3A, %get3A_0, %get3A_1] : memref<2x2000x128xf32, #tpu.memory_space<vmem>>, vector<1x2000x16xf32>
    %get3A_3 = vector.shape_cast %get3A_2 : vector<1x2000x16xf32> to vector<2000x16xf32>
    %get3A_4 = arith.constant 1 : index
    %get3A_5 = arith.constant 0 : index
    %get3A_6 = arith.constant 0 : index
    %get3A_7 = vector.load %arg1[%get3A_4, %get3A_5, %get3A_6] : memref<2x2000x128xf32, #tpu.memory_space<vmem>>, vector<1x2000x16xf32>
    %get3A_8 = vector.shape_cast %get3A_7 : vector<1x2000x16xf32> to vector<2000x16xf32>
    %add3A = arith.addf %get3A_3, %get3A_8 : vector<2000x16xf32>
    %get3A_9 = arith.constant 0 : index
    %get3A_10 = arith.constant 0 : index
    %get3A_11 = vector.load %arg2[%get3A_9, %get3A_10] : memref<2000x16xf32, #tpu.memory_space<vmem>>, vector<2000x16xf32>
    %add3A_12 = arith.addf %add3A, %get3A_11 : vector<2000x16xf32>
    %get3A_13 = arith.constant 0 : index
    %get3A_14 = arith.constant 0 : index
    %get3A_15 = vector.load %arg3[%get3A_13, %get3A_14] : memref<2000x1xf32, #tpu.memory_space<vmem>>, vector<2000x1xf32>
    %mul3A = vector.broadcast %get3A_15 : vector<2000x1xf32> to vector<2000x16xf32>
    %mul3A_16 = arith.mulf %add3A_12, %mul3A : vector<2000x16xf32>
    %get3A_17 = arith.constant 0 : index
    %get3A_18 = arith.constant 0 : index
    %get3A_19 = vector.load %arg4[%get3A_17, %get3A_18] : memref<1x16xf32, #tpu.memory_space<vmem>>, vector<1x16xf32>
    %add3A_20 = vector.broadcast %get3A_19 : vector<1x16xf32> to vector<2000x16xf32>
    %add3A_21 = arith.addf %mul3A_16, %add3A_20 : vector<2000x16xf32>
    %swap3A = arith.constant 0 : index
    %swap3A_22 = arith.constant 0 : index
    %swap3A_23 = vector.load %arg5[%swap3A, %swap3A_22] : memref<2000x16xf32, #tpu.memory_space<vmem>>, vector<2000x16xf32>
    tpu.vector_store %arg5[%swap3A, %swap3A_22], %add3A_21 {strides = array<i32>} : memref<2000x16xf32, #tpu.memory_space<vmem>>, vector<2000x16xf32>,
    return
  }
  func.func @transform_0(%arg0: i32) -> (i32, i32, i32) {
    %c0_i32 = arith.constant 0 : i32
    %c0_i32_0 = arith.constant 0 : i32
    %c0_i32_1 = arith.constant 0 : i32
    return %c0_i32, %arg0, %c0_i32_0 : i32, i32, i32
  }
  func.func @transform_1(%arg0: i32) -> (i32, i32) {
    %c0_i32 = arith.constant 0 : i32
    %c0_i32_0 = arith.constant 0 : i32
    return %arg0, %c0_i32 : i32, i32
  }
  func.func @transform_2(%arg0: i32) -> (i32, i32) {
    %c0_i32 = arith.constant 0 : i32
    %c0_i32_0 = arith.constant 0 : i32
    return %arg0, %c0_i32 : i32, i32
  }
  func.func @transform_3(%arg0: i32) -> (i32, i32) {
    %c0_i32 = arith.constant 0 : i32
    %c0_i32_0 = arith.constant 0 : i32
    %c0_i32_1 = arith.constant 0 : i32
    return %c0_i32, %c0_i32_0 : i32, i32
  }
  func.func @transform_4(%arg0: i32) -> (i32, i32) {
    %c0_i32 = arith.constant 0 : i32
    %c0_i32_0 = arith.constant 0 : i32
    return %arg0, %c0_i32 : i32, i32
  }
}

</mosaic_0001>

<sc_bundles>
// kernel: kernel.11.cloned.1.call-start
scs
__scs_entry_jumppad:
0x0: {  	(pc) =	sbr.rel $0x88, $3  }
0x1: {  	(tag) =	ssettag $0x0;
	lr =	simm.s32 $0x1  }
0x2: {  	[smem:$0x3F9B] =	sst lr;
	_ =	strace $0xD0000000  }
0x3: {  	_ = 	snop  }
0x4: {  	_ = 	snop  }
0x5: {  	_ = 	snop  }
0x6: {  	_ = 	snop  }
0x7: {  	_ = 	snop  }
__scs_overlays_trampoline_lowered:
0x8: {  	[smem:$0x3FAA] =	sst s0  }
0x9: {  	[smem:$0x3FAB] =	sst s1  }
0xa: {  	[smem:$0x3FAC] =	sst s2  }
0xb: {  	[smem:$0x3FAD] =	sst s3  }
0xc: {  	[smem:$0x3FAE] =	sst s4  }
0xd: {  	[smem:$0x3FAF] =	sst s5  }
0xe: {  	[smem:$0x3FB0] =	sst s6  }
0xf: {  	[smem:$0x3FB1] =	sst s7  }
0x10: {  	[smem:$0x3FB2] =	sst s8  }
0x11: {  	[smem:$0x3FB3] =	sst s9;
	s0 =	simm.s32 @!p0 $0x0  }
0x12: {  	s1 =	sld [smem:$0x3F99];
	s0 =	simm.s32 @p0 $0x1  }
0x13: {  	[smem:$0x3FB4] =	sst s0;
	s0 =	simm.s32 @!p1 $0x0  }
0x14: {  	s2 =	sld [smem:$0x3F98];
	s0 =	simm.s32 @p1 $0x1  }
0x15: {  	[smem:$0x3FB5] =	sst s0;
	s0 =	simm.s32 @!p2 $0x0  }
0x16: {  	s3 =	sld [smem:$0x3FDB];
	s0 =	simm.s32 @p2 $0x1  }
0x17: {  	s4 =	simm.s32 $0x1BF5;
	[smem:$0x3FB7] =	sst s0  }
0x18: {  	s0 =	sld [smem:$0x3F9A];
	_ =	swait.ge [sflag:s4], $0x0  }
0x19: {  	s7 =	sld [smem:$0x3F9B]  }
0x1a: {  	s8 =	sadd.s32 $0xFFFFE003, lr  }
0x1b: {  	s9 =	sadd.s32 $0xFFFFFEF7, lr;
	s5 =	simm.s32 $0xFFFFFFFF;
	p2 =	slt.u32 s8, $0xFFFFF086  }
0x1c: {  	p1 =	slt.u32 s9, $0xF7A;
	s5 =	simm.s32 @!p2 $0x0  }
0x1d: {  	s5 =	simm.s32 @p1 $0x1;
	p0 =	seq.s32 s7, s2  }
0x1e: {  	s7 =	smul.u32 @!p0 $0xF7A, s2;
	p2 =	seq.s32 @!p0 s5, $0x0  }
0x1f: {  	s9 =	smul.u32 $0xF7A, s1;
	s8 =	simm.s32 @!p0 $0x1BF5;
	p2 =	por !p2, p0  }
0x20: {  	[sflag:s8] =	ssyncset.s32 @!p0 $0xFFFFF086;
	s6 =	sadd.s32 @!p0 s3, s7;
	s7 =	simm.s32 @!p0 $0x108  }
0x21: {  	s3 =	sadd.s32 s3, s9;
	s6 =	sadd.s32 @!p0 $0x88, s6;
	s7 =	simm.s32 @p2 $0x1082  }
0x22: {  	[simem:s7], [sflag:s8] =	dma.local @!p0 [hbm:s6], $0xF7A  }
0x23: {  	s9 =	sor.u32 $0xD0000000, s2;
	s6 =	simm.s32 $0x108;
	_ =	swait.ge @!p0 [sflag:s8], $0x0  }
0x24: {  	s3 =	sadd.s32 $0x88, s3;
	s6 =	simm.s32 @!p1 $0x1082;
	[sflag:s4] =	ssyncset.s32 $0xFFFFF086  }
0x25: {  	[simem:s6], [sflag:s4] =	dma.local [hbm:s3], $0xF7A  }
0x26: {  	[smem:$0x3F9B] =	sst s1;
	(tag) =	ssettag s2;
	_ =	strace s9  }
0x27: {  	s1 =	sld [smem:$0x3FAB]  }
0x28: {  	s2 =	sld [smem:$0x3FAC]  }
0x29: {  	s4 =	sld [smem:$0x3FAE]  }
0x2a: {  	p0 =	seq.s32 s5, $0x0;
	s5 =	sld [smem:$0x3FAF]  }
0x2b: {  	s6 =	sld [smem:$0x3FB0]  }
0x2c: {  	s7 =	sld [smem:$0x3FB1]  }
0x2d: {  	s3 =	simm.s32 $0x108;
	s8 =	sld [smem:$0x3FB2]  }
0x2e: {  	s3 =	simm.s32 @!p0 $0x1082;
	s9 =	sld [smem:$0x3FB3]  }
0x2f: {  	lr =	sadd.s32 s0, s3;
	s0 =	sld [smem:$0x3FAA]  }
0x30: {  	s3 =	sld [smem:$0x3FAD]  }
0x31: {  	[smem:$0x3FB6] =	sst s10  }
0x32: {  	s10 =	sld [smem:$0x3FB4];
	_ =	sdelay $0x3  }
0x33: {  	p0 =	seq.s32 s10, $0x1;
	s10 =	sld [smem:$0x3FB6];
	_ =	sdelay $0x3  }
0x34: {  	[smem:$0x3FB6] =	sst s10  }
0x35: {  	s10 =	sld [smem:$0x3FB5];
	_ =	sdelay $0x3  }
0x36: {  	p1 =	seq.s32 s10, $0x1;
	s10 =	sld [smem:$0x3FB6];
	_ =	sdelay $0x3  }
0x37: {  	[smem:$0x3FB6] =	sst s10  }
0x38: {  	s10 =	sld [smem:$0x3FB7]  }
0x39: {  	_ = 	snop;
	(pc) =	sbr.ind lr, $3  }
0x3a: {  	_ = 	snop  }
0x3b: {  	_ = 	snop  }
0x3c: {  	p2 =	seq.s32 s10, $0x1;
	s10 =	sld [smem:$0x3FB6]  }
0x3d: {  	_ =	shalt  }
0x3e: {  	_ =	shalt  }
0x3f: {  	_ =	shalt  }
0x40: {  	_ =	shalt  }
0x41: {  	_ =	shalt  }
0x42: {  	_ =	shalt  }
0x43: {  	_ =	shalt  }
0x44: {  	_ =	shalt  }
0x45: {  	_ =	shalt  }
0x46: {  	_ =	shalt  }
0x47: {  	_ =	shalt  }
0x48: {  	_ =	shalt  }
0x49: {  	_ =	shalt  }
0x4a: {  	_ =	shalt  }
0x4b: {  	_ =	shalt  }
0x4c: {  	_ =	shalt  }
0x4d: {  	_ =	shalt  }
0x4e: {  	_ =	shalt  }
0x4f: {  	_ =	shalt  }
0x50: {  	_ =	shalt  }
0x51: {  	_ =	shalt  }
0x52: {  	_ =	shalt  }
0x53: {  	_ =	shalt  }
0x54: {  	_ =	shalt  }
0x55: {  	_ =	shalt  }
0x56: {  	_ =	shalt  }
0x57: {  	_ =	shalt  }
0x58: {  	_ =	shalt  }
0x59: {  	_ =	shalt  }
0x5a: {  	_ =	shalt  }
0x5b: {  	_ =	shalt  }
0x5c: {  	_ =	shalt  }
0x5d: {  	_ =	shalt  }
0x5e: {  	_ =	shalt  }
0x5f: {  	_ =	shalt  }
0x60: {  	_ =	shalt  }
0x61: {  	_ =	shalt  }
0x62: {  	_ =	shalt  }
0x63: {  	_ =	shalt  }
0x64: {  	_ =	shalt  }
0x65: {  	_ =	shalt  }
0x66: {  	_ =	shalt  }
0x67: {  	_ =	shalt  }
0x68: {  	_ =	shalt  }
0x69: {  	_ =	shalt  }
0x6a: {  	_ =	shalt  }
0x6b: {  	_ =	shalt  }
0x6c: {  	_ =	shalt  }
0x6d: {  	_ =	shalt  }
0x6e: {  	_ =	shalt  }
0x6f: {  	_ =	shalt  }
0x70: {  	_ =	shalt  }
0x71: {  	_ =	shalt  }
0x72: {  	_ =	shalt  }
0x73: {  	_ =	shalt  }
0x74: {  	_ =	shalt  }
0x75: {  	_ =	shalt  }
0x76: {  	_ =	shalt  }
0x77: {  	_ =	shalt  }
0x78: {  	_ =	shalt  }
0x79: {  	_ =	shalt  }
0x7a: {  	_ =	shalt  }
0x7b: {  	_ =	shalt  }
0x7c: {  	_ =	shalt  }
0x7d: {  	_ =	shalt  }
0x7e: {  	_ =	shalt  }
0x7f: {  	_ =	shalt  }
0x80: {  	_ =	shalt  }
0x81: {  	_ =	shalt  }
0x82: {  	_ =	shalt  }
0x83: {  	_ =	shalt  }
0x84: {  	_ =	shalt  }
0x85: {  	_ =	shalt  }
0x86: {  	_ =	shalt  }
0x87: {  	_ =	shalt  }
.Lfunc_end0:
.L_simem_size_0:
called_computation.1_lowered:
.L_overlay_start_0:
0x88: {  	s2 =	sld [smem:$0x3FD9]  }
0x89: {  	s3 =	sld [smem:$0x3FFE];
	_ =	sdelay $0x1  }
0x8a: {  	s1 =	srdreg.scid  }
0x8b: {  	s0 =	sand.u32 $0x1, s1  }
0x8c: {  	s17 =	sshll.u32 s0, $0xA;
	s2 =	sadd.s32 s3, s2  }
0x8d: {  	s2 =	sadd.s32 s2, s17  }
0x8e: {  	[smem:$0x3FC2] =	sst s2  }
0x8f: {  	_ = 	snop  }
0x90: {  	s2 =	sld [smem:$0x3FD0];
	(tm) =	ssettm $0x1  }
0x91: {  	s18 =	sld [smem:$0x3FFB];
	_ =	sdelay $0x3  }
0x92: {  	_ =	strace s18  }
0x93: {  	s3 =	sld [smem:$0x3FFC];
	_ =	sdelay $0x3  }
0x94: {  	_ =	strace s3  }
0x95: {  	s3 =	sld [smem:$0x3FFD];
	_ =	sdelay $0x3  }
0x96: {  	_ =	strace s3  }
0x97: {  	_ =	strace $0x8FFFFFFF  }
0x98: {  	s19 =	sld [smem:$0x3FDB];
	_ =	sdelay $0x1  }
0x99: {  	s4 =	simm.s32 $_scs_section_size  }
0x9a: {  	s5 =	simm.s32 $_size__tile_overlayer_lowered;
	s6 =	simm.s32 $_tile_overlayer_lowered  }
0x9b: {  	s22 =	simm.s32 $0x1BFF;
	s21 =	sshll.u32 s6, $0x1;
	s3 =	sadd.s32 s4, s19  }
0x9c: {  	s7 =	simm.s32 $0x0;
	s20 =	sshll.u32 s5, $0x1;
	s5 =	sadd.s32 s21, s3  }
0x9d: {  	[timem:s7], [sflag:s22] =	dma.local [hbm:s5], s20  }
0x9e: {  	_ =	swait.ge [sflag:s22], s20  }
0x9f: {  	s4 =	ssub.s32 $0x0, s20;
	[sflag:s22] =	ssyncset.done $0x0  }
0xa0: {  	[sflag:s22] =	ssyncadd.s32 s4;
	_ =	sdelay $0x1  }
0xa1: {  	s23 =	simm.s32 $0x1B8B  }
0xa2: {  	_ =	swait.ge [sflag:s23], $0x1  }
0xa3: {  	[sflag:s23] =	ssyncset.done $0x0  }
0xa4: {  	s25 =	simm.s32 $0x1B8E;
	s24 =	sld [smem:$0x3FFE];
	[sflag:s23] =	ssyncadd.s32 $0xFFFFFFFF  }
0xa5: {  	s26 =	simm.s32 $execute0_lowered;
	[smem:$0x3FD2] =	sst s25  }
0xa6: {  	s5 =	sshll.u32 s26, $0x1;
	_ =	strace $0x80000049;
	[dreg:$0x1] =	wrdreg $0xFFFFFFFF  }
0xa7: {  	s28 =	simm.s32 $_size_execute0_lowered;
	s3 =	sadd.s32 s3, s5;
	[dreg:$0x0] =	wrdreg $0x0  }
0xa8: {  	s5 =	sshll.u32 s28, $0x1;
	[dreg:$0x2] =	wrdreg s3  }
0xa9: {  	[dreg:$0x3] =	wrdreg s5  }
0xaa: {  	[dreg:$0x4] =	wrdreg $0xC0  }
0xab: {  	_ =	task [dreg:s7], $0x5FFFF  }
0xac: {  	[dreg:$0x1] =	wrdreg $0xFFFFFFFF  }
0xad: {  	[dreg:$0x0] =	wrdreg $0x60  }
0xae: {  	[dreg:$0x2] =	wrdreg s24  }
0xaf: {  	[dreg:$0x3] =	wrdreg s2  }
0xb0: {  	[dreg:$0x4] =	wrdreg $0x14A000  }
0xb1: {  	[dreg:$0x5] =	wrdreg $0x9  }
0xb2: {  	_ =	task.clear_ibuf [dreg:s7], $0x6FFFF;
	_ =	strace $0x90000049  }
0xb3: {  	s29 =	simm.s32 $0x9;
	_ =	strace $0x8000004B  }
0xb4: {  	_ =	swait.ge [sflag:s29], $0x1  }
0xb5: {  	[sflag:s29] =	ssyncadd.s32 $0xFFFFFFFF  }
0xb6: {  	_ =	strace $0x9000004B  }
0xb7: {  	_ =	sfence  }
0xb8: {  	s30 =	sld [smem:$0x0];
	_ =	sdelay $0x2  }
0xb9: {  	s31 =	sshll.u32 s1, $0xD;
	s1 =	sshrl.u32 s1, $0x2  }
0xba: {  	s3 =	sand.u32 $0x4000, s31;
	s1 =	sadd.s32 s1, s30  }
0xbb: {  	s0 =	sor.u32 s3, s0;
	s1 =	sshll.u32 s1, $0x11  }
0xbc: {  	s0 =	sor.u32 s1, s0  }
0xbd: {  	s0 =	sadd.s32 $0x8F2B, s0  }
0xbe: {  	[sflag:s0] =	ssyncadd.remote.s32 $0x1  }
0xbf: {  	_ =	sfence.sel $0xFFFF  }
0xc0: {  	[dreg:$0x0] =	wrdreg $0xFFFFFFFF;
	(pc) =	sbr.abs _section_cstart, $3  }
0xc1: {  	[dreg:$0x1] =	wrdreg $0xFFFFFFFF  }
0xc2: {  	_ =	task.clear_ibuf [dreg:s7], $0x2FFFF;
	_ =	strace $0x9FFFFFFF  }
0xc3: {  	(tm) =	ssettm $0x7FFFFFFF  }
tec
execute0_lowered:
.L_overlay_start_1:
0x0: {  	(tag) =	ssettag $0x1  }
0x1: {  	s4 =	rddreg [dreg:$0x0]  }
0x2: {  	s6 =	rddreg [dreg:$0x1]  }
0x3: {  	s0 =	srdreg.scid;
	s30 =	rddreg [dreg:$0x3]  }
0x4: {  	s24 =	simm.s32 $0x0;
	s1 =	sand.u32 $0x1, s0;
	[dreg:$0x4] =	wrdreg s6  }
0x5: {  	s29 =	stileid.u32;
	[smem:$0x7FF] =	sst s24;
	s2 =	sshll.u32 s1, $0x4  }
0x6: {  	s8 =	simm.s32 $0x100;
	s7 =	sor.u32 s29, s2;
	s2 =	rddreg [dreg:$0x2]  }
0x7: {  	s9 =	simm.s32 $0x200;
	_ =	strace $0x8000004A;
	[dreg:$0x7] =	wrdreg s8  }
0x8: {  	s10 =	simm.s32 $0x2900;
	[dreg:$0x8] =	wrdreg s9  }
0x9: {  	s11 =	simm.s32 $0x300;
	[dreg:$0x9] =	wrdreg s10  }
0xa: {  	s12 =	simm.s32 $0x2A00;
	[dreg:$0xa] =	wrdreg s11  }
0xb: {  	s13 =	simm.s32 $0x400;
	[dreg:$0xb] =	wrdreg s12  }
0xc: {  	s14 =	simm.s32 $0x2B00;
	[dreg:$0xc] =	wrdreg s13  }
0xd: {  	s15 =	simm.s32 $0x500;
	[dreg:$0xd] =	wrdreg s14  }
0xe: {  	s16 =	simm.s32 $0x2C00;
	[dreg:$0xe] =	wrdreg s15  }
0xf: {  	s17 =	simm.s32 $0x600;
	[dreg:$0xf] =	wrdreg s16  }
0x10: {  	s18 =	simm.s32 $0x2D00;
	[dreg:$0x10] =	wrdreg s17  }
0x11: {  	s19 =	simm.s32 $0x700;
	[dreg:$0x11] =	wrdreg s18  }
0x12: {  	s20 =	simm.s32 $0x2E00;
	[dreg:$0x12] =	wrdreg s19  }
0x13: {  	s21 =	simm.s32 $0x800;
	[dreg:$0x13] =	wrdreg s20  }
0x14: {  	s22 =	simm.s32 $0x2F00;
	[dreg:$0x14] =	wrdreg s21  }
0x15: {  	s23 =	simm.s32 $0x900;
	[dreg:$0x15] =	wrdreg s22  }
0x16: {  	s25 =	simm.s32 $0x3000;
	[dreg:$0x16] =	wrdreg s23  }
0x17: {  	s26 =	simm.s32 $0xA00;
	[dreg:$0x17] =	wrdreg s25  }
0x18: {  	s28 =	simm.s32 $0x3100;
	[dreg:$0x18] =	wrdreg s26  }
0x19: {  	s5 =	simm.s32 $0x3200;
	[dreg:$0x19] =	wrdreg s28  }
0x1a: {  	s6 =	simm.s32 $0xC00;
	[dreg:$0x1b] =	wrdreg s5  }
0x1b: {  	[dreg:$0x1c] =	wrdreg s6;
	s8 =	simm.s32 $0xD00  }
0x1c: {  	s9 =	simm.s32 $0x3400;
	[dreg:$0x1e] =	wrdreg s8  }
0x1d: {  	s10 =	simm.s32 $0xE00;
	[dreg:$0x1f] =	wrdreg s9  }
0x1e: {  	s11 =	simm.s32 $0x3500;
	[smem:$0x7CD] =	sst s10  }
0x1f: {  	s12 =	simm.s32 $0xF00;
	[smem:$0x7CE] =	sst s11  }
0x20: {  	s13 =	simm.s32 $0x3600;
	[smem:$0x7CF] =	sst s12  }
0x21: {  	s14 =	simm.s32 $0x1000;
	[smem:$0x7D0] =	sst s13  }
0x22: {  	s15 =	simm.s32 $0x3700;
	[smem:$0x7D1] =	sst s14  }
0x23: {  	s16 =	simm.s32 $0x1100;
	[smem:$0x7D2] =	sst s15  }
0x24: {  	s17 =	simm.s32 $0x3800;
	[smem:$0x7D3] =	sst s16  }
0x25: {  	s18 =	simm.s32 $0x1200;
	[smem:$0x7D4] =	sst s17  }
0x26: {  	s19 =	simm.s32 $0x3900;
	[smem:$0x7D5] =	sst s18  }
0x27: {  	s20 =	simm.s32 $0x1300;
	[smem:$0x7D6] =	sst s19  }
0x28: {  	s21 =	simm.s32 $0x3A00;
	[smem:$0x7D7] =	sst s20  }
0x29: {  	s22 =	simm.s32 $0x1400;
	[smem:$0x7D8] =	sst s21  }
0x2a: {  	s23 =	simm.s32 $0x3B00;
	[smem:$0x7D9] =	sst s22  }
0x2b: {  	s25 =	simm.s32 $0x1500;
	[smem:$0x7DA] =	sst s23  }
0x2c: {  	s26 =	simm.s32 $0x3C00;
	[smem:$0x7DB] =	sst s25  }
0x2d: {  	s28 =	simm.s32 $0x1600;
	[smem:$0x7DC] =	sst s26  }
0x2e: {  	s5 =	simm.s32 $0x1700;
	[smem:$0x7DD] =	sst s28  }
0x2f: {  	s6 =	simm.s32 $0x3E00;
	[smem:$0x7DF] =	sst s5  }
0x30: {  	s0 =	smul.u32 $0x500, s7;
	s7 =	simm.s32 $0x3300;
	[smem:$0x7E0] =	sst s6  }
0x31: {  	s8 =	simm.s32 $0x3F00;
	[dreg:$0x1d] =	wrdreg s7  }
0x32: {  	s9 =	simm.s32 $0x1900;
	[smem:$0x7E2] =	sst s8  }
0x33: {  	s10 =	simm.s32 $0x4000;
	[smem:$0x7E3] =	sst s9  }
0x34: {  	s12 =	simm.s32 $0x1A00;
	[smem:$0x7E4] =	sst s10  }
0x35: {  	s13 =	simm.s32 $0x4100;
	[smem:$0x7E5] =	sst s12  }
0x36: {  	s31 =	simm.s32 $0x4D00;
	s14 =	simm.s32 $0x1B00;
	[smem:$0x7E6] =	sst s13  }
0x37: {  	p1 =	por $0x0, $0x0;
	s16 =	simm.s32 $0x4200;
	[smem:$0x7E7] =	sst s14  }
0x38: {  	p0 =	sgt.u32 s29, $0x9;
	s17 =	simm.s32 $0x1C00;
	[smem:$0x7E8] =	sst s16  }
0x39: {  	s5 =	smul.u32 $0x27100, s1;
	s18 =	simm.s32 $0x4300;
	[smem:$0x7E9] =	sst s17  }
0x3a: {  	s1 =	ssub.s32 $0x2, s1;
	s19 =	simm.s32 $0x1D00;
	[smem:$0x7EA] =	sst s18  }
0x3b: {  	s6 =	smul.u32 $0x3E800, s29;
	s21 =	simm.s32 $0x4400;
	[smem:$0x7EB] =	sst s19  }
0x3c: {  	s22 =	simm.s32 $0x1E00;
	s26 =	simm.s32 $0x9;
	[smem:$0x7EC] =	sst s21  }
0x3d: {  	s23 =	simm.s32 $0x4500;
	s25 =	simm.s32 $0x2800;
	[smem:$0x7ED] =	sst s22  }
0x3e: {  	s28 =	simm.s32 $0x1F00;
	s7 =	simm.s32 $0x1800;
	[smem:$0x7EE] =	sst s23  }
0x3f: {  	s11 =	sshrl.u32 s1, $0x1;
	s10 =	smul.u32 $0x3E80, s29;
	[smem:$0x7EF] =	sst s28  }
0x40: {  	s8 =	simm.s32 $0x4700;
	s9 =	simm.s32 $0x2100;
	[smem:$0x7E1] =	sst s7  }
0x41: {  	s13 =	simm.s32 $0x5000;
	s12 =	simm.s32 $0x2200;
	[smem:$0x7F2] =	sst s8  }
0x42: {  	s19 =	simm.s32 $0x1;
	s14 =	simm.s32 $0x4900;
	[smem:$0x7F3] =	sst s9  }
0x43: {  	s17 =	simm.s32 $0x2;
	s16 =	simm.s32 $0x4A00;
	[smem:$0x7F5] =	sst s12  }
0x44: {  	s18 =	simm.s32 $0x2400;
	s21 =	simm.s32 $0x4B00;
	[smem:$0x7F6] =	sst s14  }
0x45: {  	s22 =	simm.s32 $0x2500;
	s23 =	simm.s32 $0x4C00;
	[smem:$0x7F8] =	sst s16  }
0x46: {  	s28 =	simm.s32 $0x2600;
	s0 =	sadd.s32 s0, s4;
	[smem:$0x7F9] =	sst s18  }
0x47: {  	s15 =	sshrl.u32 s6, $0x2;
	s7 =	simm.s32 $0x2000;
	[smem:$0x7FA] =	sst s21  }
0x48: {  	s8 =	simm.s32 $0x8E80;
	s9 =	simm.s32 $0x10B80;
	[smem:$0x7FB] =	sst s22  }
0x49: {  	s16 =	simm.s32 $0x3;
	s18 =	simm.s32 $0x4;
	[smem:$0x7FC] =	sst s23  }
0x4a: {  	s14 =	simm.s32 $0x6;
	[smem:$0x7FD] =	sst s28;
	s3 =	sadd.s32 $0x24400, s0  }
0x4b: {  	s12 =	simm.s32 $0x8;
	[dreg:$0x5] =	wrdreg s3;
	s3 =	simm.s32 $0xB00  }
0x4c: {  	s23 =	simm.s32 $0x2700;
	[dreg:$0x1a] =	wrdreg s3;
	s3 =	simm.s32 $0x3D00  }
0x4d: {  	s22 =	simm.s32 $0x4E00;
	s0 =	sadd.s32 $0x1A400, s0;
	[smem:$0x7DE] =	sst s3  }
0x4e: {  	s3 =	sadd.s32 $0x2E400, s4;
	s4 =	sadd.s32 s5, s4;
	s5 =	ssub.s32 s1, s11  }
0x4f: {  	s6 =	sadd.s32 s15, s2;
	s1 =	sadd.s32 $0x41E00, s4;
	s20 =	smax.u32 s5, $0x1  }
0x50: {  	[smem:$0x7F1] =	sst s7;
	s10 =	sadd.s32 @!p0 s10, s1;
	s1 =	sadd.s32 $0xFFFFFFFF, s20  }
0x51: {  	s15 =	simm.s32 $0x2300;
	[dreg:$0x6] =	wrdreg s0;
	p2 =	sne.s32 s1, $0x0  }
.Ltmp0:
0x52: {  	s21 =	simm.s32 $0x4F00;
	[smem:$0x7F7] =	sst s15;
	(pc) =	sbr.rel @!p2 .LBB2_1-.Ltmp0, $4  }
0x53: {  	s7 =	simm.s32 $0xCD00;
	s15 =	simm.s32 $0x7;
	s0 =	rddreg [dreg:$0x5]  }
0x54: {  	s11 =	simm.s32 $0x4800;
	s4 =	sshll.u32 @!p0 s29, $0x6;
	s5 =	simm.s32 $0x4600  }
0x55: {  	[smem:$0x7F4] =	sst s11;
	s11 =	simm.s32 $0x5;
	s4 =	sor.u32 @!p0 $0x1C09, s4  }
0x56: {  	[smem:$0x7F0] =	sst s5;
	s5 =	sshrl.u32 @!p0 s6, $0x3;
	s6 =	simm.s32 $0xFA  }
0x57: {  	[tilespmem:s24], [sflag:$0x9] =	stream.linear.gather [hbm4b:s0+s24], $0x2800, $0x38;
	[tilespmem:$0x1E640] =	vst v63  }
0x58: {  	_ =	swait.ge [sflag:s26], $0x2800  }
0x59: {  	[sflag:s26] =	ssyncset.done $0x0  }
0x5a: {  	s20 =	rddreg [dreg:$0x6];
	[sflag:s26] =	ssyncadd.s32 $0xFFFFD800  }
0x5b: {  	[tilespmem:s25], [sflag:$0x9] =	stream.linear.gather [hbm4b:s20+s24], $0x2800, $0x38;
	[tilespmem:$0x1E640] =	vst v63  }
0x5c: {  	_ =	swait.ge [sflag:s26], $0x2800  }
0x5d: {  	[sflag:s26] =	ssyncset.done $0x0  }
0x5e: {  	s28 =	simm.s32 @!p0 $0x9;
	s0 =	rddreg [dreg:$0x4];
	[sflag:s26] =	ssyncadd.s32 $0xFFFFD800  }
0x5f: {  	[spmem:s5], [sflag:s4] =	dma.local @!p0 [hbm:s0], $0x1F40  }
0x60: {  	_ =	swait.ge @!p0 [sflag:s28], $0x1F40  }
0x61: {  	[sflag:s28] =	ssyncset.done @!p0 $0x0  }
0x62: {  	[sflag:s28] =	ssyncadd.s32 @!p0 $0xFFFFE0C0  }
0x63: {  	[bflag:$0x0] =	sbarrier.arrive $0xFFFF  }
0x64: {  	[tilespmem:s13], [sflag:$0x1] =	stream.indirect.gather [hbm4b:s3+s6], $0x40, s24, s6, $0xb8;
	[tilespmem:$0x1E640] =	vst v63  }
0x65: {  	s20 =	rddreg [dreg:$0x7]  }
0x66: {  	[tilespmem:s8], [sflag:$0x2] =	stream.indirect.gather [hbm4b:s3+s6], $0x40, s20, s6, $0xb8;
	[tilespmem:$0x1E640] =	vst v63  }
0x67: {  	_ =	swait.ge [sflag:s19], $0x3E80  }
0x68: {  	[sflag:s19] =	ssyncset.done $0x0  }
0x69: {  	[sflag:s19] =	ssyncadd.s32 $0xFFFFC180  }
0x6a: {  	[spmem:s2] =	stream.indirect.scatter.add.f32 [tilespmem:s13], [sflag:$0x5], $0x40, s25, s6, $0xb8;
	[tilespmem:$0x1E640] =	vst v63  }
0x6b: {  	s20 =	rddreg [dreg:$0x8]  }
0x6c: {  	[tilespmem:s7], [sflag:$0x3] =	stream.indirect.gather [hbm4b:s3+s6], $0x40, s20, s6, $0xb8;
	[tilespmem:$0x1E640] =	vst v63  }
0x6d: {  	_ =	swait.ge [sflag:s17], $0x3E80  }
0x6e: {  	[sflag:s17] =	ssyncset.done $0x0  }
0x6f: {  	s20 =	rddreg [dreg:$0x9];
	[sflag:s17] =	ssyncadd.s32 $0xFFFFC180  }
0x70: {  	[spmem:s2] =	stream.indirect.scatter.add.f32 [tilespmem:s8], [sflag:$0x6], $0x40, s20, s6, $0xb8;
	[tilespmem:$0x1E640] =	vst v63  }
0x71: {  	s29 =	rddreg [dreg:$0xa]  }
0x72: {  	[tilespmem:s9], [sflag:$0x4] =	stream.indirect.gather [hbm4b:s3+s6], $0x40, s29, s6, $0xb8;
	[tilespmem:$0x1E640] =	vst v63  }
0x73: {  	_ =	swait.ge [sflag:s16], $0x3E80  }
0x74: {  	[sflag:s16] =	ssyncset.done $0x0  }
0x75: {  	s20 =	rddreg [dreg:$0xb];
	[sflag:s16] =	ssyncadd.s32 $0xFFFFC180  }
0x76: {  	[spmem:s2] =	stream.indirect.scatter.add.f32 [tilespmem:s7], [sflag:$0x7], $0x40, s20, s6, $0xb8;
	[tilespmem:$0x1E640] =	vst v63  }
0x77: {  	_ =	swait.ge [sflag:s11], $0x3E80  }
0x78: {  	[sflag:s11] =	ssyncset.done $0x0  }
0x79: {  	s20 =	rddreg [dreg:$0xc];
	[sflag:s11] =	ssyncadd.s32 $0xFFFFC180  }
0x7a: {  	[tilespmem:s13], [sflag:$0x1] =	stream.indirect.gather [hbm4b:s3+s6], $0x40, s20, s6, $0xb8;
	[tilespmem:$0x1E640] =	vst v63  }
0x7b: {  	_ =	swait.ge [sflag:s18], $0x3E80  }
0x7c: {  	[sflag:s18] =	ssyncset.done $0x0  }
0x7d: {  	s20 =	rddreg [dreg:$0xd];
	[sflag:s18] =	ssyncadd.s32 $0xFFFFC180  }
0x7e: {  	[spmem:s2] =	stream.indirect.scatter.add.f32 [tilespmem:s9], [sflag:$0x8], $0x40, s20, s6, $0xb8;
	[tilespmem:$0x1E640] =	vst v63  }
0x7f: {  	_ =	swait.ge [sflag:s14], $0x3E80  }
0x80: {  	[sflag:s14] =	ssyncset.done $0x0  }
0x81: {  	s20 =	rddreg [dreg:$0xe];
	[sflag:s14] =	ssyncadd.s32 $0xFFFFC180  }
0x82: {  	[tilespmem:s8], [sflag:$0x2] =	stream.indirect.gather [hbm4b:s3+s6], $0x40, s20, s6, $0xb8;
	[tilespmem:$0x1E640] =	vst v63  }
0x83: {  	_ =	swait.ge [sflag:s19], $0x3E80  }
0x84: {  	[sflag:s19] =	ssyncset.done $0x0  }
0x85: {  	s20 =	rddreg [dreg:$0xf];
	[sflag:s19] =	ssyncadd.s32 $0xFFFFC180  }
0x86: {  	[spmem:s2] =	stream.indirect.scatter.add.f32 [tilespmem:s13], [sflag:$0x5], $0x40, s20, s6, $0xb8;
	[tilespmem:$0x1E640] =	vst v63  }
0x87: {  	_ =	swait.ge [sflag:s15], $0x3E80  }
0x88: {  	[sflag:s15] =	ssyncset.done $0x0  }
0x89: {  	s20 =	rddreg [dreg:$0x10];
	[sflag:s15] =	ssyncadd.s32 $0xFFFFC180  }
0x8a: {  	[tilespmem:s7], [sflag:$0x3] =	stream.indirect.gather [hbm4b:s3+s6], $0x40, s20, s6, $0xb8;
	[tilespmem:$0x1E640] =	vst v63  }
0x8b: {  	_ =	swait.ge [sflag:s17], $0x3E80  }
0x8c: {  	[sflag:s17] =	ssyncset.done $0x0  }
0x8d: {  	s20 =	rddreg [dreg:$0x11];
	[sflag:s17] =	ssyncadd.s32 $0xFFFFC180  }
0x8e: {  	[spmem:s2] =	stream.indirect.scatter.add.f32 [tilespmem:s8], [sflag:$0x6], $0x40, s20, s6, $0xb8;
	[tilespmem:$0x1E640] =	vst v63  }
0x8f: {  	_ =	swait.ge [sflag:s12], $0x3E80  }
0x90: {  	[sflag:s12] =	ssyncset.done $0x0  }
0x91: {  	s20 =	rddreg [dreg:$0x12];
	[sflag:s12] =	ssyncadd.s32 $0xFFFFC180  }
0x92: {  	[tilespmem:s9], [sflag:$0x4] =	stream.indirect.gather [hbm4b:s3+s6], $0x40, s20, s6, $0xb8;
	[tilespmem:$0x1E640] =	vst v63  }
0x93: {  	_ =	swait.ge [sflag:s16], $0x3E80  }
0x94: {  	[sflag:s16] =	ssyncset.done $0x0  }
0x95: {  	s20 =	rddreg [dreg:$0x13];
	[sflag:s16] =	ssyncadd.s32 $0xFFFFC180  }
0x96: {  	[spmem:s2] =	stream.indirect.scatter.add.f32 [tilespmem:s7], [sflag:$0x7], $0x40, s20, s6, $0xb8;
	[tilespmem:$0x1E640] =	vst v63  }
0x97: {  	_ =	swait.ge [sflag:s11], $0x3E80  }
0x98: {  	[sflag:s11] =	ssyncset.done $0x0  }
0x99: {  	s20 =	rddreg [dreg:$0x14];
	[sflag:s11] =	ssyncadd.s32 $0xFFFFC180  }
0x9a: {  	[tilespmem:s13], [sflag:$0x1] =	stream.indirect.gather [hbm4b:s3+s6], $0x40, s20, s6, $0xb8;
	[tilespmem:$0x1E640] =	vst v63  }
0x9b: {  	_ =	swait.ge [sflag:s18], $0x3E80  }
0x9c: {  	[sflag:s18] =	ssyncset.done $0x0  }
0x9d: {  	s20 =	rddreg [dreg:$0x15];
	[sflag:s18] =	ssyncadd.s32 $0xFFFFC180  }
0x9e: {  	[spmem:s2] =	stream.indirect.scatter.add.f32 [tilespmem:s9], [sflag:$0x8], $0x40, s20, s6, $0xb8;
	[tilespmem:$0x1E640] =	vst v63  }
0x9f: {  	_ =	swait.ge [sflag:s14], $0x3E80  }
0xa0: {  	[sflag:s14] =	ssyncset.done $0x0  }
0xa1: {  	s20 =	rddreg [dreg:$0x16];
	[sflag:s14] =	ssyncadd.s32 $0xFFFFC180  }
0xa2: {  	[tilespmem:s8], [sflag:$0x2] =	stream.indirect.gather [hbm4b:s3+s6], $0x40, s20, s6, $0xb8;
	[tilespmem:$0x1E640] =	vst v63  }
0xa3: {  	_ =	swait.ge [sflag:s19], $0x3E80  }
0xa4: {  	[sflag:s19] =	ssyncset.done $0x0  }
0xa5: {  	s20 =	rddreg [dreg:$0x17];
	[sflag:s19] =	ssyncadd.s32 $0xFFFFC180  }
0xa6: {  	[spmem:s2] =	stream.indirect.scatter.add.f32 [tilespmem:s13], [sflag:$0x5], $0x40, s20, s6, $0xb8;
	[tilespmem:$0x1E640] =	vst v63  }
0xa7: {  	_ =	swait.ge [sflag:s15], $0x3E80  }
0xa8: {  	[sflag:s15] =	ssyncset.done $0x0  }
0xa9: {  	s20 =	rddreg [dreg:$0x18];
	[sflag:s15] =	ssyncadd.s32 $0xFFFFC180  }
0xaa: {  	[tilespmem:s7], [sflag:$0x3] =	stream.indirect.gather [hbm4b:s3+s6], $0x40, s20, s6, $0xb8;
	[tilespmem:$0x1E640] =	vst v63  }
0xab: {  	_ =	swait.ge [sflag:s17], $0x3E80  }
0xac: {  	[sflag:s17] =	ssyncset.done $0x0  }
0xad: {  	s20 =	rddreg [dreg:$0x19];
	[sflag:s17] =	ssyncadd.s32 $0xFFFFC180  }
0xae: {  	[spmem:s2] =	stream.indirect.scatter.add.f32 [tilespmem:s8], [sflag:$0x6], $0x40, s20, s6, $0xb8;
	[tilespmem:$0x1E640] =	vst v63  }
0xaf: {  	_ =	swait.ge [sflag:s12], $0x3E80  }
0xb0: {  	[sflag:s12] =	ssyncset.done $0x0  }
0xb1: {  	s20 =	rddreg [dreg:$0x1a];
	[sflag:s12] =	ssyncadd.s32 $0xFFFFC180  }
0xb2: {  	[tilespmem:s9], [sflag:$0x4] =	stream.indirect.gather [hbm4b:s3+s6], $0x40, s20, s6, $0xb8;
	[tilespmem:$0x1E640] =	vst v63  }
0xb3: {  	_ =	swait.ge [sflag:s16], $0x3E80  }
0xb4: {  	[sflag:s16] =	ssyncset.done $0x0  }
0xb5: {  	s20 =	rddreg [dreg:$0x1b];
	[sflag:s16] =	ssyncadd.s32 $0xFFFFC180  }
0xb6: {  	[spmem:s2] =	stream.indirect.scatter.add.f32 [tilespmem:s7], [sflag:$0x7], $0x40, s20, s6, $0xb8;
	[tilespmem:$0x1E640] =	vst v63  }
0xb7: {  	_ =	swait.ge [sflag:s11], $0x3E80  }
0xb8: {  	[sflag:s11] =	ssyncset.done $0x0  }
0xb9: {  	s20 =	rddreg [dreg:$0x1c];
	[sflag:s11] =	ssyncadd.s32 $0xFFFFC180  }
0xba: {  	[tilespmem:s13], [sflag:$0x1] =	stream.indirect.gather [hbm4b:s3+s6], $0x40, s20, s6, $0xb8;
	[tilespmem:$0x1E640] =	vst v63  }
0xbb: {  	_ =	swait.ge [sflag:s18], $0x3E80  }
0xbc: {  	[sflag:s18] =	ssyncset.done $0x0  }
0xbd: {  	s20 =	rddreg [dreg:$0x1d];
	[sflag:s18] =	ssyncadd.s32 $0xFFFFC180  }
0xbe: {  	[spmem:s2] =	stream.indirect.scatter.add.f32 [tilespmem:s9], [sflag:$0x8], $0x40, s20, s6, $0xb8;
	[tilespmem:$0x1E640] =	vst v63  }
0xbf: {  	_ =	swait.ge [sflag:s14], $0x3E80  }
0xc0: {  	[sflag:s14] =	ssyncset.done $0x0  }
0xc1: {  	s20 =	rddreg [dreg:$0x1e];
	[sflag:s14] =	ssyncadd.s32 $0xFFFFC180  }
0xc2: {  	[tilespmem:s8], [sflag:$0x2] =	stream.indirect.gather [hbm4b:s3+s6], $0x40, s20, s6, $0xb8;
	[tilespmem:$0x1E640] =	vst v63  }
0xc3: {  	_ =	swait.ge [sflag:s19], $0x3E80  }
0xc4: {  	[sflag:s19] =	ssyncset.done $0x0  }
0xc5: {  	s20 =	rddreg [dreg:$0x1f];
	[sflag:s19] =	ssyncadd.s32 $0xFFFFC180  }
0xc6: {  	[spmem:s2] =	stream.indirect.scatter.add.f32 [tilespmem:s13], [sflag:$0x5], $0x40, s20, s6, $0xb8;
	[tilespmem:$0x1E640] =	vst v63  }
0xc7: {  	_ =	swait.ge [sflag:s15], $0x3E80  }
0xc8: {  	s20 =	sld [smem:$0x7CD]  }
0xc9: {  	[sflag:s15] =	ssyncset.done $0x0  }
0xca: {  	[sflag:s15] =	ssyncadd.s32 $0xFFFFC180  }
0xcb: {  	[tilespmem:s7], [sflag:$0x3] =	stream.indirect.gather [hbm4b:s3+s6], $0x40, s20, s6, $0xb8;
	[tilespmem:$0x1E640] =	vst v63  }
0xcc: {  	_ =	swait.ge [sflag:s17], $0x3E80  }
0xcd: {  	s20 =	sld [smem:$0x7CE]  }
0xce: {  	[sflag:s17] =	ssyncset.done $0x0  }
0xcf: {  	[sflag:s17] =	ssyncadd.s32 $0xFFFFC180  }
0xd0: {  	[spmem:s2] =	stream.indirect.scatter.add.f32 [tilespmem:s8], [sflag:$0x6], $0x40, s20, s6, $0xb8;
	[tilespmem:$0x1E640] =	vst v63  }
0xd1: {  	_ =	swait.ge [sflag:s12], $0x3E80  }
0xd2: {  	s20 =	sld [smem:$0x7CF]  }
0xd3: {  	[sflag:s12] =	ssyncset.done $0x0  }
0xd4: {  	[sflag:s12] =	ssyncadd.s32 $0xFFFFC180  }
0xd5: {  	[tilespmem:s9], [sflag:$0x4] =	stream.indirect.gather [hbm4b:s3+s6], $0x40, s20, s6, $0xb8;
	[tilespmem:$0x1E640] =	vst v63  }
0xd6: {  	_ =	swait.ge [sflag:s16], $0x3E80  }
0xd7: {  	s20 =	sld [smem:$0x7D0]  }
0xd8: {  	[sflag:s16] =	ssyncset.done $0x0  }
0xd9: {  	[sflag:s16] =	ssyncadd.s32 $0xFFFFC180  }
0xda: {  	[spmem:s2] =	stream.indirect.scatter.add.f32 [tilespmem:s7], [sflag:$0x7], $0x40, s20, s6, $0xb8;
	[tilespmem:$0x1E640] =	vst v63  }
0xdb: {  	_ =	swait.ge [sflag:s11], $0x3E80  }
0xdc: {  	s20 =	sld [smem:$0x7D1]  }
0xdd: {  	[sflag:s11] =	ssyncset.done $0x0  }
0xde: {  	[sflag:s11] =	ssyncadd.s32 $0xFFFFC180  }
0xdf: {  	[tilespmem:s13], [sflag:$0x1] =	stream.indirect.gather [hbm4b:s3+s6], $0x40, s20, s6, $0xb8;
	[tilespmem:$0x1E640] =	vst v63  }
0xe0: {  	_ =	swait.ge [sflag:s18], $0x3E80  }
0xe1: {  	s20 =	sld [smem:$0x7D2]  }
0xe2: {  	[sflag:s18] =	ssyncset.done $0x0  }
0xe3: {  	[sflag:s18] =	ssyncadd.s32 $0xFFFFC180  }
0xe4: {  	[spmem:s2] =	stream.indirect.scatter.add.f32 [tilespmem:s9], [sflag:$0x8], $0x40, s20, s6, $0xb8;
	[tilespmem:$0x1E640] =	vst v63  }
0xe5: {  	_ =	swait.ge [sflag:s14], $0x3E80  }
0xe6: {  	s20 =	sld [smem:$0x7D3]  }
0xe7: {  	[sflag:s14] =	ssyncset.done $0x0  }
0xe8: {  	[sflag:s14] =	ssyncadd.s32 $0xFFFFC180  }
0xe9: {  	[tilespmem:s8], [sflag:$0x2] =	stream.indirect.gather [hbm4b:s3+s6], $0x40, s20, s6, $0xb8;
	[tilespmem:$0x1E640] =	vst v63  }
0xea: {  	_ =	swait.ge [sflag:s19], $0x3E80  }
0xeb: {  	s20 =	sld [smem:$0x7D4]  }
0xec: {  	[sflag:s19] =	ssyncset.done $0x0  }
0xed: {  	[sflag:s19] =	ssyncadd.s32 $0xFFFFC180  }
0xee: {  	[spmem:s2] =	stream.indirect.scatter.add.f32 [tilespmem:s13], [sflag:$0x5], $0x40, s20, s6, $0xb8;
	[tilespmem:$0x1E640] =	vst v63  }
0xef: {  	_ =	swait.ge [sflag:s15], $0x3E80  }
0xf0: {  	s20 =	sld [smem:$0x7D5]  }
0xf1: {  	[sflag:s15] =	ssyncset.done $0x0  }
0xf2: {  	[sflag:s15] =	ssyncadd.s32 $0xFFFFC180  }
0xf3: {  	[tilespmem:s7], [sflag:$0x3] =	stream.indirect.gather [hbm4b:s3+s6], $0x40, s20, s6, $0xb8;
	[tilespmem:$0x1E640] =	vst v63  }
0xf4: {  	_ =	swait.ge [sflag:s17], $0x3E80  }
0xf5: {  	s20 =	sld [smem:$0x7D6]  }
0xf6: {  	[sflag:s17] =	ssyncset.done $0x0  }
0xf7: {  	[sflag:s17] =	ssyncadd.s32 $0xFFFFC180  }
0xf8: {  	[spmem:s2] =	stream.indirect.scatter.add.f32 [tilespmem:s8], [sflag:$0x6], $0x40, s20, s6, $0xb8;
	[tilespmem:$0x1E640] =	vst v63  }
0xf9: {  	_ =	swait.ge [sflag:s12], $0x3E80  }
0xfa: {  	s20 =	sld [smem:$0x7D7]  }
0xfb: {  	[sflag:s12] =	ssyncset.done $0x0  }
0xfc: {  	[sflag:s12] =	ssyncadd.s32 $0xFFFFC180  }
0xfd: {  	[tilespmem:s9], [sflag:$0x4] =	stream.indirect.gather [hbm4b:s3+s6], $0x40, s20, s6, $0xb8;
	[tilespmem:$0x1E640] =	vst v63  }
0xfe: {  	_ =	swait.ge [sflag:s16], $0x3E80  }
0xff: {  	s20 =	sld [smem:$0x7D8]  }
0x100: {  	[sflag:s16] =	ssyncset.done $0x0  }
0x101: {  	[sflag:s16] =	ssyncadd.s32 $0xFFFFC180  }
0x102: {  	[spmem:s2] =	stream.indirect.scatter.add.f32 [tilespmem:s7], [sflag:$0x7], $0x40, s20, s6, $0xb8;
	[tilespmem:$0x1E640] =	vst v63  }
0x103: {  	_ =	swait.ge [sflag:s11], $0x3E80  }
0x104: {  	s20 =	sld [smem:$0x7D9]  }
0x105: {  	[sflag:s11] =	ssyncset.done $0x0  }
0x106: {  	[sflag:s11] =	ssyncadd.s32 $0xFFFFC180  }
0x107: {  	[tilespmem:s13], [sflag:$0x1] =	stream.indirect.gather [hbm4b:s3+s6], $0x40, s20, s6, $0xb8;
	[tilespmem:$0x1E640] =	vst v63  }
0x108: {  	_ =	swait.ge [sflag:s18], $0x3E80  }
0x109: {  	s20 =	sld [smem:$0x7DA]  }
0x10a: {  	[sflag:s18] =	ssyncset.done $0x0  }
0x10b: {  	[sflag:s18] =	ssyncadd.s32 $0xFFFFC180  }
0x10c: {  	[spmem:s2] =	stream.indirect.scatter.add.f32 [tilespmem:s9], [sflag:$0x8], $0x40, s20, s6, $0xb8;
	[tilespmem:$0x1E640] =	vst v63  }
0x10d: {  	_ =	swait.ge [sflag:s14], $0x3E80  }
0x10e: {  	s20 =	sld [smem:$0x7DB]  }
0x10f: {  	[sflag:s14] =	ssyncset.done $0x0  }
0x110: {  	[sflag:s14] =	ssyncadd.s32 $0xFFFFC180  }
0x111: {  	[tilespmem:s8], [sflag:$0x2] =	stream.indirect.gather [hbm4b:s3+s6], $0x40, s20, s6, $0xb8;
	[tilespmem:$0x1E640] =	vst v63  }
0x112: {  	_ =	swait.ge [sflag:s19], $0x3E80  }
0x113: {  	s20 =	sld [smem:$0x7DC]  }
0x114: {  	[sflag:s19] =	ssyncset.done $0x0  }
0x115: {  	[sflag:s19] =	ssyncadd.s32 $0xFFFFC180  }
0x116: {  	[spmem:s2] =	stream.indirect.scatter.add.f32 [tilespmem:s13], [sflag:$0x5], $0x40, s20, s6, $0xb8;
	[tilespmem:$0x1E640] =	vst v63  }
0x117: {  	_ =	swait.ge [sflag:s15], $0x3E80  }
0x118: {  	s20 =	sld [smem:$0x7DD]  }
0x119: {  	[sflag:s15] =	ssyncset.done $0x0  }
0x11a: {  	[sflag:s15] =	ssyncadd.s32 $0xFFFFC180  }
0x11b: {  	[tilespmem:s7], [sflag:$0x3] =	stream.indirect.gather [hbm4b:s3+s6], $0x40, s20, s6, $0xb8;
	[tilespmem:$0x1E640] =	vst v63  }
0x11c: {  	_ =	swait.ge [sflag:s17], $0x3E80  }
0x11d: {  	s20 =	sld [smem:$0x7DE]  }
0x11e: {  	[sflag:s17] =	ssyncset.done $0x0  }
0x11f: {  	[sflag:s17] =	ssyncadd.s32 $0xFFFFC180  }
0x120: {  	[spmem:s2] =	stream.indirect.scatter.add.f32 [tilespmem:s8], [sflag:$0x6], $0x40, s20, s6, $0xb8;
	[tilespmem:$0x1E640] =	vst v63  }
0x121: {  	_ =	swait.ge [sflag:s12], $0x3E80  }
0x122: {  	s20 =	sld [smem:$0x7DF]  }
0x123: {  	[sflag:s12] =	ssyncset.done $0x0  }
0x124: {  	[sflag:s12] =	ssyncadd.s32 $0xFFFFC180  }
0x125: {  	[tilespmem:s9], [sflag:$0x4] =	stream.indirect.gather [hbm4b:s3+s6], $0x40, s20, s6, $0xb8;
	[tilespmem:$0x1E640] =	vst v63  }
0x126: {  	_ =	swait.ge [sflag:s16], $0x3E80  }
0x127: {  	s20 =	sld [smem:$0x7E0]  }
0x128: {  	[sflag:s16] =	ssyncset.done $0x0  }
0x129: {  	[sflag:s16] =	ssyncadd.s32 $0xFFFFC180  }
0x12a: {  	[spmem:s2] =	stream.indirect.scatter.add.f32 [tilespmem:s7], [sflag:$0x7], $0x40, s20, s6, $0xb8;
	[tilespmem:$0x1E640] =	vst v63  }
0x12b: {  	_ =	swait.ge [sflag:s11], $0x3E80  }
0x12c: {  	s20 =	sld [smem:$0x7E1]  }
0x12d: {  	[sflag:s11] =	ssyncset.done $0x0  }
0x12e: {  	[sflag:s11] =	ssyncadd.s32 $0xFFFFC180  }
0x12f: {  	[tilespmem:s13], [sflag:$0x1] =	stream.indirect.gather [hbm4b:s3+s6], $0x40, s20, s6, $0xb8;
	[tilespmem:$0x1E640] =	vst v63  }
0x130: {  	_ =	swait.ge [sflag:s18], $0x3E80  }
0x131: {  	s20 =	sld [smem:$0x7E2]  }
0x132: {  	[sflag:s18] =	ssyncset.done $0x0  }
0x133: {  	[sflag:s18] =	ssyncadd.s32 $0xFFFFC180  }
0x134: {  	[spmem:s2] =	stream.indirect.scatter.add.f32 [tilespmem:s9], [sflag:$0x8], $0x40, s20, s6, $0xb8;
	[tilespmem:$0x1E640] =	vst v63  }
0x135: {  	_ =	swait.ge [sflag:s14], $0x3E80  }
0x136: {  	s20 =	sld [smem:$0x7E3]  }
0x137: {  	[sflag:s14] =	ssyncset.done $0x0  }
0x138: {  	[sflag:s14] =	ssyncadd.s32 $0xFFFFC180  }
0x139: {  	[tilespmem:s8], [sflag:$0x2] =	stream.indirect.gather [hbm4b:s3+s6], $0x40, s20, s6, $0xb8;
	[tilespmem:$0x1E640] =	vst v63  }
0x13a: {  	_ =	swait.ge [sflag:s19], $0x3E80  }
0x13b: {  	s20 =	sld [smem:$0x7E4]  }
0x13c: {  	[sflag:s19] =	ssyncset.done $0x0  }
0x13d: {  	[sflag:s19] =	ssyncadd.s32 $0xFFFFC180  }
0x13e: {  	[spmem:s2] =	stream.indirect.scatter.add.f32 [tilespmem:s13], [sflag:$0x5], $0x40, s20, s6, $0xb8;
	[tilespmem:$0x1E640] =	vst v63  }
0x13f: {  	_ =	swait.ge [sflag:s15], $0x3E80  }
0x140: {  	s20 =	sld [smem:$0x7E5]  }
0x141: {  	[sflag:s15] =	ssyncset.done $0x0  }
0x142: {  	[sflag:s15] =	ssyncadd.s32 $0xFFFFC180  }
0x143: {  	[tilespmem:s7], [sflag:$0x3] =	stream.indirect.gather [hbm4b:s3+s6], $0x40, s20, s6, $0xb8;
	[tilespmem:$0x1E640] =	vst v63  }
0x144: {  	_ =	swait.ge [sflag:s17], $0x3E80  }
0x145: {  	s20 =	sld [smem:$0x7E6]  }
0x146: {  	[sflag:s17] =	ssyncset.done $0x0  }
0x147: {  	[sflag:s17] =	ssyncadd.s32 $0xFFFFC180  }
0x148: {  	[spmem:s2] =	stream.indirect.scatter.add.f32 [tilespmem:s8], [sflag:$0x6], $0x40, s20, s6, $0xb8;
	[tilespmem:$0x1E640] =	vst v63  }
0x149: {  	_ =	swait.ge [sflag:s12], $0x3E80  }
0x14a: {  	s20 =	sld [smem:$0x7E7]  }
0x14b: {  	[sflag:s12] =	ssyncset.done $0x0  }
0x14c: {  	[sflag:s12] =	ssyncadd.s32 $0xFFFFC180  }
0x14d: {  	[tilespmem:s9], [sflag:$0x4] =	stream.indirect.gather [hbm4b:s3+s6], $0x40, s20, s6, $0xb8;
	[tilespmem:$0x1E640] =	vst v63  }
0x14e: {  	_ =	swait.ge [sflag:s16], $0x3E80  }
0x14f: {  	s20 =	sld [smem:$0x7E8]  }
0x150: {  	[sflag:s16] =	ssyncset.done $0x0  }
0x151: {  	[sflag:s16] =	ssyncadd.s32 $0xFFFFC180  }
0x152: {  	[spmem:s2] =	stream.indirect.scatter.add.f32 [tilespmem:s7], [sflag:$0x7], $0x40, s20, s6, $0xb8;
	[tilespmem:$0x1E640] =	vst v63  }
0x153: {  	_ =	swait.ge [sflag:s11], $0x3E80  }
0x154: {  	s20 =	sld [smem:$0x7E9]  }
0x155: {  	[sflag:s11] =	ssyncset.done $0x0  }
0x156: {  	[sflag:s11] =	ssyncadd.s32 $0xFFFFC180  }
0x157: {  	[tilespmem:s13], [sflag:$0x1] =	stream.indirect.gather [hbm4b:s3+s6], $0x40, s20, s6, $0xb8;
	[tilespmem:$0x1E640] =	vst v63  }
0x158: {  	_ =	swait.ge [sflag:s18], $0x3E80  }
0x159: {  	s20 =	sld [smem:$0x7EA]  }
0x15a: {  	[sflag:s18] =	ssyncset.done $0x0  }
0x15b: {  	[sflag:s18] =	ssyncadd.s32 $0xFFFFC180  }
0x15c: {  	[spmem:s2] =	stream.indirect.scatter.add.f32 [tilespmem:s9], [sflag:$0x8], $0x40, s20, s6, $0xb8;
	[tilespmem:$0x1E640] =	vst v63  }
0x15d: {  	_ =	swait.ge [sflag:s14], $0x3E80  }
0x15e: {  	s20 =	sld [smem:$0x7EB]  }
0x15f: {  	[sflag:s14] =	ssyncset.done $0x0  }
0x160: {  	[sflag:s14] =	ssyncadd.s32 $0xFFFFC180  }
0x161: {  	[tilespmem:s8], [sflag:$0x2] =	stream.indirect.gather [hbm4b:s3+s6], $0x40, s20, s6, $0xb8;
	[tilespmem:$0x1E640] =	vst v63  }
0x162: {  	_ =	swait.ge [sflag:s19], $0x3E80  }
0x163: {  	s20 =	sld [smem:$0x7EC]  }
0x164: {  	[sflag:s19] =	ssyncset.done $0x0  }
0x165: {  	[sflag:s19] =	ssyncadd.s32 $0xFFFFC180  }
0x166: {  	[spmem:s2] =	stream.indirect.scatter.add.f32 [tilespmem:s13], [sflag:$0x5], $0x40, s20, s6, $0xb8;
	[tilespmem:$0x1E640] =	vst v63  }
0x167: {  	_ =	swait.ge [sflag:s15], $0x3E80  }
0x168: {  	s20 =	sld [smem:$0x7ED]  }
0x169: {  	[sflag:s15] =	ssyncset.done $0x0  }
0x16a: {  	[sflag:s15] =	ssyncadd.s32 $0xFFFFC180  }
0x16b: {  	[tilespmem:s7], [sflag:$0x3] =	stream.indirect.gather [hbm4b:s3+s6], $0x40, s20, s6, $0xb8;
	[tilespmem:$0x1E640] =	vst v63  }
0x16c: {  	_ =	swait.ge [sflag:s17], $0x3E80  }
0x16d: {  	s20 =	sld [smem:$0x7EE]  }
0x16e: {  	[sflag:s17] =	ssyncset.done $0x0  }
0x16f: {  	[sflag:s17] =	ssyncadd.s32 $0xFFFFC180  }
0x170: {  	[spmem:s2] =	stream.indirect.scatter.add.f32 [tilespmem:s8], [sflag:$0x6], $0x40, s20, s6, $0xb8;
	[tilespmem:$0x1E640] =	vst v63  }
0x171: {  	_ =	swait.ge [sflag:s12], $0x3E80  }
0x172: {  	s20 =	sld [smem:$0x7EF]  }
0x173: {  	[sflag:s12] =	ssyncset.done $0x0  }
0x174: {  	[sflag:s12] =	ssyncadd.s32 $0xFFFFC180  }
0x175: {  	[tilespmem:s9], [sflag:$0x4] =	stream.indirect.gather [hbm4b:s3+s6], $0x40, s20, s6, $0xb8;
	[tilespmem:$0x1E640] =	vst v63  }
0x176: {  	_ =	swait.ge [sflag:s16], $0x3E80  }
0x177: {  	s20 =	sld [smem:$0x7F0]  }
0x178: {  	[sflag:s16] =	ssyncset.done $0x0  }
0x179: {  	[sflag:s16] =	ssyncadd.s32 $0xFFFFC180  }
0x17a: {  	[spmem:s2] =	stream.indirect.scatter.add.f32 [tilespmem:s7], [sflag:$0x7], $0x40, s20, s6, $0xb8;
	[tilespmem:$0x1E640] =	vst v63  }
0x17b: {  	_ =	swait.ge [sflag:s11], $0x3E80  }
0x17c: {  	s20 =	sld [smem:$0x7F1]  }
0x17d: {  	[sflag:s11] =	ssyncset.done $0x0  }
0x17e: {  	[sflag:s11] =	ssyncadd.s32 $0xFFFFC180  }
0x17f: {  	[tilespmem:s13], [sflag:$0x1] =	stream.indirect.gather [hbm4b:s3+s6], $0x40, s20, s6, $0xb8;
	[tilespmem:$0x1E640] =	vst v63  }
0x180: {  	_ =	swait.ge [sflag:s18], $0x3E80  }
0x181: {  	s20 =	sld [smem:$0x7F2]  }
0x182: {  	[sflag:s18] =	ssyncset.done $0x0  }
0x183: {  	[sflag:s18] =	ssyncadd.s32 $0xFFFFC180  }
0x184: {  	[spmem:s2] =	stream.indirect.scatter.add.f32 [tilespmem:s9], [sflag:$0x8], $0x40, s20, s6, $0xb8;
	[tilespmem:$0x1E640] =	vst v63  }
0x185: {  	_ =	swait.ge [sflag:s14], $0x3E80  }
0x186: {  	s20 =	sld [smem:$0x7F3]  }
0x187: {  	[sflag:s14] =	ssyncset.done $0x0  }
0x188: {  	[sflag:s14] =	ssyncadd.s32 $0xFFFFC180  }
0x189: {  	[tilespmem:s8], [sflag:$0x2] =	stream.indirect.gather [hbm4b:s3+s6], $0x40, s20, s6, $0xb8;
	[tilespmem:$0x1E640] =	vst v63  }
0x18a: {  	_ =	swait.ge [sflag:s19], $0x3E80  }
0x18b: {  	s20 =	sld [smem:$0x7F4]  }
0x18c: {  	[sflag:s19] =	ssyncset.done $0x0  }
0x18d: {  	[sflag:s19] =	ssyncadd.s32 $0xFFFFC180  }
0x18e: {  	[spmem:s2] =	stream.indirect.scatter.add.f32 [tilespmem:s13], [sflag:$0x5], $0x40, s20, s6, $0xb8;
	[tilespmem:$0x1E640] =	vst v63  }
0x18f: {  	_ =	swait.ge [sflag:s15], $0x3E80  }
0x190: {  	s20 =	sld [smem:$0x7F5]  }
0x191: {  	[sflag:s15] =	ssyncset.done $0x0  }
0x192: {  	[sflag:s15] =	ssyncadd.s32 $0xFFFFC180  }
0x193: {  	[tilespmem:s7], [sflag:$0x3] =	stream.indirect.gather [hbm4b:s3+s6], $0x40, s20, s6, $0xb8;
	[tilespmem:$0x1E640] =	vst v63  }
0x194: {  	_ =	swait.ge [sflag:s17], $0x3E80  }
0x195: {  	s20 =	sld [smem:$0x7F6]  }
0x196: {  	[sflag:s17] =	ssyncset.done $0x0  }
0x197: {  	[sflag:s17] =	ssyncadd.s32 $0xFFFFC180  }
0x198: {  	[spmem:s2] =	stream.indirect.scatter.add.f32 [tilespmem:s8], [sflag:$0x6], $0x40, s20, s6, $0xb8;
	[tilespmem:$0x1E640] =	vst v63  }
0x199: {  	_ =	swait.ge [sflag:s12], $0x3E80  }
0x19a: {  	s20 =	sld [smem:$0x7F7]  }
0x19b: {  	[sflag:s12] =	ssyncset.done $0x0  }
0x19c: {  	[sflag:s12] =	ssyncadd.s32 $0xFFFFC180  }
0x19d: {  	[tilespmem:s9], [sflag:$0x4] =	stream.indirect.gather [hbm4b:s3+s6], $0x40, s20, s6, $0xb8;
	[tilespmem:$0x1E640] =	vst v63  }
0x19e: {  	_ =	swait.ge [sflag:s16], $0x3E80  }
0x19f: {  	s20 =	sld [smem:$0x7F8]  }
0x1a0: {  	[sflag:s16] =	ssyncset.done $0x0  }
0x1a1: {  	[sflag:s16] =	ssyncadd.s32 $0xFFFFC180  }
0x1a2: {  	[spmem:s2] =	stream.indirect.scatter.add.f32 [tilespmem:s7], [sflag:$0x7], $0x40, s20, s6, $0xb8;
	[tilespmem:$0x1E640] =	vst v63  }
0x1a3: {  	_ =	swait.ge [sflag:s11], $0x3E80  }
0x1a4: {  	s20 =	sld [smem:$0x7F9]  }
0x1a5: {  	[sflag:s11] =	ssyncset.done $0x0  }
0x1a6: {  	[sflag:s11] =	ssyncadd.s32 $0xFFFFC180  }
0x1a7: {  	[tilespmem:s13], [sflag:$0x1] =	stream.indirect.gather [hbm4b:s3+s6], $0x40, s20, s6, $0xb8;
	[tilespmem:$0x1E640] =	vst v63  }
0x1a8: {  	_ =	swait.ge [sflag:s18], $0x3E80  }
0x1a9: {  	s20 =	sld [smem:$0x7FA]  }
0x1aa: {  	[sflag:s18] =	ssyncset.done $0x0  }
0x1ab: {  	[sflag:s18] =	ssyncadd.s32 $0xFFFFC180  }
0x1ac: {  	[spmem:s2] =	stream.indirect.scatter.add.f32 [tilespmem:s9], [sflag:$0x8], $0x40, s20, s6, $0xb8;
	[tilespmem:$0x1E640] =	vst v63  }
0x1ad: {  	_ =	swait.ge [sflag:s14], $0x3E80  }
0x1ae: {  	s20 =	sld [smem:$0x7FB]  }
0x1af: {  	[sflag:s14] =	ssyncset.done $0x0  }
0x1b0: {  	[sflag:s14] =	ssyncadd.s32 $0xFFFFC180  }
0x1b1: {  	[tilespmem:s8], [sflag:$0x2] =	stream.indirect.gather [hbm4b:s3+s6], $0x40, s20, s6, $0xb8;
	[tilespmem:$0x1E640] =	vst v63  }
0x1b2: {  	_ =	swait.ge [sflag:s19], $0x3E80  }
0x1b3: {  	s20 =	sld [smem:$0x7FC]  }
0x1b4: {  	[sflag:s19] =	ssyncset.done $0x0  }
0x1b5: {  	[sflag:s19] =	ssyncadd.s32 $0xFFFFC180  }
0x1b6: {  	[spmem:s2] =	stream.indirect.scatter.add.f32 [tilespmem:s13], [sflag:$0x5], $0x40, s20, s6, $0xb8;
	[tilespmem:$0x1E640] =	vst v63  }
0x1b7: {  	_ =	swait.ge [sflag:s15], $0x3E80  }
0x1b8: {  	s20 =	sld [smem:$0x7FD]  }
0x1b9: {  	[sflag:s15] =	ssyncset.done $0x0  }
0x1ba: {  	[sflag:s15] =	ssyncadd.s32 $0xFFFFC180  }
0x1bb: {  	[tilespmem:s7], [sflag:$0x3] =	stream.indirect.gather [hbm4b:s3+s6], $0x40, s20, s6, $0xb8;
	[tilespmem:$0x1E640] =	vst v63  }
0x1bc: {  	_ =	swait.ge [sflag:s17], $0x3E80  }
0x1bd: {  	[sflag:s17] =	ssyncset.done $0x0  }
0x1be: {  	[sflag:s17] =	ssyncadd.s32 $0xFFFFC180  }
0x1bf: {  	[spmem:s2] =	stream.indirect.scatter.add.f32 [tilespmem:s8], [sflag:$0x6], $0x40, s31, s6, $0xb8;
	[tilespmem:$0x1E640] =	vst v63  }
0x1c0: {  	_ =	swait.ge [sflag:s12], $0x3E80  }
0x1c1: {  	[sflag:s12] =	ssyncset.done $0x0  }
0x1c2: {  	[sflag:s12] =	ssyncadd.s32 $0xFFFFC180  }
0x1c3: {  	[tilespmem:s9], [sflag:$0x4] =	stream.indirect.gather [hbm4b:s3+s6], $0x40, s23, s6, $0xb8;
	[tilespmem:$0x1E640] =	vst v63  }
0x1c4: {  	_ =	swait.ge [sflag:s16], $0x3E80  }
0x1c5: {  	[sflag:s16] =	ssyncset.done $0x0  }
0x1c6: {  	[sflag:s16] =	ssyncadd.s32 $0xFFFFC180  }
0x1c7: {  	[spmem:s2] =	stream.indirect.scatter.add.f32 [tilespmem:s7], [sflag:$0x7], $0x40, s22, s6, $0xb8;
	[tilespmem:$0x1E640] =	vst v63  }
0x1c8: {  	_ =	swait.ge [sflag:s18], $0x3E80  }
0x1c9: {  	[sflag:s18] =	ssyncset.done $0x0  }
0x1ca: {  	[sflag:s18] =	ssyncadd.s32 $0xFFFFC180  }
0x1cb: {  	[spmem:s2] =	stream.indirect.scatter.add.f32 [tilespmem:s9], [sflag:$0x8], $0x40, s21, s6, $0xb8;
	[tilespmem:$0x1E640] =	vst v63  }
0x1cc: {  	_ =	swait.ge [sflag:s11], $0x3E80  }
0x1cd: {  	[sflag:s11] =	ssyncset.done $0x0  }
0x1ce: {  	[sflag:s11] =	ssyncadd.s32 $0xFFFFC180  }
0x1cf: {  	_ =	swait.ge [sflag:s14], $0x3E80  }
0x1d0: {  	[sflag:s14] =	ssyncset.done $0x0  }
0x1d1: {  	[sflag:s14] =	ssyncadd.s32 $0xFFFFC180  }
0x1d2: {  	_ =	swait.ge [sflag:s15], $0x3E80  }
0x1d3: {  	[sflag:s15] =	ssyncset.done $0x0  }
0x1d4: {  	[sflag:s15] =	ssyncadd.s32 $0xFFFFC180  }
0x1d5: {  	s30 =	simm.s32 $0x4D00;
	s29 =	sadd.s32 $0xFFFFFFFF, s1;
	_ =	swait.ge [sflag:s12], $0x3E80  }
0x1d6: {  	p1 =	por $0x1, $0x1;
	p2 =	sne.s32 s29, $0x0;
	[sflag:s12] =	ssyncset.done $0x0  }
.Ltmp1:
0x1d7: {  	s0 =	simm.s32 @!p0 $0x8;
	[sflag:s12] =	ssyncadd.s32 $0xFFFFC180;
	(pc) =	sbr.rel @!p2 .LBB2_3-.Ltmp1, $4  }
0x1d8: {  	s1 =	simm.s32 @!p0 $0x10;
	s31 =	simm.s32 @!p0 $0x1;
	[bflag:$0x0] =	sbarrier.arrive $0xFFFF  }
0x1d9: {  	[hbm:s10@s1], [sflag:s4] =	dma.strided @!p0 [spmem:s5@s0], $0x1F40, s31, $0x8   }
0x1da: {  	s23 =	simm.s32 $0x2700;
	s22 =	simm.s32 $0x4E00;
	_ =	swait.ge @!p0 [sflag:s28], $0x1F40  }
0x1db: {  	s21 =	simm.s32 @!p0 $0x8;
	s0 =	rddreg [dreg:$0x5];
	[sflag:s28] =	ssyncset.done @!p0 $0x0  }
.LBB2_4:
0x1dc: {  	[sflag:s28] =	ssyncadd.s32 @!p0 $0xFFFFE0C0  }
0x1dd: {  	[tilespmem:s24], [sflag:$0x9] =	stream.linear.gather [hbm4b:s0+s24], $0x2800, $0x38;
	[tilespmem:$0x1E640] =	vst v63  }
0x1de: {  	_ =	swait.ge [sflag:s26], $0x2800  }
0x1df: {  	[sflag:s26] =	ssyncset.done $0x0  }
0x1e0: {  	s20 =	rddreg [dreg:$0x6];
	[sflag:s26] =	ssyncadd.s32 $0xFFFFD800  }
0x1e1: {  	[tilespmem:s25], [sflag:$0x9] =	stream.linear.gather [hbm4b:s20+s24], $0x2800, $0x38;
	[tilespmem:$0x1E640] =	vst v63  }
0x1e2: {  	_ =	swait.ge [sflag:s26], $0x2800  }
0x1e3: {  	[sflag:s26] =	ssyncset.done $0x0  }
0x1e4: {  	s0 =	rddreg [dreg:$0x4];
	[sflag:s26] =	ssyncadd.s32 $0xFFFFD800  }
0x1e5: {  	[spmem:s5], [sflag:s4] =	dma.local @!p0 [hbm:s0], $0x1F40  }
0x1e6: {  	_ =	swait.ge @!p0 [sflag:s28], $0x1F40  }
0x1e7: {  	[sflag:s28] =	ssyncset.done @!p0 $0x0  }
0x1e8: {  	[sflag:s28] =	ssyncadd.s32 @!p0 $0xFFFFE0C0  }
0x1e9: {  	[bflag:$0x0] =	sbarrier.arrive $0xFFFF  }
0x1ea: {  	[tilespmem:s13], [sflag:$0x1] =	stream.indirect.gather [hbm4b:s3+s6], $0x40, s24, s6, $0xb8;
	[tilespmem:$0x1E640] =	vst v63  }
0x1eb: {  	s20 =	rddreg [dreg:$0x7]  }
0x1ec: {  	[tilespmem:s8], [sflag:$0x2] =	stream.indirect.gather [hbm4b:s3+s6], $0x40, s20, s6, $0xb8;
	[tilespmem:$0x1E640] =	vst v63  }
0x1ed: {  	_ =	swait.ge [sflag:s19], $0x3E80  }
0x1ee: {  	[sflag:s19] =	ssyncset.done $0x0  }
0x1ef: {  	[sflag:s19] =	ssyncadd.s32 $0xFFFFC180  }
0x1f0: {  	[spmem:s2] =	stream.indirect.scatter.add.f32 [tilespmem:s13], [sflag:$0x5], $0x40, s25, s6, $0xb8;
	[tilespmem:$0x1E640] =	vst v63  }
0x1f1: {  	s20 =	rddreg [dreg:$0x8]  }
0x1f2: {  	[tilespmem:s7], [sflag:$0x3] =	stream.indirect.gather [hbm4b:s3+s6], $0x40, s20, s6, $0xb8;
	[tilespmem:$0x1E640] =	vst v63  }
0x1f3: {  	_ =	swait.ge [sflag:s17], $0x3E80  }
0x1f4: {  	[sflag:s17] =	ssyncset.done $0x0  }
0x1f5: {  	s0 =	rddreg [dreg:$0x9];
	[sflag:s17] =	ssyncadd.s32 $0xFFFFC180  }
0x1f6: {  	[spmem:s2] =	stream.indirect.scatter.add.f32 [tilespmem:s8], [sflag:$0x6], $0x40, s0, s6, $0xb8;
	[tilespmem:$0x1E640] =	vst v63  }
0x1f7: {  	s20 =	rddreg [dreg:$0xa]  }
0x1f8: {  	[tilespmem:s9], [sflag:$0x4] =	stream.indirect.gather [hbm4b:s3+s6], $0x40, s20, s6, $0xb8;
	[tilespmem:$0x1E640] =	vst v63  }
0x1f9: {  	_ =	swait.ge [sflag:s16], $0x3E80  }
0x1fa: {  	[sflag:s16] =	ssyncset.done $0x0  }
0x1fb: {  	s20 =	rddreg [dreg:$0xb];
	[sflag:s16] =	ssyncadd.s32 $0xFFFFC180  }
0x1fc: {  	[spmem:s2] =	stream.indirect.scatter.add.f32 [tilespmem:s7], [sflag:$0x7], $0x40, s20, s6, $0xb8;
	[tilespmem:$0x1E640] =	vst v63  }
0x1fd: {  	_ =	swait.ge [sflag:s11], $0x3E80  }
0x1fe: {  	[sflag:s11] =	ssyncset.done $0x0  }
0x1ff: {  	s20 =	rddreg [dreg:$0xc];
	[sflag:s11] =	ssyncadd.s32 $0xFFFFC180  }
0x200: {  	[tilespmem:s13], [sflag:$0x1] =	stream.indirect.gather [hbm4b:s3+s6], $0x40, s20, s6, $0xb8;
	[tilespmem:$0x1E640] =	vst v63  }
0x201: {  	_ =	swait.ge [sflag:s18], $0x3E80  }
0x202: {  	[sflag:s18] =	ssyncset.done $0x0  }
0x203: {  	s20 =	rddreg [dreg:$0xd];
	[sflag:s18] =	ssyncadd.s32 $0xFFFFC180  }
0x204: {  	[spmem:s2] =	stream.indirect.scatter.add.f32 [tilespmem:s9], [sflag:$0x8], $0x40, s20, s6, $0xb8;
	[tilespmem:$0x1E640] =	vst v63  }
0x205: {  	_ =	swait.ge [sflag:s14], $0x3E80  }
0x206: {  	[sflag:s14] =	ssyncset.done $0x0  }
0x207: {  	s20 =	rddreg [dreg:$0xe];
	[sflag:s14] =	ssyncadd.s32 $0xFFFFC180  }
0x208: {  	[tilespmem:s8], [sflag:$0x2] =	stream.indirect.gather [hbm4b:s3+s6], $0x40, s20, s6, $0xb8;
	[tilespmem:$0x1E640] =	vst v63  }
0x209: {  	_ =	swait.ge [sflag:s19], $0x3E80  }
0x20a: {  	[sflag:s19] =	ssyncset.done $0x0  }
0x20b: {  	s20 =	rddreg [dreg:$0xf];
	[sflag:s19] =	ssyncadd.s32 $0xFFFFC180  }
0x20c: {  	[spmem:s2] =	stream.indirect.scatter.add.f32 [tilespmem:s13], [sflag:$0x5], $0x40, s20, s6, $0xb8;
	[tilespmem:$0x1E640] =	vst v63  }
0x20d: {  	_ =	swait.ge [sflag:s15], $0x3E80  }
0x20e: {  	[sflag:s15] =	ssyncset.done $0x0  }
0x20f: {  	s20 =	rddreg [dreg:$0x10];
	[sflag:s15] =	ssyncadd.s32 $0xFFFFC180  }
0x210: {  	[tilespmem:s7], [sflag:$0x3] =	stream.indirect.gather [hbm4b:s3+s6], $0x40, s20, s6, $0xb8;
	[tilespmem:$0x1E640] =	vst v63  }
0x211: {  	_ =	swait.ge [sflag:s17], $0x3E80  }
0x212: {  	[sflag:s17] =	ssyncset.done $0x0  }
0x213: {  	s20 =	rddreg [dreg:$0x11];
	[sflag:s17] =	ssyncadd.s32 $0xFFFFC180  }
0x214: {  	[spmem:s2] =	stream.indirect.scatter.add.f32 [tilespmem:s8], [sflag:$0x6], $0x40, s20, s6, $0xb8;
	[tilespmem:$0x1E640] =	vst v63  }
0x215: {  	_ =	swait.ge [sflag:s12], $0x3E80  }
0x216: {  	[sflag:s12] =	ssyncset.done $0x0  }
0x217: {  	s20 =	rddreg [dreg:$0x12];
	[sflag:s12] =	ssyncadd.s32 $0xFFFFC180  }
0x218: {  	[tilespmem:s9], [sflag:$0x4] =	stream.indirect.gather [hbm4b:s3+s6], $0x40, s20, s6, $0xb8;
	[tilespmem:$0x1E640] =	vst v63  }
0x219: {  	_ =	swait.ge [sflag:s16], $0x3E80  }
0x21a: {  	[sflag:s16] =	ssyncset.done $0x0  }
0x21b: {  	s20 =	rddreg [dreg:$0x13];
	[sflag:s16] =	ssyncadd.s32 $0xFFFFC180  }
0x21c: {  	[spmem:s2] =	stream.indirect.scatter.add.f32 [tilespmem:s7], [sflag:$0x7], $0x40, s20, s6, $0xb8;
	[tilespmem:$0x1E640] =	vst v63  }
0x21d: {  	_ =	swait.ge [sflag:s11], $0x3E80  }
0x21e: {  	[sflag:s11] =	ssyncset.done $0x0  }
0x21f: {  	s20 =	rddreg [dreg:$0x14];
	[sflag:s11] =	ssyncadd.s32 $0xFFFFC180  }
0x220: {  	[tilespmem:s13], [sflag:$0x1] =	stream.indirect.gather [hbm4b:s3+s6], $0x40, s20, s6, $0xb8;
	[tilespmem:$0x1E640] =	vst v63  }
0x221: {  	_ =	swait.ge [sflag:s18], $0x3E80  }
0x222: {  	[sflag:s18] =	ssyncset.done $0x0  }
0x223: {  	s20 =	rddreg [dreg:$0x15];
	[sflag:s18] =	ssyncadd.s32 $0xFFFFC180  }
0x224: {  	[spmem:s2] =	stream.indirect.scatter.add.f32 [tilespmem:s9], [sflag:$0x8], $0x40, s20, s6, $0xb8;
	[tilespmem:$0x1E640] =	vst v63  }
0x225: {  	_ =	swait.ge [sflag:s14], $0x3E80  }
0x226: {  	[sflag:s14] =	ssyncset.done $0x0  }
0x227: {  	s20 =	rddreg [dreg:$0x16];
	[sflag:s14] =	ssyncadd.s32 $0xFFFFC180  }
0x228: {  	[tilespmem:s8], [sflag:$0x2] =	stream.indirect.gather [hbm4b:s3+s6], $0x40, s20, s6, $0xb8;
	[tilespmem:$0x1E640] =	vst v63  }
0x229: {  	_ =	swait.ge [sflag:s19], $0x3E80  }
0x22a: {  	[sflag:s19] =	ssyncset.done $0x0  }
0x22b: {  	s20 =	rddreg [dreg:$0x17];
	[sflag:s19] =	ssyncadd.s32 $0xFFFFC180  }
0x22c: {  	[spmem:s2] =	stream.indirect.scatter.add.f32 [tilespmem:s13], [sflag:$0x5], $0x40, s20, s6, $0xb8;
	[tilespmem:$0x1E640] =	vst v63  }
0x22d: {  	_ =	swait.ge [sflag:s15], $0x3E80  }
0x22e: {  	[sflag:s15] =	ssyncset.done $0x0  }
0x22f: {  	s20 =	rddreg [dreg:$0x18];
	[sflag:s15] =	ssyncadd.s32 $0xFFFFC180  }
0x230: {  	[tilespmem:s7], [sflag:$0x3] =	stream.indirect.gather [hbm4b:s3+s6], $0x40, s20, s6, $0xb8;
	[tilespmem:$0x1E640] =	vst v63  }
0x231: {  	_ =	swait.ge [sflag:s17], $0x3E80  }
0x232: {  	[sflag:s17] =	ssyncset.done $0x0  }
0x233: {  	s20 =	rddreg [dreg:$0x19];
	[sflag:s17] =	ssyncadd.s32 $0xFFFFC180  }
0x234: {  	[spmem:s2] =	stream.indirect.scatter.add.f32 [tilespmem:s8], [sflag:$0x6], $0x40, s20, s6, $0xb8;
	[tilespmem:$0x1E640] =	vst v63  }
0x235: {  	_ =	swait.ge [sflag:s12], $0x3E80  }
0x236: {  	[sflag:s12] =	ssyncset.done $0x0  }
0x237: {  	s20 =	rddreg [dreg:$0x1a];
	[sflag:s12] =	ssyncadd.s32 $0xFFFFC180  }
0x238: {  	[tilespmem:s9], [sflag:$0x4] =	stream.indirect.gather [hbm4b:s3+s6], $0x40, s20, s6, $0xb8;
	[tilespmem:$0x1E640] =	vst v63  }
0x239: {  	_ =	swait.ge [sflag:s16], $0x3E80  }
0x23a: {  	[sflag:s16] =	ssyncset.done $0x0  }
0x23b: {  	s20 =	rddreg [dreg:$0x1b];
	[sflag:s16] =	ssyncadd.s32 $0xFFFFC180  }
0x23c: {  	[spmem:s2] =	stream.indirect.scatter.add.f32 [tilespmem:s7], [sflag:$0x7], $0x40, s20, s6, $0xb8;
	[tilespmem:$0x1E640] =	vst v63  }
0x23d: {  	_ =	swait.ge [sflag:s11], $0x3E80  }
0x23e: {  	[sflag:s11] =	ssyncset.done $0x0  }
0x23f: {  	s20 =	rddreg [dreg:$0x1c];
	[sflag:s11] =	ssyncadd.s32 $0xFFFFC180  }
0x240: {  	[tilespmem:s13], [sflag:$0x1] =	stream.indirect.gather [hbm4b:s3+s6], $0x40, s20, s6, $0xb8;
	[tilespmem:$0x1E640] =	vst v63  }
0x241: {  	_ =	swait.ge [sflag:s18], $0x3E80  }
0x242: {  	[sflag:s18] =	ssyncset.done $0x0  }
0x243: {  	s20 =	rddreg [dreg:$0x1d];
	[sflag:s18] =	ssyncadd.s32 $0xFFFFC180  }
0x244: {  	[spmem:s2] =	stream.indirect.scatter.add.f32 [tilespmem:s9], [sflag:$0x8], $0x40, s20, s6, $0xb8;
	[tilespmem:$0x1E640] =	vst v63  }
0x245: {  	_ =	swait.ge [sflag:s14], $0x3E80  }
0x246: {  	[sflag:s14] =	ssyncset.done $0x0  }
0x247: {  	s20 =	rddreg [dreg:$0x1e];
	[sflag:s14] =	ssyncadd.s32 $0xFFFFC180  }
0x248: {  	[tilespmem:s8], [sflag:$0x2] =	stream.indirect.gather [hbm4b:s3+s6], $0x40, s20, s6, $0xb8;
	[tilespmem:$0x1E640] =	vst v63  }
0x249: {  	_ =	swait.ge [sflag:s19], $0x3E80  }
0x24a: {  	[sflag:s19] =	ssyncset.done $0x0  }
0x24b: {  	s20 =	rddreg [dreg:$0x1f];
	[sflag:s19] =	ssyncadd.s32 $0xFFFFC180  }
0x24c: {  	[spmem:s2] =	stream.indirect.scatter.add.f32 [tilespmem:s13], [sflag:$0x5], $0x40, s20, s6, $0xb8;
	[tilespmem:$0x1E640] =	vst v63  }
0x24d: {  	_ =	swait.ge [sflag:s15], $0x3E80  }
0x24e: {  	s20 =	sld [smem:$0x7CD]  }
0x24f: {  	[sflag:s15] =	ssyncset.done $0x0  }
0x250: {  	[sflag:s15] =	ssyncadd.s32 $0xFFFFC180  }
0x251: {  	[tilespmem:s7], [sflag:$0x3] =	stream.indirect.gather [hbm4b:s3+s6], $0x40, s20, s6, $0xb8;
	[tilespmem:$0x1E640] =	vst v63  }
0x252: {  	_ =	swait.ge [sflag:s17], $0x3E80  }
0x253: {  	s20 =	sld [smem:$0x7CE]  }
0x254: {  	[sflag:s17] =	ssyncset.done $0x0  }
0x255: {  	[sflag:s17] =	ssyncadd.s32 $0xFFFFC180  }
0x256: {  	[spmem:s2] =	stream.indirect.scatter.add.f32 [tilespmem:s8], [sflag:$0x6], $0x40, s20, s6, $0xb8;
	[tilespmem:$0x1E640] =	vst v63  }
0x257: {  	_ =	swait.ge [sflag:s12], $0x3E80  }
0x258: {  	s20 =	sld [smem:$0x7CF]  }
0x259: {  	[sflag:s12] =	ssyncset.done $0x0  }
0x25a: {  	[sflag:s12] =	ssyncadd.s32 $0xFFFFC180  }
0x25b: {  	[tilespmem:s9], [sflag:$0x4] =	stream.indirect.gather [hbm4b:s3+s6], $0x40, s20, s6, $0xb8;
	[tilespmem:$0x1E640] =	vst v63  }
0x25c: {  	_ =	swait.ge [sflag:s16], $0x3E80  }
0x25d: {  	s20 =	sld [smem:$0x7D0]  }
0x25e: {  	[sflag:s16] =	ssyncset.done $0x0  }
0x25f: {  	[sflag:s16] =	ssyncadd.s32 $0xFFFFC180  }
0x260: {  	[spmem:s2] =	stream.indirect.scatter.add.f32 [tilespmem:s7], [sflag:$0x7], $0x40, s20, s6, $0xb8;
	[tilespmem:$0x1E640] =	vst v63  }
0x261: {  	_ =	swait.ge [sflag:s11], $0x3E80  }
0x262: {  	s20 =	sld [smem:$0x7D1]  }
0x263: {  	[sflag:s11] =	ssyncset.done $0x0  }
0x264: {  	[sflag:s11] =	ssyncadd.s32 $0xFFFFC180  }
0x265: {  	[tilespmem:s13], [sflag:$0x1] =	stream.indirect.gather [hbm4b:s3+s6], $0x40, s20, s6, $0xb8;
	[tilespmem:$0x1E640] =	vst v63  }
0x266: {  	_ =	swait.ge [sflag:s18], $0x3E80  }
0x267: {  	s20 =	sld [smem:$0x7D2]  }
0x268: {  	[sflag:s18] =	ssyncset.done $0x0  }
0x269: {  	[sflag:s18] =	ssyncadd.s32 $0xFFFFC180  }
0x26a: {  	[spmem:s2] =	stream.indirect.scatter.add.f32 [tilespmem:s9], [sflag:$0x8], $0x40, s20, s6, $0xb8;
	[tilespmem:$0x1E640] =	vst v63  }
0x26b: {  	_ =	swait.ge [sflag:s14], $0x3E80  }
0x26c: {  	s20 =	sld [smem:$0x7D3]  }
0x26d: {  	[sflag:s14] =	ssyncset.done $0x0  }
0x26e: {  	[sflag:s14] =	ssyncadd.s32 $0xFFFFC180  }
0x26f: {  	[tilespmem:s8], [sflag:$0x2] =	stream.indirect.gather [hbm4b:s3+s6], $0x40, s20, s6, $0xb8;
	[tilespmem:$0x1E640] =	vst v63  }
0x270: {  	_ =	swait.ge [sflag:s19], $0x3E80  }
0x271: {  	s20 =	sld [smem:$0x7D4]  }
0x272: {  	[sflag:s19] =	ssyncset.done $0x0  }
0x273: {  	[sflag:s19] =	ssyncadd.s32 $0xFFFFC180  }
0x274: {  	[spmem:s2] =	stream.indirect.scatter.add.f32 [tilespmem:s13], [sflag:$0x5], $0x40, s20, s6, $0xb8;
	[tilespmem:$0x1E640] =	vst v63  }
0x275: {  	_ =	swait.ge [sflag:s15], $0x3E80  }
0x276: {  	s20 =	sld [smem:$0x7D5]  }
0x277: {  	[sflag:s15] =	ssyncset.done $0x0  }
0x278: {  	[sflag:s15] =	ssyncadd.s32 $0xFFFFC180  }
0x279: {  	[tilespmem:s7], [sflag:$0x3] =	stream.indirect.gather [hbm4b:s3+s6], $0x40, s20, s6, $0xb8;
	[tilespmem:$0x1E640] =	vst v63  }
0x27a: {  	_ =	swait.ge [sflag:s17], $0x3E80  }
0x27b: {  	s20 =	sld [smem:$0x7D6]  }
0x27c: {  	[sflag:s17] =	ssyncset.done $0x0  }
0x27d: {  	[sflag:s17] =	ssyncadd.s32 $0xFFFFC180  }
0x27e: {  	[spmem:s2] =	stream.indirect.scatter.add.f32 [tilespmem:s8], [sflag:$0x6], $0x40, s20, s6, $0xb8;
	[tilespmem:$0x1E640] =	vst v63  }
0x27f: {  	_ =	swait.ge [sflag:s12], $0x3E80  }
0x280: {  	s20 =	sld [smem:$0x7D7]  }
0x281: {  	[sflag:s12] =	ssyncset.done $0x0  }
0x282: {  	[sflag:s12] =	ssyncadd.s32 $0xFFFFC180  }
0x283: {  	[tilespmem:s9], [sflag:$0x4] =	stream.indirect.gather [hbm4b:s3+s6], $0x40, s20, s6, $0xb8;
	[tilespmem:$0x1E640] =	vst v63  }
0x284: {  	_ =	swait.ge [sflag:s16], $0x3E80  }
0x285: {  	s20 =	sld [smem:$0x7D8]  }
0x286: {  	[sflag:s16] =	ssyncset.done $0x0  }
0x287: {  	[sflag:s16] =	ssyncadd.s32 $0xFFFFC180  }
0x288: {  	[spmem:s2] =	stream.indirect.scatter.add.f32 [tilespmem:s7], [sflag:$0x7], $0x40, s20, s6, $0xb8;
	[tilespmem:$0x1E640] =	vst v63  }
0x289: {  	_ =	swait.ge [sflag:s11], $0x3E80  }
0x28a: {  	s20 =	sld [smem:$0x7D9]  }
0x28b: {  	[sflag:s11] =	ssyncset.done $0x0  }
0x28c: {  	[sflag:s11] =	ssyncadd.s32 $0xFFFFC180  }
0x28d: {  	[tilespmem:s13], [sflag:$0x1] =	stream.indirect.gather [hbm4b:s3+s6], $0x40, s20, s6, $0xb8;
	[tilespmem:$0x1E640] =	vst v63  }
0x28e: {  	_ =	swait.ge [sflag:s18], $0x3E80  }
0x28f: {  	s20 =	sld [smem:$0x7DA]  }
0x290: {  	[sflag:s18] =	ssyncset.done $0x0  }
0x291: {  	[sflag:s18] =	ssyncadd.s32 $0xFFFFC180  }
0x292: {  	[spmem:s2] =	stream.indirect.scatter.add.f32 [tilespmem:s9], [sflag:$0x8], $0x40, s20, s6, $0xb8;
	[tilespmem:$0x1E640] =	vst v63  }
0x293: {  	_ =	swait.ge [sflag:s14], $0x3E80  }
0x294: {  	s20 =	sld [smem:$0x7DB]  }
0x295: {  	[sflag:s14] =	ssyncset.done $0x0  }
0x296: {  	[sflag:s14] =	ssyncadd.s32 $0xFFFFC180  }
0x297: {  	[tilespmem:s8], [sflag:$0x2] =	stream.indirect.gather [hbm4b:s3+s6], $0x40, s20, s6, $0xb8;
	[tilespmem:$0x1E640] =	vst v63  }
0x298: {  	_ =	swait.ge [sflag:s19], $0x3E80  }
0x299: {  	s20 =	sld [smem:$0x7DC]  }
0x29a: {  	[sflag:s19] =	ssyncset.done $0x0  }
0x29b: {  	[sflag:s19] =	ssyncadd.s32 $0xFFFFC180  }
0x29c: {  	[spmem:s2] =	stream.indirect.scatter.add.f32 [tilespmem:s13], [sflag:$0x5], $0x40, s20, s6, $0xb8;
	[tilespmem:$0x1E640] =	vst v63  }
0x29d: {  	_ =	swait.ge [sflag:s15], $0x3E80  }
0x29e: {  	s20 =	sld [smem:$0x7DD]  }
0x29f: {  	[sflag:s15] =	ssyncset.done $0x0  }
0x2a0: {  	[sflag:s15] =	ssyncadd.s32 $0xFFFFC180  }
0x2a1: {  	[tilespmem:s7], [sflag:$0x3] =	stream.indirect.gather [hbm4b:s3+s6], $0x40, s20, s6, $0xb8;
	[tilespmem:$0x1E640] =	vst v63  }
0x2a2: {  	_ =	swait.ge [sflag:s17], $0x3E80  }
0x2a3: {  	s20 =	sld [smem:$0x7DE]  }
0x2a4: {  	[sflag:s17] =	ssyncset.done $0x0  }
0x2a5: {  	[sflag:s17] =	ssyncadd.s32 $0xFFFFC180  }
0x2a6: {  	[spmem:s2] =	stream.indirect.scatter.add.f32 [tilespmem:s8], [sflag:$0x6], $0x40, s20, s6, $0xb8;
	[tilespmem:$0x1E640] =	vst v63  }
0x2a7: {  	_ =	swait.ge [sflag:s12], $0x3E80  }
0x2a8: {  	s20 =	sld [smem:$0x7DF]  }
0x2a9: {  	[sflag:s12] =	ssyncset.done $0x0  }
0x2aa: {  	[sflag:s12] =	ssyncadd.s32 $0xFFFFC180  }
0x2ab: {  	[tilespmem:s9], [sflag:$0x4] =	stream.indirect.gather [hbm4b:s3+s6], $0x40, s20, s6, $0xb8;
	[tilespmem:$0x1E640] =	vst v63  }
0x2ac: {  	_ =	swait.ge [sflag:s16], $0x3E80  }
0x2ad: {  	s20 =	sld [smem:$0x7E0]  }
0x2ae: {  	[sflag:s16] =	ssyncset.done $0x0  }
0x2af: {  	[sflag:s16] =	ssyncadd.s32 $0xFFFFC180  }
0x2b0: {  	[spmem:s2] =	stream.indirect.scatter.add.f32 [tilespmem:s7], [sflag:$0x7], $0x40, s20, s6, $0xb8;
	[tilespmem:$0x1E640] =	vst v63  }
0x2b1: {  	_ =	swait.ge [sflag:s11], $0x3E80  }
0x2b2: {  	s20 =	sld [smem:$0x7E1]  }
0x2b3: {  	[sflag:s11] =	ssyncset.done $0x0  }
0x2b4: {  	[sflag:s11] =	ssyncadd.s32 $0xFFFFC180  }
0x2b5: {  	[tilespmem:s13], [sflag:$0x1] =	stream.indirect.gather [hbm4b:s3+s6], $0x40, s20, s6, $0xb8;
	[tilespmem:$0x1E640] =	vst v63  }
0x2b6: {  	_ =	swait.ge [sflag:s18], $0x3E80  }
0x2b7: {  	s20 =	sld [smem:$0x7E2]  }
0x2b8: {  	[sflag:s18] =	ssyncset.done $0x0  }
0x2b9: {  	[sflag:s18] =	ssyncadd.s32 $0xFFFFC180  }
0x2ba: {  	[spmem:s2] =	stream.indirect.scatter.add.f32 [tilespmem:s9], [sflag:$0x8], $0x40, s20, s6, $0xb8;
	[tilespmem:$0x1E640] =	vst v63  }
0x2bb: {  	_ =	swait.ge [sflag:s14], $0x3E80  }
0x2bc: {  	s20 =	sld [smem:$0x7E3]  }
0x2bd: {  	[sflag:s14] =	ssyncset.done $0x0  }
0x2be: {  	[sflag:s14] =	ssyncadd.s32 $0xFFFFC180  }
0x2bf: {  	[tilespmem:s8], [sflag:$0x2] =	stream.indirect.gather [hbm4b:s3+s6], $0x40, s20, s6, $0xb8;
	[tilespmem:$0x1E640] =	vst v63  }
0x2c0: {  	_ =	swait.ge [sflag:s19], $0x3E80  }
0x2c1: {  	s20 =	sld [smem:$0x7E4]  }
0x2c2: {  	[sflag:s19] =	ssyncset.done $0x0  }
0x2c3: {  	[sflag:s19] =	ssyncadd.s32 $0xFFFFC180  }
0x2c4: {  	[spmem:s2] =	stream.indirect.scatter.add.f32 [tilespmem:s13], [sflag:$0x5], $0x40, s20, s6, $0xb8;
	[tilespmem:$0x1E640] =	vst v63  }
0x2c5: {  	_ =	swait.ge [sflag:s15], $0x3E80  }
0x2c6: {  	s20 =	sld [smem:$0x7E5]  }
0x2c7: {  	[sflag:s15] =	ssyncset.done $0x0  }
0x2c8: {  	[sflag:s15] =	ssyncadd.s32 $0xFFFFC180  }
0x2c9: {  	[tilespmem:s7], [sflag:$0x3] =	stream.indirect.gather [hbm4b:s3+s6], $0x40, s20, s6, $0xb8;
	[tilespmem:$0x1E640] =	vst v63  }
0x2ca: {  	_ =	swait.ge [sflag:s17], $0x3E80  }
0x2cb: {  	s20 =	sld [smem:$0x7E6]  }
0x2cc: {  	[sflag:s17] =	ssyncset.done $0x0  }
0x2cd: {  	[sflag:s17] =	ssyncadd.s32 $0xFFFFC180  }
0x2ce: {  	[spmem:s2] =	stream.indirect.scatter.add.f32 [tilespmem:s8], [sflag:$0x6], $0x40, s20, s6, $0xb8;
	[tilespmem:$0x1E640] =	vst v63  }
0x2cf: {  	_ =	swait.ge [sflag:s12], $0x3E80  }
0x2d0: {  	s20 =	sld [smem:$0x7E7]  }
0x2d1: {  	[sflag:s12] =	ssyncset.done $0x0  }
0x2d2: {  	[sflag:s12] =	ssyncadd.s32 $0xFFFFC180  }
0x2d3: {  	[tilespmem:s9], [sflag:$0x4] =	stream.indirect.gather [hbm4b:s3+s6], $0x40, s20, s6, $0xb8;
	[tilespmem:$0x1E640] =	vst v63  }
0x2d4: {  	_ =	swait.ge [sflag:s16], $0x3E80  }
0x2d5: {  	s20 =	sld [smem:$0x7E8]  }
0x2d6: {  	[sflag:s16] =	ssyncset.done $0x0  }
0x2d7: {  	[sflag:s16] =	ssyncadd.s32 $0xFFFFC180  }
0x2d8: {  	[spmem:s2] =	stream.indirect.scatter.add.f32 [tilespmem:s7], [sflag:$0x7], $0x40, s20, s6, $0xb8;
	[tilespmem:$0x1E640] =	vst v63  }
0x2d9: {  	_ =	swait.ge [sflag:s11], $0x3E80  }
0x2da: {  	s20 =	sld [smem:$0x7E9]  }
0x2db: {  	[sflag:s11] =	ssyncset.done $0x0  }
0x2dc: {  	[sflag:s11] =	ssyncadd.s32 $0xFFFFC180  }
0x2dd: {  	[tilespmem:s13], [sflag:$0x1] =	stream.indirect.gather [hbm4b:s3+s6], $0x40, s20, s6, $0xb8;
	[tilespmem:$0x1E640] =	vst v63  }
0x2de: {  	_ =	swait.ge [sflag:s18], $0x3E80  }
0x2df: {  	s20 =	sld [smem:$0x7EA]  }
0x2e0: {  	[sflag:s18] =	ssyncset.done $0x0  }
0x2e1: {  	[sflag:s18] =	ssyncadd.s32 $0xFFFFC180  }
0x2e2: {  	[spmem:s2] =	stream.indirect.scatter.add.f32 [tilespmem:s9], [sflag:$0x8], $0x40, s20, s6, $0xb8;
	[tilespmem:$0x1E640] =	vst v63  }
0x2e3: {  	_ =	swait.ge [sflag:s14], $0x3E80  }
0x2e4: {  	s20 =	sld [smem:$0x7EB]  }
0x2e5: {  	[sflag:s14] =	ssyncset.done $0x0  }
0x2e6: {  	[sflag:s14] =	ssyncadd.s32 $0xFFFFC180  }
0x2e7: {  	[tilespmem:s8], [sflag:$0x2] =	stream.indirect.gather [hbm4b:s3+s6], $0x40, s20, s6, $0xb8;
	[tilespmem:$0x1E640] =	vst v63  }
0x2e8: {  	_ =	swait.ge [sflag:s19], $0x3E80  }
0x2e9: {  	s20 =	sld [smem:$0x7EC]  }
0x2ea: {  	[sflag:s19] =	ssyncset.done $0x0  }
0x2eb: {  	[sflag:s19] =	ssyncadd.s32 $0xFFFFC180  }
0x2ec: {  	[spmem:s2] =	stream.indirect.scatter.add.f32 [tilespmem:s13], [sflag:$0x5], $0x40, s20, s6, $0xb8;
	[tilespmem:$0x1E640] =	vst v63  }
0x2ed: {  	_ =	swait.ge [sflag:s15], $0x3E80  }
0x2ee: {  	s20 =	sld [smem:$0x7ED]  }
0x2ef: {  	[sflag:s15] =	ssyncset.done $0x0  }
0x2f0: {  	[sflag:s15] =	ssyncadd.s32 $0xFFFFC180  }
0x2f1: {  	[tilespmem:s7], [sflag:$0x3] =	stream.indirect.gather [hbm4b:s3+s6], $0x40, s20, s6, $0xb8;
	[tilespmem:$0x1E640] =	vst v63  }
0x2f2: {  	_ =	swait.ge [sflag:s17], $0x3E80  }
0x2f3: {  	s20 =	sld [smem:$0x7EE]  }
0x2f4: {  	[sflag:s17] =	ssyncset.done $0x0  }
0x2f5: {  	[sflag:s17] =	ssyncadd.s32 $0xFFFFC180  }
0x2f6: {  	[spmem:s2] =	stream.indirect.scatter.add.f32 [tilespmem:s8], [sflag:$0x6], $0x40, s20, s6, $0xb8;
	[tilespmem:$0x1E640] =	vst v63  }
0x2f7: {  	_ =	swait.ge [sflag:s12], $0x3E80  }
0x2f8: {  	s20 =	sld [smem:$0x7EF]  }
0x2f9: {  	[sflag:s12] =	ssyncset.done $0x0  }
0x2fa: {  	[sflag:s12] =	ssyncadd.s32 $0xFFFFC180  }
0x2fb: {  	[tilespmem:s9], [sflag:$0x4] =	stream.indirect.gather [hbm4b:s3+s6], $0x40, s20, s6, $0xb8;
	[tilespmem:$0x1E640] =	vst v63  }
0x2fc: {  	_ =	swait.ge [sflag:s16], $0x3E80  }
0x2fd: {  	s20 =	sld [smem:$0x7F0]  }
0x2fe: {  	[sflag:s16] =	ssyncset.done $0x0  }
0x2ff: {  	[sflag:s16] =	ssyncadd.s32 $0xFFFFC180  }
0x300: {  	[spmem:s2] =	stream.indirect.scatter.add.f32 [tilespmem:s7], [sflag:$0x7], $0x40, s20, s6, $0xb8;
	[tilespmem:$0x1E640] =	vst v63  }
0x301: {  	_ =	swait.ge [sflag:s11], $0x3E80  }
0x302: {  	s20 =	sld [smem:$0x7F1]  }
0x303: {  	[sflag:s11] =	ssyncset.done $0x0  }
0x304: {  	[sflag:s11] =	ssyncadd.s32 $0xFFFFC180  }
0x305: {  	[tilespmem:s13], [sflag:$0x1] =	stream.indirect.gather [hbm4b:s3+s6], $0x40, s20, s6, $0xb8;
	[tilespmem:$0x1E640] =	vst v63  }
0x306: {  	_ =	swait.ge [sflag:s18], $0x3E80  }
0x307: {  	s20 =	sld [smem:$0x7F2]  }
0x308: {  	[sflag:s18] =	ssyncset.done $0x0  }
0x309: {  	[sflag:s18] =	ssyncadd.s32 $0xFFFFC180  }
0x30a: {  	[spmem:s2] =	stream.indirect.scatter.add.f32 [tilespmem:s9], [sflag:$0x8], $0x40, s20, s6, $0xb8;
	[tilespmem:$0x1E640] =	vst v63  }
0x30b: {  	_ =	swait.ge [sflag:s14], $0x3E80  }
0x30c: {  	s20 =	sld [smem:$0x7F3]  }
0x30d: {  	[sflag:s14] =	ssyncset.done $0x0  }
0x30e: {  	[sflag:s14] =	ssyncadd.s32 $0xFFFFC180  }
0x30f: {  	[tilespmem:s8], [sflag:$0x2] =	stream.indirect.gather [hbm4b:s3+s6], $0x40, s20, s6, $0xb8;
	[tilespmem:$0x1E640] =	vst v63  }
0x310: {  	_ =	swait.ge [sflag:s19], $0x3E80  }
0x311: {  	s20 =	sld [smem:$0x7F4]  }
0x312: {  	[sflag:s19] =	ssyncset.done $0x0  }
0x313: {  	[sflag:s19] =	ssyncadd.s32 $0xFFFFC180  }
0x314: {  	[spmem:s2] =	stream.indirect.scatter.add.f32 [tilespmem:s13], [sflag:$0x5], $0x40, s20, s6, $0xb8;
	[tilespmem:$0x1E640] =	vst v63  }
0x315: {  	_ =	swait.ge [sflag:s15], $0x3E80  }
0x316: {  	s20 =	sld [smem:$0x7F5]  }
0x317: {  	[sflag:s15] =	ssyncset.done $0x0  }
0x318: {  	[sflag:s15] =	ssyncadd.s32 $0xFFFFC180  }
0x319: {  	[tilespmem:s7], [sflag:$0x3] =	stream.indirect.gather [hbm4b:s3+s6], $0x40, s20, s6, $0xb8;
	[tilespmem:$0x1E640] =	vst v63  }
0x31a: {  	_ =	swait.ge [sflag:s17], $0x3E80  }
0x31b: {  	s20 =	sld [smem:$0x7F6]  }
0x31c: {  	[sflag:s17] =	ssyncset.done $0x0  }
0x31d: {  	[sflag:s17] =	ssyncadd.s32 $0xFFFFC180  }
0x31e: {  	[spmem:s2] =	stream.indirect.scatter.add.f32 [tilespmem:s8], [sflag:$0x6], $0x40, s20, s6, $0xb8;
	[tilespmem:$0x1E640] =	vst v63  }
0x31f: {  	_ =	swait.ge [sflag:s12], $0x3E80  }
0x320: {  	s20 =	sld [smem:$0x7F7]  }
0x321: {  	[sflag:s12] =	ssyncset.done $0x0  }
0x322: {  	[sflag:s12] =	ssyncadd.s32 $0xFFFFC180  }
0x323: {  	[tilespmem:s9], [sflag:$0x4] =	stream.indirect.gather [hbm4b:s3+s6], $0x40, s20, s6, $0xb8;
	[tilespmem:$0x1E640] =	vst v63  }
0x324: {  	_ =	swait.ge [sflag:s16], $0x3E80  }
0x325: {  	s20 =	sld [smem:$0x7F8]  }
0x326: {  	[sflag:s16] =	ssyncset.done $0x0  }
0x327: {  	[sflag:s16] =	ssyncadd.s32 $0xFFFFC180  }
0x328: {  	[spmem:s2] =	stream.indirect.scatter.add.f32 [tilespmem:s7], [sflag:$0x7], $0x40, s20, s6, $0xb8;
	[tilespmem:$0x1E640] =	vst v63  }
0x329: {  	_ =	swait.ge [sflag:s11], $0x3E80  }
0x32a: {  	s20 =	sld [smem:$0x7F9]  }
0x32b: {  	[sflag:s11] =	ssyncset.done $0x0  }
0x32c: {  	[sflag:s11] =	ssyncadd.s32 $0xFFFFC180  }
0x32d: {  	[tilespmem:s13], [sflag:$0x1] =	stream.indirect.gather [hbm4b:s3+s6], $0x40, s20, s6, $0xb8;
	[tilespmem:$0x1E640] =	vst v63  }
0x32e: {  	_ =	swait.ge [sflag:s18], $0x3E80  }
0x32f: {  	s20 =	sld [smem:$0x7FA]  }
0x330: {  	[sflag:s18] =	ssyncset.done $0x0  }
0x331: {  	[sflag:s18] =	ssyncadd.s32 $0xFFFFC180  }
0x332: {  	[spmem:s2] =	stream.indirect.scatter.add.f32 [tilespmem:s9], [sflag:$0x8], $0x40, s20, s6, $0xb8;
	[tilespmem:$0x1E640] =	vst v63  }
0x333: {  	_ =	swait.ge [sflag:s14], $0x3E80  }
0x334: {  	s20 =	sld [smem:$0x7FB]  }
0x335: {  	[sflag:s14] =	ssyncset.done $0x0  }
0x336: {  	[sflag:s14] =	ssyncadd.s32 $0xFFFFC180  }
0x337: {  	[tilespmem:s8], [sflag:$0x2] =	stream.indirect.gather [hbm4b:s3+s6], $0x40, s20, s6, $0xb8;
	[tilespmem:$0x1E640] =	vst v63  }
0x338: {  	_ =	swait.ge [sflag:s19], $0x3E80  }
0x339: {  	s20 =	sld [smem:$0x7FC]  }
0x33a: {  	[sflag:s19] =	ssyncset.done $0x0  }
0x33b: {  	[sflag:s19] =	ssyncadd.s32 $0xFFFFC180  }
0x33c: {  	[spmem:s2] =	stream.indirect.scatter.add.f32 [tilespmem:s13], [sflag:$0x5], $0x40, s20, s6, $0xb8;
	[tilespmem:$0x1E640] =	vst v63  }
0x33d: {  	_ =	swait.ge [sflag:s15], $0x3E80  }
0x33e: {  	s20 =	sld [smem:$0x7FD]  }
0x33f: {  	[sflag:s15] =	ssyncset.done $0x0  }
0x340: {  	[sflag:s15] =	ssyncadd.s32 $0xFFFFC180  }
0x341: {  	[tilespmem:s7], [sflag:$0x3] =	stream.indirect.gather [hbm4b:s3+s6], $0x40, s20, s6, $0xb8;
	[tilespmem:$0x1E640] =	vst v63  }
0x342: {  	_ =	swait.ge [sflag:s17], $0x3E80  }
0x343: {  	[sflag:s17] =	ssyncset.done $0x0  }
0x344: {  	[sflag:s17] =	ssyncadd.s32 $0xFFFFC180  }
0x345: {  	[spmem:s2] =	stream.indirect.scatter.add.f32 [tilespmem:s8], [sflag:$0x6], $0x40, s30, s6, $0xb8;
	[tilespmem:$0x1E640] =	vst v63  }
0x346: {  	_ =	swait.ge [sflag:s12], $0x3E80  }
0x347: {  	[sflag:s12] =	ssyncset.done $0x0  }
0x348: {  	[sflag:s12] =	ssyncadd.s32 $0xFFFFC180  }
0x349: {  	[tilespmem:s9], [sflag:$0x4] =	stream.indirect.gather [hbm4b:s3+s6], $0x40, s23, s6, $0xb8;
	[tilespmem:$0x1E640] =	vst v63  }
0x34a: {  	_ =	swait.ge [sflag:s16], $0x3E80  }
0x34b: {  	[sflag:s16] =	ssyncset.done $0x0  }
0x34c: {  	[sflag:s16] =	ssyncadd.s32 $0xFFFFC180  }
0x34d: {  	[spmem:s2] =	stream.indirect.scatter.add.f32 [tilespmem:s7], [sflag:$0x7], $0x40, s22, s6, $0xb8;
	[tilespmem:$0x1E640] =	vst v63  }
0x34e: {  	_ =	swait.ge [sflag:s18], $0x3E80  }
0x34f: {  	[sflag:s18] =	ssyncset.done $0x0  }
0x350: {  	s20 =	simm.s32 $0x4F00;
	[sflag:s18] =	ssyncadd.s32 $0xFFFFC180  }
0x351: {  	[spmem:s2] =	stream.indirect.scatter.add.f32 [tilespmem:s9], [sflag:$0x8], $0x40, s20, s6, $0xb8;
	[tilespmem:$0x1E640] =	vst v63  }
0x352: {  	_ =	swait.ge [sflag:s11], $0x3E80  }
0x353: {  	[sflag:s11] =	ssyncset.done $0x0  }
0x354: {  	[sflag:s11] =	ssyncadd.s32 $0xFFFFC180  }
0x355: {  	_ =	swait.ge [sflag:s14], $0x3E80  }
0x356: {  	[sflag:s14] =	ssyncset.done $0x0  }
0x357: {  	[sflag:s14] =	ssyncadd.s32 $0xFFFFC180  }
0x358: {  	_ =	swait.ge [sflag:s15], $0x3E80  }
0x359: {  	[sflag:s15] =	ssyncset.done $0x0  }
0x35a: {  	[sflag:s15] =	ssyncadd.s32 $0xFFFFC180  }
0x35b: {  	s29 =	sadd.s32 $0xFFFFFFFF, s29;
	_ =	swait.ge [sflag:s12], $0x3E80  }
0x35c: {  	p2 =	sne.s32 s29, $0x0;
	[sflag:s12] =	ssyncset.done $0x0  }
.Ltmp2:
0x35d: {  	[sflag:s12] =	ssyncadd.s32 $0xFFFFC180;
	(pc) =	sbr.rel @p2 .LBB2_4-.Ltmp2, $4  }
0x35e: {  	[bflag:$0x0] =	sbarrier.arrive $0xFFFF  }
0x35f: {  	[hbm:s10@s1], [sflag:s4] =	dma.strided @!p0 [spmem:s5@s21], $0x1F40, s31, $0x8   }
0x360: {  	_ =	swait.ge @!p0 [sflag:s28], $0x1F40  }
0x361: {  	s0 =	rddreg [dreg:$0x5];
	[sflag:s28] =	ssyncset.done @!p0 $0x0  }
0x362: {  	s29 =	stileid.u32;
	s30 =	rddreg [dreg:$0x3];
	s21 =	simm.s32 $0x4F00  }
0x363: {  	s22 =	simm.s32 $0x4E00;
	s23 =	simm.s32 $0x2700;
	s31 =	simm.s32 $0x4D00  }
.LBB2_6:
0x364: {  	p1 =	por p0, !p1  }
0x365: {  	[sflag:s28] =	ssyncadd.s32 @!p1 $0xFFFFE0C0  }
0x366: {  	[tilespmem:s24], [sflag:$0x9] =	stream.linear.gather [hbm4b:s0+s24], $0x2800, $0x38;
	[tilespmem:$0x1E640] =	vst v63  }
0x367: {  	_ =	swait.ge [sflag:s26], $0x2800  }
0x368: {  	[sflag:s26] =	ssyncset.done $0x0  }
0x369: {  	s1 =	rddreg [dreg:$0x6];
	[sflag:s26] =	ssyncadd.s32 $0xFFFFD800  }
0x36a: {  	[tilespmem:s25], [sflag:$0x9] =	stream.linear.gather [hbm4b:s1+s24], $0x2800, $0x38;
	[tilespmem:$0x1E640] =	vst v63  }
0x36b: {  	_ =	swait.ge [sflag:s26], $0x2800  }
0x36c: {  	[sflag:s26] =	ssyncset.done $0x0  }
0x36d: {  	s1 =	simm.s32 @!p0 $0x9;
	s0 =	rddreg [dreg:$0x4];
	[sflag:s26] =	ssyncadd.s32 $0xFFFFD800  }
0x36e: {  	[spmem:s5], [sflag:s4] =	dma.local @!p0 [hbm:s0], $0x1F40  }
0x36f: {  	_ =	swait.ge @!p0 [sflag:s1], $0x1F40  }
0x370: {  	[sflag:s1] =	ssyncset.done @!p0 $0x0  }
0x371: {  	[sflag:s1] =	ssyncadd.s32 @!p0 $0xFFFFE0C0  }
0x372: {  	[bflag:$0x0] =	sbarrier.arrive $0xFFFF  }
0x373: {  	[tilespmem:s13], [sflag:$0x1] =	stream.indirect.gather [hbm4b:s3+s6], $0x40, s24, s6, $0xb8;
	[tilespmem:$0x1E640] =	vst v63  }
0x374: {  	s20 =	rddreg [dreg:$0x7]  }
0x375: {  	[tilespmem:s8], [sflag:$0x2] =	stream.indirect.gather [hbm4b:s3+s6], $0x40, s20, s6, $0xb8;
	[tilespmem:$0x1E640] =	vst v63  }
0x376: {  	_ =	swait.ge [sflag:s19], $0x3E80  }
0x377: {  	[sflag:s19] =	ssyncset.done $0x0  }
0x378: {  	[sflag:s19] =	ssyncadd.s32 $0xFFFFC180  }
0x379: {  	[spmem:s2] =	stream.indirect.scatter.add.f32 [tilespmem:s13], [sflag:$0x5], $0x40, s25, s6, $0xb8;
	[tilespmem:$0x1E640] =	vst v63  }
0x37a: {  	s26 =	rddreg [dreg:$0x8]  }
0x37b: {  	[tilespmem:s7], [sflag:$0x3] =	stream.indirect.gather [hbm4b:s3+s6], $0x40, s26, s6, $0xb8;
	[tilespmem:$0x1E640] =	vst v63  }
0x37c: {  	_ =	swait.ge [sflag:s17], $0x3E80  }
0x37d: {  	[sflag:s17] =	ssyncset.done $0x0  }
0x37e: {  	s28 =	rddreg [dreg:$0x9];
	[sflag:s17] =	ssyncadd.s32 $0xFFFFC180  }
0x37f: {  	[spmem:s2] =	stream.indirect.scatter.add.f32 [tilespmem:s8], [sflag:$0x6], $0x40, s28, s6, $0xb8;
	[tilespmem:$0x1E640] =	vst v63  }
0x380: {  	s20 =	rddreg [dreg:$0xa]  }
0x381: {  	[tilespmem:s9], [sflag:$0x4] =	stream.indirect.gather [hbm4b:s3+s6], $0x40, s20, s6, $0xb8;
	[tilespmem:$0x1E640] =	vst v63  }
0x382: {  	_ =	swait.ge [sflag:s16], $0x3E80  }
0x383: {  	[sflag:s16] =	ssyncset.done $0x0  }
0x384: {  	s20 =	rddreg [dreg:$0xb];
	[sflag:s16] =	ssyncadd.s32 $0xFFFFC180  }
0x385: {  	[spmem:s2] =	stream.indirect.scatter.add.f32 [tilespmem:s7], [sflag:$0x7], $0x40, s20, s6, $0xb8;
	[tilespmem:$0x1E640] =	vst v63  }
0x386: {  	_ =	swait.ge [sflag:s11], $0x3E80  }
0x387: {  	[sflag:s11] =	ssyncset.done $0x0  }
0x388: {  	s24 =	rddreg [dreg:$0xc];
	[sflag:s11] =	ssyncadd.s32 $0xFFFFC180  }
0x389: {  	[tilespmem:s13], [sflag:$0x1] =	stream.indirect.gather [hbm4b:s3+s6], $0x40, s24, s6, $0xb8;
	[tilespmem:$0x1E640] =	vst v63  }
0x38a: {  	_ =	swait.ge [sflag:s18], $0x3E80  }
0x38b: {  	[sflag:s18] =	ssyncset.done $0x0  }
0x38c: {  	s25 =	rddreg [dreg:$0xd];
	[sflag:s18] =	ssyncadd.s32 $0xFFFFC180  }
0x38d: {  	[spmem:s2] =	stream.indirect.scatter.add.f32 [tilespmem:s9], [sflag:$0x8], $0x40, s25, s6, $0xb8;
	[tilespmem:$0x1E640] =	vst v63  }
0x38e: {  	_ =	swait.ge [sflag:s14], $0x3E80  }
0x38f: {  	[sflag:s14] =	ssyncset.done $0x0  }
0x390: {  	s26 =	rddreg [dreg:$0xe];
	[sflag:s14] =	ssyncadd.s32 $0xFFFFC180  }
0x391: {  	[tilespmem:s8], [sflag:$0x2] =	stream.indirect.gather [hbm4b:s3+s6], $0x40, s26, s6, $0xb8;
	[tilespmem:$0x1E640] =	vst v63  }
0x392: {  	_ =	swait.ge [sflag:s19], $0x3E80  }
0x393: {  	[sflag:s19] =	ssyncset.done $0x0  }
0x394: {  	s28 =	rddreg [dreg:$0xf];
	[sflag:s19] =	ssyncadd.s32 $0xFFFFC180  }
0x395: {  	[spmem:s2] =	stream.indirect.scatter.add.f32 [tilespmem:s13], [sflag:$0x5], $0x40, s28, s6, $0xb8;
	[tilespmem:$0x1E640] =	vst v63  }
0x396: {  	_ =	swait.ge [sflag:s15], $0x3E80  }
0x397: {  	[sflag:s15] =	ssyncset.done $0x0  }
0x398: {  	s20 =	rddreg [dreg:$0x10];
	[sflag:s15] =	ssyncadd.s32 $0xFFFFC180  }
0x399: {  	[tilespmem:s7], [sflag:$0x3] =	stream.indirect.gather [hbm4b:s3+s6], $0x40, s20, s6, $0xb8;
	[tilespmem:$0x1E640] =	vst v63  }
0x39a: {  	_ =	swait.ge [sflag:s17], $0x3E80  }
0x39b: {  	[sflag:s17] =	ssyncset.done $0x0  }
0x39c: {  	s24 =	rddreg [dreg:$0x11];
	[sflag:s17] =	ssyncadd.s32 $0xFFFFC180  }
0x39d: {  	[spmem:s2] =	stream.indirect.scatter.add.f32 [tilespmem:s8], [sflag:$0x6], $0x40, s24, s6, $0xb8;
	[tilespmem:$0x1E640] =	vst v63  }
0x39e: {  	_ =	swait.ge [sflag:s12], $0x3E80  }
0x39f: {  	[sflag:s12] =	ssyncset.done $0x0  }
0x3a0: {  	s25 =	rddreg [dreg:$0x12];
	[sflag:s12] =	ssyncadd.s32 $0xFFFFC180  }
0x3a1: {  	[tilespmem:s9], [sflag:$0x4] =	stream.indirect.gather [hbm4b:s3+s6], $0x40, s25, s6, $0xb8;
	[tilespmem:$0x1E640] =	vst v63  }
0x3a2: {  	_ =	swait.ge [sflag:s16], $0x3E80  }
0x3a3: {  	[sflag:s16] =	ssyncset.done $0x0  }
0x3a4: {  	s26 =	rddreg [dreg:$0x13];
	[sflag:s16] =	ssyncadd.s32 $0xFFFFC180  }
0x3a5: {  	[spmem:s2] =	stream.indirect.scatter.add.f32 [tilespmem:s7], [sflag:$0x7], $0x40, s26, s6, $0xb8;
	[tilespmem:$0x1E640] =	vst v63  }
0x3a6: {  	_ =	swait.ge [sflag:s11], $0x3E80  }
0x3a7: {  	[sflag:s11] =	ssyncset.done $0x0  }
0x3a8: {  	s28 =	rddreg [dreg:$0x14];
	[sflag:s11] =	ssyncadd.s32 $0xFFFFC180  }
0x3a9: {  	[tilespmem:s13], [sflag:$0x1] =	stream.indirect.gather [hbm4b:s3+s6], $0x40, s28, s6, $0xb8;
	[tilespmem:$0x1E640] =	vst v63  }
0x3aa: {  	_ =	swait.ge [sflag:s18], $0x3E80  }
0x3ab: {  	[sflag:s18] =	ssyncset.done $0x0  }
0x3ac: {  	s20 =	rddreg [dreg:$0x15];
	[sflag:s18] =	ssyncadd.s32 $0xFFFFC180  }
0x3ad: {  	[spmem:s2] =	stream.indirect.scatter.add.f32 [tilespmem:s9], [sflag:$0x8], $0x40, s20, s6, $0xb8;
	[tilespmem:$0x1E640] =	vst v63  }
0x3ae: {  	_ =	swait.ge [sflag:s14], $0x3E80  }
0x3af: {  	[sflag:s14] =	ssyncset.done $0x0  }
0x3b0: {  	s24 =	rddreg [dreg:$0x16];
	[sflag:s14] =	ssyncadd.s32 $0xFFFFC180  }
0x3b1: {  	[tilespmem:s8], [sflag:$0x2] =	stream.indirect.gather [hbm4b:s3+s6], $0x40, s24, s6, $0xb8;
	[tilespmem:$0x1E640] =	vst v63  }
0x3b2: {  	_ =	swait.ge [sflag:s19], $0x3E80  }
0x3b3: {  	[sflag:s19] =	ssyncset.done $0x0  }
0x3b4: {  	s25 =	rddreg [dreg:$0x17];
	[sflag:s19] =	ssyncadd.s32 $0xFFFFC180  }
0x3b5: {  	[spmem:s2] =	stream.indirect.scatter.add.f32 [tilespmem:s13], [sflag:$0x5], $0x40, s25, s6, $0xb8;
	[tilespmem:$0x1E640] =	vst v63  }
0x3b6: {  	_ =	swait.ge [sflag:s15], $0x3E80  }
0x3b7: {  	[sflag:s15] =	ssyncset.done $0x0  }
0x3b8: {  	s26 =	rddreg [dreg:$0x18];
	[sflag:s15] =	ssyncadd.s32 $0xFFFFC180  }
0x3b9: {  	[tilespmem:s7], [sflag:$0x3] =	stream.indirect.gather [hbm4b:s3+s6], $0x40, s26, s6, $0xb8;
	[tilespmem:$0x1E640] =	vst v63  }
0x3ba: {  	_ =	swait.ge [sflag:s17], $0x3E80  }
0x3bb: {  	[sflag:s17] =	ssyncset.done $0x0  }
0x3bc: {  	s28 =	rddreg [dreg:$0x19];
	[sflag:s17] =	ssyncadd.s32 $0xFFFFC180  }
0x3bd: {  	[spmem:s2] =	stream.indirect.scatter.add.f32 [tilespmem:s8], [sflag:$0x6], $0x40, s28, s6, $0xb8;
	[tilespmem:$0x1E640] =	vst v63  }
0x3be: {  	_ =	swait.ge [sflag:s12], $0x3E80  }
0x3bf: {  	[sflag:s12] =	ssyncset.done $0x0  }
0x3c0: {  	s20 =	rddreg [dreg:$0x1a];
	[sflag:s12] =	ssyncadd.s32 $0xFFFFC180  }
0x3c1: {  	[tilespmem:s9], [sflag:$0x4] =	stream.indirect.gather [hbm4b:s3+s6], $0x40, s20, s6, $0xb8;
	[tilespmem:$0x1E640] =	vst v63  }
0x3c2: {  	_ =	swait.ge [sflag:s16], $0x3E80  }
0x3c3: {  	[sflag:s16] =	ssyncset.done $0x0  }
0x3c4: {  	s24 =	rddreg [dreg:$0x1b];
	[sflag:s16] =	ssyncadd.s32 $0xFFFFC180  }
0x3c5: {  	[spmem:s2] =	stream.indirect.scatter.add.f32 [tilespmem:s7], [sflag:$0x7], $0x40, s24, s6, $0xb8;
	[tilespmem:$0x1E640] =	vst v63  }
0x3c6: {  	_ =	swait.ge [sflag:s11], $0x3E80  }
0x3c7: {  	[sflag:s11] =	ssyncset.done $0x0  }
0x3c8: {  	s25 =	rddreg [dreg:$0x1c];
	[sflag:s11] =	ssyncadd.s32 $0xFFFFC180  }
0x3c9: {  	[tilespmem:s13], [sflag:$0x1] =	stream.indirect.gather [hbm4b:s3+s6], $0x40, s25, s6, $0xb8;
	[tilespmem:$0x1E640] =	vst v63  }
0x3ca: {  	_ =	swait.ge [sflag:s18], $0x3E80  }
0x3cb: {  	[sflag:s18] =	ssyncset.done $0x0  }
0x3cc: {  	s26 =	rddreg [dreg:$0x1d];
	[sflag:s18] =	ssyncadd.s32 $0xFFFFC180  }
0x3cd: {  	[spmem:s2] =	stream.indirect.scatter.add.f32 [tilespmem:s9], [sflag:$0x8], $0x40, s26, s6, $0xb8;
	[tilespmem:$0x1E640] =	vst v63  }
0x3ce: {  	_ =	swait.ge [sflag:s14], $0x3E80  }
0x3cf: {  	[sflag:s14] =	ssyncset.done $0x0  }
0x3d0: {  	s28 =	rddreg [dreg:$0x1e];
	[sflag:s14] =	ssyncadd.s32 $0xFFFFC180  }
0x3d1: {  	[tilespmem:s8], [sflag:$0x2] =	stream.indirect.gather [hbm4b:s3+s6], $0x40, s28, s6, $0xb8;
	[tilespmem:$0x1E640] =	vst v63  }
0x3d2: {  	_ =	swait.ge [sflag:s19], $0x3E80  }
0x3d3: {  	[sflag:s19] =	ssyncset.done $0x0  }
0x3d4: {  	s20 =	rddreg [dreg:$0x1f];
	[sflag:s19] =	ssyncadd.s32 $0xFFFFC180  }
0x3d5: {  	[spmem:s2] =	stream.indirect.scatter.add.f32 [tilespmem:s13], [sflag:$0x5], $0x40, s20, s6, $0xb8;
	[tilespmem:$0x1E640] =	vst v63  }
0x3d6: {  	_ =	swait.ge [sflag:s15], $0x3E80  }
0x3d7: {  	s24 =	sld [smem:$0x7CD]  }
0x3d8: {  	[sflag:s15] =	ssyncset.done $0x0  }
0x3d9: {  	[sflag:s15] =	ssyncadd.s32 $0xFFFFC180  }
0x3da: {  	[tilespmem:s7], [sflag:$0x3] =	stream.indirect.gather [hbm4b:s3+s6], $0x40, s24, s6, $0xb8;
	[tilespmem:$0x1E640] =	vst v63  }
0x3db: {  	_ =	swait.ge [sflag:s17], $0x3E80  }
0x3dc: {  	s25 =	sld [smem:$0x7CE]  }
0x3dd: {  	[sflag:s17] =	ssyncset.done $0x0  }
0x3de: {  	[sflag:s17] =	ssyncadd.s32 $0xFFFFC180  }
0x3df: {  	[spmem:s2] =	stream.indirect.scatter.add.f32 [tilespmem:s8], [sflag:$0x6], $0x40, s25, s6, $0xb8;
	[tilespmem:$0x1E640] =	vst v63  }
0x3e0: {  	_ =	swait.ge [sflag:s12], $0x3E80  }
0x3e1: {  	s26 =	sld [smem:$0x7CF]  }
0x3e2: {  	[sflag:s12] =	ssyncset.done $0x0  }
0x3e3: {  	[sflag:s12] =	ssyncadd.s32 $0xFFFFC180  }
0x3e4: {  	[tilespmem:s9], [sflag:$0x4] =	stream.indirect.gather [hbm4b:s3+s6], $0x40, s26, s6, $0xb8;
	[tilespmem:$0x1E640] =	vst v63  }
0x3e5: {  	_ =	swait.ge [sflag:s16], $0x3E80  }
0x3e6: {  	s28 =	sld [smem:$0x7D0]  }
0x3e7: {  	[sflag:s16] =	ssyncset.done $0x0  }
0x3e8: {  	[sflag:s16] =	ssyncadd.s32 $0xFFFFC180  }
0x3e9: {  	[spmem:s2] =	stream.indirect.scatter.add.f32 [tilespmem:s7], [sflag:$0x7], $0x40, s28, s6, $0xb8;
	[tilespmem:$0x1E640] =	vst v63  }
0x3ea: {  	_ =	swait.ge [sflag:s11], $0x3E80  }
0x3eb: {  	s20 =	sld [smem:$0x7D1]  }
0x3ec: {  	[sflag:s11] =	ssyncset.done $0x0  }
0x3ed: {  	[sflag:s11] =	ssyncadd.s32 $0xFFFFC180  }
0x3ee: {  	[tilespmem:s13], [sflag:$0x1] =	stream.indirect.gather [hbm4b:s3+s6], $0x40, s20, s6, $0xb8;
	[tilespmem:$0x1E640] =	vst v63  }
0x3ef: {  	_ =	swait.ge [sflag:s18], $0x3E80  }
0x3f0: {  	s24 =	sld [smem:$0x7D2]  }
0x3f1: {  	[sflag:s18] =	ssyncset.done $0x0  }
0x3f2: {  	[sflag:s18] =	ssyncadd.s32 $0xFFFFC180  }
0x3f3: {  	[spmem:s2] =	stream.indirect.scatter.add.f32 [tilespmem:s9], [sflag:$0x8], $0x40, s24, s6, $0xb8;
	[tilespmem:$0x1E640] =	vst v63  }
0x3f4: {  	_ =	swait.ge [sflag:s14], $0x3E80  }
0x3f5: {  	s25 =	sld [smem:$0x7D3]  }
0x3f6: {  	[sflag:s14] =	ssyncset.done $0x0  }
0x3f7: {  	[sflag:s14] =	ssyncadd.s32 $0xFFFFC180  }
0x3f8: {  	[tilespmem:s8], [sflag:$0x2] =	stream.indirect.gather [hbm4b:s3+s6], $0x40, s25, s6, $0xb8;
	[tilespmem:$0x1E640] =	vst v63  }
0x3f9: {  	_ =	swait.ge [sflag:s19], $0x3E80  }
0x3fa: {  	s26 =	sld [smem:$0x7D4]  }
0x3fb: {  	[sflag:s19] =	ssyncset.done $0x0  }
0x3fc: {  	[sflag:s19] =	ssyncadd.s32 $0xFFFFC180  }
0x3fd: {  	[spmem:s2] =	stream.indirect.scatter.add.f32 [tilespmem:s13], [sflag:$0x5], $0x40, s26, s6, $0xb8;
	[tilespmem:$0x1E640] =	vst v63  }
0x3fe: {  	_ =	swait.ge [sflag:s15], $0x3E80  }
0x3ff: {  	s28 =	sld [smem:$0x7D5]  }
0x400: {  	[sflag:s15] =	ssyncset.done $0x0  }
0x401: {  	[sflag:s15] =	ssyncadd.s32 $0xFFFFC180  }
0x402: {  	[tilespmem:s7], [sflag:$0x3] =	stream.indirect.gather [hbm4b:s3+s6], $0x40, s28, s6, $0xb8;
	[tilespmem:$0x1E640] =	vst v63  }
0x403: {  	_ =	swait.ge [sflag:s17], $0x3E80  }
0x404: {  	s20 =	sld [smem:$0x7D6]  }
0x405: {  	[sflag:s17] =	ssyncset.done $0x0  }
0x406: {  	[sflag:s17] =	ssyncadd.s32 $0xFFFFC180  }
0x407: {  	[spmem:s2] =	stream.indirect.scatter.add.f32 [tilespmem:s8], [sflag:$0x6], $0x40, s20, s6, $0xb8;
	[tilespmem:$0x1E640] =	vst v63  }
0x408: {  	_ =	swait.ge [sflag:s12], $0x3E80  }
0x409: {  	s24 =	sld [smem:$0x7D7]  }
0x40a: {  	[sflag:s12] =	ssyncset.done $0x0  }
0x40b: {  	[sflag:s12] =	ssyncadd.s32 $0xFFFFC180  }
0x40c: {  	[tilespmem:s9], [sflag:$0x4] =	stream.indirect.gather [hbm4b:s3+s6], $0x40, s24, s6, $0xb8;
	[tilespmem:$0x1E640] =	vst v63  }
0x40d: {  	_ =	swait.ge [sflag:s16], $0x3E80  }
0x40e: {  	s25 =	sld [smem:$0x7D8]  }
0x40f: {  	[sflag:s16] =	ssyncset.done $0x0  }
0x410: {  	[sflag:s16] =	ssyncadd.s32 $0xFFFFC180  }
0x411: {  	[spmem:s2] =	stream.indirect.scatter.add.f32 [tilespmem:s7], [sflag:$0x7], $0x40, s25, s6, $0xb8;
	[tilespmem:$0x1E640] =	vst v63  }
0x412: {  	_ =	swait.ge [sflag:s11], $0x3E80  }
0x413: {  	s26 =	sld [smem:$0x7D9]  }
0x414: {  	[sflag:s11] =	ssyncset.done $0x0  }
0x415: {  	[sflag:s11] =	ssyncadd.s32 $0xFFFFC180  }
0x416: {  	[tilespmem:s13], [sflag:$0x1] =	stream.indirect.gather [hbm4b:s3+s6], $0x40, s26, s6, $0xb8;
	[tilespmem:$0x1E640] =	vst v63  }
0x417: {  	_ =	swait.ge [sflag:s18], $0x3E80  }
0x418: {  	s28 =	sld [smem:$0x7DA]  }
0x419: {  	[sflag:s18] =	ssyncset.done $0x0  }
0x41a: {  	[sflag:s18] =	ssyncadd.s32 $0xFFFFC180  }
0x41b: {  	[spmem:s2] =	stream.indirect.scatter.add.f32 [tilespmem:s9], [sflag:$0x8], $0x40, s28, s6, $0xb8;
	[tilespmem:$0x1E640] =	vst v63  }
0x41c: {  	_ =	swait.ge [sflag:s14], $0x3E80  }
0x41d: {  	s20 =	sld [smem:$0x7DB]  }
0x41e: {  	[sflag:s14] =	ssyncset.done $0x0  }
0x41f: {  	[sflag:s14] =	ssyncadd.s32 $0xFFFFC180  }
0x420: {  	[tilespmem:s8], [sflag:$0x2] =	stream.indirect.gather [hbm4b:s3+s6], $0x40, s20, s6, $0xb8;
	[tilespmem:$0x1E640] =	vst v63  }
0x421: {  	_ =	swait.ge [sflag:s19], $0x3E80  }
0x422: {  	s24 =	sld [smem:$0x7DC]  }
0x423: {  	[sflag:s19] =	ssyncset.done $0x0  }
0x424: {  	[sflag:s19] =	ssyncadd.s32 $0xFFFFC180  }
0x425: {  	[spmem:s2] =	stream.indirect.scatter.add.f32 [tilespmem:s13], [sflag:$0x5], $0x40, s24, s6, $0xb8;
	[tilespmem:$0x1E640] =	vst v63  }
0x426: {  	_ =	swait.ge [sflag:s15], $0x3E80  }
0x427: {  	s25 =	sld [smem:$0x7DD]  }
0x428: {  	[sflag:s15] =	ssyncset.done $0x0  }
0x429: {  	[sflag:s15] =	ssyncadd.s32 $0xFFFFC180  }
0x42a: {  	[tilespmem:s7], [sflag:$0x3] =	stream.indirect.gather [hbm4b:s3+s6], $0x40, s25, s6, $0xb8;
	[tilespmem:$0x1E640] =	vst v63  }
0x42b: {  	_ =	swait.ge [sflag:s17], $0x3E80  }
0x42c: {  	s26 =	sld [smem:$0x7DE]  }
0x42d: {  	[sflag:s17] =	ssyncset.done $0x0  }
0x42e: {  	[sflag:s17] =	ssyncadd.s32 $0xFFFFC180  }
0x42f: {  	[spmem:s2] =	stream.indirect.scatter.add.f32 [tilespmem:s8], [sflag:$0x6], $0x40, s26, s6, $0xb8;
	[tilespmem:$0x1E640] =	vst v63  }
0x430: {  	_ =	swait.ge [sflag:s12], $0x3E80  }
0x431: {  	s28 =	sld [smem:$0x7DF]  }
0x432: {  	[sflag:s12] =	ssyncset.done $0x0  }
0x433: {  	[sflag:s12] =	ssyncadd.s32 $0xFFFFC180  }
0x434: {  	[tilespmem:s9], [sflag:$0x4] =	stream.indirect.gather [hbm4b:s3+s6], $0x40, s28, s6, $0xb8;
	[tilespmem:$0x1E640] =	vst v63  }
0x435: {  	_ =	swait.ge [sflag:s16], $0x3E80  }
0x436: {  	s20 =	sld [smem:$0x7E0]  }
0x437: {  	[sflag:s16] =	ssyncset.done $0x0  }
0x438: {  	[sflag:s16] =	ssyncadd.s32 $0xFFFFC180  }
0x439: {  	[spmem:s2] =	stream.indirect.scatter.add.f32 [tilespmem:s7], [sflag:$0x7], $0x40, s20, s6, $0xb8;
	[tilespmem:$0x1E640] =	vst v63  }
0x43a: {  	_ =	swait.ge [sflag:s11], $0x3E80  }
0x43b: {  	s24 =	sld [smem:$0x7E1]  }
0x43c: {  	[sflag:s11] =	ssyncset.done $0x0  }
0x43d: {  	[sflag:s11] =	ssyncadd.s32 $0xFFFFC180  }
0x43e: {  	[tilespmem:s13], [sflag:$0x1] =	stream.indirect.gather [hbm4b:s3+s6], $0x40, s24, s6, $0xb8;
	[tilespmem:$0x1E640] =	vst v63  }
0x43f: {  	_ =	swait.ge [sflag:s18], $0x3E80  }
0x440: {  	s25 =	sld [smem:$0x7E2]  }
0x441: {  	[sflag:s18] =	ssyncset.done $0x0  }
0x442: {  	[sflag:s18] =	ssyncadd.s32 $0xFFFFC180  }
0x443: {  	[spmem:s2] =	stream.indirect.scatter.add.f32 [tilespmem:s9], [sflag:$0x8], $0x40, s25, s6, $0xb8;
	[tilespmem:$0x1E640] =	vst v63  }
0x444: {  	_ =	swait.ge [sflag:s14], $0x3E80  }
0x445: {  	s26 =	sld [smem:$0x7E3]  }
0x446: {  	[sflag:s14] =	ssyncset.done $0x0  }
0x447: {  	[sflag:s14] =	ssyncadd.s32 $0xFFFFC180  }
0x448: {  	[tilespmem:s8], [sflag:$0x2] =	stream.indirect.gather [hbm4b:s3+s6], $0x40, s26, s6, $0xb8;
	[tilespmem:$0x1E640] =	vst v63  }
0x449: {  	_ =	swait.ge [sflag:s19], $0x3E80  }
0x44a: {  	s28 =	sld [smem:$0x7E4]  }
0x44b: {  	[sflag:s19] =	ssyncset.done $0x0  }
0x44c: {  	[sflag:s19] =	ssyncadd.s32 $0xFFFFC180  }
0x44d: {  	[spmem:s2] =	stream.indirect.scatter.add.f32 [tilespmem:s13], [sflag:$0x5], $0x40, s28, s6, $0xb8;
	[tilespmem:$0x1E640] =	vst v63  }
0x44e: {  	_ =	swait.ge [sflag:s15], $0x3E80  }
0x44f: {  	s20 =	sld [smem:$0x7E5]  }
0x450: {  	[sflag:s15] =	ssyncset.done $0x0  }
0x451: {  	[sflag:s15] =	ssyncadd.s32 $0xFFFFC180  }
0x452: {  	[tilespmem:s7], [sflag:$0x3] =	stream.indirect.gather [hbm4b:s3+s6], $0x40, s20, s6, $0xb8;
	[tilespmem:$0x1E640] =	vst v63  }
0x453: {  	_ =	swait.ge [sflag:s17], $0x3E80  }
0x454: {  	s24 =	sld [smem:$0x7E6]  }
0x455: {  	[sflag:s17] =	ssyncset.done $0x0  }
0x456: {  	[sflag:s17] =	ssyncadd.s32 $0xFFFFC180  }
0x457: {  	[spmem:s2] =	stream.indirect.scatter.add.f32 [tilespmem:s8], [sflag:$0x6], $0x40, s24, s6, $0xb8;
	[tilespmem:$0x1E640] =	vst v63  }
0x458: {  	_ =	swait.ge [sflag:s12], $0x3E80  }
0x459: {  	s25 =	sld [smem:$0x7E7]  }
0x45a: {  	[sflag:s12] =	ssyncset.done $0x0  }
0x45b: {  	[sflag:s12] =	ssyncadd.s32 $0xFFFFC180  }
0x45c: {  	[tilespmem:s9], [sflag:$0x4] =	stream.indirect.gather [hbm4b:s3+s6], $0x40, s25, s6, $0xb8;
	[tilespmem:$0x1E640] =	vst v63  }
0x45d: {  	_ =	swait.ge [sflag:s16], $0x3E80  }
0x45e: {  	s26 =	sld [smem:$0x7E8]  }
0x45f: {  	[sflag:s16] =	ssyncset.done $0x0  }
0x460: {  	[sflag:s16] =	ssyncadd.s32 $0xFFFFC180  }
0x461: {  	[spmem:s2] =	stream.indirect.scatter.add.f32 [tilespmem:s7], [sflag:$0x7], $0x40, s26, s6, $0xb8;
	[tilespmem:$0x1E640] =	vst v63  }
0x462: {  	_ =	swait.ge [sflag:s11], $0x3E80  }
0x463: {  	s28 =	sld [smem:$0x7E9]  }
0x464: {  	[sflag:s11] =	ssyncset.done $0x0  }
0x465: {  	[sflag:s11] =	ssyncadd.s32 $0xFFFFC180  }
0x466: {  	[tilespmem:s13], [sflag:$0x1] =	stream.indirect.gather [hbm4b:s3+s6], $0x40, s28, s6, $0xb8;
	[tilespmem:$0x1E640] =	vst v63  }
0x467: {  	_ =	swait.ge [sflag:s18], $0x3E80  }
0x468: {  	s20 =	sld [smem:$0x7EA]  }
0x469: {  	[sflag:s18] =	ssyncset.done $0x0  }
0x46a: {  	[sflag:s18] =	ssyncadd.s32 $0xFFFFC180  }
0x46b: {  	[spmem:s2] =	stream.indirect.scatter.add.f32 [tilespmem:s9], [sflag:$0x8], $0x40, s20, s6, $0xb8;
	[tilespmem:$0x1E640] =	vst v63  }
0x46c: {  	_ =	swait.ge [sflag:s14], $0x3E80  }
0x46d: {  	s24 =	sld [smem:$0x7EB]  }
0x46e: {  	[sflag:s14] =	ssyncset.done $0x0  }
0x46f: {  	[sflag:s14] =	ssyncadd.s32 $0xFFFFC180  }
0x470: {  	[tilespmem:s8], [sflag:$0x2] =	stream.indirect.gather [hbm4b:s3+s6], $0x40, s24, s6, $0xb8;
	[tilespmem:$0x1E640] =	vst v63  }
0x471: {  	_ =	swait.ge [sflag:s19], $0x3E80  }
0x472: {  	s25 =	sld [smem:$0x7EC]  }
0x473: {  	[sflag:s19] =	ssyncset.done $0x0  }
0x474: {  	[sflag:s19] =	ssyncadd.s32 $0xFFFFC180  }
0x475: {  	[spmem:s2] =	stream.indirect.scatter.add.f32 [tilespmem:s13], [sflag:$0x5], $0x40, s25, s6, $0xb8;
	[tilespmem:$0x1E640] =	vst v63  }
0x476: {  	_ =	swait.ge [sflag:s15], $0x3E80  }
0x477: {  	s26 =	sld [smem:$0x7ED]  }
0x478: {  	[sflag:s15] =	ssyncset.done $0x0  }
0x479: {  	[sflag:s15] =	ssyncadd.s32 $0xFFFFC180  }
0x47a: {  	[tilespmem:s7], [sflag:$0x3] =	stream.indirect.gather [hbm4b:s3+s6], $0x40, s26, s6, $0xb8;
	[tilespmem:$0x1E640] =	vst v63  }
0x47b: {  	_ =	swait.ge [sflag:s17], $0x3E80  }
0x47c: {  	s28 =	sld [smem:$0x7EE]  }
0x47d: {  	[sflag:s17] =	ssyncset.done $0x0  }
0x47e: {  	[sflag:s17] =	ssyncadd.s32 $0xFFFFC180  }
0x47f: {  	[spmem:s2] =	stream.indirect.scatter.add.f32 [tilespmem:s8], [sflag:$0x6], $0x40, s28, s6, $0xb8;
	[tilespmem:$0x1E640] =	vst v63  }
0x480: {  	_ =	swait.ge [sflag:s12], $0x3E80  }
0x481: {  	s20 =	sld [smem:$0x7EF]  }
0x482: {  	[sflag:s12] =	ssyncset.done $0x0  }
0x483: {  	[sflag:s12] =	ssyncadd.s32 $0xFFFFC180  }
0x484: {  	[tilespmem:s9], [sflag:$0x4] =	stream.indirect.gather [hbm4b:s3+s6], $0x40, s20, s6, $0xb8;
	[tilespmem:$0x1E640] =	vst v63  }
0x485: {  	_ =	swait.ge [sflag:s16], $0x3E80  }
0x486: {  	s24 =	sld [smem:$0x7F0]  }
0x487: {  	[sflag:s16] =	ssyncset.done $0x0  }
0x488: {  	[sflag:s16] =	ssyncadd.s32 $0xFFFFC180  }
0x489: {  	[spmem:s2] =	stream.indirect.scatter.add.f32 [tilespmem:s7], [sflag:$0x7], $0x40, s24, s6, $0xb8;
	[tilespmem:$0x1E640] =	vst v63  }
0x48a: {  	_ =	swait.ge [sflag:s11], $0x3E80  }
0x48b: {  	s25 =	sld [smem:$0x7F1]  }
0x48c: {  	[sflag:s11] =	ssyncset.done $0x0  }
0x48d: {  	[sflag:s11] =	ssyncadd.s32 $0xFFFFC180  }
0x48e: {  	[tilespmem:s13], [sflag:$0x1] =	stream.indirect.gather [hbm4b:s3+s6], $0x40, s25, s6, $0xb8;
	[tilespmem:$0x1E640] =	vst v63  }
0x48f: {  	_ =	swait.ge [sflag:s18], $0x3E80  }
0x490: {  	s26 =	sld [smem:$0x7F2]  }
0x491: {  	[sflag:s18] =	ssyncset.done $0x0  }
0x492: {  	[sflag:s18] =	ssyncadd.s32 $0xFFFFC180  }
0x493: {  	[spmem:s2] =	stream.indirect.scatter.add.f32 [tilespmem:s9], [sflag:$0x8], $0x40, s26, s6, $0xb8;
	[tilespmem:$0x1E640] =	vst v63  }
0x494: {  	_ =	swait.ge [sflag:s14], $0x3E80  }
0x495: {  	s28 =	sld [smem:$0x7F3]  }
0x496: {  	[sflag:s14] =	ssyncset.done $0x0  }
0x497: {  	[sflag:s14] =	ssyncadd.s32 $0xFFFFC180  }
0x498: {  	[tilespmem:s8], [sflag:$0x2] =	stream.indirect.gather [hbm4b:s3+s6], $0x40, s28, s6, $0xb8;
	[tilespmem:$0x1E640] =	vst v63  }
0x499: {  	_ =	swait.ge [sflag:s19], $0x3E80  }
0x49a: {  	s20 =	sld [smem:$0x7F4]  }
0x49b: {  	[sflag:s19] =	ssyncset.done $0x0  }
0x49c: {  	[sflag:s19] =	ssyncadd.s32 $0xFFFFC180  }
0x49d: {  	[spmem:s2] =	stream.indirect.scatter.add.f32 [tilespmem:s13], [sflag:$0x5], $0x40, s20, s6, $0xb8;
	[tilespmem:$0x1E640] =	vst v63  }
0x49e: {  	_ =	swait.ge [sflag:s15], $0x3E80  }
0x49f: {  	s24 =	sld [smem:$0x7F5]  }
0x4a0: {  	[sflag:s15] =	ssyncset.done $0x0  }
0x4a1: {  	[sflag:s15] =	ssyncadd.s32 $0xFFFFC180  }
0x4a2: {  	[tilespmem:s7], [sflag:$0x3] =	stream.indirect.gather [hbm4b:s3+s6], $0x40, s24, s6, $0xb8;
	[tilespmem:$0x1E640] =	vst v63  }
0x4a3: {  	_ =	swait.ge [sflag:s17], $0x3E80  }
0x4a4: {  	s25 =	sld [smem:$0x7F6]  }
0x4a5: {  	[sflag:s17] =	ssyncset.done $0x0  }
0x4a6: {  	[sflag:s17] =	ssyncadd.s32 $0xFFFFC180  }
0x4a7: {  	[spmem:s2] =	stream.indirect.scatter.add.f32 [tilespmem:s8], [sflag:$0x6], $0x40, s25, s6, $0xb8;
	[tilespmem:$0x1E640] =	vst v63  }
0x4a8: {  	_ =	swait.ge [sflag:s12], $0x3E80  }
0x4a9: {  	s26 =	sld [smem:$0x7F7]  }
0x4aa: {  	[sflag:s12] =	ssyncset.done $0x0  }
0x4ab: {  	[sflag:s12] =	ssyncadd.s32 $0xFFFFC180  }
0x4ac: {  	[tilespmem:s9], [sflag:$0x4] =	stream.indirect.gather [hbm4b:s3+s6], $0x40, s26, s6, $0xb8;
	[tilespmem:$0x1E640] =	vst v63  }
0x4ad: {  	_ =	swait.ge [sflag:s16], $0x3E80  }
0x4ae: {  	s28 =	sld [smem:$0x7F8]  }
0x4af: {  	[sflag:s16] =	ssyncset.done $0x0  }
0x4b0: {  	[sflag:s16] =	ssyncadd.s32 $0xFFFFC180  }
0x4b1: {  	[spmem:s2] =	stream.indirect.scatter.add.f32 [tilespmem:s7], [sflag:$0x7], $0x40, s28, s6, $0xb8;
	[tilespmem:$0x1E640] =	vst v63  }
0x4b2: {  	_ =	swait.ge [sflag:s11], $0x3E80  }
0x4b3: {  	s20 =	sld [smem:$0x7F9]  }
0x4b4: {  	[sflag:s11] =	ssyncset.done $0x0  }
0x4b5: {  	[sflag:s11] =	ssyncadd.s32 $0xFFFFC180  }
0x4b6: {  	[tilespmem:s13], [sflag:$0x1] =	stream.indirect.gather [hbm4b:s3+s6], $0x40, s20, s6, $0xb8;
	[tilespmem:$0x1E640] =	vst v63  }
0x4b7: {  	_ =	swait.ge [sflag:s18], $0x3E80  }
0x4b8: {  	s24 =	sld [smem:$0x7FA]  }
0x4b9: {  	[sflag:s18] =	ssyncset.done $0x0  }
0x4ba: {  	[sflag:s18] =	ssyncadd.s32 $0xFFFFC180  }
0x4bb: {  	[spmem:s2] =	stream.indirect.scatter.add.f32 [tilespmem:s9], [sflag:$0x8], $0x40, s24, s6, $0xb8;
	[tilespmem:$0x1E640] =	vst v63  }
0x4bc: {  	_ =	swait.ge [sflag:s14], $0x3E80  }
0x4bd: {  	s25 =	sld [smem:$0x7FB]  }
0x4be: {  	[sflag:s14] =	ssyncset.done $0x0  }
0x4bf: {  	[sflag:s14] =	ssyncadd.s32 $0xFFFFC180  }
0x4c0: {  	[tilespmem:s8], [sflag:$0x2] =	stream.indirect.gather [hbm4b:s3+s6], $0x40, s25, s6, $0xb8;
	[tilespmem:$0x1E640] =	vst v63  }
0x4c1: {  	_ =	swait.ge [sflag:s19], $0x3E80  }
0x4c2: {  	s26 =	sld [smem:$0x7FC]  }
0x4c3: {  	[sflag:s19] =	ssyncset.done $0x0  }
0x4c4: {  	[sflag:s19] =	ssyncadd.s32 $0xFFFFC180  }
0x4c5: {  	[spmem:s2] =	stream.indirect.scatter.add.f32 [tilespmem:s13], [sflag:$0x5], $0x40, s26, s6, $0xb8;
	[tilespmem:$0x1E640] =	vst v63  }
0x4c6: {  	_ =	swait.ge [sflag:s15], $0x3E80  }
0x4c7: {  	s28 =	sld [smem:$0x7FD]  }
0x4c8: {  	[sflag:s15] =	ssyncset.done $0x0  }
0x4c9: {  	[sflag:s15] =	ssyncadd.s32 $0xFFFFC180  }
0x4ca: {  	[tilespmem:s7], [sflag:$0x3] =	stream.indirect.gather [hbm4b:s3+s6], $0x40, s28, s6, $0xb8;
	[tilespmem:$0x1E640] =	vst v63  }
0x4cb: {  	_ =	swait.ge [sflag:s17], $0x3E80  }
0x4cc: {  	[sflag:s17] =	ssyncset.done $0x0  }
0x4cd: {  	[sflag:s17] =	ssyncadd.s32 $0xFFFFC180  }
0x4ce: {  	[spmem:s2] =	stream.indirect.scatter.add.f32 [tilespmem:s8], [sflag:$0x6], $0x40, s31, s6, $0xb8;
	[tilespmem:$0x1E640] =	vst v63  }
0x4cf: {  	_ =	swait.ge [sflag:s12], $0x3E80  }
0x4d0: {  	[sflag:s12] =	ssyncset.done $0x0  }
0x4d1: {  	[sflag:s12] =	ssyncadd.s32 $0xFFFFC180  }
0x4d2: {  	[tilespmem:s9], [sflag:$0x4] =	stream.indirect.gather [hbm4b:s3+s6], $0x40, s23, s6, $0xb8;
	[tilespmem:$0x1E640] =	vst v63  }
0x4d3: {  	_ =	swait.ge [sflag:s16], $0x3E80  }
0x4d4: {  	[sflag:s16] =	ssyncset.done $0x0  }
0x4d5: {  	[sflag:s16] =	ssyncadd.s32 $0xFFFFC180  }
0x4d6: {  	[spmem:s2] =	stream.indirect.scatter.add.f32 [tilespmem:s7], [sflag:$0x7], $0x40, s22, s6, $0xb8;
	[tilespmem:$0x1E640] =	vst v63  }
0x4d7: {  	_ =	swait.ge [sflag:s18], $0x3E80  }
0x4d8: {  	[sflag:s18] =	ssyncset.done $0x0  }
0x4d9: {  	[sflag:s18] =	ssyncadd.s32 $0xFFFFC180  }
0x4da: {  	[spmem:s2] =	stream.indirect.scatter.add.f32 [tilespmem:s9], [sflag:$0x8], $0x40, s21, s6, $0xb8;
	[tilespmem:$0x1E640] =	vst v63  }
0x4db: {  	_ =	swait.ge [sflag:s11], $0x3E80  }
0x4dc: {  	[sflag:s11] =	ssyncset.done $0x0  }
0x4dd: {  	[sflag:s11] =	ssyncadd.s32 $0xFFFFC180  }
0x4de: {  	_ =	swait.ge [sflag:s14], $0x3E80  }
0x4df: {  	[sflag:s14] =	ssyncset.done $0x0  }
0x4e0: {  	[sflag:s14] =	ssyncadd.s32 $0xFFFFC180  }
0x4e1: {  	_ =	swait.ge [sflag:s15], $0x3E80  }
0x4e2: {  	[sflag:s15] =	ssyncset.done $0x0  }
0x4e3: {  	[sflag:s15] =	ssyncadd.s32 $0xFFFFC180  }
0x4e4: {  	_ =	swait.ge [sflag:s12], $0x3E80  }
0x4e5: {  	[sflag:s12] =	ssyncset.done $0x0  }
0x4e6: {  	s0 =	simm.s32 @!p0 $0x8;
	[sflag:s12] =	ssyncadd.s32 $0xFFFFC180  }
0x4e7: {  	s3 =	simm.s32 @!p0 $0x10;
	s2 =	simm.s32 @!p0 $0x1;
	[bflag:$0x0] =	sbarrier.arrive $0xFFFF  }
0x4e8: {  	[hbm:s10@s3], [sflag:s4] =	dma.strided @!p0 [spmem:s5@s0], $0x1F40, s2, $0x8   }
0x4e9: {  	_ =	swait.ge @!p0 [sflag:s1], $0x1F40  }
0x4ea: {  	[sflag:s1] =	ssyncset.done @!p0 $0x0  }
0x4eb: {  	[sflag:s1] =	ssyncadd.s32 @!p0 $0xFFFFE0C0  }
0x4ec: {  	_ =	sfence.sel $0x180000  }
0x4ed: {  	[bflag:$0x0] =	sbarrier.arrive $0xFFFF  }
0x4ee: {  	p0 =	sne.s32 s29, $0x0;
	_ =	strace $0x9000004A  }
0x4ef: {  	s0 =	sadd.s32 @!p0 $0x100000, s30;
	[bflag:$0x2] =	sbarrier.arrive $0xFFFF  }
0x4f0: {  	[sflag:s0] =	ssyncadd.tile.s32 @!p0 $0x1;
	_ =	shalt  }
.LBB2_1:
.Ltmp3:
0x4f1: {  	(pc) =	sbr.rel .LBB2_6-.Ltmp3, $2  }
0x4f2: {  	_ =	sdelay $0x2  }
0x4f3: {  	_ = 	snop  }
.LBB2_3:
.Ltmp4:
0x4f4: {  	(pc) =	sbr.rel .LBB2_6-.Ltmp4, $3  }
0x4f5: {  	_ =	sdelay $0x1  }
0x4f6: {  	s29 =	stileid.u32;
	s30 =	rddreg [dreg:$0x3];
	s21 =	simm.s32 $0x4F00  }
0x4f7: {  	s22 =	simm.s32 $0x4E00;
	s23 =	simm.s32 $0x2700;
	s31 =	simm.s32 $0x4D00  }
.Lfunc_end2:
_tile_overlayer_lowered:
.L_overlay_start_2:
0x4f8: {  	(tag) =	ssettag $0x2  }
0x4f9: {  	s0 =	rddreg [dreg:$0x0];
	s2 =	stileid.u32  }
0x4fa: {  	s1 =	rddreg [dreg:$0x1];
	p0 =	sne.s32 s2, $0x0  }
0x4fb: {  	s3 =	rddreg [dreg:$0x2];
	[bflag:$0x3] =	sbarrier.arrive $0xFFFF;
	s2 =	simm.s32 @!p0 $0x1C09  }
0x4fc: {  	[timem:s3], [sflag:s2] =	dma.local @!p0 [hbm:s0], s1  }
0x4fd: {  	s0 =	simm.s32 @!p0 $0x9  }
0x4fe: {  	_ =	swait.ge @!p0 [sflag:s0], s1  }
0x4ff: {  	s1 =	ssub.s32 @!p0 $0x0, s1;
	[sflag:s0] =	ssyncset.done @!p0 $0x0  }
0x500: {  	[sflag:s0] =	ssyncadd.s32 @!p0 s1  }
0x501: {  	[bflag:$0x3] =	sbarrier.arrive $0xFFFF  }
0x502: {  	_ =	shalt  }

// kernel: kernel.14.cloned.1.call-start
scs
__scs_entry_jumppad:
0x0: {  	(pc) =	sbr.rel $0x88, $3  }
0x1: {  	(tag) =	ssettag $0x0;
	lr =	simm.s32 $0x1  }
0x2: {  	[smem:$0x3F9B] =	sst lr;
	_ =	strace $0xD0000000  }
0x3: {  	_ = 	snop  }
0x4: {  	_ = 	snop  }
0x5: {  	_ = 	snop  }
0x6: {  	_ = 	snop  }
0x7: {  	_ = 	snop  }
__scs_overlays_trampoline_lowered:
0x8: {  	[smem:$0x3FAA] =	sst s0  }
0x9: {  	[smem:$0x3FAB] =	sst s1  }
0xa: {  	[smem:$0x3FAC] =	sst s2  }
0xb: {  	[smem:$0x3FAD] =	sst s3  }
0xc: {  	[smem:$0x3FAE] =	sst s4  }
0xd: {  	[smem:$0x3FAF] =	sst s5  }
0xe: {  	[smem:$0x3FB0] =	sst s6  }
0xf: {  	[smem:$0x3FB1] =	sst s7  }
0x10: {  	[smem:$0x3FB2] =	sst s8  }
0x11: {  	[smem:$0x3FB3] =	sst s9;
	s0 =	simm.s32 @!p0 $0x0  }
0x12: {  	s1 =	sld [smem:$0x3F99];
	s0 =	simm.s32 @p0 $0x1  }
0x13: {  	[smem:$0x3FB4] =	sst s0;
	s0 =	simm.s32 @!p1 $0x0  }
0x14: {  	s2 =	sld [smem:$0x3F98];
	s0 =	simm.s32 @p1 $0x1  }
0x15: {  	[smem:$0x3FB5] =	sst s0;
	s0 =	simm.s32 @!p2 $0x0  }
0x16: {  	s3 =	sld [smem:$0x3FDB];
	s0 =	simm.s32 @p2 $0x1  }
0x17: {  	s4 =	simm.s32 $0x1BF5;
	[smem:$0x3FB7] =	sst s0  }
0x18: {  	s0 =	sld [smem:$0x3F9A];
	_ =	swait.ge [sflag:s4], $0x0  }
0x19: {  	s7 =	sld [smem:$0x3F9B]  }
0x1a: {  	s8 =	sadd.s32 $0xFFFFE003, lr  }
0x1b: {  	s9 =	sadd.s32 $0xFFFFFEF7, lr;
	s5 =	simm.s32 $0xFFFFFFFF;
	p2 =	slt.u32 s8, $0xFFFFF086  }
0x1c: {  	p1 =	slt.u32 s9, $0xF7A;
	s5 =	simm.s32 @!p2 $0x0  }
0x1d: {  	s5 =	simm.s32 @p1 $0x1;
	p0 =	seq.s32 s7, s2  }
0x1e: {  	s7 =	smul.u32 @!p0 $0xF7A, s2;
	p2 =	seq.s32 @!p0 s5, $0x0  }
0x1f: {  	s9 =	smul.u32 $0xF7A, s1;
	s8 =	simm.s32 @!p0 $0x1BF5;
	p2 =	por !p2, p0  }
0x20: {  	[sflag:s8] =	ssyncset.s32 @!p0 $0xFFFFF086;
	s6 =	sadd.s32 @!p0 s3, s7;
	s7 =	simm.s32 @!p0 $0x108  }
0x21: {  	s3 =	sadd.s32 s3, s9;
	s6 =	sadd.s32 @!p0 $0x88, s6;
	s7 =	simm.s32 @p2 $0x1082  }
0x22: {  	[simem:s7], [sflag:s8] =	dma.local @!p0 [hbm:s6], $0xF7A  }
0x23: {  	s9 =	sor.u32 $0xD0000000, s2;
	s6 =	simm.s32 $0x108;
	_ =	swait.ge @!p0 [sflag:s8], $0x0  }
0x24: {  	s3 =	sadd.s32 $0x88, s3;
	s6 =	simm.s32 @!p1 $0x1082;
	[sflag:s4] =	ssyncset.s32 $0xFFFFF086  }
0x25: {  	[simem:s6], [sflag:s4] =	dma.local [hbm:s3], $0xF7A  }
0x26: {  	[smem:$0x3F9B] =	sst s1;
	(tag) =	ssettag s2;
	_ =	strace s9  }
0x27: {  	s1 =	sld [smem:$0x3FAB]  }
0x28: {  	s2 =	sld [smem:$0x3FAC]  }
0x29: {  	s4 =	sld [smem:$0x3FAE]  }
0x2a: {  	p0 =	seq.s32 s5, $0x0;
	s5 =	sld [smem:$0x3FAF]  }
0x2b: {  	s6 =	sld [smem:$0x3FB0]  }
0x2c: {  	s7 =	sld [smem:$0x3FB1]  }
0x2d: {  	s3 =	simm.s32 $0x108;
	s8 =	sld [smem:$0x3FB2]  }
0x2e: {  	s3 =	simm.s32 @!p0 $0x1082;
	s9 =	sld [smem:$0x3FB3]  }
0x2f: {  	lr =	sadd.s32 s0, s3;
	s0 =	sld [smem:$0x3FAA]  }
0x30: {  	s3 =	sld [smem:$0x3FAD]  }
0x31: {  	[smem:$0x3FB6] =	sst s10  }
0x32: {  	s10 =	sld [smem:$0x3FB4];
	_ =	sdelay $0x3  }
0x33: {  	p0 =	seq.s32 s10, $0x1;
	s10 =	sld [smem:$0x3FB6];
	_ =	sdelay $0x3  }
0x34: {  	[smem:$0x3FB6] =	sst s10  }
0x35: {  	s10 =	sld [smem:$0x3FB5];
	_ =	sdelay $0x3  }
0x36: {  	p1 =	seq.s32 s10, $0x1;
	s10 =	sld [smem:$0x3FB6];
	_ =	sdelay $0x3  }
0x37: {  	[smem:$0x3FB6] =	sst s10  }
0x38: {  	s10 =	sld [smem:$0x3FB7]  }
0x39: {  	_ = 	snop;
	(pc) =	sbr.ind lr, $3  }
0x3a: {  	_ = 	snop  }
0x3b: {  	_ = 	snop  }
0x3c: {  	p2 =	seq.s32 s10, $0x1;
	s10 =	sld [smem:$0x3FB6]  }
0x3d: {  	_ =	shalt  }
0x3e: {  	_ =	shalt  }
0x3f: {  	_ =	shalt  }
0x40: {  	_ =	shalt  }
0x41: {  	_ =	shalt  }
0x42: {  	_ =	shalt  }
0x43: {  	_ =	shalt  }
0x44: {  	_ =	shalt  }
0x45: {  	_ =	shalt  }
0x46: {  	_ =	shalt  }
0x47: {  	_ =	shalt  }
0x48: {  	_ =	shalt  }
0x49: {  	_ =	shalt  }
0x4a: {  	_ =	shalt  }
0x4b: {  	_ =	shalt  }
0x4c: {  	_ =	shalt  }
0x4d: {  	_ =	shalt  }
0x4e: {  	_ =	shalt  }
0x4f: {  	_ =	shalt  }
0x50: {  	_ =	shalt  }
0x51: {  	_ =	shalt  }
0x52: {  	_ =	shalt  }
0x53: {  	_ =	shalt  }
0x54: {  	_ =	shalt  }
0x55: {  	_ =	shalt  }
0x56: {  	_ =	shalt  }
0x57: {  	_ =	shalt  }
0x58: {  	_ =	shalt  }
0x59: {  	_ =	shalt  }
0x5a: {  	_ =	shalt  }
0x5b: {  	_ =	shalt  }
0x5c: {  	_ =	shalt  }
0x5d: {  	_ =	shalt  }
0x5e: {  	_ =	shalt  }
0x5f: {  	_ =	shalt  }
0x60: {  	_ =	shalt  }
0x61: {  	_ =	shalt  }
0x62: {  	_ =	shalt  }
0x63: {  	_ =	shalt  }
0x64: {  	_ =	shalt  }
0x65: {  	_ =	shalt  }
0x66: {  	_ =	shalt  }
0x67: {  	_ =	shalt  }
0x68: {  	_ =	shalt  }
0x69: {  	_ =	shalt  }
0x6a: {  	_ =	shalt  }
0x6b: {  	_ =	shalt  }
0x6c: {  	_ =	shalt  }
0x6d: {  	_ =	shalt  }
0x6e: {  	_ =	shalt  }
0x6f: {  	_ =	shalt  }
0x70: {  	_ =	shalt  }
0x71: {  	_ =	shalt  }
0x72: {  	_ =	shalt  }
0x73: {  	_ =	shalt  }
0x74: {  	_ =	shalt  }
0x75: {  	_ =	shalt  }
0x76: {  	_ =	shalt  }
0x77: {  	_ =	shalt  }
0x78: {  	_ =	shalt  }
0x79: {  	_ =	shalt  }
0x7a: {  	_ =	shalt  }
0x7b: {  	_ =	shalt  }
0x7c: {  	_ =	shalt  }
0x7d: {  	_ =	shalt  }
0x7e: {  	_ =	shalt  }
0x7f: {  	_ =	shalt  }
0x80: {  	_ =	shalt  }
0x81: {  	_ =	shalt  }
0x82: {  	_ =	shalt  }
0x83: {  	_ =	shalt  }
0x84: {  	_ =	shalt  }
0x85: {  	_ =	shalt  }
0x86: {  	_ =	shalt  }
0x87: {  	_ =	shalt  }
.Lfunc_end0:
.L_simem_size_0:
called_computation.2_lowered:
.L_overlay_start_0:
0x88: {  	s2 =	sld [smem:$0x3FD9]  }
0x89: {  	s3 =	sld [smem:$0x3FFE];
	_ =	sdelay $0x1  }
0x8a: {  	s1 =	srdreg.scid  }
0x8b: {  	s0 =	sand.u32 $0x1, s1  }
0x8c: {  	s17 =	sshll.u32 s0, $0xA;
	s2 =	sadd.s32 s3, s2  }
0x8d: {  	s2 =	sadd.s32 s2, s17  }
0x8e: {  	[smem:$0x3FC2] =	sst s2  }
0x8f: {  	_ = 	snop  }
0x90: {  	s2 =	sld [smem:$0x3FD0];
	(tm) =	ssettm $0x1  }
0x91: {  	s18 =	sld [smem:$0x3FFB];
	_ =	sdelay $0x3  }
0x92: {  	_ =	strace s18  }
0x93: {  	s3 =	sld [smem:$0x3FFC];
	_ =	sdelay $0x3  }
0x94: {  	_ =	strace s3  }
0x95: {  	s3 =	sld [smem:$0x3FFD];
	_ =	sdelay $0x3  }
0x96: {  	_ =	strace s3  }
0x97: {  	_ =	strace $0x8FFFFFFF  }
0x98: {  	s19 =	sld [smem:$0x3FDB];
	_ =	sdelay $0x1  }
0x99: {  	s4 =	simm.s32 $_scs_section_size  }
0x9a: {  	s5 =	simm.s32 $_size__tile_overlayer_lowered;
	s6 =	simm.s32 $_tile_overlayer_lowered  }
0x9b: {  	s22 =	simm.s32 $0x1BFF;
	s21 =	sshll.u32 s6, $0x1;
	s3 =	sadd.s32 s4, s19  }
0x9c: {  	s7 =	simm.s32 $0x0;
	s20 =	sshll.u32 s5, $0x1;
	s5 =	sadd.s32 s21, s3  }
0x9d: {  	[timem:s7], [sflag:s22] =	dma.local [hbm:s5], s20  }
0x9e: {  	_ =	swait.ge [sflag:s22], s20  }
0x9f: {  	s4 =	ssub.s32 $0x0, s20;
	[sflag:s22] =	ssyncset.done $0x0  }
0xa0: {  	[sflag:s22] =	ssyncadd.s32 s4;
	_ =	sdelay $0x1  }
0xa1: {  	s23 =	simm.s32 $0x1B8B  }
0xa2: {  	_ =	swait.ge [sflag:s23], $0x1  }
0xa3: {  	[sflag:s23] =	ssyncset.done $0x0  }
0xa4: {  	s25 =	simm.s32 $0x1B8E;
	s24 =	sld [smem:$0x3FFE];
	[sflag:s23] =	ssyncadd.s32 $0xFFFFFFFF  }
0xa5: {  	s26 =	simm.s32 $execute0_lowered;
	[smem:$0x3FD2] =	sst s25  }
0xa6: {  	s5 =	sshll.u32 s26, $0x1;
	_ =	strace $0x8000004C;
	[dreg:$0x1] =	wrdreg $0xFFFFFFFF  }
0xa7: {  	s28 =	simm.s32 $_size_execute0_lowered;
	s3 =	sadd.s32 s3, s5;
	[dreg:$0x0] =	wrdreg $0x0  }
0xa8: {  	s5 =	sshll.u32 s28, $0x1;
	[dreg:$0x2] =	wrdreg s3  }
0xa9: {  	[dreg:$0x3] =	wrdreg s5  }
0xaa: {  	[dreg:$0x4] =	wrdreg $0xC0  }
0xab: {  	_ =	task [dreg:s7], $0x5FFFF  }
0xac: {  	[dreg:$0x1] =	wrdreg $0xFFFFFFFF  }
0xad: {  	[dreg:$0x0] =	wrdreg $0x60  }
0xae: {  	[dreg:$0x2] =	wrdreg s24  }
0xaf: {  	[dreg:$0x3] =	wrdreg s2  }
0xb0: {  	[dreg:$0x4] =	wrdreg $0x148200  }
0xb1: {  	[dreg:$0x5] =	wrdreg $0x9  }
0xb2: {  	_ =	task.clear_ibuf [dreg:s7], $0x6FFFF;
	_ =	strace $0x9000004C  }
0xb3: {  	s29 =	simm.s32 $0x9;
	_ =	strace $0x8000004E  }
0xb4: {  	_ =	swait.ge [sflag:s29], $0x1  }
0xb5: {  	[sflag:s29] =	ssyncadd.s32 $0xFFFFFFFF  }
0xb6: {  	_ =	strace $0x9000004E  }
0xb7: {  	_ =	sfence  }
0xb8: {  	s30 =	sld [smem:$0x0];
	_ =	sdelay $0x2  }
0xb9: {  	s31 =	sshll.u32 s1, $0xD;
	s1 =	sshrl.u32 s1, $0x2  }
0xba: {  	s3 =	sand.u32 $0x4000, s31;
	s1 =	sadd.s32 s1, s30  }
0xbb: {  	s0 =	sor.u32 s3, s0;
	s1 =	sshll.u32 s1, $0x11  }
0xbc: {  	s0 =	sor.u32 s1, s0  }
0xbd: {  	s0 =	sadd.s32 $0x8F2B, s0  }
0xbe: {  	[sflag:s0] =	ssyncadd.remote.s32 $0x1  }
0xbf: {  	_ =	sfence.sel $0xFFFF  }
0xc0: {  	[dreg:$0x0] =	wrdreg $0xFFFFFFFF;
	(pc) =	sbr.abs _section_cstart, $3  }
0xc1: {  	[dreg:$0x1] =	wrdreg $0xFFFFFFFF  }
0xc2: {  	_ =	task.clear_ibuf [dreg:s7], $0x2FFFF;
	_ =	strace $0x9FFFFFFF  }
0xc3: {  	(tm) =	ssettm $0x7FFFFFFF  }
tec
execute0_lowered:
.L_overlay_start_1:
0x0: {  	(tag) =	ssettag $0x1  }
0x1: {  	s0 =	rddreg [dreg:$0x0]  }
0x2: {  	s1 =	rddreg [dreg:$0x1];
	s2 =	srdreg.scid  }
0x3: {  	s30 =	stileid.u32;
	s29 =	rddreg [dreg:$0x3]  }
0x4: {  	s24 =	simm.s32 $0x0;
	s26 =	simm.s32 $0x9;
	s25 =	simm.s32 $0x2710  }
0x5: {  	s17 =	simm.s32 $0x7D0;
	s18 =	simm.s32 $0x2AF8;
	s19 =	simm.s32 $0xBB8  }
0x6: {  	s8 =	simm.s32 $0x4E20;
	s9 =	simm.s32 $0x2EE0;
	[dreg:$0x4] =	wrdreg s1  }
0x7: {  	s10 =	simm.s32 $0xFA0;
	s15 =	sand.u32 $0x1, s2;
	s2 =	rddreg [dreg:$0x2]  }
0x8: {  	s20 =	simm.s32 $0x32C8;
	s12 =	simm.s32 $0x1388;
	[smem:$0x7FF] =	sst s24  }
0x9: {  	s21 =	simm.s32 $0x36B0;
	_ =	strace $0x8000004D;
	[dreg:$0x7] =	wrdreg s17  }
0xa: {  	s22 =	simm.s32 $0x1770;
	s13 =	simm.s32 $0x3A98;
	[dreg:$0x8] =	wrdreg s18  }
0xb: {  	s23 =	simm.s32 $0x1B58;
	s28 =	simm.s32 $0x3E80;
	[dreg:$0x9] =	wrdreg s19  }
0xc: {  	s14 =	simm.s32 $0x6;
	s31 =	simm.s32 $0x4268;
	[dreg:$0xa] =	wrdreg s9  }
0xd: {  	p1 =	por $0x0, $0x0;
	s6 =	smul.u32 $0xFA00, s30;
	[dreg:$0xb] =	wrdreg s10  }
0xe: {  	s5 =	sadd.s32 $0x15200, s0;
	s11 =	smul.u32 $0x3E80, s30;
	[dreg:$0xc] =	wrdreg s20  }
0xf: {  	p0 =	sgt.u32 s30, $0x9;
	s3 =	sshll.u32 s15, $0x4;
	[dreg:$0xd] =	wrdreg s12  }
0x10: {  	s4 =	smul.u32 $0x27100, s15;
	s1 =	ssub.s32 $0x2, s15;
	[dreg:$0xe] =	wrdreg s21  }
0x11: {  	s9 =	simm.s32 $0x1;
	s17 =	simm.s32 $0xCB20;
	[dreg:$0xf] =	wrdreg s22  }
0x12: {  	s10 =	simm.s32 $0x2;
	s19 =	simm.s32 $0x3;
	[dreg:$0x10] =	wrdreg s13  }
0x13: {  	s12 =	simm.s32 $0x5;
	[dreg:$0x11] =	wrdreg s23;
	s3 =	sor.u32 s30, s3  }
0x14: {  	s18 =	simm.s32 $0x4;
	[dreg:$0x12] =	wrdreg s28;
	s3 =	smul.u32 $0x4E2, s3  }
0x15: {  	s20 =	simm.s32 $0x1F40;
	s15 =	simm.s32 $0x7;
	s16 =	sshrl.u32 s1, $0x1  }
0x16: {  	s1 =	ssub.s32 s1, s16;
	s3 =	sadd.s32 s3, s0;
	s0 =	sadd.s32 s4, s0  }
0x17: {  	s13 =	simm.s32 $0x8;
	s1 =	smax.u32 s1, $0x1;
	s0 =	sadd.s32 $0x1A200, s0  }
0x18: {  	s23 =	simm.s32 $0x2328;
	s11 =	sadd.s32 @!p0 s11, s0;
	s0 =	sadd.s32 $0xFFFFFFFF, s1  }
0x19: {  	s22 =	simm.s32 $0x4650;
	s21 =	simm.s32 $0x4A38;
	p2 =	sne.s32 s0, $0x0  }
.Ltmp0:
0x1a: {  	s6 =	sshrl.u32 s6, $0x2;
	[dreg:$0x13] =	wrdreg s20;
	(pc) =	sbr.rel @!p2 .LBB2_1-.Ltmp0, $4  }
0x1b: {  	s16 =	simm.s32 $0x109A0;
	s4 =	sadd.s32 s6, s2;
	s7 =	sadd.s32 $0xB200, s3  }
0x1c: {  	s6 =	simm.s32 $0x3E8;
	s3 =	sadd.s32 $0x1400, s3;
	[dreg:$0x5] =	wrdreg s7  }
0x1d: {  	s4 =	sshrl.u32 @!p0 s4, $0x3;
	[dreg:$0x6] =	wrdreg s3;
	s3 =	sshll.u32 @!p0 s30, $0x6  }
0x1e: {  	s7 =	simm.s32 $0x8CA0;
	s3 =	sor.u32 @!p0 $0x1C09, s3;
	s1 =	rddreg [dreg:$0x5]  }
0x1f: {  	[tilespmem:s24], [sflag:$0x9] =	stream.linear.gather [hbm4b:s1+s24], $0x2710, $0x38;
	[tilespmem:$0x16F30] =	vst v63  }
0x20: {  	_ =	swait.ge [sflag:s26], $0x2710  }
0x21: {  	[sflag:s26] =	ssyncset.done $0x0  }
0x22: {  	s20 =	rddreg [dreg:$0x6];
	[sflag:s26] =	ssyncadd.s32 $0xFFFFD8F0  }
0x23: {  	[tilespmem:s25], [sflag:$0x9] =	stream.linear.gather [hbm4b:s20+s24], $0x2710, $0x38;
	[tilespmem:$0x16F30] =	vst v63  }
0x24: {  	_ =	swait.ge [sflag:s26], $0x2710  }
0x25: {  	[sflag:s26] =	ssyncset.done $0x0  }
0x26: {  	s28 =	simm.s32 @!p0 $0x9;
	s1 =	rddreg [dreg:$0x4];
	[sflag:s26] =	ssyncadd.s32 $0xFFFFD8F0  }
0x27: {  	[spmem:s4], [sflag:s3] =	dma.local @!p0 [hbm:s1], $0x7D0  }
0x28: {  	_ =	swait.ge @!p0 [sflag:s28], $0x7D0  }
0x29: {  	[sflag:s28] =	ssyncset.done @!p0 $0x0  }
0x2a: {  	[sflag:s28] =	ssyncadd.s32 @!p0 $0xFFFFF830  }
0x2b: {  	[bflag:$0x0] =	sbarrier.arrive $0xFFFF  }
0x2c: {  	[tilespmem:s8], [sflag:$0x1] =	stream.indirect.gather [hbm4b:s5+s6], $0x10, s24, s6, $0xb8;
	[tilespmem:$0x16F30] =	vst v63  }
0x2d: {  	_ = 	snop  }
0x2e: {  	[tilespmem:s7], [sflag:$0x2] =	stream.indirect.gather [hbm4b:s5+s6], $0x10, s6, s6, $0xb8;
	[tilespmem:$0x16F30] =	vst v63  }
0x2f: {  	_ =	swait.ge [sflag:s9], $0x3E80  }
0x30: {  	[sflag:s9] =	ssyncset.done $0x0  }
0x31: {  	[sflag:s9] =	ssyncadd.s32 $0xFFFFC180  }
0x32: {  	[spmem:s2] =	stream.indirect.scatter.add.f32 [tilespmem:s8], [sflag:$0x5], $0x10, s25, s6, $0xb8;
	[tilespmem:$0x16F30] =	vst v63  }
0x33: {  	s20 =	rddreg [dreg:$0x7]  }
0x34: {  	[tilespmem:s17], [sflag:$0x3] =	stream.indirect.gather [hbm4b:s5+s6], $0x10, s20, s6, $0xb8;
	[tilespmem:$0x16F30] =	vst v63  }
0x35: {  	_ =	swait.ge [sflag:s10], $0x3E80  }
0x36: {  	[sflag:s10] =	ssyncset.done $0x0  }
0x37: {  	s20 =	rddreg [dreg:$0x8];
	[sflag:s10] =	ssyncadd.s32 $0xFFFFC180  }
0x38: {  	[spmem:s2] =	stream.indirect.scatter.add.f32 [tilespmem:s7], [sflag:$0x6], $0x10, s20, s6, $0xb8;
	[tilespmem:$0x16F30] =	vst v63  }
0x39: {  	s29 =	rddreg [dreg:$0x9]  }
0x3a: {  	[tilespmem:s16], [sflag:$0x4] =	stream.indirect.gather [hbm4b:s5+s6], $0x10, s29, s6, $0xb8;
	[tilespmem:$0x16F30] =	vst v63  }
0x3b: {  	_ =	swait.ge [sflag:s19], $0x3E80  }
0x3c: {  	[sflag:s19] =	ssyncset.done $0x0  }
0x3d: {  	s20 =	rddreg [dreg:$0xa];
	[sflag:s19] =	ssyncadd.s32 $0xFFFFC180  }
0x3e: {  	[spmem:s2] =	stream.indirect.scatter.add.f32 [tilespmem:s17], [sflag:$0x7], $0x10, s20, s6, $0xb8;
	[tilespmem:$0x16F30] =	vst v63  }
0x3f: {  	_ =	swait.ge [sflag:s12], $0x3E80  }
0x40: {  	[sflag:s12] =	ssyncset.done $0x0  }
0x41: {  	s20 =	rddreg [dreg:$0xb];
	[sflag:s12] =	ssyncadd.s32 $0xFFFFC180  }
0x42: {  	[tilespmem:s8], [sflag:$0x1] =	stream.indirect.gather [hbm4b:s5+s6], $0x10, s20, s6, $0xb8;
	[tilespmem:$0x16F30] =	vst v63  }
0x43: {  	_ =	swait.ge [sflag:s18], $0x3E80  }
0x44: {  	[sflag:s18] =	ssyncset.done $0x0  }
0x45: {  	s20 =	rddreg [dreg:$0xc];
	[sflag:s18] =	ssyncadd.s32 $0xFFFFC180  }
0x46: {  	[spmem:s2] =	stream.indirect.scatter.add.f32 [tilespmem:s16], [sflag:$0x8], $0x10, s20, s6, $0xb8;
	[tilespmem:$0x16F30] =	vst v63  }
0x47: {  	_ =	swait.ge [sflag:s14], $0x3E80  }
0x48: {  	[sflag:s14] =	ssyncset.done $0x0  }
0x49: {  	s20 =	rddreg [dreg:$0xd];
	[sflag:s14] =	ssyncadd.s32 $0xFFFFC180  }
0x4a: {  	[tilespmem:s7], [sflag:$0x2] =	stream.indirect.gather [hbm4b:s5+s6], $0x10, s20, s6, $0xb8;
	[tilespmem:$0x16F30] =	vst v63  }
0x4b: {  	_ =	swait.ge [sflag:s9], $0x3E80  }
0x4c: {  	[sflag:s9] =	ssyncset.done $0x0  }
0x4d: {  	s20 =	rddreg [dreg:$0xe];
	[sflag:s9] =	ssyncadd.s32 $0xFFFFC180  }
0x4e: {  	[spmem:s2] =	stream.indirect.scatter.add.f32 [tilespmem:s8], [sflag:$0x5], $0x10, s20, s6, $0xb8;
	[tilespmem:$0x16F30] =	vst v63  }
0x4f: {  	_ =	swait.ge [sflag:s15], $0x3E80  }
0x50: {  	[sflag:s15] =	ssyncset.done $0x0  }
0x51: {  	s20 =	rddreg [dreg:$0xf];
	[sflag:s15] =	ssyncadd.s32 $0xFFFFC180  }
0x52: {  	[tilespmem:s17], [sflag:$0x3] =	stream.indirect.gather [hbm4b:s5+s6], $0x10, s20, s6, $0xb8;
	[tilespmem:$0x16F30] =	vst v63  }
0x53: {  	_ =	swait.ge [sflag:s10], $0x3E80  }
0x54: {  	[sflag:s10] =	ssyncset.done $0x0  }
0x55: {  	s20 =	rddreg [dreg:$0x10];
	[sflag:s10] =	ssyncadd.s32 $0xFFFFC180  }
0x56: {  	[spmem:s2] =	stream.indirect.scatter.add.f32 [tilespmem:s7], [sflag:$0x6], $0x10, s20, s6, $0xb8;
	[tilespmem:$0x16F30] =	vst v63  }
0x57: {  	_ =	swait.ge [sflag:s13], $0x3E80  }
0x58: {  	[sflag:s13] =	ssyncset.done $0x0  }
0x59: {  	s20 =	rddreg [dreg:$0x11];
	[sflag:s13] =	ssyncadd.s32 $0xFFFFC180  }
0x5a: {  	[tilespmem:s16], [sflag:$0x4] =	stream.indirect.gather [hbm4b:s5+s6], $0x10, s20, s6, $0xb8;
	[tilespmem:$0x16F30] =	vst v63  }
0x5b: {  	_ =	swait.ge [sflag:s19], $0x3E80  }
0x5c: {  	[sflag:s19] =	ssyncset.done $0x0  }
0x5d: {  	s20 =	rddreg [dreg:$0x12];
	[sflag:s19] =	ssyncadd.s32 $0xFFFFC180  }
0x5e: {  	[spmem:s2] =	stream.indirect.scatter.add.f32 [tilespmem:s17], [sflag:$0x7], $0x10, s20, s6, $0xb8;
	[tilespmem:$0x16F30] =	vst v63  }
0x5f: {  	_ =	swait.ge [sflag:s12], $0x3E80  }
0x60: {  	[sflag:s12] =	ssyncset.done $0x0  }
0x61: {  	s20 =	rddreg [dreg:$0x13];
	[sflag:s12] =	ssyncadd.s32 $0xFFFFC180  }
0x62: {  	[tilespmem:s8], [sflag:$0x1] =	stream.indirect.gather [hbm4b:s5+s6], $0x10, s20, s6, $0xb8;
	[tilespmem:$0x16F30] =	vst v63  }
0x63: {  	_ =	swait.ge [sflag:s18], $0x3E80  }
0x64: {  	[sflag:s18] =	ssyncset.done $0x0  }
0x65: {  	[sflag:s18] =	ssyncadd.s32 $0xFFFFC180  }
0x66: {  	[spmem:s2] =	stream.indirect.scatter.add.f32 [tilespmem:s16], [sflag:$0x8], $0x10, s31, s6, $0xb8;
	[tilespmem:$0x16F30] =	vst v63  }
0x67: {  	_ =	swait.ge [sflag:s14], $0x3E80  }
0x68: {  	[sflag:s14] =	ssyncset.done $0x0  }
0x69: {  	[sflag:s14] =	ssyncadd.s32 $0xFFFFC180  }
0x6a: {  	[tilespmem:s7], [sflag:$0x2] =	stream.indirect.gather [hbm4b:s5+s6], $0x10, s23, s6, $0xb8;
	[tilespmem:$0x16F30] =	vst v63  }
0x6b: {  	_ =	swait.ge [sflag:s9], $0x3E80  }
0x6c: {  	[sflag:s9] =	ssyncset.done $0x0  }
0x6d: {  	[sflag:s9] =	ssyncadd.s32 $0xFFFFC180  }
0x6e: {  	[spmem:s2] =	stream.indirect.scatter.add.f32 [tilespmem:s8], [sflag:$0x5], $0x10, s22, s6, $0xb8;
	[tilespmem:$0x16F30] =	vst v63  }
0x6f: {  	_ =	swait.ge [sflag:s10], $0x3E80  }
0x70: {  	[sflag:s10] =	ssyncset.done $0x0  }
0x71: {  	[sflag:s10] =	ssyncadd.s32 $0xFFFFC180  }
0x72: {  	[spmem:s2] =	stream.indirect.scatter.add.f32 [tilespmem:s7], [sflag:$0x6], $0x10, s21, s6, $0xb8;
	[tilespmem:$0x16F30] =	vst v63  }
0x73: {  	_ =	swait.ge [sflag:s12], $0x3E80  }
0x74: {  	[sflag:s12] =	ssyncset.done $0x0  }
0x75: {  	[sflag:s12] =	ssyncadd.s32 $0xFFFFC180  }
0x76: {  	_ =	swait.ge [sflag:s14], $0x3E80  }
0x77: {  	[sflag:s14] =	ssyncset.done $0x0  }
0x78: {  	[sflag:s14] =	ssyncadd.s32 $0xFFFFC180  }
0x79: {  	_ =	swait.ge [sflag:s15], $0x3E80  }
0x7a: {  	[sflag:s15] =	ssyncset.done $0x0  }
0x7b: {  	[sflag:s15] =	ssyncadd.s32 $0xFFFFC180  }
0x7c: {  	s30 =	simm.s32 $0x4268;
	s29 =	sadd.s32 $0xFFFFFFFF, s0;
	_ =	swait.ge [sflag:s13], $0x3E80  }
0x7d: {  	p1 =	por $0x1, $0x1;
	p2 =	sne.s32 s29, $0x0;
	[sflag:s13] =	ssyncset.done $0x0  }
.Ltmp1:
0x7e: {  	s1 =	simm.s32 @!p0 $0x2;
	[sflag:s13] =	ssyncadd.s32 $0xFFFFC180;
	(pc) =	sbr.rel @!p2 .LBB2_3-.Ltmp1, $4  }
0x7f: {  	s0 =	simm.s32 @!p0 $0x10;
	s31 =	simm.s32 @!p0 $0x1;
	[bflag:$0x0] =	sbarrier.arrive $0xFFFF  }
0x80: {  	[hbm:s11@s0], [sflag:s3] =	dma.strided @!p0 [spmem:s4@s1], $0x7D0, s31, $0x2   }
0x81: {  	s23 =	simm.s32 $0x2328;
	s22 =	simm.s32 $0x4650;
	_ =	swait.ge @!p0 [sflag:s28], $0x7D0  }
0x82: {  	s21 =	simm.s32 @!p0 $0x2;
	s1 =	rddreg [dreg:$0x5];
	[sflag:s28] =	ssyncset.done @!p0 $0x0  }
.LBB2_4:
0x83: {  	[sflag:s28] =	ssyncadd.s32 @!p0 $0xFFFFF830  }
0x84: {  	[tilespmem:s24], [sflag:$0x9] =	stream.linear.gather [hbm4b:s1+s24], $0x2710, $0x38;
	[tilespmem:$0x16F30] =	vst v63  }
0x85: {  	_ =	swait.ge [sflag:s26], $0x2710  }
0x86: {  	[sflag:s26] =	ssyncset.done $0x0  }
0x87: {  	s20 =	rddreg [dreg:$0x6];
	[sflag:s26] =	ssyncadd.s32 $0xFFFFD8F0  }
0x88: {  	[tilespmem:s25], [sflag:$0x9] =	stream.linear.gather [hbm4b:s20+s24], $0x2710, $0x38;
	[tilespmem:$0x16F30] =	vst v63  }
0x89: {  	_ =	swait.ge [sflag:s26], $0x2710  }
0x8a: {  	[sflag:s26] =	ssyncset.done $0x0  }
0x8b: {  	s1 =	rddreg [dreg:$0x4];
	[sflag:s26] =	ssyncadd.s32 $0xFFFFD8F0  }
0x8c: {  	[spmem:s4], [sflag:s3] =	dma.local @!p0 [hbm:s1], $0x7D0  }
0x8d: {  	_ =	swait.ge @!p0 [sflag:s28], $0x7D0  }
0x8e: {  	[sflag:s28] =	ssyncset.done @!p0 $0x0  }
0x8f: {  	[sflag:s28] =	ssyncadd.s32 @!p0 $0xFFFFF830  }
0x90: {  	[bflag:$0x0] =	sbarrier.arrive $0xFFFF  }
0x91: {  	[tilespmem:s8], [sflag:$0x1] =	stream.indirect.gather [hbm4b:s5+s6], $0x10, s24, s6, $0xb8;
	[tilespmem:$0x16F30] =	vst v63  }
0x92: {  	_ = 	snop  }
0x93: {  	[tilespmem:s7], [sflag:$0x2] =	stream.indirect.gather [hbm4b:s5+s6], $0x10, s6, s6, $0xb8;
	[tilespmem:$0x16F30] =	vst v63  }
0x94: {  	_ =	swait.ge [sflag:s9], $0x3E80  }
0x95: {  	[sflag:s9] =	ssyncset.done $0x0  }
0x96: {  	[sflag:s9] =	ssyncadd.s32 $0xFFFFC180  }
0x97: {  	[spmem:s2] =	stream.indirect.scatter.add.f32 [tilespmem:s8], [sflag:$0x5], $0x10, s25, s6, $0xb8;
	[tilespmem:$0x16F30] =	vst v63  }
0x98: {  	s20 =	rddreg [dreg:$0x7]  }
0x99: {  	[tilespmem:s17], [sflag:$0x3] =	stream.indirect.gather [hbm4b:s5+s6], $0x10, s20, s6, $0xb8;
	[tilespmem:$0x16F30] =	vst v63  }
0x9a: {  	_ =	swait.ge [sflag:s10], $0x3E80  }
0x9b: {  	[sflag:s10] =	ssyncset.done $0x0  }
0x9c: {  	s1 =	rddreg [dreg:$0x8];
	[sflag:s10] =	ssyncadd.s32 $0xFFFFC180  }
0x9d: {  	[spmem:s2] =	stream.indirect.scatter.add.f32 [tilespmem:s7], [sflag:$0x6], $0x10, s1, s6, $0xb8;
	[tilespmem:$0x16F30] =	vst v63  }
0x9e: {  	s20 =	rddreg [dreg:$0x9]  }
0x9f: {  	[tilespmem:s16], [sflag:$0x4] =	stream.indirect.gather [hbm4b:s5+s6], $0x10, s20, s6, $0xb8;
	[tilespmem:$0x16F30] =	vst v63  }
0xa0: {  	_ =	swait.ge [sflag:s19], $0x3E80  }
0xa1: {  	[sflag:s19] =	ssyncset.done $0x0  }
0xa2: {  	s20 =	rddreg [dreg:$0xa];
	[sflag:s19] =	ssyncadd.s32 $0xFFFFC180  }
0xa3: {  	[spmem:s2] =	stream.indirect.scatter.add.f32 [tilespmem:s17], [sflag:$0x7], $0x10, s20, s6, $0xb8;
	[tilespmem:$0x16F30] =	vst v63  }
0xa4: {  	_ =	swait.ge [sflag:s12], $0x3E80  }
0xa5: {  	[sflag:s12] =	ssyncset.done $0x0  }
0xa6: {  	s20 =	rddreg [dreg:$0xb];
	[sflag:s12] =	ssyncadd.s32 $0xFFFFC180  }
0xa7: {  	[tilespmem:s8], [sflag:$0x1] =	stream.indirect.gather [hbm4b:s5+s6], $0x10, s20, s6, $0xb8;
	[tilespmem:$0x16F30] =	vst v63  }
0xa8: {  	_ =	swait.ge [sflag:s18], $0x3E80  }
0xa9: {  	[sflag:s18] =	ssyncset.done $0x0  }
0xaa: {  	s20 =	rddreg [dreg:$0xc];
	[sflag:s18] =	ssyncadd.s32 $0xFFFFC180  }
0xab: {  	[spmem:s2] =	stream.indirect.scatter.add.f32 [tilespmem:s16], [sflag:$0x8], $0x10, s20, s6, $0xb8;
	[tilespmem:$0x16F30] =	vst v63  }
0xac: {  	_ =	swait.ge [sflag:s14], $0x3E80  }
0xad: {  	[sflag:s14] =	ssyncset.done $0x0  }
0xae: {  	s20 =	rddreg [dreg:$0xd];
	[sflag:s14] =	ssyncadd.s32 $0xFFFFC180  }
0xaf: {  	[tilespmem:s7], [sflag:$0x2] =	stream.indirect.gather [hbm4b:s5+s6], $0x10, s20, s6, $0xb8;
	[tilespmem:$0x16F30] =	vst v63  }
0xb0: {  	_ =	swait.ge [sflag:s9], $0x3E80  }
0xb1: {  	[sflag:s9] =	ssyncset.done $0x0  }
0xb2: {  	s20 =	rddreg [dreg:$0xe];
	[sflag:s9] =	ssyncadd.s32 $0xFFFFC180  }
0xb3: {  	[spmem:s2] =	stream.indirect.scatter.add.f32 [tilespmem:s8], [sflag:$0x5], $0x10, s20, s6, $0xb8;
	[tilespmem:$0x16F30] =	vst v63  }
0xb4: {  	_ =	swait.ge [sflag:s15], $0x3E80  }
0xb5: {  	[sflag:s15] =	ssyncset.done $0x0  }
0xb6: {  	s20 =	rddreg [dreg:$0xf];
	[sflag:s15] =	ssyncadd.s32 $0xFFFFC180  }
0xb7: {  	[tilespmem:s17], [sflag:$0x3] =	stream.indirect.gather [hbm4b:s5+s6], $0x10, s20, s6, $0xb8;
	[tilespmem:$0x16F30] =	vst v63  }
0xb8: {  	_ =	swait.ge [sflag:s10], $0x3E80  }
0xb9: {  	[sflag:s10] =	ssyncset.done $0x0  }
0xba: {  	s20 =	rddreg [dreg:$0x10];
	[sflag:s10] =	ssyncadd.s32 $0xFFFFC180  }
0xbb: {  	[spmem:s2] =	stream.indirect.scatter.add.f32 [tilespmem:s7], [sflag:$0x6], $0x10, s20, s6, $0xb8;
	[tilespmem:$0x16F30] =	vst v63  }
0xbc: {  	_ =	swait.ge [sflag:s13], $0x3E80  }
0xbd: {  	[sflag:s13] =	ssyncset.done $0x0  }
0xbe: {  	s20 =	rddreg [dreg:$0x11];
	[sflag:s13] =	ssyncadd.s32 $0xFFFFC180  }
0xbf: {  	[tilespmem:s16], [sflag:$0x4] =	stream.indirect.gather [hbm4b:s5+s6], $0x10, s20, s6, $0xb8;
	[tilespmem:$0x16F30] =	vst v63  }
0xc0: {  	_ =	swait.ge [sflag:s19], $0x3E80  }
0xc1: {  	[sflag:s19] =	ssyncset.done $0x0  }
0xc2: {  	s20 =	rddreg [dreg:$0x12];
	[sflag:s19] =	ssyncadd.s32 $0xFFFFC180  }
0xc3: {  	[spmem:s2] =	stream.indirect.scatter.add.f32 [tilespmem:s17], [sflag:$0x7], $0x10, s20, s6, $0xb8;
	[tilespmem:$0x16F30] =	vst v63  }
0xc4: {  	_ =	swait.ge [sflag:s12], $0x3E80  }
0xc5: {  	[sflag:s12] =	ssyncset.done $0x0  }
0xc6: {  	s20 =	rddreg [dreg:$0x13];
	[sflag:s12] =	ssyncadd.s32 $0xFFFFC180  }
0xc7: {  	[tilespmem:s8], [sflag:$0x1] =	stream.indirect.gather [hbm4b:s5+s6], $0x10, s20, s6, $0xb8;
	[tilespmem:$0x16F30] =	vst v63  }
0xc8: {  	_ =	swait.ge [sflag:s18], $0x3E80  }
0xc9: {  	[sflag:s18] =	ssyncset.done $0x0  }
0xca: {  	[sflag:s18] =	ssyncadd.s32 $0xFFFFC180  }
0xcb: {  	[spmem:s2] =	stream.indirect.scatter.add.f32 [tilespmem:s16], [sflag:$0x8], $0x10, s30, s6, $0xb8;
	[tilespmem:$0x16F30] =	vst v63  }
0xcc: {  	_ =	swait.ge [sflag:s14], $0x3E80  }
0xcd: {  	[sflag:s14] =	ssyncset.done $0x0  }
0xce: {  	[sflag:s14] =	ssyncadd.s32 $0xFFFFC180  }
0xcf: {  	[tilespmem:s7], [sflag:$0x2] =	stream.indirect.gather [hbm4b:s5+s6], $0x10, s23, s6, $0xb8;
	[tilespmem:$0x16F30] =	vst v63  }
0xd0: {  	_ =	swait.ge [sflag:s9], $0x3E80  }
0xd1: {  	[sflag:s9] =	ssyncset.done $0x0  }
0xd2: {  	[sflag:s9] =	ssyncadd.s32 $0xFFFFC180  }
0xd3: {  	[spmem:s2] =	stream.indirect.scatter.add.f32 [tilespmem:s8], [sflag:$0x5], $0x10, s22, s6, $0xb8;
	[tilespmem:$0x16F30] =	vst v63  }
0xd4: {  	_ =	swait.ge [sflag:s10], $0x3E80  }
0xd5: {  	[sflag:s10] =	ssyncset.done $0x0  }
0xd6: {  	s20 =	simm.s32 $0x4A38;
	[sflag:s10] =	ssyncadd.s32 $0xFFFFC180  }
0xd7: {  	[spmem:s2] =	stream.indirect.scatter.add.f32 [tilespmem:s7], [sflag:$0x6], $0x10, s20, s6, $0xb8;
	[tilespmem:$0x16F30] =	vst v63  }
0xd8: {  	_ =	swait.ge [sflag:s12], $0x3E80  }
0xd9: {  	[sflag:s12] =	ssyncset.done $0x0  }
0xda: {  	[sflag:s12] =	ssyncadd.s32 $0xFFFFC180  }
0xdb: {  	_ =	swait.ge [sflag:s14], $0x3E80  }
0xdc: {  	[sflag:s14] =	ssyncset.done $0x0  }
0xdd: {  	[sflag:s14] =	ssyncadd.s32 $0xFFFFC180  }
0xde: {  	_ =	swait.ge [sflag:s15], $0x3E80  }
0xdf: {  	[sflag:s15] =	ssyncset.done $0x0  }
0xe0: {  	[sflag:s15] =	ssyncadd.s32 $0xFFFFC180  }
0xe1: {  	s29 =	sadd.s32 $0xFFFFFFFF, s29;
	_ =	swait.ge [sflag:s13], $0x3E80  }
0xe2: {  	p2 =	sne.s32 s29, $0x0;
	[sflag:s13] =	ssyncset.done $0x0  }
.Ltmp2:
0xe3: {  	[sflag:s13] =	ssyncadd.s32 $0xFFFFC180;
	(pc) =	sbr.rel @p2 .LBB2_4-.Ltmp2, $4  }
0xe4: {  	[bflag:$0x0] =	sbarrier.arrive $0xFFFF  }
0xe5: {  	[hbm:s11@s0], [sflag:s3] =	dma.strided @!p0 [spmem:s4@s21], $0x7D0, s31, $0x2   }
0xe6: {  	_ =	swait.ge @!p0 [sflag:s28], $0x7D0  }
0xe7: {  	s1 =	rddreg [dreg:$0x5];
	[sflag:s28] =	ssyncset.done @!p0 $0x0  }
0xe8: {  	s29 =	rddreg [dreg:$0x3];
	s30 =	stileid.u32;
	s21 =	simm.s32 $0x4A38  }
0xe9: {  	s22 =	simm.s32 $0x4650;
	s23 =	simm.s32 $0x2328;
	s31 =	simm.s32 $0x4268  }
.LBB2_6:
0xea: {  	p1 =	por p0, !p1  }
0xeb: {  	[sflag:s28] =	ssyncadd.s32 @!p1 $0xFFFFF830  }
0xec: {  	[tilespmem:s24], [sflag:$0x9] =	stream.linear.gather [hbm4b:s1+s24], $0x2710, $0x38;
	[tilespmem:$0x16F30] =	vst v63  }
0xed: {  	_ =	swait.ge [sflag:s26], $0x2710  }
0xee: {  	[sflag:s26] =	ssyncset.done $0x0  }
0xef: {  	s0 =	rddreg [dreg:$0x6];
	[sflag:s26] =	ssyncadd.s32 $0xFFFFD8F0  }
0xf0: {  	[tilespmem:s25], [sflag:$0x9] =	stream.linear.gather [hbm4b:s0+s24], $0x2710, $0x38;
	[tilespmem:$0x16F30] =	vst v63  }
0xf1: {  	_ =	swait.ge [sflag:s26], $0x2710  }
0xf2: {  	[sflag:s26] =	ssyncset.done $0x0  }
0xf3: {  	s0 =	rddreg [dreg:$0x4];
	[sflag:s26] =	ssyncadd.s32 $0xFFFFD8F0  }
0xf4: {  	[spmem:s4], [sflag:s3] =	dma.local @!p0 [hbm:s0], $0x7D0  }
0xf5: {  	s0 =	simm.s32 @!p0 $0x9  }
0xf6: {  	_ =	swait.ge @!p0 [sflag:s0], $0x7D0  }
0xf7: {  	[sflag:s0] =	ssyncset.done @!p0 $0x0  }
0xf8: {  	[sflag:s0] =	ssyncadd.s32 @!p0 $0xFFFFF830  }
0xf9: {  	[bflag:$0x0] =	sbarrier.arrive $0xFFFF  }
0xfa: {  	[tilespmem:s8], [sflag:$0x1] =	stream.indirect.gather [hbm4b:s5+s6], $0x10, s24, s6, $0xb8;
	[tilespmem:$0x16F30] =	vst v63  }
0xfb: {  	_ = 	snop  }
0xfc: {  	[tilespmem:s7], [sflag:$0x2] =	stream.indirect.gather [hbm4b:s5+s6], $0x10, s6, s6, $0xb8;
	[tilespmem:$0x16F30] =	vst v63  }
0xfd: {  	_ =	swait.ge [sflag:s9], $0x3E80  }
0xfe: {  	[sflag:s9] =	ssyncset.done $0x0  }
0xff: {  	[sflag:s9] =	ssyncadd.s32 $0xFFFFC180  }
0x100: {  	[spmem:s2] =	stream.indirect.scatter.add.f32 [tilespmem:s8], [sflag:$0x5], $0x10, s25, s6, $0xb8;
	[tilespmem:$0x16F30] =	vst v63  }
0x101: {  	s26 =	rddreg [dreg:$0x7]  }
0x102: {  	[tilespmem:s17], [sflag:$0x3] =	stream.indirect.gather [hbm4b:s5+s6], $0x10, s26, s6, $0xb8;
	[tilespmem:$0x16F30] =	vst v63  }
0x103: {  	_ =	swait.ge [sflag:s10], $0x3E80  }
0x104: {  	[sflag:s10] =	ssyncset.done $0x0  }
0x105: {  	s28 =	rddreg [dreg:$0x8];
	[sflag:s10] =	ssyncadd.s32 $0xFFFFC180  }
0x106: {  	[spmem:s2] =	stream.indirect.scatter.add.f32 [tilespmem:s7], [sflag:$0x6], $0x10, s28, s6, $0xb8;
	[tilespmem:$0x16F30] =	vst v63  }
0x107: {  	s20 =	rddreg [dreg:$0x9]  }
0x108: {  	[tilespmem:s16], [sflag:$0x4] =	stream.indirect.gather [hbm4b:s5+s6], $0x10, s20, s6, $0xb8;
	[tilespmem:$0x16F30] =	vst v63  }
0x109: {  	_ =	swait.ge [sflag:s19], $0x3E80  }
0x10a: {  	[sflag:s19] =	ssyncset.done $0x0  }
0x10b: {  	s20 =	rddreg [dreg:$0xa];
	[sflag:s19] =	ssyncadd.s32 $0xFFFFC180  }
0x10c: {  	[spmem:s2] =	stream.indirect.scatter.add.f32 [tilespmem:s17], [sflag:$0x7], $0x10, s20, s6, $0xb8;
	[tilespmem:$0x16F30] =	vst v63  }
0x10d: {  	_ =	swait.ge [sflag:s12], $0x3E80  }
0x10e: {  	[sflag:s12] =	ssyncset.done $0x0  }
0x10f: {  	s24 =	rddreg [dreg:$0xb];
	[sflag:s12] =	ssyncadd.s32 $0xFFFFC180  }
0x110: {  	[tilespmem:s8], [sflag:$0x1] =	stream.indirect.gather [hbm4b:s5+s6], $0x10, s24, s6, $0xb8;
	[tilespmem:$0x16F30] =	vst v63  }
0x111: {  	_ =	swait.ge [sflag:s18], $0x3E80  }
0x112: {  	[sflag:s18] =	ssyncset.done $0x0  }
0x113: {  	s25 =	rddreg [dreg:$0xc];
	[sflag:s18] =	ssyncadd.s32 $0xFFFFC180  }
0x114: {  	[spmem:s2] =	stream.indirect.scatter.add.f32 [tilespmem:s16], [sflag:$0x8], $0x10, s25, s6, $0xb8;
	[tilespmem:$0x16F30] =	vst v63  }
0x115: {  	_ =	swait.ge [sflag:s14], $0x3E80  }
0x116: {  	[sflag:s14] =	ssyncset.done $0x0  }
0x117: {  	s26 =	rddreg [dreg:$0xd];
	[sflag:s14] =	ssyncadd.s32 $0xFFFFC180  }
0x118: {  	[tilespmem:s7], [sflag:$0x2] =	stream.indirect.gather [hbm4b:s5+s6], $0x10, s26, s6, $0xb8;
	[tilespmem:$0x16F30] =	vst v63  }
0x119: {  	_ =	swait.ge [sflag:s9], $0x3E80  }
0x11a: {  	[sflag:s9] =	ssyncset.done $0x0  }
0x11b: {  	s28 =	rddreg [dreg:$0xe];
	[sflag:s9] =	ssyncadd.s32 $0xFFFFC180  }
0x11c: {  	[spmem:s2] =	stream.indirect.scatter.add.f32 [tilespmem:s8], [sflag:$0x5], $0x10, s28, s6, $0xb8;
	[tilespmem:$0x16F30] =	vst v63  }
0x11d: {  	_ =	swait.ge [sflag:s15], $0x3E80  }
0x11e: {  	[sflag:s15] =	ssyncset.done $0x0  }
0x11f: {  	s20 =	rddreg [dreg:$0xf];
	[sflag:s15] =	ssyncadd.s32 $0xFFFFC180  }
0x120: {  	[tilespmem:s17], [sflag:$0x3] =	stream.indirect.gather [hbm4b:s5+s6], $0x10, s20, s6, $0xb8;
	[tilespmem:$0x16F30] =	vst v63  }
0x121: {  	_ =	swait.ge [sflag:s10], $0x3E80  }
0x122: {  	[sflag:s10] =	ssyncset.done $0x0  }
0x123: {  	s24 =	rddreg [dreg:$0x10];
	[sflag:s10] =	ssyncadd.s32 $0xFFFFC180  }
0x124: {  	[spmem:s2] =	stream.indirect.scatter.add.f32 [tilespmem:s7], [sflag:$0x6], $0x10, s24, s6, $0xb8;
	[tilespmem:$0x16F30] =	vst v63  }
0x125: {  	_ =	swait.ge [sflag:s13], $0x3E80  }
0x126: {  	[sflag:s13] =	ssyncset.done $0x0  }
0x127: {  	s25 =	rddreg [dreg:$0x11];
	[sflag:s13] =	ssyncadd.s32 $0xFFFFC180  }
0x128: {  	[tilespmem:s16], [sflag:$0x4] =	stream.indirect.gather [hbm4b:s5+s6], $0x10, s25, s6, $0xb8;
	[tilespmem:$0x16F30] =	vst v63  }
0x129: {  	_ =	swait.ge [sflag:s19], $0x3E80  }
0x12a: {  	[sflag:s19] =	ssyncset.done $0x0  }
0x12b: {  	s26 =	rddreg [dreg:$0x12];
	[sflag:s19] =	ssyncadd.s32 $0xFFFFC180  }
0x12c: {  	[spmem:s2] =	stream.indirect.scatter.add.f32 [tilespmem:s17], [sflag:$0x7], $0x10, s26, s6, $0xb8;
	[tilespmem:$0x16F30] =	vst v63  }
0x12d: {  	_ =	swait.ge [sflag:s12], $0x3E80  }
0x12e: {  	[sflag:s12] =	ssyncset.done $0x0  }
0x12f: {  	s28 =	rddreg [dreg:$0x13];
	[sflag:s12] =	ssyncadd.s32 $0xFFFFC180  }
0x130: {  	[tilespmem:s8], [sflag:$0x1] =	stream.indirect.gather [hbm4b:s5+s6], $0x10, s28, s6, $0xb8;
	[tilespmem:$0x16F30] =	vst v63  }
0x131: {  	_ =	swait.ge [sflag:s18], $0x3E80  }
0x132: {  	[sflag:s18] =	ssyncset.done $0x0  }
0x133: {  	[sflag:s18] =	ssyncadd.s32 $0xFFFFC180  }
0x134: {  	[spmem:s2] =	stream.indirect.scatter.add.f32 [tilespmem:s16], [sflag:$0x8], $0x10, s31, s6, $0xb8;
	[tilespmem:$0x16F30] =	vst v63  }
0x135: {  	_ =	swait.ge [sflag:s14], $0x3E80  }
0x136: {  	[sflag:s14] =	ssyncset.done $0x0  }
0x137: {  	[sflag:s14] =	ssyncadd.s32 $0xFFFFC180  }
0x138: {  	[tilespmem:s7], [sflag:$0x2] =	stream.indirect.gather [hbm4b:s5+s6], $0x10, s23, s6, $0xb8;
	[tilespmem:$0x16F30] =	vst v63  }
0x139: {  	_ =	swait.ge [sflag:s9], $0x3E80  }
0x13a: {  	[sflag:s9] =	ssyncset.done $0x0  }
0x13b: {  	[sflag:s9] =	ssyncadd.s32 $0xFFFFC180  }
0x13c: {  	[spmem:s2] =	stream.indirect.scatter.add.f32 [tilespmem:s8], [sflag:$0x5], $0x10, s22, s6, $0xb8;
	[tilespmem:$0x16F30] =	vst v63  }
0x13d: {  	_ =	swait.ge [sflag:s10], $0x3E80  }
0x13e: {  	[sflag:s10] =	ssyncset.done $0x0  }
0x13f: {  	[sflag:s10] =	ssyncadd.s32 $0xFFFFC180  }
0x140: {  	[spmem:s2] =	stream.indirect.scatter.add.f32 [tilespmem:s7], [sflag:$0x6], $0x10, s21, s6, $0xb8;
	[tilespmem:$0x16F30] =	vst v63  }
0x141: {  	_ =	swait.ge [sflag:s12], $0x3E80  }
0x142: {  	[sflag:s12] =	ssyncset.done $0x0  }
0x143: {  	[sflag:s12] =	ssyncadd.s32 $0xFFFFC180  }
0x144: {  	_ =	swait.ge [sflag:s14], $0x3E80  }
0x145: {  	[sflag:s14] =	ssyncset.done $0x0  }
0x146: {  	[sflag:s14] =	ssyncadd.s32 $0xFFFFC180  }
0x147: {  	_ =	swait.ge [sflag:s15], $0x3E80  }
0x148: {  	[sflag:s15] =	ssyncset.done $0x0  }
0x149: {  	[sflag:s15] =	ssyncadd.s32 $0xFFFFC180  }
0x14a: {  	_ =	swait.ge [sflag:s13], $0x3E80  }
0x14b: {  	[sflag:s13] =	ssyncset.done $0x0  }
0x14c: {  	s1 =	simm.s32 @!p0 $0x2;
	[sflag:s13] =	ssyncadd.s32 $0xFFFFC180  }
0x14d: {  	s5 =	simm.s32 @!p0 $0x10;
	s2 =	simm.s32 @!p0 $0x1;
	[bflag:$0x0] =	sbarrier.arrive $0xFFFF  }
0x14e: {  	[hbm:s11@s5], [sflag:s3] =	dma.strided @!p0 [spmem:s4@s1], $0x7D0, s2, $0x2   }
0x14f: {  	_ =	swait.ge @!p0 [sflag:s0], $0x7D0  }
0x150: {  	[sflag:s0] =	ssyncset.done @!p0 $0x0  }
0x151: {  	[sflag:s0] =	ssyncadd.s32 @!p0 $0xFFFFF830  }
0x152: {  	_ =	sfence.sel $0x180000  }
0x153: {  	[bflag:$0x0] =	sbarrier.arrive $0xFFFF  }
0x154: {  	p0 =	sne.s32 s30, $0x0;
	_ =	strace $0x9000004D  }
0x155: {  	s0 =	sadd.s32 @!p0 $0x100000, s29;
	[bflag:$0x2] =	sbarrier.arrive $0xFFFF  }
0x156: {  	[sflag:s0] =	ssyncadd.tile.s32 @!p0 $0x1;
	_ =	shalt  }
.LBB2_1:
.Ltmp3:
0x157: {  	(pc) =	sbr.rel .LBB2_6-.Ltmp3, $2  }
0x158: {  	_ =	sdelay $0x2  }
0x159: {  	_ = 	snop  }
.LBB2_3:
.Ltmp4:
0x15a: {  	(pc) =	sbr.rel .LBB2_6-.Ltmp4, $3  }
0x15b: {  	_ =	sdelay $0x1  }
0x15c: {  	s29 =	rddreg [dreg:$0x3];
	s30 =	stileid.u32;
	s21 =	simm.s32 $0x4A38  }
0x15d: {  	s22 =	simm.s32 $0x4650;
	s23 =	simm.s32 $0x2328;
	s31 =	simm.s32 $0x4268  }
.Lfunc_end2:
_tile_overlayer_lowered:
.L_overlay_start_2:
0x15e: {  	(tag) =	ssettag $0x2  }
0x15f: {  	s0 =	rddreg [dreg:$0x0];
	s2 =	stileid.u32  }
0x160: {  	s1 =	rddreg [dreg:$0x1];
	p0 =	sne.s32 s2, $0x0  }
0x161: {  	s3 =	rddreg [dreg:$0x2];
	[bflag:$0x3] =	sbarrier.arrive $0xFFFF;
	s2 =	simm.s32 @!p0 $0x1C09  }
0x162: {  	[timem:s3], [sflag:s2] =	dma.local @!p0 [hbm:s0], s1  }
0x163: {  	s0 =	simm.s32 @!p0 $0x9  }
0x164: {  	_ =	swait.ge @!p0 [sflag:s0], s1  }
0x165: {  	s1 =	ssub.s32 @!p0 $0x0, s1;
	[sflag:s0] =	ssyncset.done @!p0 $0x0  }
0x166: {  	[sflag:s0] =	ssyncadd.s32 @!p0 s1  }
0x167: {  	[bflag:$0x3] =	sbarrier.arrive $0xFFFF  }
0x168: {  	_ =	shalt  }

// kernel: kernel.8.cloned.1.call-start
scs
__scs_entry_jumppad:
0x0: {  	(pc) =	sbr.rel $0x88, $3  }
0x1: {  	(tag) =	ssettag $0x0;
	lr =	simm.s32 $0x1  }
0x2: {  	[smem:$0x3F9B] =	sst lr;
	_ =	strace $0xD0000000  }
0x3: {  	_ = 	snop  }
0x4: {  	_ = 	snop  }
0x5: {  	_ = 	snop  }
0x6: {  	_ = 	snop  }
0x7: {  	_ = 	snop  }
__scs_overlays_trampoline_lowered:
0x8: {  	[smem:$0x3FAA] =	sst s0  }
0x9: {  	[smem:$0x3FAB] =	sst s1  }
0xa: {  	[smem:$0x3FAC] =	sst s2  }
0xb: {  	[smem:$0x3FAD] =	sst s3  }
0xc: {  	[smem:$0x3FAE] =	sst s4  }
0xd: {  	[smem:$0x3FAF] =	sst s5  }
0xe: {  	[smem:$0x3FB0] =	sst s6  }
0xf: {  	[smem:$0x3FB1] =	sst s7  }
0x10: {  	[smem:$0x3FB2] =	sst s8  }
0x11: {  	[smem:$0x3FB3] =	sst s9;
	s0 =	simm.s32 @!p0 $0x0  }
0x12: {  	s1 =	sld [smem:$0x3F99];
	s0 =	simm.s32 @p0 $0x1  }
0x13: {  	[smem:$0x3FB4] =	sst s0;
	s0 =	simm.s32 @!p1 $0x0  }
0x14: {  	s2 =	sld [smem:$0x3F98];
	s0 =	simm.s32 @p1 $0x1  }
0x15: {  	[smem:$0x3FB5] =	sst s0;
	s0 =	simm.s32 @!p2 $0x0  }
0x16: {  	s3 =	sld [smem:$0x3FDB];
	s0 =	simm.s32 @p2 $0x1  }
0x17: {  	s4 =	simm.s32 $0x1BF5;
	[smem:$0x3FB7] =	sst s0  }
0x18: {  	s0 =	sld [smem:$0x3F9A];
	_ =	swait.ge [sflag:s4], $0x0  }
0x19: {  	s7 =	sld [smem:$0x3F9B]  }
0x1a: {  	s8 =	sadd.s32 $0xFFFFE003, lr  }
0x1b: {  	s9 =	sadd.s32 $0xFFFFFEF7, lr;
	s5 =	simm.s32 $0xFFFFFFFF;
	p2 =	slt.u32 s8, $0xFFFFF086  }
0x1c: {  	p1 =	slt.u32 s9, $0xF7A;
	s5 =	simm.s32 @!p2 $0x0  }
0x1d: {  	s5 =	simm.s32 @p1 $0x1;
	p0 =	seq.s32 s7, s2  }
0x1e: {  	s7 =	smul.u32 @!p0 $0xF7A, s2;
	p2 =	seq.s32 @!p0 s5, $0x0  }
0x1f: {  	s9 =	smul.u32 $0xF7A, s1;
	s8 =	simm.s32 @!p0 $0x1BF5;
	p2 =	por !p2, p0  }
0x20: {  	[sflag:s8] =	ssyncset.s32 @!p0 $0xFFFFF086;
	s6 =	sadd.s32 @!p0 s3, s7;
	s7 =	simm.s32 @!p0 $0x108  }
0x21: {  	s3 =	sadd.s32 s3, s9;
	s6 =	sadd.s32 @!p0 $0x88, s6;
	s7 =	simm.s32 @p2 $0x1082  }
0x22: {  	[simem:s7], [sflag:s8] =	dma.local @!p0 [hbm:s6], $0xF7A  }
0x23: {  	s9 =	sor.u32 $0xD0000000, s2;
	s6 =	simm.s32 $0x108;
	_ =	swait.ge @!p0 [sflag:s8], $0x0  }
0x24: {  	s3 =	sadd.s32 $0x88, s3;
	s6 =	simm.s32 @!p1 $0x1082;
	[sflag:s4] =	ssyncset.s32 $0xFFFFF086  }
0x25: {  	[simem:s6], [sflag:s4] =	dma.local [hbm:s3], $0xF7A  }
0x26: {  	[smem:$0x3F9B] =	sst s1;
	(tag) =	ssettag s2;
	_ =	strace s9  }
0x27: {  	s1 =	sld [smem:$0x3FAB]  }
0x28: {  	s2 =	sld [smem:$0x3FAC]  }
0x29: {  	s4 =	sld [smem:$0x3FAE]  }
0x2a: {  	p0 =	seq.s32 s5, $0x0;
	s5 =	sld [smem:$0x3FAF]  }
0x2b: {  	s6 =	sld [smem:$0x3FB0]  }
0x2c: {  	s7 =	sld [smem:$0x3FB1]  }
0x2d: {  	s3 =	simm.s32 $0x108;
	s8 =	sld [smem:$0x3FB2]  }
0x2e: {  	s3 =	simm.s32 @!p0 $0x1082;
	s9 =	sld [smem:$0x3FB3]  }
0x2f: {  	lr =	sadd.s32 s0, s3;
	s0 =	sld [smem:$0x3FAA]  }
0x30: {  	s3 =	sld [smem:$0x3FAD]  }
0x31: {  	[smem:$0x3FB6] =	sst s10  }
0x32: {  	s10 =	sld [smem:$0x3FB4];
	_ =	sdelay $0x3  }
0x33: {  	p0 =	seq.s32 s10, $0x1;
	s10 =	sld [smem:$0x3FB6];
	_ =	sdelay $0x3  }
0x34: {  	[smem:$0x3FB6] =	sst s10  }
0x35: {  	s10 =	sld [smem:$0x3FB5];
	_ =	sdelay $0x3  }
0x36: {  	p1 =	seq.s32 s10, $0x1;
	s10 =	sld [smem:$0x3FB6];
	_ =	sdelay $0x3  }
0x37: {  	[smem:$0x3FB6] =	sst s10  }
0x38: {  	s10 =	sld [smem:$0x3FB7]  }
0x39: {  	_ = 	snop;
	(pc) =	sbr.ind lr, $3  }
0x3a: {  	_ = 	snop  }
0x3b: {  	_ = 	snop  }
0x3c: {  	p2 =	seq.s32 s10, $0x1;
	s10 =	sld [smem:$0x3FB6]  }
0x3d: {  	_ =	shalt  }
0x3e: {  	_ =	shalt  }
0x3f: {  	_ =	shalt  }
0x40: {  	_ =	shalt  }
0x41: {  	_ =	shalt  }
0x42: {  	_ =	shalt  }
0x43: {  	_ =	shalt  }
0x44: {  	_ =	shalt  }
0x45: {  	_ =	shalt  }
0x46: {  	_ =	shalt  }
0x47: {  	_ =	shalt  }
0x48: {  	_ =	shalt  }
0x49: {  	_ =	shalt  }
0x4a: {  	_ =	shalt  }
0x4b: {  	_ =	shalt  }
0x4c: {  	_ =	shalt  }
0x4d: {  	_ =	shalt  }
0x4e: {  	_ =	shalt  }
0x4f: {  	_ =	shalt  }
0x50: {  	_ =	shalt  }
0x51: {  	_ =	shalt  }
0x52: {  	_ =	shalt  }
0x53: {  	_ =	shalt  }
0x54: {  	_ =	shalt  }
0x55: {  	_ =	shalt  }
0x56: {  	_ =	shalt  }
0x57: {  	_ =	shalt  }
0x58: {  	_ =	shalt  }
0x59: {  	_ =	shalt  }
0x5a: {  	_ =	shalt  }
0x5b: {  	_ =	shalt  }
0x5c: {  	_ =	shalt  }
0x5d: {  	_ =	shalt  }
0x5e: {  	_ =	shalt  }
0x5f: {  	_ =	shalt  }
0x60: {  	_ =	shalt  }
0x61: {  	_ =	shalt  }
0x62: {  	_ =	shalt  }
0x63: {  	_ =	shalt  }
0x64: {  	_ =	shalt  }
0x65: {  	_ =	shalt  }
0x66: {  	_ =	shalt  }
0x67: {  	_ =	shalt  }
0x68: {  	_ =	shalt  }
0x69: {  	_ =	shalt  }
0x6a: {  	_ =	shalt  }
0x6b: {  	_ =	shalt  }
0x6c: {  	_ =	shalt  }
0x6d: {  	_ =	shalt  }
0x6e: {  	_ =	shalt  }
0x6f: {  	_ =	shalt  }
0x70: {  	_ =	shalt  }
0x71: {  	_ =	shalt  }
0x72: {  	_ =	shalt  }
0x73: {  	_ =	shalt  }
0x74: {  	_ =	shalt  }
0x75: {  	_ =	shalt  }
0x76: {  	_ =	shalt  }
0x77: {  	_ =	shalt  }
0x78: {  	_ =	shalt  }
0x79: {  	_ =	shalt  }
0x7a: {  	_ =	shalt  }
0x7b: {  	_ =	shalt  }
0x7c: {  	_ =	shalt  }
0x7d: {  	_ =	shalt  }
0x7e: {  	_ =	shalt  }
0x7f: {  	_ =	shalt  }
0x80: {  	_ =	shalt  }
0x81: {  	_ =	shalt  }
0x82: {  	_ =	shalt  }
0x83: {  	_ =	shalt  }
0x84: {  	_ =	shalt  }
0x85: {  	_ =	shalt  }
0x86: {  	_ =	shalt  }
0x87: {  	_ =	shalt  }
.Lfunc_end0:
.L_simem_size_0:
called_computation_lowered:
.L_overlay_start_0:
0x88: {  	s2 =	sld [smem:$0x3FD9]  }
0x89: {  	s3 =	sld [smem:$0x3FFE];
	_ =	sdelay $0x1  }
0x8a: {  	s1 =	srdreg.scid  }
0x8b: {  	s0 =	sand.u32 $0x1, s1  }
0x8c: {  	s17 =	sshll.u32 s0, $0xA;
	s2 =	sadd.s32 s3, s2  }
0x8d: {  	s2 =	sadd.s32 s2, s17  }
0x8e: {  	[smem:$0x3FC2] =	sst s2  }
0x8f: {  	_ = 	snop  }
0x90: {  	s2 =	sld [smem:$0x3FD0];
	(tm) =	ssettm $0x1  }
0x91: {  	s18 =	sld [smem:$0x3FFB];
	_ =	sdelay $0x3  }
0x92: {  	_ =	strace s18  }
0x93: {  	s3 =	sld [smem:$0x3FFC];
	_ =	sdelay $0x3  }
0x94: {  	_ =	strace s3  }
0x95: {  	s3 =	sld [smem:$0x3FFD];
	_ =	sdelay $0x3  }
0x96: {  	_ =	strace s3  }
0x97: {  	_ =	strace $0x8FFFFFFF  }
0x98: {  	s19 =	sld [smem:$0x3FDB];
	_ =	sdelay $0x1  }
0x99: {  	s4 =	simm.s32 $_scs_section_size  }
0x9a: {  	s5 =	simm.s32 $_size__tile_overlayer_lowered;
	s6 =	simm.s32 $_tile_overlayer_lowered  }
0x9b: {  	s22 =	simm.s32 $0x1BFF;
	s21 =	sshll.u32 s6, $0x1;
	s3 =	sadd.s32 s4, s19  }
0x9c: {  	s7 =	simm.s32 $0x0;
	s20 =	sshll.u32 s5, $0x1;
	s5 =	sadd.s32 s21, s3  }
0x9d: {  	[timem:s7], [sflag:s22] =	dma.local [hbm:s5], s20  }
0x9e: {  	_ =	swait.ge [sflag:s22], s20  }
0x9f: {  	s4 =	ssub.s32 $0x0, s20;
	[sflag:s22] =	ssyncset.done $0x0  }
0xa0: {  	[sflag:s22] =	ssyncadd.s32 s4;
	_ =	sdelay $0x1  }
0xa1: {  	s23 =	simm.s32 $0x1B8B  }
0xa2: {  	_ =	swait.ge [sflag:s23], $0x1  }
0xa3: {  	[sflag:s23] =	ssyncset.done $0x0  }
0xa4: {  	s25 =	simm.s32 $0x1B8E;
	s24 =	sld [smem:$0x3FFE];
	[sflag:s23] =	ssyncadd.s32 $0xFFFFFFFF  }
0xa5: {  	s26 =	simm.s32 $execute0_lowered;
	[smem:$0x3FD2] =	sst s25  }
0xa6: {  	s5 =	sshll.u32 s26, $0x1;
	_ =	strace $0x80000046;
	[dreg:$0x1] =	wrdreg $0xFFFFFFFF  }
0xa7: {  	s28 =	simm.s32 $_size_execute0_lowered;
	s3 =	sadd.s32 s3, s5;
	[dreg:$0x0] =	wrdreg $0x0  }
0xa8: {  	s5 =	sshll.u32 s28, $0x1;
	[dreg:$0x2] =	wrdreg s3  }
0xa9: {  	[dreg:$0x3] =	wrdreg s5  }
0xaa: {  	[dreg:$0x4] =	wrdreg $0xC0  }
0xab: {  	_ =	task [dreg:s7], $0x5FFFF  }
0xac: {  	[dreg:$0x1] =	wrdreg $0xFFFFFFFF  }
0xad: {  	[dreg:$0x0] =	wrdreg $0x60  }
0xae: {  	[dreg:$0x2] =	wrdreg s24  }
0xaf: {  	[dreg:$0x3] =	wrdreg s2  }
0xb0: {  	[dreg:$0x4] =	wrdreg $0x46500  }
0xb1: {  	[dreg:$0x5] =	wrdreg $0x9  }
0xb2: {  	_ =	task.clear_ibuf [dreg:s7], $0x6FFFF;
	_ =	strace $0x90000046  }
0xb3: {  	s29 =	simm.s32 $0x9;
	_ =	strace $0x80000048  }
0xb4: {  	_ =	swait.ge [sflag:s29], $0x1  }
0xb5: {  	[sflag:s29] =	ssyncadd.s32 $0xFFFFFFFF  }
0xb6: {  	_ =	strace $0x90000048  }
0xb7: {  	_ =	sfence  }
0xb8: {  	s30 =	sld [smem:$0x0];
	_ =	sdelay $0x2  }
0xb9: {  	s31 =	sshll.u32 s1, $0xD;
	s1 =	sshrl.u32 s1, $0x2  }
0xba: {  	s3 =	sand.u32 $0x4000, s31;
	s1 =	sadd.s32 s1, s30  }
0xbb: {  	s0 =	sor.u32 s3, s0;
	s1 =	sshll.u32 s1, $0x11  }
0xbc: {  	s0 =	sor.u32 s1, s0  }
0xbd: {  	s0 =	sadd.s32 $0x8F2B, s0  }
0xbe: {  	[sflag:s0] =	ssyncadd.remote.s32 $0x1  }
0xbf: {  	_ =	sfence.sel $0xFFFF  }
0xc0: {  	[dreg:$0x0] =	wrdreg $0xFFFFFFFF;
	(pc) =	sbr.abs _section_cstart, $3  }
0xc1: {  	[dreg:$0x1] =	wrdreg $0xFFFFFFFF  }
0xc2: {  	_ =	task.clear_ibuf [dreg:s7], $0x2FFFF;
	_ =	strace $0x9FFFFFFF  }
0xc3: {  	(tm) =	ssettm $0x7FFFFFFF  }
tec
execute0_lowered:
.L_overlay_start_1:
0x0: {  	(tag) =	ssettag $0x1  }
0x1: {  	s0 =	srdreg.scid  }
0x2: {  	s21 =	sand.u32 $0x1, s0  }
0x3: {  	s0 =	stileid.u32;
	s1 =	sshll.u32 s21, $0x4  }
0x4: {  	s20 =	rddreg [dreg:$0x0];
	s1 =	sor.u32 s0, s1  }
0x5: {  	s2 =	rddreg [dreg:$0x1];
	s5 =	smul.u32 $0x4E2, s1  }
0x6: {  	s3 =	rddreg [dreg:$0x2];
	s4 =	simm.s32 $0x0  }
0x7: {  	s6 =	simm.s32 $0x1;
	[smem:$0x7FF] =	sst s4;
	s5 =	sadd.s32 s5, s20  }
0x8: {  	s1 =	rddreg [dreg:$0x3];
	_ =	strace $0x80000047;
	s5 =	sadd.s32 $0x1400, s5  }
0x9: {  	[tilespmem:s4], [sflag:$0x1] =	stream.linear.gather [hbm4b:s5+s4], $0x2710, $0x38;
	[tilespmem:$0x59D8] =	vst v63  }
0xa: {  	_ =	swait.ge [sflag:s6], $0x2710  }
0xb: {  	s8 =	simm.s32 $0x2710;
	s7 =	sadd.s32 $0x15000, s20;
	[sflag:s6] =	ssyncset.done $0x0  }
0xc: {  	s9 =	smul.u32 $0x7D00, s0;
	p0 =	sgt.u32 s0, $0x9;
	[sflag:s6] =	ssyncadd.s32 $0xFFFFD8F0  }
0xd: {  	[tilespmem:s8], [sflag:$0x1] =	stream.linear.gather [hbm4b:s2+s4], $0x1F40, $0x38;
	[tilespmem:$0x59D8] =	vst v63  }
0xe: {  	s10 =	sshll.u32 @!p0 s0, $0x6;
	s9 =	sshrl.u32 s9, $0x2;
	_ =	swait.ge [sflag:s6], $0x1F40  }
0xf: {  	s10 =	sor.u32 @!p0 $0x1C01, s10;
	s9 =	sadd.s32 s9, s3;
	[sflag:s6] =	ssyncset.done $0x0  }
0x10: {  	s11 =	sshrl.u32 @!p0 s9, $0x3;
	s9 =	simm.s32 @!p0 $0x1;
	[sflag:s6] =	ssyncadd.s32 $0xFFFFE0C0  }
0x11: {  	[spmem:s11], [sflag:s10] =	dma.local @!p0 [hbm:s7], $0x3E8  }
0x12: {  	_ =	swait.ge @!p0 [sflag:s9], $0x3E8  }
0x13: {  	[sflag:s9] =	ssyncset.done @!p0 $0x0  }
0x14: {  	[sflag:s9] =	ssyncadd.s32 @!p0 $0xFFFFFC18  }
0x15: {  	s12 =	simm.s32 $0x3E8;
	[bflag:$0x0] =	sbarrier.arrive $0xFFFF  }
0x16: {  	[spmem:s3] =	stream.indirect.scatter.add.f32 [tilespmem:s8], [sflag:$0x1], $0x8, s4, s12, $0xb8;
	[tilespmem:$0x59D8] =	vst v63  }
0x17: {  	_ =	swait.ge [sflag:s6], $0x1F40  }
0x18: {  	[sflag:s6] =	ssyncset.done $0x0  }
0x19: {  	[sflag:s6] =	ssyncadd.s32 $0xFFFFE0C0  }
0x1a: {  	[spmem:s3] =	stream.indirect.scatter.add.f32 [tilespmem:s8], [sflag:$0x1], $0x8, s12, s12, $0xb8;
	[tilespmem:$0x59D8] =	vst v63  }
0x1b: {  	_ =	swait.ge [sflag:s6], $0x1F40  }
0x1c: {  	[sflag:s6] =	ssyncset.done $0x0  }
0x1d: {  	s13 =	simm.s32 $0x7D0;
	[sflag:s6] =	ssyncadd.s32 $0xFFFFE0C0  }
0x1e: {  	[spmem:s3] =	stream.indirect.scatter.add.f32 [tilespmem:s8], [sflag:$0x1], $0x8, s13, s12, $0xb8;
	[tilespmem:$0x59D8] =	vst v63  }
0x1f: {  	_ =	swait.ge [sflag:s6], $0x1F40  }
0x20: {  	[sflag:s6] =	ssyncset.done $0x0  }
0x21: {  	s14 =	simm.s32 $0xBB8;
	[sflag:s6] =	ssyncadd.s32 $0xFFFFE0C0  }
0x22: {  	[spmem:s3] =	stream.indirect.scatter.add.f32 [tilespmem:s8], [sflag:$0x1], $0x8, s14, s12, $0xb8;
	[tilespmem:$0x59D8] =	vst v63  }
0x23: {  	_ =	swait.ge [sflag:s6], $0x1F40  }
0x24: {  	[sflag:s6] =	ssyncset.done $0x0  }
0x25: {  	s15 =	simm.s32 $0xFA0;
	[sflag:s6] =	ssyncadd.s32 $0xFFFFE0C0  }
0x26: {  	[spmem:s3] =	stream.indirect.scatter.add.f32 [tilespmem:s8], [sflag:$0x1], $0x8, s15, s12, $0xb8;
	[tilespmem:$0x59D8] =	vst v63  }
0x27: {  	_ =	swait.ge [sflag:s6], $0x1F40  }
0x28: {  	[sflag:s6] =	ssyncset.done $0x0  }
0x29: {  	s16 =	simm.s32 $0x1388;
	[sflag:s6] =	ssyncadd.s32 $0xFFFFE0C0  }
0x2a: {  	[spmem:s3] =	stream.indirect.scatter.add.f32 [tilespmem:s8], [sflag:$0x1], $0x8, s16, s12, $0xb8;
	[tilespmem:$0x59D8] =	vst v63  }
0x2b: {  	_ =	swait.ge [sflag:s6], $0x1F40  }
0x2c: {  	[sflag:s6] =	ssyncset.done $0x0  }
0x2d: {  	s17 =	simm.s32 $0x1770;
	[sflag:s6] =	ssyncadd.s32 $0xFFFFE0C0  }
0x2e: {  	[spmem:s3] =	stream.indirect.scatter.add.f32 [tilespmem:s8], [sflag:$0x1], $0x8, s17, s12, $0xb8;
	[tilespmem:$0x59D8] =	vst v63  }
0x2f: {  	_ =	swait.ge [sflag:s6], $0x1F40  }
0x30: {  	[sflag:s6] =	ssyncset.done $0x0  }
0x31: {  	s18 =	simm.s32 $0x1B58;
	[sflag:s6] =	ssyncadd.s32 $0xFFFFE0C0  }
0x32: {  	[spmem:s3] =	stream.indirect.scatter.add.f32 [tilespmem:s8], [sflag:$0x1], $0x8, s18, s12, $0xb8;
	[tilespmem:$0x59D8] =	vst v63  }
0x33: {  	_ =	swait.ge [sflag:s6], $0x1F40  }
0x34: {  	s19 =	simm.s32 $0x1F40;
	s22 =	smul.u32 $0x2710, s21;
	[sflag:s6] =	ssyncset.done $0x0  }
0x35: {  	s21 =	ssub.s32 $0x2, s21;
	s24 =	smul.u32 $0x1F40, s0;
	[sflag:s6] =	ssyncadd.s32 $0xFFFFE0C0  }
0x36: {  	[spmem:s3] =	stream.indirect.scatter.add.f32 [tilespmem:s8], [sflag:$0x1], $0x8, s19, s12, $0xb8;
	[tilespmem:$0x59D8] =	vst v63  }
0x37: {  	s23 =	sshrl.u32 s21, $0x1;
	s22 =	sadd.s32 s22, s20;
	_ =	swait.ge [sflag:s6], $0x1F40  }
0x38: {  	s25 =	sshrl.u32 s24, $0x3;
	s23 =	ssub.s32 s21, s23;
	[sflag:s6] =	ssyncset.done $0x0  }
0x39: {  	s23 =	smax.u32 s23, $0x1;
	s20 =	simm.s32 $0x2328;
	[sflag:s6] =	ssyncadd.s32 $0xFFFFE0C0  }
0x3a: {  	[spmem:s3] =	stream.indirect.scatter.add.f32 [tilespmem:s8], [sflag:$0x1], $0x8, s20, s12, $0xb8;
	[tilespmem:$0x59D8] =	vst v63  }
0x3b: {  	s22 =	sadd.s32 $0x15400, s22;
	s23 =	sadd.s32 $0xFFFFFFFF, s23;
	_ =	swait.ge [sflag:s6], $0x1F40  }
0x3c: {  	s21 =	sadd.s32 @!p0 s25, s22;
	p1 =	sne.s32 s23, $0x0;
	[sflag:s6] =	ssyncset.done $0x0  }
.Ltmp0:
0x3d: {  	s22 =	sadd.s32 s24, s3;
	[sflag:s6] =	ssyncadd.s32 $0xFFFFE0C0;
	(pc) =	sbr.rel @!p1 .LBB2_2-.Ltmp0, $4  }
0x3e: {  	s22 =	sshrl.u32 @!p0 s22, $0x3;
	[bflag:$0x0] =	sbarrier.arrive $0xFFFF  }
0x3f: {  	[hbm:s21], [sflag:s10] =	dma.local @!p0 [spmem:s22], $0x3E8  }
0x40: {  	_ =	swait.ge @!p0 [sflag:s9], $0x3E8  }
0x41: {  	[sflag:s9] =	ssyncset.done @!p0 $0x0  }
.LBB2_1:
0x42: {  	s23 =	sadd.s32 $0xFFFFFFFF, s23;
	[sflag:s9] =	ssyncadd.s32 @!p0 $0xFFFFFC18  }
0x43: {  	[tilespmem:s4], [sflag:$0x1] =	stream.linear.gather [hbm4b:s5+s4], $0x2710, $0x38;
	[tilespmem:$0x59D8] =	vst v63  }
0x44: {  	p1 =	sne.s32 s23, $0x0;
	_ =	swait.ge [sflag:s6], $0x2710  }
0x45: {  	[sflag:s6] =	ssyncset.done $0x0  }
0x46: {  	[sflag:s6] =	ssyncadd.s32 $0xFFFFD8F0  }
0x47: {  	[tilespmem:s8], [sflag:$0x1] =	stream.linear.gather [hbm4b:s2+s4], $0x1F40, $0x38;
	[tilespmem:$0x59D8] =	vst v63  }
0x48: {  	_ =	swait.ge [sflag:s6], $0x1F40  }
0x49: {  	[sflag:s6] =	ssyncset.done $0x0  }
0x4a: {  	[sflag:s6] =	ssyncadd.s32 $0xFFFFE0C0  }
0x4b: {  	[spmem:s11], [sflag:s10] =	dma.local @!p0 [hbm:s7], $0x3E8  }
0x4c: {  	_ =	swait.ge @!p0 [sflag:s9], $0x3E8  }
0x4d: {  	[sflag:s9] =	ssyncset.done @!p0 $0x0  }
0x4e: {  	[sflag:s9] =	ssyncadd.s32 @!p0 $0xFFFFFC18  }
0x4f: {  	[bflag:$0x0] =	sbarrier.arrive $0xFFFF  }
0x50: {  	[spmem:s3] =	stream.indirect.scatter.add.f32 [tilespmem:s8], [sflag:$0x1], $0x8, s4, s12, $0xb8;
	[tilespmem:$0x59D8] =	vst v63  }
0x51: {  	_ =	swait.ge [sflag:s6], $0x1F40  }
0x52: {  	[sflag:s6] =	ssyncset.done $0x0  }
0x53: {  	[sflag:s6] =	ssyncadd.s32 $0xFFFFE0C0  }
0x54: {  	[spmem:s3] =	stream.indirect.scatter.add.f32 [tilespmem:s8], [sflag:$0x1], $0x8, s12, s12, $0xb8;
	[tilespmem:$0x59D8] =	vst v63  }
0x55: {  	_ =	swait.ge [sflag:s6], $0x1F40  }
0x56: {  	[sflag:s6] =	ssyncset.done $0x0  }
0x57: {  	[sflag:s6] =	ssyncadd.s32 $0xFFFFE0C0  }
0x58: {  	[spmem:s3] =	stream.indirect.scatter.add.f32 [tilespmem:s8], [sflag:$0x1], $0x8, s13, s12, $0xb8;
	[tilespmem:$0x59D8] =	vst v63  }
0x59: {  	_ =	swait.ge [sflag:s6], $0x1F40  }
0x5a: {  	[sflag:s6] =	ssyncset.done $0x0  }
0x5b: {  	[sflag:s6] =	ssyncadd.s32 $0xFFFFE0C0  }
0x5c: {  	[spmem:s3] =	stream.indirect.scatter.add.f32 [tilespmem:s8], [sflag:$0x1], $0x8, s14, s12, $0xb8;
	[tilespmem:$0x59D8] =	vst v63  }
0x5d: {  	_ =	swait.ge [sflag:s6], $0x1F40  }
0x5e: {  	[sflag:s6] =	ssyncset.done $0x0  }
0x5f: {  	[sflag:s6] =	ssyncadd.s32 $0xFFFFE0C0  }
0x60: {  	[spmem:s3] =	stream.indirect.scatter.add.f32 [tilespmem:s8], [sflag:$0x1], $0x8, s15, s12, $0xb8;
	[tilespmem:$0x59D8] =	vst v63  }
0x61: {  	_ =	swait.ge [sflag:s6], $0x1F40  }
0x62: {  	[sflag:s6] =	ssyncset.done $0x0  }
0x63: {  	[sflag:s6] =	ssyncadd.s32 $0xFFFFE0C0  }
0x64: {  	[spmem:s3] =	stream.indirect.scatter.add.f32 [tilespmem:s8], [sflag:$0x1], $0x8, s16, s12, $0xb8;
	[tilespmem:$0x59D8] =	vst v63  }
0x65: {  	_ =	swait.ge [sflag:s6], $0x1F40  }
0x66: {  	[sflag:s6] =	ssyncset.done $0x0  }
0x67: {  	[sflag:s6] =	ssyncadd.s32 $0xFFFFE0C0  }
0x68: {  	[spmem:s3] =	stream.indirect.scatter.add.f32 [tilespmem:s8], [sflag:$0x1], $0x8, s17, s12, $0xb8;
	[tilespmem:$0x59D8] =	vst v63  }
0x69: {  	_ =	swait.ge [sflag:s6], $0x1F40  }
0x6a: {  	[sflag:s6] =	ssyncset.done $0x0  }
0x6b: {  	[sflag:s6] =	ssyncadd.s32 $0xFFFFE0C0  }
0x6c: {  	[spmem:s3] =	stream.indirect.scatter.add.f32 [tilespmem:s8], [sflag:$0x1], $0x8, s18, s12, $0xb8;
	[tilespmem:$0x59D8] =	vst v63  }
0x6d: {  	_ =	swait.ge [sflag:s6], $0x1F40  }
0x6e: {  	[sflag:s6] =	ssyncset.done $0x0  }
0x6f: {  	[sflag:s6] =	ssyncadd.s32 $0xFFFFE0C0  }
0x70: {  	[spmem:s3] =	stream.indirect.scatter.add.f32 [tilespmem:s8], [sflag:$0x1], $0x8, s19, s12, $0xb8;
	[tilespmem:$0x59D8] =	vst v63  }
0x71: {  	_ =	swait.ge [sflag:s6], $0x1F40  }
0x72: {  	[sflag:s6] =	ssyncset.done $0x0  }
0x73: {  	[sflag:s6] =	ssyncadd.s32 $0xFFFFE0C0  }
0x74: {  	[spmem:s3] =	stream.indirect.scatter.add.f32 [tilespmem:s8], [sflag:$0x1], $0x8, s20, s12, $0xb8;
	[tilespmem:$0x59D8] =	vst v63  }
0x75: {  	_ =	swait.ge [sflag:s6], $0x1F40  }
0x76: {  	[sflag:s6] =	ssyncset.done $0x0  }
.Ltmp1:
0x77: {  	[sflag:s6] =	ssyncadd.s32 $0xFFFFE0C0;
	(pc) =	sbr.rel @p1 .LBB2_1-.Ltmp1, $4  }
0x78: {  	[bflag:$0x0] =	sbarrier.arrive $0xFFFF  }
0x79: {  	[hbm:s21], [sflag:s10] =	dma.local @!p0 [spmem:s22], $0x3E8  }
0x7a: {  	_ =	swait.ge @!p0 [sflag:s9], $0x3E8  }
0x7b: {  	[sflag:s9] =	ssyncset.done @!p0 $0x0  }
.LBB2_2:
0x7c: {  	[sflag:s9] =	ssyncadd.s32 @!p0 $0xFFFFFC18  }
0x7d: {  	_ =	sfence.sel $0x180000  }
0x7e: {  	[bflag:$0x0] =	sbarrier.arrive $0xFFFF  }
0x7f: {  	p0 =	sne.s32 s0, $0x0;
	_ =	strace $0x90000047  }
0x80: {  	s0 =	sadd.s32 @!p0 $0x100000, s1;
	[bflag:$0x2] =	sbarrier.arrive $0xFFFF  }
0x81: {  	[sflag:s0] =	ssyncadd.tile.s32 @!p0 $0x1;
	_ =	shalt  }
.Lfunc_end2:
_tile_overlayer_lowered:
.L_overlay_start_2:
0x82: {  	(tag) =	ssettag $0x2  }
0x83: {  	s0 =	rddreg [dreg:$0x0];
	s2 =	stileid.u32  }
0x84: {  	s1 =	rddreg [dreg:$0x1];
	p0 =	sne.s32 s2, $0x0  }
0x85: {  	s3 =	rddreg [dreg:$0x2];
	[bflag:$0x3] =	sbarrier.arrive $0xFFFF;
	s2 =	simm.s32 @!p0 $0x1C01  }
0x86: {  	[timem:s3], [sflag:s2] =	dma.local @!p0 [hbm:s0], s1  }
0x87: {  	s0 =	simm.s32 @!p0 $0x1  }
0x88: {  	_ =	swait.ge @!p0 [sflag:s0], s1  }
0x89: {  	s1 =	ssub.s32 @!p0 $0x0, s1;
	[sflag:s0] =	ssyncset.done @!p0 $0x0  }
0x8a: {  	[sflag:s0] =	ssyncadd.s32 @!p0 s1  }
0x8b: {  	[bflag:$0x3] =	sbarrier.arrive $0xFFFF  }
0x8c: {  	_ =	shalt  }

</sc_bundles>
